<compile_context>
chip_gen: v7x
topology: tpu7x:2x2x1
jax: 0.10.2.dev20260603
libtpu: 0.0.44.dev20260713+nightly
codegen_flags: <defaults>
</compile_context>

<pallas_src>
import functools

import jax
import jax.numpy as jnp
from jax import lax
from jax.experimental import pallas as pl
from jax.experimental.pallas import tpu as pltpu
from jax.experimental.pallas import tpu_sc as plsc

N = 10000
E = 160000
K = 3
D = 128
NR = 400
B = 4096
H = 64
NPAIR = K * (K - 1) // 2
KD = K * D
XW = 512

NC = 2
NS = 16
NW = NC * NS

CH = 32
NB = 4
NCH = 160
EPT = NCH * CH
EP = NW * EPT

NP = 10240
BPT = B // NS
ZPT = NP // NS

TC1_ROWS = 1000
TC2_ROWS = 512


def _pca_body(emb_ref, w_ref, b_ref, o_ref):
  o_ref[...] = jnp.tanh(
      jnp.dot(emb_ref[...], w_ref[...], preferred_element_type=jnp.float32)
      + b_ref[...])


def _sc_body(x_hbm, srcq, dstq, typq, sub_hbm, suboff_hbm, rel_hbm,
             gagg_hbm, xs_hbm, aggf_hbm,
             srcb, typb, eidxb, sub32, w32, xsbuf,
             xr_0, xr_1, xr_2, xr_3, rel_0, rel_1, rel_2, rel_3,
             sem_x0, sem_x1, sem_x2, sem_x3,
             sem_r0, sem_r1, sem_r2, sem_r3,
             sem_w0, sem_w1, sem_w2, sem_w3):
  c = lax.axis_index("c")
  s = lax.axis_index("s")
  wid = c * NS + s

  xr = (xr_0, xr_1, xr_2, xr_3)
  rel = (rel_0, rel_1, rel_2, rel_3)
  sem_x = (sem_x0, sem_x1, sem_x2, sem_x3)
  sem_r = (sem_r0, sem_r1, sem_r2, sem_r3)
  sem_w = (sem_w0, sem_w1, sem_w2, sem_w3)

  def _zero_bufs(e, _):
    for seg in range(XW // 16):
      xr_0[e, pl.ds(seg * 16, 16)] = jnp.zeros((16,), jnp.float32)
    return 0
  lax.fori_loop(0, CH, _zero_bufs, 0)

  def _zero_stripe(u, _):
    row = c * NP + s * ZPT + u * CH
    pltpu.async_copy(xr_0, aggf_hbm.at[pl.ds(row, CH)], sem_w0)
    return 0
  lax.fori_loop(0, ZPT // CH, _zero_stripe, 0)

  def _zero_wait(u, _):
    row = c * NP + s * ZPT + u * CH
    pltpu.make_async_copy(xr_0, aggf_hbm.at[pl.ds(row, CH)], sem_w0).wait()
    return 0
  lax.fori_loop(0, ZPT // CH, _zero_wait, 0)

  one0 = jnp.where(lax.iota(jnp.int32, 16) == 0,
                   jnp.ones((16,), jnp.float32),
                   jnp.zeros((16,), jnp.float32))

  def _init_tail(e, _):
    for h in range(NB):
      xr[h][e, pl.ds(KD, 16)] = one0
      for seg in range(KD // 16 + 1, XW // 16):
        xr[h][e, pl.ds(seg * 16, 16)] = jnp.zeros((16,), jnp.float32)
    return 0
  lax.fori_loop(0, CH, _init_tail, 0)
  plsc.subcore_barrier()

  pltpu.sync_copy(srcq.at[wid], srcb)
  pltpu.sync_copy(typq.at[wid], typb)
  pltpu.sync_copy(dstq.at[wid], eidxb)

  def _issue_gather(h, j):
    pltpu.async_copy(x_hbm.at[srcb.at[pl.ds(j * CH, CH)]],
                     xr[h].at[:, pl.ds(0, KD)], sem_x[h])
    pltpu.async_copy(rel_hbm.at[typb.at[pl.ds(j * CH, CH)]], rel[h],
                     sem_r[h])

  def _wait_gather(h, j):
    pltpu.make_async_copy(x_hbm.at[srcb.at[pl.ds(j * CH, CH)]],
                          xr[h].at[:, pl.ds(0, KD)], sem_x[h]).wait()
    pltpu.make_async_copy(rel_hbm.at[typb.at[pl.ds(j * CH, CH)]], rel[h],
                          sem_r[h]).wait()

  def _mul(h):
    xrh, relh = xr[h], rel[h]

    def _edge(e, _):
      for seg in range(D // 16):
        rl = relh[e, pl.ds(seg * 16, 16)]
        for k in range(K):
          col = k * D + seg * 16
          xrh[e, pl.ds(col, 16)] = xrh[e, pl.ds(col, 16)] * rl
      return 0
    lax.fori_loop(0, CH, _edge, 0)

  def _issue_scatter(h, j):
    pltpu.async_copy(xr[h], aggf_hbm.at[eidxb.at[j]], sem_w[h], add=True)

  def _wait_scatter(h, j):
    pltpu.make_async_copy(xr[h], aggf_hbm.at[eidxb.at[j]], sem_w[h]).wait()

  _issue_gather(0, 0)
  _issue_gather(1, 1)

  def _quad(q, _):
    for h in range(NB):
      j = q * NB + h
      _wait_gather(h, j)
      _mul(h)
      _issue_scatter(h, j)
      h2 = (h + 2) % NB

      @pl.when(j >= 2)
      def _():
        _wait_scatter(h2, j - 2)

      @pl.when(j + 2 < NCH)
      def _():
        _issue_gather(h2, j + 2)
    return 0
  lax.fori_loop(0, NCH // NB, _quad, 0)

  _wait_scatter(2, NCH - 2)
  _wait_scatter(3, NCH - 1)
  plsc.subcore_barrier()

  nout = BPT // CH

  def _out_issue(t, h):
    base = s * BPT + t * CH
    wv = (w32, sub32)[h]
    pltpu.sync_copy(suboff_hbm.at[c, pl.ds(base, CH)], wv)
    pltpu.async_copy(aggf_hbm.at[wv], xr[h], sem_x[h])

  for h in range(2):
    _out_issue(h, h)
  for t in range(nout):
    h = t % 2
    base = s * BPT + t * CH
    wv = (w32, sub32)[h]
    pltpu.make_async_copy(aggf_hbm.at[wv], xr[h], sem_x[h]).wait()
    pltpu.sync_copy(xr[h], gagg_hbm.at[c, pl.ds(base, CH)])
    if t + 2 < nout:
      _out_issue(t + 2, h)

  half = nout // 2
  for u in range(half):
    t = u
    tc0 = t
    tc1 = half + t

    @pl.when(c == 0)
    def _():
      base = s * BPT + tc0 * CH
      pltpu.sync_copy(sub_hbm.at[pl.ds(base, CH)], sub32)
      pltpu.async_copy(x_hbm.at[sub32], xsbuf, sem_x1)
      pltpu.make_async_copy(x_hbm.at[sub32], xsbuf, sem_x1).wait()
      pltpu.sync_copy(xsbuf, xs_hbm.at[pl.ds(base, CH)])

    @pl.when(c == 1)
    def _():
      base = s * BPT + tc1 * CH
      pltpu.sync_copy(sub_hbm.at[pl.ds(base, CH)], sub32)
      pltpu.async_copy(x_hbm.at[sub32], xsbuf, sem_x1)
      pltpu.make_async_copy(x_hbm.at[sub32], xsbuf, sem_x1).wait()
      pltpu.sync_copy(xsbuf, xs_hbm.at[pl.ds(base, CH)])


_sc_call = functools.partial(
    pl.kernel,
    out_type=[
        jax.ShapeDtypeStruct((NC, B, XW), jnp.float32),
        jax.ShapeDtypeStruct((B, KD), jnp.float32),
        jax.ShapeDtypeStruct((NC * NP, XW), jnp.float32),
    ],
    mesh=plsc.VectorSubcoreMesh(
        core_axis_name="c", subcore_axis_name="s", num_cores=NC,
        num_subcores=NS),
    compiler_params=pltpu.CompilerParams(needs_layout_passes=False),
    scratch_types=[
        pltpu.VMEM((EPT,), jnp.int32),
        pltpu.VMEM((EPT,), jnp.int32),
        pltpu.VMEM((NCH, CH), jnp.int32),
        pltpu.VMEM((CH,), jnp.int32),
        pltpu.VMEM((CH,), jnp.int32),
        pltpu.VMEM((CH, KD), jnp.float32),
        pltpu.VMEM((CH, XW), jnp.float32),
        pltpu.VMEM((CH, XW), jnp.float32),
        pltpu.VMEM((CH, XW), jnp.float32),
        pltpu.VMEM((CH, XW), jnp.float32),
        pltpu.VMEM((CH, D), jnp.float32),
        pltpu.VMEM((CH, D), jnp.float32),
        pltpu.VMEM((CH, D), jnp.float32),
        pltpu.VMEM((CH, D), jnp.float32),
    ] + [pltpu.SemaphoreType.DMA] * 12,
)(_sc_body)


def _club_body(gagg_ref, xs_ref, facW_ref,
               muW1_ref, mub1_ref, muW2_ref, mub2_ref,
               lvW1_ref, lvb1_ref, lvW2_ref, lvb2_ref, out_ref):
  b = pl.program_id(0)
  acc = gagg_ref[0] + gagg_ref[1]
  deg = acc[:, KD:KD + 1]
  agg = acc[:, :KD] / jnp.maximum(deg, 1.0)
  xs = xs_ref[...]
  x2 = []
  for k in range(K):
    a = jnp.dot(agg[:, k * D:(k + 1) * D], facW_ref[k],
                preferred_element_type=jnp.float32)
    x2.append(jnp.tanh(a + xs[:, k * D:(k + 1) * D]))
  total = jnp.zeros((1, 1), jnp.float32)
  cnt = 0
  for i in range(K):
    for j in range(i + 1, K):
      xa = x2[i]
      ya = x2[j]
      h = jnp.maximum(
          jnp.dot(xa, muW1_ref[cnt], preferred_element_type=jnp.float32)
          + mub1_ref[cnt], 0.0)
      mu = jnp.dot(h, muW2_ref[cnt],
                   preferred_element_type=jnp.float32) + mub2_ref[cnt]
      h2 = jnp.maximum(
          jnp.dot(xa, lvW1_ref[cnt], preferred_element_type=jnp.float32)
          + lvb1_ref[cnt], 0.0)
      lv = jnp.tanh(
          jnp.dot(h2, lvW2_ref[cnt], preferred_element_type=jnp.float32)
          + lvb2_ref[cnt])
      term = (mu - ya) ** 2 * 0.5 * jnp.exp(-lv)
      total = total + jnp.sum(term).reshape(1, 1)
      cnt += 1

  @pl.when(b == 0)
  def _():
    out_ref[...] = jnp.zeros((1, 1), jnp.float32)
  out_ref[...] += total


def kernel(sub, rel, edge_index, edge_type, init_embed, init_rel, pca_W,
           pca_b, fac_W, rel_W, muW1, mub1, muW2, mub2, lvW1, lvb1, lvW2,
           lvb2):
  sub = sub.astype(jnp.int32)
  src = edge_index[0].astype(jnp.int32)
  dst = edge_index[1].astype(jnp.int32)
  typ = edge_type.astype(jnp.int32)

  pad = EP - E
  src_p = jnp.concatenate([src, jnp.zeros((pad,), jnp.int32)])
  dst_p = jnp.concatenate([dst, jnp.full((pad,), N, jnp.int32)])
  typ_p = jnp.concatenate([typ, jnp.zeros((pad,), jnp.int32)])
  src_q = src_p.reshape(NW, EPT)
  typ_q = typ_p.reshape(NW, EPT)
  core_off = (jnp.arange(NW, dtype=jnp.int32) // NS * NP)[:, None, None]
  dst_q = dst_p.reshape(NW, NCH, CH) + core_off
  sub_off = sub[None, :] + (jnp.arange(NC, dtype=jnp.int32) * NP)[:, None]

  x = pl.pallas_call(
      _pca_body,
      grid=(N // TC1_ROWS,),
      in_specs=[
          pl.BlockSpec((TC1_ROWS, D), lambda i: (i, 0)),
          pl.BlockSpec((D, KD), lambda i: (0, 0)),
          pl.BlockSpec((1, KD), lambda i: (0, 0)),
      ],
      out_specs=pl.BlockSpec((TC1_ROWS, KD), lambda i: (i, 0)),
      out_shape=jax.ShapeDtypeStruct((N, KD), jnp.float32),
  )(init_embed, pca_W, pca_b.reshape(1, KD))

  gagg, xs, _ = _sc_call(x, src_q, dst_q, typ_q, sub, sub_off, init_rel)

  nb = B // TC2_ROWS
  loss = pl.pallas_call(
      _club_body,
      grid=(nb,),
      in_specs=[
          pl.BlockSpec((NC, TC2_ROWS, XW), lambda i: (0, i, 0)),
          pl.BlockSpec((TC2_ROWS, KD), lambda i: (i, 0)),
          pl.BlockSpec((K, D, D), lambda i: (0, 0, 0)),
          pl.BlockSpec((NPAIR, D, H), lambda i: (0, 0, 0)),
          pl.BlockSpec((NPAIR, H), lambda i: (0, 0)),
          pl.BlockSpec((NPAIR, H, D), lambda i: (0, 0, 0)),
          pl.BlockSpec((NPAIR, D), lambda i: (0, 0)),
          pl.BlockSpec((NPAIR, D, H), lambda i: (0, 0, 0)),
          pl.BlockSpec((NPAIR, H), lambda i: (0, 0)),
          pl.BlockSpec((NPAIR, H, D), lambda i: (0, 0, 0)),
          pl.BlockSpec((NPAIR, D), lambda i: (0, 0)),
      ],
      out_specs=pl.BlockSpec((1, 1), lambda i: (0, 0)),
      out_shape=jax.ShapeDtypeStruct((1, 1), jnp.float32),
  )(gagg, xs, fac_W, muW1, mub1, muW2, mub2, lvW1, lvb1, lvW2, lvb2)

  return loss[0, 0] / B

# --- scband reference (transcript-rebuilt; emitter-appended) ---
"""Pipeline reference for scband-capsule-base-23167053594869 (READ-ONLY COPY).

The authoritative reference and input builder live on the scoring server;
editing this copy changes nothing except your own understanding.
"""

import jax, jax.numpy as jnp
import numpy as np

N = 10000   # num_ent
E = 160000  # num edges (avg_degree 16)
K = 3       # num_factors
D = 128     # gcn_dim == init_dim
NR = 400    # 2 * num_rel
B = 4096    # subject batch
H = 64      # hidden_size // 2 inside CLUBSample
NPAIR = K * (K - 1) // 2  # number of club_b discriminators


def setup_inputs(seed: int = 0) -> dict:
    key = jax.random.key(seed)
    ks = jax.random.split(key, 18)
    s = 0.05
    inp = {}
    inp['sub'] = jax.random.randint(ks[0], (B,), 0, N)
    inp['rel'] = jax.random.randint(ks[1], (B,), 0, NR)
    inp['edge_index'] = jax.random.randint(ks[2], (2, E), 0, N)
    inp['edge_type'] = jax.random.randint(ks[3], (E,), 0, NR)
    inp['init_embed'] = jax.random.normal(ks[4], (N, D), dtype=jnp.float32) * s
    inp['init_rel'] = jax.random.normal(ks[5], (NR, D), dtype=jnp.float32) * s
    inp['pca_W'] = jax.random.normal(ks[6], (D, K * D), dtype=jnp.float32) * s
    inp['pca_b'] = jax.random.normal(ks[7], (K * D,), dtype=jnp.float32) * s
    inp['fac_W'] = jax.random.normal(ks[8], (K, D, D), dtype=jnp.float32) * s
    inp['rel_W'] = jax.random.normal(ks[9], (D, D), dtype=jnp.float32) * s
    inp['muW1'] = jax.random.normal(ks[10], (NPAIR, D, H), dtype=jnp.float32) * s
    inp['mub1'] = jax.random.normal(ks[11], (NPAIR, H), dtype=jnp.float32) * s
    inp['muW2'] = jax.random.normal(ks[12], (NPAIR, H, D), dtype=jnp.float32) * s
    inp['mub2'] = jax.random.normal(ks[13], (NPAIR, D), dtype=jnp.float32) * s
    inp['lvW1'] = jax.random.normal(ks[14], (NPAIR, D, H), dtype=jnp.float32) * s
    inp['lvb1'] = jax.random.normal(ks[15], (NPAIR, H), dtype=jnp.float32) * s
    inp['lvW2'] = jax.random.normal(ks[16], (NPAIR, H, D), dtype=jnp.float32) * s
    inp['lvb2'] = jax.random.normal(ks[17], (NPAIR, D), dtype=jnp.float32) * s
    return inp


def reference(sub, rel, edge_index, edge_type, init_embed, init_rel, pca_W, pca_b,
              fac_W, rel_W, muW1, mub1, muW2, mub2, lvW1, lvb1, lvW2, lvb2):
    # x = act(pca(init_embed)).view(-1, num_factors, gcn_dim)
    x = jnp.tanh(init_embed @ pca_W + pca_b).reshape(N, K, D)
    r = init_rel
    # DisenLayer-style relation-composed message passing (one gcn_layer)
    src = edge_index[0]
    dst = edge_index[1]
    rel_e = r[edge_type]                       # gather [E, D]
    msg = x[src] * rel_e[:, None, :]           # gather + compose [E, K, D]
    agg = jax.ops.segment_sum(msg, dst, num_segments=N)
    deg = jax.ops.segment_sum(jnp.ones((E,), jnp.float32), dst, num_segments=N)
    agg = agg / jnp.maximum(deg, 1.0)[:, None, None]
    x = jnp.tanh(jnp.einsum('nkd,kde->nke', agg, fac_W) + x)
    r = r @ rel_W
    # sub_emb = index_select(x, 0, sub).view(-1, gcn_dim * num_factors)
    sub_emb = x[sub].reshape(-1, K * D)
    # club_b: lld_loss = sum over factor pairs of CLUBSample.learning_loss
    lld_loss = 0.0
    cnt = 0
    for i in range(K):
        for j in range(i + 1, K):
            xs = sub_emb[:, i * D:(i + 1) * D]
            ys = sub_emb[:, j * D:(j + 1) * D]
            h = jax.nn.relu(xs @ muW1[cnt] + mub1[cnt])
            mu = h @ muW2[cnt] + mub2[cnt]
            h2 = jax.nn.relu(xs @ lvW1[cnt] + lvb1[cnt])
            logvar = jnp.tanh(h2 @ lvW2[cnt] + lvb2[cnt])
            loglikeli = (-(mu - ys) ** 2 / 2.0 / jnp.exp(logvar)).sum(axis=1).mean(axis=0)
            lld_loss = lld_loss + (-loglikeli)
            cnt += 1
    return lld_loss

if __name__ == "__main__":
    import jax
    _d = setup_inputs()
    print(jax.jit(kernel)(*tuple(_d.values())))

</pallas_src>

<mosaic_0001>
#map = affine_map<(d0, d1) -> (0, 0)>
#map1 = affine_map<(d0, d1) -> (0, 0, 0)>
#map2 = affine_map<(d0, d1) -> (0)>
module attributes {stable_mosaic.version = 14 : i64} {
  func.func @_sc_body(%arg0: i32, %arg1: i32, %arg2: memref<10000x384xf32, #tpu.memory_space<hbm>>, %arg3: memref<32x5120xi32, #tpu.memory_space<hbm>>, %arg4: memref<32x160x32xi32, #tpu.memory_space<hbm>>, %arg5: memref<32x5120xi32, #tpu.memory_space<hbm>>, %arg6: memref<4096xi32, #tpu.memory_space<hbm>>, %arg7: memref<2x4096xi32, #tpu.memory_space<hbm>>, %arg8: memref<400x128xf32, #tpu.memory_space<hbm>>, %arg9: memref<2x4096x512xf32, #tpu.memory_space<hbm>>, %arg10: memref<4096x384xf32, #tpu.memory_space<hbm>>, %arg11: memref<20480x512xf32, #tpu.memory_space<hbm>>, %arg12: memref<5120xi32, #tpu.memory_space<vmem>>, %arg13: memref<5120xi32, #tpu.memory_space<vmem>>, %arg14: memref<160x32xi32, #tpu.memory_space<vmem>>, %arg15: memref<32xi32, #tpu.memory_space<vmem>>, %arg16: memref<32xi32, #tpu.memory_space<vmem>>, %arg17: memref<32x384xf32, #tpu.memory_space<vmem>>, %arg18: memref<32x512xf32, #tpu.memory_space<vmem>>, %arg19: memref<32x512xf32, #tpu.memory_space<vmem>>, %arg20: memref<32x512xf32, #tpu.memory_space<vmem>>, %arg21: memref<32x512xf32, #tpu.memory_space<vmem>>, %arg22: memref<32x128xf32, #tpu.memory_space<vmem>>, %arg23: memref<32x128xf32, #tpu.memory_space<vmem>>, %arg24: memref<32x128xf32, #tpu.memory_space<vmem>>, %arg25: memref<32x128xf32, #tpu.memory_space<vmem>>, %arg26: memref<!tpu.dma_semaphore, #tpu.memory_space<semaphore_mem>>, %arg27: memref<!tpu.dma_semaphore, #tpu.memory_space<semaphore_mem>>, %arg28: memref<!tpu.dma_semaphore, #tpu.memory_space<semaphore_mem>>, %arg29: memref<!tpu.dma_semaphore, #tpu.memory_space<semaphore_mem>>, %arg30: memref<!tpu.dma_semaphore, #tpu.memory_space<semaphore_mem>>, %arg31: memref<!tpu.dma_semaphore, #tpu.memory_space<semaphore_mem>>, %arg32: memref<!tpu.dma_semaphore, #tpu.memory_space<semaphore_mem>>, %arg33: memref<!tpu.dma_semaphore, #tpu.memory_space<semaphore_mem>>, %arg34: memref<!tpu.dma_semaphore, #tpu.memory_space<semaphore_mem>>, %arg35: memref<!tpu.dma_semaphore, #tpu.memory_space<semaphore_mem>>, %arg36: memref<!tpu.dma_semaphore, #tpu.memory_space<semaphore_mem>>, %arg37: memref<!tpu.dma_semaphore, #tpu.memory_space<semaphore_mem>>) attributes {dimension_semantics = [#tpu.dimension_semantics<core_parallel>, #tpu.dimension_semantics<subcore_parallel>], iteration_bounds = array<i64: 2, 16>, scalar_prefetch = 0 : i64, scratch_operands = 26 : i64, tpu.core_type = #tpu.core_type<sc_vector_subcore>, window_params = [{transform_indices = #map}, {transform_indices = #map}, {transform_indices = #map1}, {transform_indices = #map}, {transform_indices = #map2}, {transform_indices = #map}, {transform_indices = #map}, {transform_indices = #map1}, {transform_indices = #map}, {transform_indices = #map}]} {
    %mul3A = arith.constant 16 : i32
    %mul3A_0 = arith.muli %arg0, %mul3A : i32
    %add3A = arith.addi %mul3A_0, %arg1 : i32
    %scan3A = arith.constant 0 : i32
    %scan3A_1 = arith.constant 0 : i32
    %scan3A_2 = arith.constant 32 : i32
    %scan3A_3 = arith.addi %scan3A_1, %scan3A_2 : i32
    %scan3A_4 = arith.constant 1 : i32
    %scan3A_5 = scf.for %scan3A_229 = %scan3A_1 to %scan3A_3 step %scan3A_4 iter_args(%scan3A_230 = %scan3A) -> (i32)  : i32 {
      %broadcast_in_dim3A_231 = arith.constant 0.000000e+00 : f32
      %broadcast_in_dim3A_232 = vector.broadcast %broadcast_in_dim3A_231 : f32 to vector<16xf32>
      %swap3A = arith.index_cast %scan3A_229 : i32 to index
      %swap3A_233 = arith.constant 0 : index
      %swap3A_234 = tpu.vector_load %arg18[%swap3A, %swap3A_233] {strides = array<i32>} : memref<32x512xf32, #tpu.memory_space<vmem>>, vector<16xf32>,
      tpu.vector_store %arg18[%swap3A, %swap3A_233], %broadcast_in_dim3A_232 {strides = array<i32>} : memref<32x512xf32, #tpu.memory_space<vmem>>, vector<16xf32>,
      %broadcast_in_dim3A_235 = arith.constant 0.000000e+00 : f32
      %broadcast_in_dim3A_236 = vector.broadcast %broadcast_in_dim3A_235 : f32 to vector<16xf32>
      %swap3A_237 = arith.index_cast %scan3A_229 : i32 to index
      %swap3A_238 = arith.constant 16 : index
      %swap3A_239 = tpu.vector_load %arg18[%swap3A_237, %swap3A_238] {strides = array<i32>} : memref<32x512xf32, #tpu.memory_space<vmem>>, vector<16xf32>,
      tpu.vector_store %arg18[%swap3A_237, %swap3A_238], %broadcast_in_dim3A_236 {strides = array<i32>} : memref<32x512xf32, #tpu.memory_space<vmem>>, vector<16xf32>,
      %broadcast_in_dim3A_240 = arith.constant 0.000000e+00 : f32
      %broadcast_in_dim3A_241 = vector.broadcast %broadcast_in_dim3A_240 : f32 to vector<16xf32>
      %swap3A_242 = arith.index_cast %scan3A_229 : i32 to index
      %swap3A_243 = arith.constant 32 : index
      %swap3A_244 = tpu.vector_load %arg18[%swap3A_242, %swap3A_243] {strides = array<i32>} : memref<32x512xf32, #tpu.memory_space<vmem>>, vector<16xf32>,
      tpu.vector_store %arg18[%swap3A_242, %swap3A_243], %broadcast_in_dim3A_241 {strides = array<i32>} : memref<32x512xf32, #tpu.memory_space<vmem>>, vector<16xf32>,
      %broadcast_in_dim3A_245 = arith.constant 0.000000e+00 : f32
      %broadcast_in_dim3A_246 = vector.broadcast %broadcast_in_dim3A_245 : f32 to vector<16xf32>
      %swap3A_247 = arith.index_cast %scan3A_229 : i32 to index
      %swap3A_248 = arith.constant 48 : index
      %swap3A_249 = tpu.vector_load %arg18[%swap3A_247, %swap3A_248] {strides = array<i32>} : memref<32x512xf32, #tpu.memory_space<vmem>>, vector<16xf32>,
      tpu.vector_store %arg18[%swap3A_247, %swap3A_248], %broadcast_in_dim3A_246 {strides = array<i32>} : memref<32x512xf32, #tpu.memory_space<vmem>>, vector<16xf32>,
      %broadcast_in_dim3A_250 = arith.constant 0.000000e+00 : f32
      %broadcast_in_dim3A_251 = vector.broadcast %broadcast_in_dim3A_250 : f32 to vector<16xf32>
      %swap3A_252 = arith.index_cast %scan3A_229 : i32 to index
      %swap3A_253 = arith.constant 64 : index
      %swap3A_254 = tpu.vector_load %arg18[%swap3A_252, %swap3A_253] {strides = array<i32>} : memref<32x512xf32, #tpu.memory_space<vmem>>, vector<16xf32>,
      tpu.vector_store %arg18[%swap3A_252, %swap3A_253], %broadcast_in_dim3A_251 {strides = array<i32>} : memref<32x512xf32, #tpu.memory_space<vmem>>, vector<16xf32>,
      %broadcast_in_dim3A_255 = arith.constant 0.000000e+00 : f32
      %broadcast_in_dim3A_256 = vector.broadcast %broadcast_in_dim3A_255 : f32 to vector<16xf32>
      %swap3A_257 = arith.index_cast %scan3A_229 : i32 to index
      %swap3A_258 = arith.constant 80 : index
      %swap3A_259 = tpu.vector_load %arg18[%swap3A_257, %swap3A_258] {strides = array<i32>} : memref<32x512xf32, #tpu.memory_space<vmem>>, vector<16xf32>,
      tpu.vector_store %arg18[%swap3A_257, %swap3A_258], %broadcast_in_dim3A_256 {strides = array<i32>} : memref<32x512xf32, #tpu.memory_space<vmem>>, vector<16xf32>,
      %broadcast_in_dim3A_260 = arith.constant 0.000000e+00 : f32
      %broadcast_in_dim3A_261 = vector.broadcast %broadcast_in_dim3A_260 : f32 to vector<16xf32>
      %swap3A_262 = arith.index_cast %scan3A_229 : i32 to index
      %swap3A_263 = arith.constant 96 : index
      %swap3A_264 = tpu.vector_load %arg18[%swap3A_262, %swap3A_263] {strides = array<i32>} : memref<32x512xf32, #tpu.memory_space<vmem>>, vector<16xf32>,
      tpu.vector_store %arg18[%swap3A_262, %swap3A_263], %broadcast_in_dim3A_261 {strides = array<i32>} : memref<32x512xf32, #tpu.memory_space<vmem>>, vector<16xf32>,
      %broadcast_in_dim3A_265 = arith.constant 0.000000e+00 : f32
      %broadcast_in_dim3A_266 = vector.broadcast %broadcast_in_dim3A_265 : f32 to vector<16xf32>
      %swap3A_267 = arith.index_cast %scan3A_229 : i32 to index
      %swap3A_268 = arith.constant 112 : index
      %swap3A_269 = tpu.vector_load %arg18[%swap3A_267, %swap3A_268] {strides = array<i32>} : memref<32x512xf32, #tpu.memory_space<vmem>>, vector<16xf32>,
      tpu.vector_store %arg18[%swap3A_267, %swap3A_268], %broadcast_in_dim3A_266 {strides = array<i32>} : memref<32x512xf32, #tpu.memory_space<vmem>>, vector<16xf32>,
      %broadcast_in_dim3A_270 = arith.constant 0.000000e+00 : f32
      %broadcast_in_dim3A_271 = vector.broadcast %broadcast_in_dim3A_270 : f32 to vector<16xf32>
      %swap3A_272 = arith.index_cast %scan3A_229 : i32 to index
      %swap3A_273 = arith.constant 128 : index
      %swap3A_274 = tpu.vector_load %arg18[%swap3A_272, %swap3A_273] {strides = array<i32>} : memref<32x512xf32, #tpu.memory_space<vmem>>, vector<16xf32>,
      tpu.vector_store %arg18[%swap3A_272, %swap3A_273], %broadcast_in_dim3A_271 {strides = array<i32>} : memref<32x512xf32, #tpu.memory_space<vmem>>, vector<16xf32>,
      %broadcast_in_dim3A_275 = arith.constant 0.000000e+00 : f32
      %broadcast_in_dim3A_276 = vector.broadcast %broadcast_in_dim3A_275 : f32 to vector<16xf32>
      %swap3A_277 = arith.index_cast %scan3A_229 : i32 to index
      %swap3A_278 = arith.constant 144 : index
      %swap3A_279 = tpu.vector_load %arg18[%swap3A_277, %swap3A_278] {strides = array<i32>} : memref<32x512xf32, #tpu.memory_space<vmem>>, vector<16xf32>,
      tpu.vector_store %arg18[%swap3A_277, %swap3A_278], %broadcast_in_dim3A_276 {strides = array<i32>} : memref<32x512xf32, #tpu.memory_space<vmem>>, vector<16xf32>,
      %broadcast_in_dim3A_280 = arith.constant 0.000000e+00 : f32
      %broadcast_in_dim3A_281 = vector.broadcast %broadcast_in_dim3A_280 : f32 to vector<16xf32>
      %swap3A_282 = arith.index_cast %scan3A_229 : i32 to index
      %swap3A_283 = arith.constant 160 : index
      %swap3A_284 = tpu.vector_load %arg18[%swap3A_282, %swap3A_283] {strides = array<i32>} : memref<32x512xf32, #tpu.memory_space<vmem>>, vector<16xf32>,
      tpu.vector_store %arg18[%swap3A_282, %swap3A_283], %broadcast_in_dim3A_281 {strides = array<i32>} : memref<32x512xf32, #tpu.memory_space<vmem>>, vector<16xf32>,
      %broadcast_in_dim3A_285 = arith.constant 0.000000e+00 : f32
      %broadcast_in_dim3A_286 = vector.broadcast %broadcast_in_dim3A_285 : f32 to vector<16xf32>
      %swap3A_287 = arith.index_cast %scan3A_229 : i32 to index
      %swap3A_288 = arith.constant 176 : index
      %swap3A_289 = tpu.vector_load %arg18[%swap3A_287, %swap3A_288] {strides = array<i32>} : memref<32x512xf32, #tpu.memory_space<vmem>>, vector<16xf32>,
      tpu.vector_store %arg18[%swap3A_287, %swap3A_288], %broadcast_in_dim3A_286 {strides = array<i32>} : memref<32x512xf32, #tpu.memory_space<vmem>>, vector<16xf32>,
      %broadcast_in_dim3A_290 = arith.constant 0.000000e+00 : f32
      %broadcast_in_dim3A_291 = vector.broadcast %broadcast_in_dim3A_290 : f32 to vector<16xf32>
      %swap3A_292 = arith.index_cast %scan3A_229 : i32 to index
      %swap3A_293 = arith.constant 192 : index
      %swap3A_294 = tpu.vector_load %arg18[%swap3A_292, %swap3A_293] {strides = array<i32>} : memref<32x512xf32, #tpu.memory_space<vmem>>, vector<16xf32>,
      tpu.vector_store %arg18[%swap3A_292, %swap3A_293], %broadcast_in_dim3A_291 {strides = array<i32>} : memref<32x512xf32, #tpu.memory_space<vmem>>, vector<16xf32>,
      %broadcast_in_dim3A_295 = arith.constant 0.000000e+00 : f32
      %broadcast_in_dim3A_296 = vector.broadcast %broadcast_in_dim3A_295 : f32 to vector<16xf32>
      %swap3A_297 = arith.index_cast %scan3A_229 : i32 to index
      %swap3A_298 = arith.constant 208 : index
      %swap3A_299 = tpu.vector_load %arg18[%swap3A_297, %swap3A_298] {strides = array<i32>} : memref<32x512xf32, #tpu.memory_space<vmem>>, vector<16xf32>,
      tpu.vector_store %arg18[%swap3A_297, %swap3A_298], %broadcast_in_dim3A_296 {strides = array<i32>} : memref<32x512xf32, #tpu.memory_space<vmem>>, vector<16xf32>,
      %broadcast_in_dim3A_300 = arith.constant 0.000000e+00 : f32
      %broadcast_in_dim3A_301 = vector.broadcast %broadcast_in_dim3A_300 : f32 to vector<16xf32>
      %swap3A_302 = arith.index_cast %scan3A_229 : i32 to index
      %swap3A_303 = arith.constant 224 : index
      %swap3A_304 = tpu.vector_load %arg18[%swap3A_302, %swap3A_303] {strides = array<i32>} : memref<32x512xf32, #tpu.memory_space<vmem>>, vector<16xf32>,
      tpu.vector_store %arg18[%swap3A_302, %swap3A_303], %broadcast_in_dim3A_301 {strides = array<i32>} : memref<32x512xf32, #tpu.memory_space<vmem>>, vector<16xf32>,
      %broadcast_in_dim3A_305 = arith.constant 0.000000e+00 : f32
      %broadcast_in_dim3A_306 = vector.broadcast %broadcast_in_dim3A_305 : f32 to vector<16xf32>
      %swap3A_307 = arith.index_cast %scan3A_229 : i32 to index
      %swap3A_308 = arith.constant 240 : index
      %swap3A_309 = tpu.vector_load %arg18[%swap3A_307, %swap3A_308] {strides = array<i32>} : memref<32x512xf32, #tpu.memory_space<vmem>>, vector<16xf32>,
      tpu.vector_store %arg18[%swap3A_307, %swap3A_308], %broadcast_in_dim3A_306 {strides = array<i32>} : memref<32x512xf32, #tpu.memory_space<vmem>>, vector<16xf32>,
      %broadcast_in_dim3A_310 = arith.constant 0.000000e+00 : f32
      %broadcast_in_dim3A_311 = vector.broadcast %broadcast_in_dim3A_310 : f32 to vector<16xf32>
      %swap3A_312 = arith.index_cast %scan3A_229 : i32 to index
      %swap3A_313 = arith.constant 256 : index
      %swap3A_314 = tpu.vector_load %arg18[%swap3A_312, %swap3A_313] {strides = array<i32>} : memref<32x512xf32, #tpu.memory_space<vmem>>, vector<16xf32>,
      tpu.vector_store %arg18[%swap3A_312, %swap3A_313], %broadcast_in_dim3A_311 {strides = array<i32>} : memref<32x512xf32, #tpu.memory_space<vmem>>, vector<16xf32>,
      %broadcast_in_dim3A_315 = arith.constant 0.000000e+00 : f32
      %broadcast_in_dim3A_316 = vector.broadcast %broadcast_in_dim3A_315 : f32 to vector<16xf32>
      %swap3A_317 = arith.index_cast %scan3A_229 : i32 to index
      %swap3A_318 = arith.constant 272 : index
      %swap3A_319 = tpu.vector_load %arg18[%swap3A_317, %swap3A_318] {strides = array<i32>} : memref<32x512xf32, #tpu.memory_space<vmem>>, vector<16xf32>,
      tpu.vector_store %arg18[%swap3A_317, %swap3A_318], %broadcast_in_dim3A_316 {strides = array<i32>} : memref<32x512xf32, #tpu.memory_space<vmem>>, vector<16xf32>,
      %broadcast_in_dim3A_320 = arith.constant 0.000000e+00 : f32
      %broadcast_in_dim3A_321 = vector.broadcast %broadcast_in_dim3A_320 : f32 to vector<16xf32>
      %swap3A_322 = arith.index_cast %scan3A_229 : i32 to index
      %swap3A_323 = arith.constant 288 : index
      %swap3A_324 = tpu.vector_load %arg18[%swap3A_322, %swap3A_323] {strides = array<i32>} : memref<32x512xf32, #tpu.memory_space<vmem>>, vector<16xf32>,
      tpu.vector_store %arg18[%swap3A_322, %swap3A_323], %broadcast_in_dim3A_321 {strides = array<i32>} : memref<32x512xf32, #tpu.memory_space<vmem>>, vector<16xf32>,
      %broadcast_in_dim3A_325 = arith.constant 0.000000e+00 : f32
      %broadcast_in_dim3A_326 = vector.broadcast %broadcast_in_dim3A_325 : f32 to vector<16xf32>
      %swap3A_327 = arith.index_cast %scan3A_229 : i32 to index
      %swap3A_328 = arith.constant 304 : index
      %swap3A_329 = tpu.vector_load %arg18[%swap3A_327, %swap3A_328] {strides = array<i32>} : memref<32x512xf32, #tpu.memory_space<vmem>>, vector<16xf32>,
      tpu.vector_store %arg18[%swap3A_327, %swap3A_328], %broadcast_in_dim3A_326 {strides = array<i32>} : memref<32x512xf32, #tpu.memory_space<vmem>>, vector<16xf32>,
      %broadcast_in_dim3A_330 = arith.constant 0.000000e+00 : f32
      %broadcast_in_dim3A_331 = vector.broadcast %broadcast_in_dim3A_330 : f32 to vector<16xf32>
      %swap3A_332 = arith.index_cast %scan3A_229 : i32 to index
      %swap3A_333 = arith.constant 320 : index
      %swap3A_334 = tpu.vector_load %arg18[%swap3A_332, %swap3A_333] {strides = array<i32>} : memref<32x512xf32, #tpu.memory_space<vmem>>, vector<16xf32>,
      tpu.vector_store %arg18[%swap3A_332, %swap3A_333], %broadcast_in_dim3A_331 {strides = array<i32>} : memref<32x512xf32, #tpu.memory_space<vmem>>, vector<16xf32>,
      %broadcast_in_dim3A_335 = arith.constant 0.000000e+00 : f32
      %broadcast_in_dim3A_336 = vector.broadcast %broadcast_in_dim3A_335 : f32 to vector<16xf32>
      %swap3A_337 = arith.index_cast %scan3A_229 : i32 to index
      %swap3A_338 = arith.constant 336 : index
      %swap3A_339 = tpu.vector_load %arg18[%swap3A_337, %swap3A_338] {strides = array<i32>} : memref<32x512xf32, #tpu.memory_space<vmem>>, vector<16xf32>,
      tpu.vector_store %arg18[%swap3A_337, %swap3A_338], %broadcast_in_dim3A_336 {strides = array<i32>} : memref<32x512xf32, #tpu.memory_space<vmem>>, vector<16xf32>,
      %broadcast_in_dim3A_340 = arith.constant 0.000000e+00 : f32
      %broadcast_in_dim3A_341 = vector.broadcast %broadcast_in_dim3A_340 : f32 to vector<16xf32>
      %swap3A_342 = arith.index_cast %scan3A_229 : i32 to index
      %swap3A_343 = arith.constant 352 : index
      %swap3A_344 = tpu.vector_load %arg18[%swap3A_342, %swap3A_343] {strides = array<i32>} : memref<32x512xf32, #tpu.memory_space<vmem>>, vector<16xf32>,
      tpu.vector_store %arg18[%swap3A_342, %swap3A_343], %broadcast_in_dim3A_341 {strides = array<i32>} : memref<32x512xf32, #tpu.memory_space<vmem>>, vector<16xf32>,
      %broadcast_in_dim3A_345 = arith.constant 0.000000e+00 : f32
      %broadcast_in_dim3A_346 = vector.broadcast %broadcast_in_dim3A_345 : f32 to vector<16xf32>
      %swap3A_347 = arith.index_cast %scan3A_229 : i32 to index
      %swap3A_348 = arith.constant 368 : index
      %swap3A_349 = tpu.vector_load %arg18[%swap3A_347, %swap3A_348] {strides = array<i32>} : memref<32x512xf32, #tpu.memory_space<vmem>>, vector<16xf32>,
      tpu.vector_store %arg18[%swap3A_347, %swap3A_348], %broadcast_in_dim3A_346 {strides = array<i32>} : memref<32x512xf32, #tpu.memory_space<vmem>>, vector<16xf32>,
      %broadcast_in_dim3A_350 = arith.constant 0.000000e+00 : f32
      %broadcast_in_dim3A_351 = vector.broadcast %broadcast_in_dim3A_350 : f32 to vector<16xf32>
      %swap3A_352 = arith.index_cast %scan3A_229 : i32 to index
      %swap3A_353 = arith.constant 384 : index
      %swap3A_354 = tpu.vector_load %arg18[%swap3A_352, %swap3A_353] {strides = array<i32>} : memref<32x512xf32, #tpu.memory_space<vmem>>, vector<16xf32>,
      tpu.vector_store %arg18[%swap3A_352, %swap3A_353], %broadcast_in_dim3A_351 {strides = array<i32>} : memref<32x512xf32, #tpu.memory_space<vmem>>, vector<16xf32>,
      %broadcast_in_dim3A_355 = arith.constant 0.000000e+00 : f32
      %broadcast_in_dim3A_356 = vector.broadcast %broadcast_in_dim3A_355 : f32 to vector<16xf32>
      %swap3A_357 = arith.index_cast %scan3A_229 : i32 to index
      %swap3A_358 = arith.constant 400 : index
      %swap3A_359 = tpu.vector_load %arg18[%swap3A_357, %swap3A_358] {strides = array<i32>} : memref<32x512xf32, #tpu.memory_space<vmem>>, vector<16xf32>,
      tpu.vector_store %arg18[%swap3A_357, %swap3A_358], %broadcast_in_dim3A_356 {strides = array<i32>} : memref<32x512xf32, #tpu.memory_space<vmem>>, vector<16xf32>,
      %broadcast_in_dim3A_360 = arith.constant 0.000000e+00 : f32
      %broadcast_in_dim3A_361 = vector.broadcast %broadcast_in_dim3A_360 : f32 to vector<16xf32>
      %swap3A_362 = arith.index_cast %scan3A_229 : i32 to index
      %swap3A_363 = arith.constant 416 : index
      %swap3A_364 = tpu.vector_load %arg18[%swap3A_362, %swap3A_363] {strides = array<i32>} : memref<32x512xf32, #tpu.memory_space<vmem>>, vector<16xf32>,
      tpu.vector_store %arg18[%swap3A_362, %swap3A_363], %broadcast_in_dim3A_361 {strides = array<i32>} : memref<32x512xf32, #tpu.memory_space<vmem>>, vector<16xf32>,
      %broadcast_in_dim3A_365 = arith.constant 0.000000e+00 : f32
      %broadcast_in_dim3A_366 = vector.broadcast %broadcast_in_dim3A_365 : f32 to vector<16xf32>
      %swap3A_367 = arith.index_cast %scan3A_229 : i32 to index
      %swap3A_368 = arith.constant 432 : index
      %swap3A_369 = tpu.vector_load %arg18[%swap3A_367, %swap3A_368] {strides = array<i32>} : memref<32x512xf32, #tpu.memory_space<vmem>>, vector<16xf32>,
      tpu.vector_store %arg18[%swap3A_367, %swap3A_368], %broadcast_in_dim3A_366 {strides = array<i32>} : memref<32x512xf32, #tpu.memory_space<vmem>>, vector<16xf32>,
      %broadcast_in_dim3A_370 = arith.constant 0.000000e+00 : f32
      %broadcast_in_dim3A_371 = vector.broadcast %broadcast_in_dim3A_370 : f32 to vector<16xf32>
      %swap3A_372 = arith.index_cast %scan3A_229 : i32 to index
      %swap3A_373 = arith.constant 448 : index
      %swap3A_374 = tpu.vector_load %arg18[%swap3A_372, %swap3A_373] {strides = array<i32>} : memref<32x512xf32, #tpu.memory_space<vmem>>, vector<16xf32>,
      tpu.vector_store %arg18[%swap3A_372, %swap3A_373], %broadcast_in_dim3A_371 {strides = array<i32>} : memref<32x512xf32, #tpu.memory_space<vmem>>, vector<16xf32>,
      %broadcast_in_dim3A_375 = arith.constant 0.000000e+00 : f32
      %broadcast_in_dim3A_376 = vector.broadcast %broadcast_in_dim3A_375 : f32 to vector<16xf32>
      %swap3A_377 = arith.index_cast %scan3A_229 : i32 to index
      %swap3A_378 = arith.constant 464 : index
      %swap3A_379 = tpu.vector_load %arg18[%swap3A_377, %swap3A_378] {strides = array<i32>} : memref<32x512xf32, #tpu.memory_space<vmem>>, vector<16xf32>,
      tpu.vector_store %arg18[%swap3A_377, %swap3A_378], %broadcast_in_dim3A_376 {strides = array<i32>} : memref<32x512xf32, #tpu.memory_space<vmem>>, vector<16xf32>,
      %broadcast_in_dim3A_380 = arith.constant 0.000000e+00 : f32
      %broadcast_in_dim3A_381 = vector.broadcast %broadcast_in_dim3A_380 : f32 to vector<16xf32>
      %swap3A_382 = arith.index_cast %scan3A_229 : i32 to index
      %swap3A_383 = arith.constant 480 : index
      %swap3A_384 = tpu.vector_load %arg18[%swap3A_382, %swap3A_383] {strides = array<i32>} : memref<32x512xf32, #tpu.memory_space<vmem>>, vector<16xf32>,
      tpu.vector_store %arg18[%swap3A_382, %swap3A_383], %broadcast_in_dim3A_381 {strides = array<i32>} : memref<32x512xf32, #tpu.memory_space<vmem>>, vector<16xf32>,
      %broadcast_in_dim3A_385 = arith.constant 0.000000e+00 : f32
      %broadcast_in_dim3A_386 = vector.broadcast %broadcast_in_dim3A_385 : f32 to vector<16xf32>
      %swap3A_387 = arith.index_cast %scan3A_229 : i32 to index
      %swap3A_388 = arith.constant 496 : index
      %swap3A_389 = tpu.vector_load %arg18[%swap3A_387, %swap3A_388] {strides = array<i32>} : memref<32x512xf32, #tpu.memory_space<vmem>>, vector<16xf32>,
      tpu.vector_store %arg18[%swap3A_387, %swap3A_388], %broadcast_in_dim3A_386 {strides = array<i32>} : memref<32x512xf32, #tpu.memory_space<vmem>>, vector<16xf32>,
      %scan3A_390 = arith.constant 0 : i32
      scf.yield %scan3A_390 : i32
    }
    %scan3A_6 = arith.constant 32 : i32
    %scan3A_7 = arith.constant 0 : i32
    %scan3A_8 = arith.constant 0 : i32
    %scan3A_9 = arith.constant 20 : i32
    %scan3A_10 = arith.addi %scan3A_8, %scan3A_9 : i32
    %scan3A_11 = arith.constant 1 : i32
    %scan3A_12 = scf.for %scan3A_229 = %scan3A_8 to %scan3A_10 step %scan3A_11 iter_args(%scan3A_230 = %scan3A_7) -> (i32)  : i32 {
      %mul3A_231 = arith.constant 10240 : i32
      %mul3A_232 = arith.muli %arg0, %mul3A_231 : i32
      %mul3A_233 = arith.constant 640 : i32
      %mul3A_234 = arith.muli %arg1, %mul3A_233 : i32
      %add3A_235 = arith.addi %mul3A_232, %mul3A_234 : i32
      %mul3A_236 = arith.constant 32 : i32
      %mul3A_237 = arith.muli %scan3A_229, %mul3A_236 : i32
      %add3A_238 = arith.addi %add3A_235, %mul3A_237 : i32
      %dma_start3A_239 = arith.constant 0 : i32
      %dma_start3A_240 = tpu.memref_slice %arg11[%add3A_238, %dma_start3A_239] : memref<20480x512xf32, #tpu.memory_space<hbm>> -> memref<32x512xf32, #tpu.memory_space<hbm>>
      %dma_start3A_241 = arith.constant 0 : i32
      %dma_start3A_242 = tpu.memref_slice %arg11[%add3A_238, %dma_start3A_241] : memref<20480x512xf32, #tpu.memory_space<hbm>> -> memref<32x512xf32, #tpu.memory_space<hbm>>
      tpu.enqueue_dma source(%arg18 : memref<32x512xf32, #tpu.memory_space<vmem>>) target(%dma_start3A_242 : memref<32x512xf32, #tpu.memory_space<hbm>>) target_semaphore(%arg34 : memref<!tpu.dma_semaphore, #tpu.memory_space<semaphore_mem>>)
      %scan3A_243 = arith.constant 0 : i32
      scf.yield %scan3A_243 : i32
    }
    %scan3A_13 = arith.constant 20 : i32
    %scan3A_14 = arith.constant 0 : i32
    %scan3A_15 = arith.constant 0 : i32
    %scan3A_16 = arith.constant 20 : i32
    %scan3A_17 = arith.addi %scan3A_15, %scan3A_16 : i32
    %scan3A_18 = arith.constant 1 : i32
    %scan3A_19 = scf.for %scan3A_229 = %scan3A_15 to %scan3A_17 step %scan3A_18 iter_args(%scan3A_230 = %scan3A_14) -> (i32)  : i32 {
      %mul3A_231 = arith.constant 10240 : i32
      %mul3A_232 = arith.muli %arg0, %mul3A_231 : i32
      %mul3A_233 = arith.constant 640 : i32
      %mul3A_234 = arith.muli %arg1, %mul3A_233 : i32
      %add3A_235 = arith.addi %mul3A_232, %mul3A_234 : i32
      %mul3A_236 = arith.constant 32 : i32
      %mul3A_237 = arith.muli %scan3A_229, %mul3A_236 : i32
      %add3A_238 = arith.addi %add3A_235, %mul3A_237 : i32
      %dma_wait3A_239 = arith.constant 0 : i32
      %dma_wait3A_240 = tpu.memref_slice %arg11[%add3A_238, %dma_wait3A_239] : memref<20480x512xf32, #tpu.memory_space<hbm>> -> memref<32x512xf32, #tpu.memory_space<hbm>>
      %dma_wait3A_241 = arith.constant 0 : i32
      %dma_wait3A_242 = tpu.memref_slice %arg11[%add3A_238, %dma_wait3A_241] : memref<20480x512xf32, #tpu.memory_space<hbm>> -> memref<32x512xf32, #tpu.memory_space<hbm>>
      tpu.wait_dma2 semaphore(%arg34 : memref<!tpu.dma_semaphore, #tpu.memory_space<semaphore_mem>>) src(%arg18 : memref<32x512xf32, #tpu.memory_space<vmem>>) dst(%dma_wait3A_242 : memref<32x512xf32, #tpu.memory_space<hbm>>)
      %scan3A_243 = arith.constant 0 : i32
      scf.yield %scan3A_243 : i32
    }
    %scan3A_20 = arith.constant 20 : i32
    %iota3A = tpu.iota {dimensions = array<i32: 0>} : vector<16xi32>
    %eq3A = arith.constant 0 : i32
    %eq3A_21 = vector.broadcast %eq3A : i32 to vector<16xi32>
    %eq3A_22 = arith.cmpi eq, %iota3A, %eq3A_21 : vector<16xi32>
    %broadcast_in_dim3A = arith.constant 1.000000e+00 : f32
    %broadcast_in_dim3A_23 = vector.broadcast %broadcast_in_dim3A : f32 to vector<16xf32>
    %broadcast_in_dim3A_24 = arith.constant 0.000000e+00 : f32
    %broadcast_in_dim3A_25 = vector.broadcast %broadcast_in_dim3A_24 : f32 to vector<16xf32>
    %select_n3A = arith.select %eq3A_22, %broadcast_in_dim3A_23, %broadcast_in_dim3A_25 : vector<16xi1>, vector<16xf32>
    %scan3A_26 = arith.constant 0 : i32
    %scan3A_27 = arith.constant 0 : i32
    %scan3A_28 = arith.constant 32 : i32
    %scan3A_29 = arith.addi %scan3A_27, %scan3A_28 : i32
    %scan3A_30 = arith.constant 1 : i32
    %scan3A_31 = scf.for %scan3A_229 = %scan3A_27 to %scan3A_29 step %scan3A_30 iter_args(%scan3A_230 = %scan3A_26) -> (i32)  : i32 {
      %swap3A = arith.index_cast %scan3A_229 : i32 to index
      %swap3A_231 = arith.constant 384 : index
      %swap3A_232 = tpu.vector_load %arg18[%swap3A, %swap3A_231] {strides = array<i32>} : memref<32x512xf32, #tpu.memory_space<vmem>>, vector<16xf32>,
      tpu.vector_store %arg18[%swap3A, %swap3A_231], %select_n3A {strides = array<i32>} : memref<32x512xf32, #tpu.memory_space<vmem>>, vector<16xf32>,
      %broadcast_in_dim3A_233 = arith.constant 0.000000e+00 : f32
      %broadcast_in_dim3A_234 = vector.broadcast %broadcast_in_dim3A_233 : f32 to vector<16xf32>
      %swap3A_235 = arith.index_cast %scan3A_229 : i32 to index
      %swap3A_236 = arith.constant 400 : index
      %swap3A_237 = tpu.vector_load %arg18[%swap3A_235, %swap3A_236] {strides = array<i32>} : memref<32x512xf32, #tpu.memory_space<vmem>>, vector<16xf32>,
      tpu.vector_store %arg18[%swap3A_235, %swap3A_236], %broadcast_in_dim3A_234 {strides = array<i32>} : memref<32x512xf32, #tpu.memory_space<vmem>>, vector<16xf32>,
      %broadcast_in_dim3A_238 = arith.constant 0.000000e+00 : f32
      %broadcast_in_dim3A_239 = vector.broadcast %broadcast_in_dim3A_238 : f32 to vector<16xf32>
      %swap3A_240 = arith.index_cast %scan3A_229 : i32 to index
      %swap3A_241 = arith.constant 416 : index
      %swap3A_242 = tpu.vector_load %arg18[%swap3A_240, %swap3A_241] {strides = array<i32>} : memref<32x512xf32, #tpu.memory_space<vmem>>, vector<16xf32>,
      tpu.vector_store %arg18[%swap3A_240, %swap3A_241], %broadcast_in_dim3A_239 {strides = array<i32>} : memref<32x512xf32, #tpu.memory_space<vmem>>, vector<16xf32>,
      %broadcast_in_dim3A_243 = arith.constant 0.000000e+00 : f32
      %broadcast_in_dim3A_244 = vector.broadcast %broadcast_in_dim3A_243 : f32 to vector<16xf32>
      %swap3A_245 = arith.index_cast %scan3A_229 : i32 to index
      %swap3A_246 = arith.constant 432 : index
      %swap3A_247 = tpu.vector_load %arg18[%swap3A_245, %swap3A_246] {strides = array<i32>} : memref<32x512xf32, #tpu.memory_space<vmem>>, vector<16xf32>,
      tpu.vector_store %arg18[%swap3A_245, %swap3A_246], %broadcast_in_dim3A_244 {strides = array<i32>} : memref<32x512xf32, #tpu.memory_space<vmem>>, vector<16xf32>,
      %broadcast_in_dim3A_248 = arith.constant 0.000000e+00 : f32
      %broadcast_in_dim3A_249 = vector.broadcast %broadcast_in_dim3A_248 : f32 to vector<16xf32>
      %swap3A_250 = arith.index_cast %scan3A_229 : i32 to index
      %swap3A_251 = arith.constant 448 : index
      %swap3A_252 = tpu.vector_load %arg18[%swap3A_250, %swap3A_251] {strides = array<i32>} : memref<32x512xf32, #tpu.memory_space<vmem>>, vector<16xf32>,
      tpu.vector_store %arg18[%swap3A_250, %swap3A_251], %broadcast_in_dim3A_249 {strides = array<i32>} : memref<32x512xf32, #tpu.memory_space<vmem>>, vector<16xf32>,
      %broadcast_in_dim3A_253 = arith.constant 0.000000e+00 : f32
      %broadcast_in_dim3A_254 = vector.broadcast %broadcast_in_dim3A_253 : f32 to vector<16xf32>
      %swap3A_255 = arith.index_cast %scan3A_229 : i32 to index
      %swap3A_256 = arith.constant 464 : index
      %swap3A_257 = tpu.vector_load %arg18[%swap3A_255, %swap3A_256] {strides = array<i32>} : memref<32x512xf32, #tpu.memory_space<vmem>>, vector<16xf32>,
      tpu.vector_store %arg18[%swap3A_255, %swap3A_256], %broadcast_in_dim3A_254 {strides = array<i32>} : memref<32x512xf32, #tpu.memory_space<vmem>>, vector<16xf32>,
      %broadcast_in_dim3A_258 = arith.constant 0.000000e+00 : f32
      %broadcast_in_dim3A_259 = vector.broadcast %broadcast_in_dim3A_258 : f32 to vector<16xf32>
      %swap3A_260 = arith.index_cast %scan3A_229 : i32 to index
      %swap3A_261 = arith.constant 480 : index
      %swap3A_262 = tpu.vector_load %arg18[%swap3A_260, %swap3A_261] {strides = array<i32>} : memref<32x512xf32, #tpu.memory_space<vmem>>, vector<16xf32>,
      tpu.vector_store %arg18[%swap3A_260, %swap3A_261], %broadcast_in_dim3A_259 {strides = array<i32>} : memref<32x512xf32, #tpu.memory_space<vmem>>, vector<16xf32>,
      %broadcast_in_dim3A_263 = arith.constant 0.000000e+00 : f32
      %broadcast_in_dim3A_264 = vector.broadcast %broadcast_in_dim3A_263 : f32 to vector<16xf32>
      %swap3A_265 = arith.index_cast %scan3A_229 : i32 to index
      %swap3A_266 = arith.constant 496 : index
      %swap3A_267 = tpu.vector_load %arg18[%swap3A_265, %swap3A_266] {strides = array<i32>} : memref<32x512xf32, #tpu.memory_space<vmem>>, vector<16xf32>,
      tpu.vector_store %arg18[%swap3A_265, %swap3A_266], %broadcast_in_dim3A_264 {strides = array<i32>} : memref<32x512xf32, #tpu.memory_space<vmem>>, vector<16xf32>,
      %swap3A_268 = arith.index_cast %scan3A_229 : i32 to index
      %swap3A_269 = arith.constant 384 : index
      %swap3A_270 = tpu.vector_load %arg19[%swap3A_268, %swap3A_269] {strides = array<i32>} : memref<32x512xf32, #tpu.memory_space<vmem>>, vector<16xf32>,
      tpu.vector_store %arg19[%swap3A_268, %swap3A_269], %select_n3A {strides = array<i32>} : memref<32x512xf32, #tpu.memory_space<vmem>>, vector<16xf32>,
      %broadcast_in_dim3A_271 = arith.constant 0.000000e+00 : f32
      %broadcast_in_dim3A_272 = vector.broadcast %broadcast_in_dim3A_271 : f32 to vector<16xf32>
      %swap3A_273 = arith.index_cast %scan3A_229 : i32 to index
      %swap3A_274 = arith.constant 400 : index
      %swap3A_275 = tpu.vector_load %arg19[%swap3A_273, %swap3A_274] {strides = array<i32>} : memref<32x512xf32, #tpu.memory_space<vmem>>, vector<16xf32>,
      tpu.vector_store %arg19[%swap3A_273, %swap3A_274], %broadcast_in_dim3A_272 {strides = array<i32>} : memref<32x512xf32, #tpu.memory_space<vmem>>, vector<16xf32>,
      %broadcast_in_dim3A_276 = arith.constant 0.000000e+00 : f32
      %broadcast_in_dim3A_277 = vector.broadcast %broadcast_in_dim3A_276 : f32 to vector<16xf32>
      %swap3A_278 = arith.index_cast %scan3A_229 : i32 to index
      %swap3A_279 = arith.constant 416 : index
      %swap3A_280 = tpu.vector_load %arg19[%swap3A_278, %swap3A_279] {strides = array<i32>} : memref<32x512xf32, #tpu.memory_space<vmem>>, vector<16xf32>,
      tpu.vector_store %arg19[%swap3A_278, %swap3A_279], %broadcast_in_dim3A_277 {strides = array<i32>} : memref<32x512xf32, #tpu.memory_space<vmem>>, vector<16xf32>,
      %broadcast_in_dim3A_281 = arith.constant 0.000000e+00 : f32
      %broadcast_in_dim3A_282 = vector.broadcast %broadcast_in_dim3A_281 : f32 to vector<16xf32>
      %swap3A_283 = arith.index_cast %scan3A_229 : i32 to index
      %swap3A_284 = arith.constant 432 : index
      %swap3A_285 = tpu.vector_load %arg19[%swap3A_283, %swap3A_284] {strides = array<i32>} : memref<32x512xf32, #tpu.memory_space<vmem>>, vector<16xf32>,
      tpu.vector_store %arg19[%swap3A_283, %swap3A_284], %broadcast_in_dim3A_282 {strides = array<i32>} : memref<32x512xf32, #tpu.memory_space<vmem>>, vector<16xf32>,
      %broadcast_in_dim3A_286 = arith.constant 0.000000e+00 : f32
      %broadcast_in_dim3A_287 = vector.broadcast %broadcast_in_dim3A_286 : f32 to vector<16xf32>
      %swap3A_288 = arith.index_cast %scan3A_229 : i32 to index
      %swap3A_289 = arith.constant 448 : index
      %swap3A_290 = tpu.vector_load %arg19[%swap3A_288, %swap3A_289] {strides = array<i32>} : memref<32x512xf32, #tpu.memory_space<vmem>>, vector<16xf32>,
      tpu.vector_store %arg19[%swap3A_288, %swap3A_289], %broadcast_in_dim3A_287 {strides = array<i32>} : memref<32x512xf32, #tpu.memory_space<vmem>>, vector<16xf32>,
      %broadcast_in_dim3A_291 = arith.constant 0.000000e+00 : f32
      %broadcast_in_dim3A_292 = vector.broadcast %broadcast_in_dim3A_291 : f32 to vector<16xf32>
      %swap3A_293 = arith.index_cast %scan3A_229 : i32 to index
      %swap3A_294 = arith.constant 464 : index
      %swap3A_295 = tpu.vector_load %arg19[%swap3A_293, %swap3A_294] {strides = array<i32>} : memref<32x512xf32, #tpu.memory_space<vmem>>, vector<16xf32>,
      tpu.vector_store %arg19[%swap3A_293, %swap3A_294], %broadcast_in_dim3A_292 {strides = array<i32>} : memref<32x512xf32, #tpu.memory_space<vmem>>, vector<16xf32>,
      %broadcast_in_dim3A_296 = arith.constant 0.000000e+00 : f32
      %broadcast_in_dim3A_297 = vector.broadcast %broadcast_in_dim3A_296 : f32 to vector<16xf32>
      %swap3A_298 = arith.index_cast %scan3A_229 : i32 to index
      %swap3A_299 = arith.constant 480 : index
      %swap3A_300 = tpu.vector_load %arg19[%swap3A_298, %swap3A_299] {strides = array<i32>} : memref<32x512xf32, #tpu.memory_space<vmem>>, vector<16xf32>,
      tpu.vector_store %arg19[%swap3A_298, %swap3A_299], %broadcast_in_dim3A_297 {strides = array<i32>} : memref<32x512xf32, #tpu.memory_space<vmem>>, vector<16xf32>,
      %broadcast_in_dim3A_301 = arith.constant 0.000000e+00 : f32
      %broadcast_in_dim3A_302 = vector.broadcast %broadcast_in_dim3A_301 : f32 to vector<16xf32>
      %swap3A_303 = arith.index_cast %scan3A_229 : i32 to index
      %swap3A_304 = arith.constant 496 : index
      %swap3A_305 = tpu.vector_load %arg19[%swap3A_303, %swap3A_304] {strides = array<i32>} : memref<32x512xf32, #tpu.memory_space<vmem>>, vector<16xf32>,
      tpu.vector_store %arg19[%swap3A_303, %swap3A_304], %broadcast_in_dim3A_302 {strides = array<i32>} : memref<32x512xf32, #tpu.memory_space<vmem>>, vector<16xf32>,
      %swap3A_306 = arith.index_cast %scan3A_229 : i32 to index
      %swap3A_307 = arith.constant 384 : index
      %swap3A_308 = tpu.vector_load %arg20[%swap3A_306, %swap3A_307] {strides = array<i32>} : memref<32x512xf32, #tpu.memory_space<vmem>>, vector<16xf32>,
      tpu.vector_store %arg20[%swap3A_306, %swap3A_307], %select_n3A {strides = array<i32>} : memref<32x512xf32, #tpu.memory_space<vmem>>, vector<16xf32>,
      %broadcast_in_dim3A_309 = arith.constant 0.000000e+00 : f32
      %broadcast_in_dim3A_310 = vector.broadcast %broadcast_in_dim3A_309 : f32 to vector<16xf32>
      %swap3A_311 = arith.index_cast %scan3A_229 : i32 to index
      %swap3A_312 = arith.constant 400 : index
      %swap3A_313 = tpu.vector_load %arg20[%swap3A_311, %swap3A_312] {strides = array<i32>} : memref<32x512xf32, #tpu.memory_space<vmem>>, vector<16xf32>,
      tpu.vector_store %arg20[%swap3A_311, %swap3A_312], %broadcast_in_dim3A_310 {strides = array<i32>} : memref<32x512xf32, #tpu.memory_space<vmem>>, vector<16xf32>,
      %broadcast_in_dim3A_314 = arith.constant 0.000000e+00 : f32
      %broadcast_in_dim3A_315 = vector.broadcast %broadcast_in_dim3A_314 : f32 to vector<16xf32>
      %swap3A_316 = arith.index_cast %scan3A_229 : i32 to index
      %swap3A_317 = arith.constant 416 : index
      %swap3A_318 = tpu.vector_load %arg20[%swap3A_316, %swap3A_317] {strides = array<i32>} : memref<32x512xf32, #tpu.memory_space<vmem>>, vector<16xf32>,
      tpu.vector_store %arg20[%swap3A_316, %swap3A_317], %broadcast_in_dim3A_315 {strides = array<i32>} : memref<32x512xf32, #tpu.memory_space<vmem>>, vector<16xf32>,
      %broadcast_in_dim3A_319 = arith.constant 0.000000e+00 : f32
      %broadcast_in_dim3A_320 = vector.broadcast %broadcast_in_dim3A_319 : f32 to vector<16xf32>
      %swap3A_321 = arith.index_cast %scan3A_229 : i32 to index
      %swap3A_322 = arith.constant 432 : index
      %swap3A_323 = tpu.vector_load %arg20[%swap3A_321, %swap3A_322] {strides = array<i32>} : memref<32x512xf32, #tpu.memory_space<vmem>>, vector<16xf32>,
      tpu.vector_store %arg20[%swap3A_321, %swap3A_322], %broadcast_in_dim3A_320 {strides = array<i32>} : memref<32x512xf32, #tpu.memory_space<vmem>>, vector<16xf32>,
      %broadcast_in_dim3A_324 = arith.constant 0.000000e+00 : f32
      %broadcast_in_dim3A_325 = vector.broadcast %broadcast_in_dim3A_324 : f32 to vector<16xf32>
      %swap3A_326 = arith.index_cast %scan3A_229 : i32 to index
      %swap3A_327 = arith.constant 448 : index
      %swap3A_328 = tpu.vector_load %arg20[%swap3A_326, %swap3A_327] {strides = array<i32>} : memref<32x512xf32, #tpu.memory_space<vmem>>, vector<16xf32>,
      tpu.vector_store %arg20[%swap3A_326, %swap3A_327], %broadcast_in_dim3A_325 {strides = array<i32>} : memref<32x512xf32, #tpu.memory_space<vmem>>, vector<16xf32>,
      %broadcast_in_dim3A_329 = arith.constant 0.000000e+00 : f32
      %broadcast_in_dim3A_330 = vector.broadcast %broadcast_in_dim3A_329 : f32 to vector<16xf32>
      %swap3A_331 = arith.index_cast %scan3A_229 : i32 to index
      %swap3A_332 = arith.constant 464 : index
      %swap3A_333 = tpu.vector_load %arg20[%swap3A_331, %swap3A_332] {strides = array<i32>} : memref<32x512xf32, #tpu.memory_space<vmem>>, vector<16xf32>,
      tpu.vector_store %arg20[%swap3A_331, %swap3A_332], %broadcast_in_dim3A_330 {strides = array<i32>} : memref<32x512xf32, #tpu.memory_space<vmem>>, vector<16xf32>,
      %broadcast_in_dim3A_334 = arith.constant 0.000000e+00 : f32
      %broadcast_in_dim3A_335 = vector.broadcast %broadcast_in_dim3A_334 : f32 to vector<16xf32>
      %swap3A_336 = arith.index_cast %scan3A_229 : i32 to index
      %swap3A_337 = arith.constant 480 : index
      %swap3A_338 = tpu.vector_load %arg20[%swap3A_336, %swap3A_337] {strides = array<i32>} : memref<32x512xf32, #tpu.memory_space<vmem>>, vector<16xf32>,
      tpu.vector_store %arg20[%swap3A_336, %swap3A_337], %broadcast_in_dim3A_335 {strides = array<i32>} : memref<32x512xf32, #tpu.memory_space<vmem>>, vector<16xf32>,
      %broadcast_in_dim3A_339 = arith.constant 0.000000e+00 : f32
      %broadcast_in_dim3A_340 = vector.broadcast %broadcast_in_dim3A_339 : f32 to vector<16xf32>
      %swap3A_341 = arith.index_cast %scan3A_229 : i32 to index
      %swap3A_342 = arith.constant 496 : index
      %swap3A_343 = tpu.vector_load %arg20[%swap3A_341, %swap3A_342] {strides = array<i32>} : memref<32x512xf32, #tpu.memory_space<vmem>>, vector<16xf32>,
      tpu.vector_store %arg20[%swap3A_341, %swap3A_342], %broadcast_in_dim3A_340 {strides = array<i32>} : memref<32x512xf32, #tpu.memory_space<vmem>>, vector<16xf32>,
      %swap3A_344 = arith.index_cast %scan3A_229 : i32 to index
      %swap3A_345 = arith.constant 384 : index
      %swap3A_346 = tpu.vector_load %arg21[%swap3A_344, %swap3A_345] {strides = array<i32>} : memref<32x512xf32, #tpu.memory_space<vmem>>, vector<16xf32>,
      tpu.vector_store %arg21[%swap3A_344, %swap3A_345], %select_n3A {strides = array<i32>} : memref<32x512xf32, #tpu.memory_space<vmem>>, vector<16xf32>,
      %broadcast_in_dim3A_347 = arith.constant 0.000000e+00 : f32
      %broadcast_in_dim3A_348 = vector.broadcast %broadcast_in_dim3A_347 : f32 to vector<16xf32>
      %swap3A_349 = arith.index_cast %scan3A_229 : i32 to index
      %swap3A_350 = arith.constant 400 : index
      %swap3A_351 = tpu.vector_load %arg21[%swap3A_349, %swap3A_350] {strides = array<i32>} : memref<32x512xf32, #tpu.memory_space<vmem>>, vector<16xf32>,
      tpu.vector_store %arg21[%swap3A_349, %swap3A_350], %broadcast_in_dim3A_348 {strides = array<i32>} : memref<32x512xf32, #tpu.memory_space<vmem>>, vector<16xf32>,
      %broadcast_in_dim3A_352 = arith.constant 0.000000e+00 : f32
      %broadcast_in_dim3A_353 = vector.broadcast %broadcast_in_dim3A_352 : f32 to vector<16xf32>
      %swap3A_354 = arith.index_cast %scan3A_229 : i32 to index
      %swap3A_355 = arith.constant 416 : index
      %swap3A_356 = tpu.vector_load %arg21[%swap3A_354, %swap3A_355] {strides = array<i32>} : memref<32x512xf32, #tpu.memory_space<vmem>>, vector<16xf32>,
      tpu.vector_store %arg21[%swap3A_354, %swap3A_355], %broadcast_in_dim3A_353 {strides = array<i32>} : memref<32x512xf32, #tpu.memory_space<vmem>>, vector<16xf32>,
      %broadcast_in_dim3A_357 = arith.constant 0.000000e+00 : f32
      %broadcast_in_dim3A_358 = vector.broadcast %broadcast_in_dim3A_357 : f32 to vector<16xf32>
      %swap3A_359 = arith.index_cast %scan3A_229 : i32 to index
      %swap3A_360 = arith.constant 432 : index
      %swap3A_361 = tpu.vector_load %arg21[%swap3A_359, %swap3A_360] {strides = array<i32>} : memref<32x512xf32, #tpu.memory_space<vmem>>, vector<16xf32>,
      tpu.vector_store %arg21[%swap3A_359, %swap3A_360], %broadcast_in_dim3A_358 {strides = array<i32>} : memref<32x512xf32, #tpu.memory_space<vmem>>, vector<16xf32>,
      %broadcast_in_dim3A_362 = arith.constant 0.000000e+00 : f32
      %broadcast_in_dim3A_363 = vector.broadcast %broadcast_in_dim3A_362 : f32 to vector<16xf32>
      %swap3A_364 = arith.index_cast %scan3A_229 : i32 to index
      %swap3A_365 = arith.constant 448 : index
      %swap3A_366 = tpu.vector_load %arg21[%swap3A_364, %swap3A_365] {strides = array<i32>} : memref<32x512xf32, #tpu.memory_space<vmem>>, vector<16xf32>,
      tpu.vector_store %arg21[%swap3A_364, %swap3A_365], %broadcast_in_dim3A_363 {strides = array<i32>} : memref<32x512xf32, #tpu.memory_space<vmem>>, vector<16xf32>,
      %broadcast_in_dim3A_367 = arith.constant 0.000000e+00 : f32
      %broadcast_in_dim3A_368 = vector.broadcast %broadcast_in_dim3A_367 : f32 to vector<16xf32>
      %swap3A_369 = arith.index_cast %scan3A_229 : i32 to index
      %swap3A_370 = arith.constant 464 : index
      %swap3A_371 = tpu.vector_load %arg21[%swap3A_369, %swap3A_370] {strides = array<i32>} : memref<32x512xf32, #tpu.memory_space<vmem>>, vector<16xf32>,
      tpu.vector_store %arg21[%swap3A_369, %swap3A_370], %broadcast_in_dim3A_368 {strides = array<i32>} : memref<32x512xf32, #tpu.memory_space<vmem>>, vector<16xf32>,
      %broadcast_in_dim3A_372 = arith.constant 0.000000e+00 : f32
      %broadcast_in_dim3A_373 = vector.broadcast %broadcast_in_dim3A_372 : f32 to vector<16xf32>
      %swap3A_374 = arith.index_cast %scan3A_229 : i32 to index
      %swap3A_375 = arith.constant 480 : index
      %swap3A_376 = tpu.vector_load %arg21[%swap3A_374, %swap3A_375] {strides = array<i32>} : memref<32x512xf32, #tpu.memory_space<vmem>>, vector<16xf32>,
      tpu.vector_store %arg21[%swap3A_374, %swap3A_375], %broadcast_in_dim3A_373 {strides = array<i32>} : memref<32x512xf32, #tpu.memory_space<vmem>>, vector<16xf32>,
      %broadcast_in_dim3A_377 = arith.constant 0.000000e+00 : f32
      %broadcast_in_dim3A_378 = vector.broadcast %broadcast_in_dim3A_377 : f32 to vector<16xf32>
      %swap3A_379 = arith.index_cast %scan3A_229 : i32 to index
      %swap3A_380 = arith.constant 496 : index
      %swap3A_381 = tpu.vector_load %arg21[%swap3A_379, %swap3A_380] {strides = array<i32>} : memref<32x512xf32, #tpu.memory_space<vmem>>, vector<16xf32>,
      tpu.vector_store %arg21[%swap3A_379, %swap3A_380], %broadcast_in_dim3A_378 {strides = array<i32>} : memref<32x512xf32, #tpu.memory_space<vmem>>, vector<16xf32>,
      %scan3A_382 = arith.constant 0 : i32
      scf.yield %scan3A_382 : i32
    }
    %scan3A_32 = arith.constant 32 : i32
    %barrier3A = arith.constant 0 : index
    tpu.barrier barrier_id(%barrier3A)
    "tpu.region"() ({
      %run_scoped3A = tpu.sem_alloc : memref<!tpu.dma_semaphore, #tpu.memory_space<semaphore_mem>>
      %dma_start3A_229 = arith.constant 0 : i32
      %dma_start3A_230 = tpu.memref_slice %arg3[%add3A, %dma_start3A_229] : memref<32x5120xi32, #tpu.memory_space<hbm>> -> memref<1x5120xi32, #tpu.memory_space<hbm>>
      %dma_start3A_231 = tpu.memref_squeeze %dma_start3A_230 : memref<1x5120xi32, #tpu.memory_space<hbm>> -> memref<5120xi32, #tpu.memory_space<hbm>>
      %dma_start3A_232 = arith.constant 0 : i32
      %dma_start3A_233 = tpu.memref_slice %arg3[%add3A, %dma_start3A_232] : memref<32x5120xi32, #tpu.memory_space<hbm>> -> memref<1x5120xi32, #tpu.memory_space<hbm>>
      %dma_start3A_234 = tpu.memref_squeeze %dma_start3A_233 : memref<1x5120xi32, #tpu.memory_space<hbm>> -> memref<5120xi32, #tpu.memory_space<hbm>>
      tpu.enqueue_dma source(%dma_start3A_234 : memref<5120xi32, #tpu.memory_space<hbm>>) target(%arg12 : memref<5120xi32, #tpu.memory_space<vmem>>) target_semaphore(%run_scoped3A : memref<!tpu.dma_semaphore, #tpu.memory_space<semaphore_mem>>)
      %dma_wait3A_235 = arith.constant 0 : i32
      %dma_wait3A_236 = tpu.memref_slice %arg3[%add3A, %dma_wait3A_235] : memref<32x5120xi32, #tpu.memory_space<hbm>> -> memref<1x5120xi32, #tpu.memory_space<hbm>>
      %dma_wait3A_237 = tpu.memref_squeeze %dma_wait3A_236 : memref<1x5120xi32, #tpu.memory_space<hbm>> -> memref<5120xi32, #tpu.memory_space<hbm>>
      %dma_wait3A_238 = arith.constant 0 : i32
      %dma_wait3A_239 = tpu.memref_slice %arg3[%add3A, %dma_wait3A_238] : memref<32x5120xi32, #tpu.memory_space<hbm>> -> memref<1x5120xi32, #tpu.memory_space<hbm>>
      %dma_wait3A_240 = tpu.memref_squeeze %dma_wait3A_239 : memref<1x5120xi32, #tpu.memory_space<hbm>> -> memref<5120xi32, #tpu.memory_space<hbm>>
      tpu.wait_dma2 semaphore(%run_scoped3A : memref<!tpu.dma_semaphore, #tpu.memory_space<semaphore_mem>>) src(%dma_wait3A_240 : memref<5120xi32, #tpu.memory_space<hbm>>) dst(%arg12 : memref<5120xi32, #tpu.memory_space<vmem>>)
      tpu.yield
    }) : () -> ()
    "tpu.region"() ({
      %run_scoped3A = tpu.sem_alloc : memref<!tpu.dma_semaphore, #tpu.memory_space<semaphore_mem>>
      %dma_start3A_229 = arith.constant 0 : i32
      %dma_start3A_230 = tpu.memref_slice %arg5[%add3A, %dma_start3A_229] : memref<32x5120xi32, #tpu.memory_space<hbm>> -> memref<1x5120xi32, #tpu.memory_space<hbm>>
      %dma_start3A_231 = tpu.memref_squeeze %dma_start3A_230 : memref<1x5120xi32, #tpu.memory_space<hbm>> -> memref<5120xi32, #tpu.memory_space<hbm>>
      %dma_start3A_232 = arith.constant 0 : i32
      %dma_start3A_233 = tpu.memref_slice %arg5[%add3A, %dma_start3A_232] : memref<32x5120xi32, #tpu.memory_space<hbm>> -> memref<1x5120xi32, #tpu.memory_space<hbm>>
      %dma_start3A_234 = tpu.memref_squeeze %dma_start3A_233 : memref<1x5120xi32, #tpu.memory_space<hbm>> -> memref<5120xi32, #tpu.memory_space<hbm>>
      tpu.enqueue_dma source(%dma_start3A_234 : memref<5120xi32, #tpu.memory_space<hbm>>) target(%arg13 : memref<5120xi32, #tpu.memory_space<vmem>>) target_semaphore(%run_scoped3A : memref<!tpu.dma_semaphore, #tpu.memory_space<semaphore_mem>>)
      %dma_wait3A_235 = arith.constant 0 : i32
      %dma_wait3A_236 = tpu.memref_slice %arg5[%add3A, %dma_wait3A_235] : memref<32x5120xi32, #tpu.memory_space<hbm>> -> memref<1x5120xi32, #tpu.memory_space<hbm>>
      %dma_wait3A_237 = tpu.memref_squeeze %dma_wait3A_236 : memref<1x5120xi32, #tpu.memory_space<hbm>> -> memref<5120xi32, #tpu.memory_space<hbm>>
      %dma_wait3A_238 = arith.constant 0 : i32
      %dma_wait3A_239 = tpu.memref_slice %arg5[%add3A, %dma_wait3A_238] : memref<32x5120xi32, #tpu.memory_space<hbm>> -> memref<1x5120xi32, #tpu.memory_space<hbm>>
      %dma_wait3A_240 = tpu.memref_squeeze %dma_wait3A_239 : memref<1x5120xi32, #tpu.memory_space<hbm>> -> memref<5120xi32, #tpu.memory_space<hbm>>
      tpu.wait_dma2 semaphore(%run_scoped3A : memref<!tpu.dma_semaphore, #tpu.memory_space<semaphore_mem>>) src(%dma_wait3A_240 : memref<5120xi32, #tpu.memory_space<hbm>>) dst(%arg13 : memref<5120xi32, #tpu.memory_space<vmem>>)
      tpu.yield
    }) : () -> ()
    "tpu.region"() ({
      %run_scoped3A = tpu.sem_alloc : memref<!tpu.dma_semaphore, #tpu.memory_space<semaphore_mem>>
      %dma_start3A_229 = arith.constant 0 : i32
      %dma_start3A_230 = arith.constant 0 : i32
      %dma_start3A_231 = tpu.memref_slice %arg4[%add3A, %dma_start3A_229, %dma_start3A_230] : memref<32x160x32xi32, #tpu.memory_space<hbm>> -> memref<1x160x32xi32, #tpu.memory_space<hbm>>
      %dma_start3A_232 = tpu.memref_squeeze %dma_start3A_231 : memref<1x160x32xi32, #tpu.memory_space<hbm>> -> memref<160x32xi32, #tpu.memory_space<hbm>>
      %dma_start3A_233 = arith.constant 0 : i32
      %dma_start3A_234 = arith.constant 0 : i32
      %dma_start3A_235 = tpu.memref_slice %arg4[%add3A, %dma_start3A_233, %dma_start3A_234] : memref<32x160x32xi32, #tpu.memory_space<hbm>> -> memref<1x160x32xi32, #tpu.memory_space<hbm>>
      %dma_start3A_236 = tpu.memref_squeeze %dma_start3A_235 : memref<1x160x32xi32, #tpu.memory_space<hbm>> -> memref<160x32xi32, #tpu.memory_space<hbm>>
      tpu.enqueue_dma source(%dma_start3A_236 : memref<160x32xi32, #tpu.memory_space<hbm>>) target(%arg14 : memref<160x32xi32, #tpu.memory_space<vmem>>) target_semaphore(%run_scoped3A : memref<!tpu.dma_semaphore, #tpu.memory_space<semaphore_mem>>)
      %dma_wait3A_237 = arith.constant 0 : i32
      %dma_wait3A_238 = arith.constant 0 : i32
      %dma_wait3A_239 = tpu.memref_slice %arg4[%add3A, %dma_wait3A_237, %dma_wait3A_238] : memref<32x160x32xi32, #tpu.memory_space<hbm>> -> memref<1x160x32xi32, #tpu.memory_space<hbm>>
      %dma_wait3A_240 = tpu.memref_squeeze %dma_wait3A_239 : memref<1x160x32xi32, #tpu.memory_space<hbm>> -> memref<160x32xi32, #tpu.memory_space<hbm>>
      %dma_wait3A_241 = arith.constant 0 : i32
      %dma_wait3A_242 = arith.constant 0 : i32
      %dma_wait3A_243 = tpu.memref_slice %arg4[%add3A, %dma_wait3A_241, %dma_wait3A_242] : memref<32x160x32xi32, #tpu.memory_space<hbm>> -> memref<1x160x32xi32, #tpu.memory_space<hbm>>
      %dma_wait3A_244 = tpu.memref_squeeze %dma_wait3A_243 : memref<1x160x32xi32, #tpu.memory_space<hbm>> -> memref<160x32xi32, #tpu.memory_space<hbm>>
      tpu.wait_dma2 semaphore(%run_scoped3A : memref<!tpu.dma_semaphore, #tpu.memory_space<semaphore_mem>>) src(%dma_wait3A_244 : memref<160x32xi32, #tpu.memory_space<hbm>>) dst(%arg14 : memref<160x32xi32, #tpu.memory_space<vmem>>)
      tpu.yield
    }) : () -> ()
    %dma_start3A = arith.constant 0 : i32
    %dma_start3A_33 = arith.constant 0 : i32
    %dma_start3A_34 = tpu.memref_slice %arg18[%dma_start3A, %dma_start3A_33] : memref<32x512xf32, #tpu.memory_space<vmem>> -> memref<32x384xf32, #tpu.memory_space<vmem>>
    %dma_start3A_35 = arith.constant 0 : i32
    %dma_start3A_36 = tpu.memref_slice %arg12[%dma_start3A_35] : memref<5120xi32, #tpu.memory_space<vmem>> -> memref<32xi32, #tpu.memory_space<vmem>>
    %dma_start3A_37 = arith.constant 0 : i32
    %dma_start3A_38 = arith.constant 0 : i32
    %dma_start3A_39 = tpu.memref_slice %arg2[%dma_start3A_37, %dma_start3A_38] : memref<10000x384xf32, #tpu.memory_space<hbm>> -> memref<10000x384xf32, #tpu.memory_space<hbm>>
    tpu.enqueue_indirect_dma source(%dma_start3A_39 : memref<10000x384xf32, #tpu.memory_space<hbm>>) target(%dma_start3A_34 : memref<32x384xf32, #tpu.memory_space<vmem>>) offsets(%dma_start3A_36 : memref<32xi32, #tpu.memory_space<vmem>>) semaphore(%arg26 : memref<!tpu.dma_semaphore, #tpu.memory_space<semaphore_mem>>)
    %dma_start3A_40 = arith.constant 0 : i32
    %dma_start3A_41 = tpu.memref_slice %arg13[%dma_start3A_40] : memref<5120xi32, #tpu.memory_space<vmem>> -> memref<32xi32, #tpu.memory_space<vmem>>
    %dma_start3A_42 = arith.constant 0 : i32
    %dma_start3A_43 = arith.constant 0 : i32
    %dma_start3A_44 = tpu.memref_slice %arg8[%dma_start3A_42, %dma_start3A_43] : memref<400x128xf32, #tpu.memory_space<hbm>> -> memref<400x128xf32, #tpu.memory_space<hbm>>
    tpu.enqueue_indirect_dma source(%dma_start3A_44 : memref<400x128xf32, #tpu.memory_space<hbm>>) target(%arg22 : memref<32x128xf32, #tpu.memory_space<vmem>>) offsets(%dma_start3A_41 : memref<32xi32, #tpu.memory_space<vmem>>) semaphore(%arg30 : memref<!tpu.dma_semaphore, #tpu.memory_space<semaphore_mem>>)
    %dma_start3A_45 = arith.constant 0 : i32
    %dma_start3A_46 = arith.constant 0 : i32
    %dma_start3A_47 = tpu.memref_slice %arg19[%dma_start3A_45, %dma_start3A_46] : memref<32x512xf32, #tpu.memory_space<vmem>> -> memref<32x384xf32, #tpu.memory_space<vmem>>
    %dma_start3A_48 = arith.constant 32 : i32
    %dma_start3A_49 = tpu.memref_slice %arg12[%dma_start3A_48] : memref<5120xi32, #tpu.memory_space<vmem>> -> memref<32xi32, #tpu.memory_space<vmem>>
    %dma_start3A_50 = arith.constant 0 : i32
    %dma_start3A_51 = arith.constant 0 : i32
    %dma_start3A_52 = tpu.memref_slice %arg2[%dma_start3A_50, %dma_start3A_51] : memref<10000x384xf32, #tpu.memory_space<hbm>> -> memref<10000x384xf32, #tpu.memory_space<hbm>>
    tpu.enqueue_indirect_dma source(%dma_start3A_52 : memref<10000x384xf32, #tpu.memory_space<hbm>>) target(%dma_start3A_47 : memref<32x384xf32, #tpu.memory_space<vmem>>) offsets(%dma_start3A_49 : memref<32xi32, #tpu.memory_space<vmem>>) semaphore(%arg27 : memref<!tpu.dma_semaphore, #tpu.memory_space<semaphore_mem>>)
    %dma_start3A_53 = arith.constant 32 : i32
    %dma_start3A_54 = tpu.memref_slice %arg13[%dma_start3A_53] : memref<5120xi32, #tpu.memory_space<vmem>> -> memref<32xi32, #tpu.memory_space<vmem>>
    %dma_start3A_55 = arith.constant 0 : i32
    %dma_start3A_56 = arith.constant 0 : i32
    %dma_start3A_57 = tpu.memref_slice %arg8[%dma_start3A_55, %dma_start3A_56] : memref<400x128xf32, #tpu.memory_space<hbm>> -> memref<400x128xf32, #tpu.memory_space<hbm>>
    tpu.enqueue_indirect_dma source(%dma_start3A_57 : memref<400x128xf32, #tpu.memory_space<hbm>>) target(%arg23 : memref<32x128xf32, #tpu.memory_space<vmem>>) offsets(%dma_start3A_54 : memref<32xi32, #tpu.memory_space<vmem>>) semaphore(%arg31 : memref<!tpu.dma_semaphore, #tpu.memory_space<semaphore_mem>>)
    %scan3A_58 = arith.constant 0 : i32
    %scan3A_59 = arith.constant 0 : i32
    %scan3A_60 = arith.constant 40 : i32
    %scan3A_61 = arith.addi %scan3A_59, %scan3A_60 : i32
    %scan3A_62 = arith.constant 1 : i32
    %scan3A_63 = scf.for %scan3A_229 = %scan3A_59 to %scan3A_61 step %scan3A_62 iter_args(%scan3A_230 = %scan3A_58) -> (i32)  : i32 {
      %mul3A_231 = arith.constant 4 : i32
      %mul3A_232 = arith.muli %scan3A_229, %mul3A_231 : i32
      %add3A_233 = arith.constant 0 : i32
      %add3A_234 = arith.addi %mul3A_232, %add3A_233 : i32
      %mul3A_235 = arith.constant 32 : i32
      %mul3A_236 = arith.muli %add3A_234, %mul3A_235 : i32
      %dma_wait3A_237 = arith.constant 0 : i32
      %dma_wait3A_238 = arith.constant 0 : i32
      %dma_wait3A_239 = tpu.memref_slice %arg18[%dma_wait3A_237, %dma_wait3A_238] : memref<32x512xf32, #tpu.memory_space<vmem>> -> memref<32x384xf32, #tpu.memory_space<vmem>>
      %dma_wait3A_240 = tpu.memref_slice %arg12[%mul3A_236] : memref<5120xi32, #tpu.memory_space<vmem>> -> memref<32xi32, #tpu.memory_space<vmem>>
      %dma_wait3A_241 = arith.constant 0 : i32
      %dma_wait3A_242 = arith.constant 0 : i32
      %dma_wait3A_243 = tpu.memref_slice %arg2[%dma_wait3A_241, %dma_wait3A_242] : memref<10000x384xf32, #tpu.memory_space<hbm>> -> memref<10000x384xf32, #tpu.memory_space<hbm>>
      tpu.wait_indirect_dma semaphore(%arg26 : memref<!tpu.dma_semaphore, #tpu.memory_space<semaphore_mem>>) src(%dma_wait3A_243 : memref<10000x384xf32, #tpu.memory_space<hbm>>) dst(%dma_wait3A_239 : memref<32x384xf32, #tpu.memory_space<vmem>>)
      %mul3A_244 = arith.constant 32 : i32
      %mul3A_245 = arith.muli %add3A_234, %mul3A_244 : i32
      %dma_wait3A_246 = tpu.memref_slice %arg13[%mul3A_245] : memref<5120xi32, #tpu.memory_space<vmem>> -> memref<32xi32, #tpu.memory_space<vmem>>
      %dma_wait3A_247 = arith.constant 0 : i32
      %dma_wait3A_248 = arith.constant 0 : i32
      %dma_wait3A_249 = tpu.memref_slice %arg8[%dma_wait3A_247, %dma_wait3A_248] : memref<400x128xf32, #tpu.memory_space<hbm>> -> memref<400x128xf32, #tpu.memory_space<hbm>>
      tpu.wait_indirect_dma semaphore(%arg30 : memref<!tpu.dma_semaphore, #tpu.memory_space<semaphore_mem>>) src(%dma_wait3A_249 : memref<400x128xf32, #tpu.memory_space<hbm>>) dst(%arg22 : memref<32x128xf32, #tpu.memory_space<vmem>>)
      %scan3A_250 = arith.constant 0 : i32
      %scan3A_251 = arith.constant 0 : i32
      %scan3A_252 = arith.constant 32 : i32
      %scan3A_253 = arith.addi %scan3A_251, %scan3A_252 : i32
      %scan3A_254 = arith.constant 1 : i32
      %scan3A_255 = scf.for %scan3A_406 = %scan3A_251 to %scan3A_253 step %scan3A_254 iter_args(%scan3A_407 = %scan3A_250) -> (i32)  : i32 {
        %get3A = arith.index_cast %scan3A_406 : i32 to index
        %get3A_408 = arith.constant 0 : index
        %get3A_409 = tpu.vector_load %arg22[%get3A, %get3A_408] {strides = array<i32>} : memref<32x128xf32, #tpu.memory_space<vmem>>, vector<16xf32>,
        %get3A_410 = arith.index_cast %scan3A_406 : i32 to index
        %get3A_411 = arith.constant 0 : index
        %get3A_412 = tpu.vector_load %arg18[%get3A_410, %get3A_411] {strides = array<i32>} : memref<32x512xf32, #tpu.memory_space<vmem>>, vector<16xf32>,
        %mul3A_413 = arith.mulf %get3A_412, %get3A_409 : vector<16xf32>
        %swap3A = arith.index_cast %scan3A_406 : i32 to index
        %swap3A_414 = arith.constant 0 : index
        %swap3A_415 = tpu.vector_load %arg18[%swap3A, %swap3A_414] {strides = array<i32>} : memref<32x512xf32, #tpu.memory_space<vmem>>, vector<16xf32>,
        tpu.vector_store %arg18[%swap3A, %swap3A_414], %mul3A_413 {strides = array<i32>} : memref<32x512xf32, #tpu.memory_space<vmem>>, vector<16xf32>,
        %get3A_416 = arith.index_cast %scan3A_406 : i32 to index
        %get3A_417 = arith.constant 128 : index
        %get3A_418 = tpu.vector_load %arg18[%get3A_416, %get3A_417] {strides = array<i32>} : memref<32x512xf32, #tpu.memory_space<vmem>>, vector<16xf32>,
        %mul3A_419 = arith.mulf %get3A_418, %get3A_409 : vector<16xf32>
        %swap3A_420 = arith.index_cast %scan3A_406 : i32 to index
        %swap3A_421 = arith.constant 128 : index
        %swap3A_422 = tpu.vector_load %arg18[%swap3A_420, %swap3A_421] {strides = array<i32>} : memref<32x512xf32, #tpu.memory_space<vmem>>, vector<16xf32>,
        tpu.vector_store %arg18[%swap3A_420, %swap3A_421], %mul3A_419 {strides = array<i32>} : memref<32x512xf32, #tpu.memory_space<vmem>>, vector<16xf32>,
        %get3A_423 = arith.index_cast %scan3A_406 : i32 to index
        %get3A_424 = arith.constant 256 : index
        %get3A_425 = tpu.vector_load %arg18[%get3A_423, %get3A_424] {strides = array<i32>} : memref<32x512xf32, #tpu.memory_space<vmem>>, vector<16xf32>,
        %mul3A_426 = arith.mulf %get3A_425, %get3A_409 : vector<16xf32>
        %swap3A_427 = arith.index_cast %scan3A_406 : i32 to index
        %swap3A_428 = arith.constant 256 : index
        %swap3A_429 = tpu.vector_load %arg18[%swap3A_427, %swap3A_428] {strides = array<i32>} : memref<32x512xf32, #tpu.memory_space<vmem>>, vector<16xf32>,
        tpu.vector_store %arg18[%swap3A_427, %swap3A_428], %mul3A_426 {strides = array<i32>} : memref<32x512xf32, #tpu.memory_space<vmem>>, vector<16xf32>,
        %get3A_430 = arith.index_cast %scan3A_406 : i32 to index
        %get3A_431 = arith.constant 16 : index
        %get3A_432 = tpu.vector_load %arg22[%get3A_430, %get3A_431] {strides = array<i32>} : memref<32x128xf32, #tpu.memory_space<vmem>>, vector<16xf32>,
        %get3A_433 = arith.index_cast %scan3A_406 : i32 to index
        %get3A_434 = arith.constant 16 : index
        %get3A_435 = tpu.vector_load %arg18[%get3A_433, %get3A_434] {strides = array<i32>} : memref<32x512xf32, #tpu.memory_space<vmem>>, vector<16xf32>,
        %mul3A_436 = arith.mulf %get3A_435, %get3A_432 : vector<16xf32>
        %swap3A_437 = arith.index_cast %scan3A_406 : i32 to index
        %swap3A_438 = arith.constant 16 : index
        %swap3A_439 = tpu.vector_load %arg18[%swap3A_437, %swap3A_438] {strides = array<i32>} : memref<32x512xf32, #tpu.memory_space<vmem>>, vector<16xf32>,
        tpu.vector_store %arg18[%swap3A_437, %swap3A_438], %mul3A_436 {strides = array<i32>} : memref<32x512xf32, #tpu.memory_space<vmem>>, vector<16xf32>,
        %get3A_440 = arith.index_cast %scan3A_406 : i32 to index
        %get3A_441 = arith.constant 144 : index
        %get3A_442 = tpu.vector_load %arg18[%get3A_440, %get3A_441] {strides = array<i32>} : memref<32x512xf32, #tpu.memory_space<vmem>>, vector<16xf32>,
        %mul3A_443 = arith.mulf %get3A_442, %get3A_432 : vector<16xf32>
        %swap3A_444 = arith.index_cast %scan3A_406 : i32 to index
        %swap3A_445 = arith.constant 144 : index
        %swap3A_446 = tpu.vector_load %arg18[%swap3A_444, %swap3A_445] {strides = array<i32>} : memref<32x512xf32, #tpu.memory_space<vmem>>, vector<16xf32>,
        tpu.vector_store %arg18[%swap3A_444, %swap3A_445], %mul3A_443 {strides = array<i32>} : memref<32x512xf32, #tpu.memory_space<vmem>>, vector<16xf32>,
        %get3A_447 = arith.index_cast %scan3A_406 : i32 to index
        %get3A_448 = arith.constant 272 : index
        %get3A_449 = tpu.vector_load %arg18[%get3A_447, %get3A_448] {strides = array<i32>} : memref<32x512xf32, #tpu.memory_space<vmem>>, vector<16xf32>,
        %mul3A_450 = arith.mulf %get3A_449, %get3A_432 : vector<16xf32>
        %swap3A_451 = arith.index_cast %scan3A_406 : i32 to index
        %swap3A_452 = arith.constant 272 : index
        %swap3A_453 = tpu.vector_load %arg18[%swap3A_451, %swap3A_452] {strides = array<i32>} : memref<32x512xf32, #tpu.memory_space<vmem>>, vector<16xf32>,
        tpu.vector_store %arg18[%swap3A_451, %swap3A_452], %mul3A_450 {strides = array<i32>} : memref<32x512xf32, #tpu.memory_space<vmem>>, vector<16xf32>,
        %get3A_454 = arith.index_cast %scan3A_406 : i32 to index
        %get3A_455 = arith.constant 32 : index
        %get3A_456 = tpu.vector_load %arg22[%get3A_454, %get3A_455] {strides = array<i32>} : memref<32x128xf32, #tpu.memory_space<vmem>>, vector<16xf32>,
        %get3A_457 = arith.index_cast %scan3A_406 : i32 to index
        %get3A_458 = arith.constant 32 : index
        %get3A_459 = tpu.vector_load %arg18[%get3A_457, %get3A_458] {strides = array<i32>} : memref<32x512xf32, #tpu.memory_space<vmem>>, vector<16xf32>,
        %mul3A_460 = arith.mulf %get3A_459, %get3A_456 : vector<16xf32>
        %swap3A_461 = arith.index_cast %scan3A_406 : i32 to index
        %swap3A_462 = arith.constant 32 : index
        %swap3A_463 = tpu.vector_load %arg18[%swap3A_461, %swap3A_462] {strides = array<i32>} : memref<32x512xf32, #tpu.memory_space<vmem>>, vector<16xf32>,
        tpu.vector_store %arg18[%swap3A_461, %swap3A_462], %mul3A_460 {strides = array<i32>} : memref<32x512xf32, #tpu.memory_space<vmem>>, vector<16xf32>,
        %get3A_464 = arith.index_cast %scan3A_406 : i32 to index
        %get3A_465 = arith.constant 160 : index
        %get3A_466 = tpu.vector_load %arg18[%get3A_464, %get3A_465] {strides = array<i32>} : memref<32x512xf32, #tpu.memory_space<vmem>>, vector<16xf32>,
        %mul3A_467 = arith.mulf %get3A_466, %get3A_456 : vector<16xf32>
        %swap3A_468 = arith.index_cast %scan3A_406 : i32 to index
        %swap3A_469 = arith.constant 160 : index
        %swap3A_470 = tpu.vector_load %arg18[%swap3A_468, %swap3A_469] {strides = array<i32>} : memref<32x512xf32, #tpu.memory_space<vmem>>, vector<16xf32>,
        tpu.vector_store %arg18[%swap3A_468, %swap3A_469], %mul3A_467 {strides = array<i32>} : memref<32x512xf32, #tpu.memory_space<vmem>>, vector<16xf32>,
        %get3A_471 = arith.index_cast %scan3A_406 : i32 to index
        %get3A_472 = arith.constant 288 : index
        %get3A_473 = tpu.vector_load %arg18[%get3A_471, %get3A_472] {strides = array<i32>} : memref<32x512xf32, #tpu.memory_space<vmem>>, vector<16xf32>,
        %mul3A_474 = arith.mulf %get3A_473, %get3A_456 : vector<16xf32>
        %swap3A_475 = arith.index_cast %scan3A_406 : i32 to index
        %swap3A_476 = arith.constant 288 : index
        %swap3A_477 = tpu.vector_load %arg18[%swap3A_475, %swap3A_476] {strides = array<i32>} : memref<32x512xf32, #tpu.memory_space<vmem>>, vector<16xf32>,
        tpu.vector_store %arg18[%swap3A_475, %swap3A_476], %mul3A_474 {strides = array<i32>} : memref<32x512xf32, #tpu.memory_space<vmem>>, vector<16xf32>,
        %get3A_478 = arith.index_cast %scan3A_406 : i32 to index
        %get3A_479 = arith.constant 48 : index
        %get3A_480 = tpu.vector_load %arg22[%get3A_478, %get3A_479] {strides = array<i32>} : memref<32x128xf32, #tpu.memory_space<vmem>>, vector<16xf32>,
        %get3A_481 = arith.index_cast %scan3A_406 : i32 to index
        %get3A_482 = arith.constant 48 : index
        %get3A_483 = tpu.vector_load %arg18[%get3A_481, %get3A_482] {strides = array<i32>} : memref<32x512xf32, #tpu.memory_space<vmem>>, vector<16xf32>,
        %mul3A_484 = arith.mulf %get3A_483, %get3A_480 : vector<16xf32>
        %swap3A_485 = arith.index_cast %scan3A_406 : i32 to index
        %swap3A_486 = arith.constant 48 : index
        %swap3A_487 = tpu.vector_load %arg18[%swap3A_485, %swap3A_486] {strides = array<i32>} : memref<32x512xf32, #tpu.memory_space<vmem>>, vector<16xf32>,
        tpu.vector_store %arg18[%swap3A_485, %swap3A_486], %mul3A_484 {strides = array<i32>} : memref<32x512xf32, #tpu.memory_space<vmem>>, vector<16xf32>,
        %get3A_488 = arith.index_cast %scan3A_406 : i32 to index
        %get3A_489 = arith.constant 176 : index
        %get3A_490 = tpu.vector_load %arg18[%get3A_488, %get3A_489] {strides = array<i32>} : memref<32x512xf32, #tpu.memory_space<vmem>>, vector<16xf32>,
        %mul3A_491 = arith.mulf %get3A_490, %get3A_480 : vector<16xf32>
        %swap3A_492 = arith.index_cast %scan3A_406 : i32 to index
        %swap3A_493 = arith.constant 176 : index
        %swap3A_494 = tpu.vector_load %arg18[%swap3A_492, %swap3A_493] {strides = array<i32>} : memref<32x512xf32, #tpu.memory_space<vmem>>, vector<16xf32>,
        tpu.vector_store %arg18[%swap3A_492, %swap3A_493], %mul3A_491 {strides = array<i32>} : memref<32x512xf32, #tpu.memory_space<vmem>>, vector<16xf32>,
        %get3A_495 = arith.index_cast %scan3A_406 : i32 to index
        %get3A_496 = arith.constant 304 : index
        %get3A_497 = tpu.vector_load %arg18[%get3A_495, %get3A_496] {strides = array<i32>} : memref<32x512xf32, #tpu.memory_space<vmem>>, vector<16xf32>,
        %mul3A_498 = arith.mulf %get3A_497, %get3A_480 : vector<16xf32>
        %swap3A_499 = arith.index_cast %scan3A_406 : i32 to index
        %swap3A_500 = arith.constant 304 : index
        %swap3A_501 = tpu.vector_load %arg18[%swap3A_499, %swap3A_500] {strides = array<i32>} : memref<32x512xf32, #tpu.memory_space<vmem>>, vector<16xf32>,
        tpu.vector_store %arg18[%swap3A_499, %swap3A_500], %mul3A_498 {strides = array<i32>} : memref<32x512xf32, #tpu.memory_space<vmem>>, vector<16xf32>,
        %get3A_502 = arith.index_cast %scan3A_406 : i32 to index
        %get3A_503 = arith.constant 64 : index
        %get3A_504 = tpu.vector_load %arg22[%get3A_502, %get3A_503] {strides = array<i32>} : memref<32x128xf32, #tpu.memory_space<vmem>>, vector<16xf32>,
        %get3A_505 = arith.index_cast %scan3A_406 : i32 to index
        %get3A_506 = arith.constant 64 : index
        %get3A_507 = tpu.vector_load %arg18[%get3A_505, %get3A_506] {strides = array<i32>} : memref<32x512xf32, #tpu.memory_space<vmem>>, vector<16xf32>,
        %mul3A_508 = arith.mulf %get3A_507, %get3A_504 : vector<16xf32>
        %swap3A_509 = arith.index_cast %scan3A_406 : i32 to index
        %swap3A_510 = arith.constant 64 : index
        %swap3A_511 = tpu.vector_load %arg18[%swap3A_509, %swap3A_510] {strides = array<i32>} : memref<32x512xf32, #tpu.memory_space<vmem>>, vector<16xf32>,
        tpu.vector_store %arg18[%swap3A_509, %swap3A_510], %mul3A_508 {strides = array<i32>} : memref<32x512xf32, #tpu.memory_space<vmem>>, vector<16xf32>,
        %get3A_512 = arith.index_cast %scan3A_406 : i32 to index
        %get3A_513 = arith.constant 192 : index
        %get3A_514 = tpu.vector_load %arg18[%get3A_512, %get3A_513] {strides = array<i32>} : memref<32x512xf32, #tpu.memory_space<vmem>>, vector<16xf32>,
        %mul3A_515 = arith.mulf %get3A_514, %get3A_504 : vector<16xf32>
        %swap3A_516 = arith.index_cast %scan3A_406 : i32 to index
        %swap3A_517 = arith.constant 192 : index
        %swap3A_518 = tpu.vector_load %arg18[%swap3A_516, %swap3A_517] {strides = array<i32>} : memref<32x512xf32, #tpu.memory_space<vmem>>, vector<16xf32>,
        tpu.vector_store %arg18[%swap3A_516, %swap3A_517], %mul3A_515 {strides = array<i32>} : memref<32x512xf32, #tpu.memory_space<vmem>>, vector<16xf32>,
        %get3A_519 = arith.index_cast %scan3A_406 : i32 to index
        %get3A_520 = arith.constant 320 : index
        %get3A_521 = tpu.vector_load %arg18[%get3A_519, %get3A_520] {strides = array<i32>} : memref<32x512xf32, #tpu.memory_space<vmem>>, vector<16xf32>,
        %mul3A_522 = arith.mulf %get3A_521, %get3A_504 : vector<16xf32>
        %swap3A_523 = arith.index_cast %scan3A_406 : i32 to index
        %swap3A_524 = arith.constant 320 : index
        %swap3A_525 = tpu.vector_load %arg18[%swap3A_523, %swap3A_524] {strides = array<i32>} : memref<32x512xf32, #tpu.memory_space<vmem>>, vector<16xf32>,
        tpu.vector_store %arg18[%swap3A_523, %swap3A_524], %mul3A_522 {strides = array<i32>} : memref<32x512xf32, #tpu.memory_space<vmem>>, vector<16xf32>,
        %get3A_526 = arith.index_cast %scan3A_406 : i32 to index
        %get3A_527 = arith.constant 80 : index
        %get3A_528 = tpu.vector_load %arg22[%get3A_526, %get3A_527] {strides = array<i32>} : memref<32x128xf32, #tpu.memory_space<vmem>>, vector<16xf32>,
        %get3A_529 = arith.index_cast %scan3A_406 : i32 to index
        %get3A_530 = arith.constant 80 : index
        %get3A_531 = tpu.vector_load %arg18[%get3A_529, %get3A_530] {strides = array<i32>} : memref<32x512xf32, #tpu.memory_space<vmem>>, vector<16xf32>,
        %mul3A_532 = arith.mulf %get3A_531, %get3A_528 : vector<16xf32>
        %swap3A_533 = arith.index_cast %scan3A_406 : i32 to index
        %swap3A_534 = arith.constant 80 : index
        %swap3A_535 = tpu.vector_load %arg18[%swap3A_533, %swap3A_534] {strides = array<i32>} : memref<32x512xf32, #tpu.memory_space<vmem>>, vector<16xf32>,
        tpu.vector_store %arg18[%swap3A_533, %swap3A_534], %mul3A_532 {strides = array<i32>} : memref<32x512xf32, #tpu.memory_space<vmem>>, vector<16xf32>,
        %get3A_536 = arith.index_cast %scan3A_406 : i32 to index
        %get3A_537 = arith.constant 208 : index
        %get3A_538 = tpu.vector_load %arg18[%get3A_536, %get3A_537] {strides = array<i32>} : memref<32x512xf32, #tpu.memory_space<vmem>>, vector<16xf32>,
        %mul3A_539 = arith.mulf %get3A_538, %get3A_528 : vector<16xf32>
        %swap3A_540 = arith.index_cast %scan3A_406 : i32 to index
        %swap3A_541 = arith.constant 208 : index
        %swap3A_542 = tpu.vector_load %arg18[%swap3A_540, %swap3A_541] {strides = array<i32>} : memref<32x512xf32, #tpu.memory_space<vmem>>, vector<16xf32>,
        tpu.vector_store %arg18[%swap3A_540, %swap3A_541], %mul3A_539 {strides = array<i32>} : memref<32x512xf32, #tpu.memory_space<vmem>>, vector<16xf32>,
        %get3A_543 = arith.index_cast %scan3A_406 : i32 to index
        %get3A_544 = arith.constant 336 : index
        %get3A_545 = tpu.vector_load %arg18[%get3A_543, %get3A_544] {strides = array<i32>} : memref<32x512xf32, #tpu.memory_space<vmem>>, vector<16xf32>,
        %mul3A_546 = arith.mulf %get3A_545, %get3A_528 : vector<16xf32>
        %swap3A_547 = arith.index_cast %scan3A_406 : i32 to index
        %swap3A_548 = arith.constant 336 : index
        %swap3A_549 = tpu.vector_load %arg18[%swap3A_547, %swap3A_548] {strides = array<i32>} : memref<32x512xf32, #tpu.memory_space<vmem>>, vector<16xf32>,
        tpu.vector_store %arg18[%swap3A_547, %swap3A_548], %mul3A_546 {strides = array<i32>} : memref<32x512xf32, #tpu.memory_space<vmem>>, vector<16xf32>,
        %get3A_550 = arith.index_cast %scan3A_406 : i32 to index
        %get3A_551 = arith.constant 96 : index
        %get3A_552 = tpu.vector_load %arg22[%get3A_550, %get3A_551] {strides = array<i32>} : memref<32x128xf32, #tpu.memory_space<vmem>>, vector<16xf32>,
        %get3A_553 = arith.index_cast %scan3A_406 : i32 to index
        %get3A_554 = arith.constant 96 : index
        %get3A_555 = tpu.vector_load %arg18[%get3A_553, %get3A_554] {strides = array<i32>} : memref<32x512xf32, #tpu.memory_space<vmem>>, vector<16xf32>,
        %mul3A_556 = arith.mulf %get3A_555, %get3A_552 : vector<16xf32>
        %swap3A_557 = arith.index_cast %scan3A_406 : i32 to index
        %swap3A_558 = arith.constant 96 : index
        %swap3A_559 = tpu.vector_load %arg18[%swap3A_557, %swap3A_558] {strides = array<i32>} : memref<32x512xf32, #tpu.memory_space<vmem>>, vector<16xf32>,
        tpu.vector_store %arg18[%swap3A_557, %swap3A_558], %mul3A_556 {strides = array<i32>} : memref<32x512xf32, #tpu.memory_space<vmem>>, vector<16xf32>,
        %get3A_560 = arith.index_cast %scan3A_406 : i32 to index
        %get3A_561 = arith.constant 224 : index
        %get3A_562 = tpu.vector_load %arg18[%get3A_560, %get3A_561] {strides = array<i32>} : memref<32x512xf32, #tpu.memory_space<vmem>>, vector<16xf32>,
        %mul3A_563 = arith.mulf %get3A_562, %get3A_552 : vector<16xf32>
        %swap3A_564 = arith.index_cast %scan3A_406 : i32 to index
        %swap3A_565 = arith.constant 224 : index
        %swap3A_566 = tpu.vector_load %arg18[%swap3A_564, %swap3A_565] {strides = array<i32>} : memref<32x512xf32, #tpu.memory_space<vmem>>, vector<16xf32>,
        tpu.vector_store %arg18[%swap3A_564, %swap3A_565], %mul3A_563 {strides = array<i32>} : memref<32x512xf32, #tpu.memory_space<vmem>>, vector<16xf32>,
        %get3A_567 = arith.index_cast %scan3A_406 : i32 to index
        %get3A_568 = arith.constant 352 : index
        %get3A_569 = tpu.vector_load %arg18[%get3A_567, %get3A_568] {strides = array<i32>} : memref<32x512xf32, #tpu.memory_space<vmem>>, vector<16xf32>,
        %mul3A_570 = arith.mulf %get3A_569, %get3A_552 : vector<16xf32>
        %swap3A_571 = arith.index_cast %scan3A_406 : i32 to index
        %swap3A_572 = arith.constant 352 : index
        %swap3A_573 = tpu.vector_load %arg18[%swap3A_571, %swap3A_572] {strides = array<i32>} : memref<32x512xf32, #tpu.memory_space<vmem>>, vector<16xf32>,
        tpu.vector_store %arg18[%swap3A_571, %swap3A_572], %mul3A_570 {strides = array<i32>} : memref<32x512xf32, #tpu.memory_space<vmem>>, vector<16xf32>,
        %get3A_574 = arith.index_cast %scan3A_406 : i32 to index
        %get3A_575 = arith.constant 112 : index
        %get3A_576 = tpu.vector_load %arg22[%get3A_574, %get3A_575] {strides = array<i32>} : memref<32x128xf32, #tpu.memory_space<vmem>>, vector<16xf32>,
        %get3A_577 = arith.index_cast %scan3A_406 : i32 to index
        %get3A_578 = arith.constant 112 : index
        %get3A_579 = tpu.vector_load %arg18[%get3A_577, %get3A_578] {strides = array<i32>} : memref<32x512xf32, #tpu.memory_space<vmem>>, vector<16xf32>,
        %mul3A_580 = arith.mulf %get3A_579, %get3A_576 : vector<16xf32>
        %swap3A_581 = arith.index_cast %scan3A_406 : i32 to index
        %swap3A_582 = arith.constant 112 : index
        %swap3A_583 = tpu.vector_load %arg18[%swap3A_581, %swap3A_582] {strides = array<i32>} : memref<32x512xf32, #tpu.memory_space<vmem>>, vector<16xf32>,
        tpu.vector_store %arg18[%swap3A_581, %swap3A_582], %mul3A_580 {strides = array<i32>} : memref<32x512xf32, #tpu.memory_space<vmem>>, vector<16xf32>,
        %get3A_584 = arith.index_cast %scan3A_406 : i32 to index
        %get3A_585 = arith.constant 240 : index
        %get3A_586 = tpu.vector_load %arg18[%get3A_584, %get3A_585] {strides = array<i32>} : memref<32x512xf32, #tpu.memory_space<vmem>>, vector<16xf32>,
        %mul3A_587 = arith.mulf %get3A_586, %get3A_576 : vector<16xf32>
        %swap3A_588 = arith.index_cast %scan3A_406 : i32 to index
        %swap3A_589 = arith.constant 240 : index
        %swap3A_590 = tpu.vector_load %arg18[%swap3A_588, %swap3A_589] {strides = array<i32>} : memref<32x512xf32, #tpu.memory_space<vmem>>, vector<16xf32>,
        tpu.vector_store %arg18[%swap3A_588, %swap3A_589], %mul3A_587 {strides = array<i32>} : memref<32x512xf32, #tpu.memory_space<vmem>>, vector<16xf32>,
        %get3A_591 = arith.index_cast %scan3A_406 : i32 to index
        %get3A_592 = arith.constant 368 : index
        %get3A_593 = tpu.vector_load %arg18[%get3A_591, %get3A_592] {strides = array<i32>} : memref<32x512xf32, #tpu.memory_space<vmem>>, vector<16xf32>,
        %mul3A_594 = arith.mulf %get3A_593, %get3A_576 : vector<16xf32>
        %swap3A_595 = arith.index_cast %scan3A_406 : i32 to index
        %swap3A_596 = arith.constant 368 : index
        %swap3A_597 = tpu.vector_load %arg18[%swap3A_595, %swap3A_596] {strides = array<i32>} : memref<32x512xf32, #tpu.memory_space<vmem>>, vector<16xf32>,
        tpu.vector_store %arg18[%swap3A_595, %swap3A_596], %mul3A_594 {strides = array<i32>} : memref<32x512xf32, #tpu.memory_space<vmem>>, vector<16xf32>,
        %scan3A_598 = arith.constant 0 : i32
        scf.yield %scan3A_598 : i32
      }
      %scan3A_256 = arith.constant 32 : i32
      %dma_start3A_257 = arith.constant 0 : i32
      %dma_start3A_258 = tpu.memref_slice %arg14[%add3A_234, %dma_start3A_257] : memref<160x32xi32, #tpu.memory_space<vmem>> -> memref<1x32xi32, #tpu.memory_space<vmem>>
      %dma_start3A_259 = tpu.memref_squeeze %dma_start3A_258 : memref<1x32xi32, #tpu.memory_space<vmem>> -> memref<32xi32, #tpu.memory_space<vmem>>
      %dma_start3A_260 = arith.constant 0 : i32
      %dma_start3A_261 = arith.constant 0 : i32
      %dma_start3A_262 = tpu.memref_slice %arg11[%dma_start3A_260, %dma_start3A_261] : memref<20480x512xf32, #tpu.memory_space<hbm>> -> memref<20480x512xf32, #tpu.memory_space<hbm>>
      tpu.enqueue_indirect_dma source(%arg18 : memref<32x512xf32, #tpu.memory_space<vmem>>) target(%dma_start3A_262 : memref<20480x512xf32, #tpu.memory_space<hbm>>) offsets(%dma_start3A_259 : memref<32xi32, #tpu.memory_space<vmem>>) semaphore(%arg34 : memref<!tpu.dma_semaphore, #tpu.memory_space<semaphore_mem>>) {add = true}
      %ge3A = arith.constant 2 : i32
      %ge3A_263 = arith.cmpi sge, %add3A_234, %ge3A : i32
      %convert_element_type3A_264 = arith.extui %ge3A_263 : i1 to i32
      %cond3A_265 = arith.constant 0 : i32
      %cond3A_266 = arith.cmpi ne, %convert_element_type3A_264, %cond3A_265 : i32
      scf.if %cond3A_266 {
        %sub3A = arith.constant 2 : i32
        %sub3A_406 = arith.subi %add3A_234, %sub3A : i32
        %dma_wait3A_407 = arith.constant 0 : i32
        %dma_wait3A_408 = tpu.memref_slice %arg14[%sub3A_406, %dma_wait3A_407] : memref<160x32xi32, #tpu.memory_space<vmem>> -> memref<1x32xi32, #tpu.memory_space<vmem>>
        %dma_wait3A_409 = tpu.memref_squeeze %dma_wait3A_408 : memref<1x32xi32, #tpu.memory_space<vmem>> -> memref<32xi32, #tpu.memory_space<vmem>>
        %dma_wait3A_410 = arith.constant 0 : i32
        %dma_wait3A_411 = arith.constant 0 : i32
        %dma_wait3A_412 = tpu.memref_slice %arg11[%dma_wait3A_410, %dma_wait3A_411] : memref<20480x512xf32, #tpu.memory_space<hbm>> -> memref<20480x512xf32, #tpu.memory_space<hbm>>
        tpu.wait_indirect_dma semaphore(%arg36 : memref<!tpu.dma_semaphore, #tpu.memory_space<semaphore_mem>>) src(%arg20 : memref<32x512xf32, #tpu.memory_space<vmem>>) dst(%dma_wait3A_412 : memref<20480x512xf32, #tpu.memory_space<hbm>>)
      } else {
      }
      %add3A_267 = arith.constant 2 : i32
      %add3A_268 = arith.addi %add3A_234, %add3A_267 : i32
      %lt3A = arith.constant 160 : i32
      %lt3A_269 = arith.cmpi slt, %add3A_268, %lt3A : i32
      %convert_element_type3A_270 = arith.extui %lt3A_269 : i1 to i32
      %cond3A_271 = arith.constant 0 : i32
      %cond3A_272 = arith.cmpi ne, %convert_element_type3A_270, %cond3A_271 : i32
      scf.if %cond3A_272 {
        %add3A_406 = arith.constant 2 : i32
        %add3A_407 = arith.addi %add3A_234, %add3A_406 : i32
        %mul3A_408 = arith.constant 32 : i32
        %mul3A_409 = arith.muli %add3A_407, %mul3A_408 : i32
        %dma_start3A_410 = arith.constant 0 : i32
        %dma_start3A_411 = arith.constant 0 : i32
        %dma_start3A_412 = tpu.memref_slice %arg20[%dma_start3A_410, %dma_start3A_411] : memref<32x512xf32, #tpu.memory_space<vmem>> -> memref<32x384xf32, #tpu.memory_space<vmem>>
        %dma_start3A_413 = tpu.memref_slice %arg12[%mul3A_409] : memref<5120xi32, #tpu.memory_space<vmem>> -> memref<32xi32, #tpu.memory_space<vmem>>
        %dma_start3A_414 = arith.constant 0 : i32
        %dma_start3A_415 = arith.constant 0 : i32
        %dma_start3A_416 = tpu.memref_slice %arg2[%dma_start3A_414, %dma_start3A_415] : memref<10000x384xf32, #tpu.memory_space<hbm>> -> memref<10000x384xf32, #tpu.memory_space<hbm>>
        tpu.enqueue_indirect_dma source(%dma_start3A_416 : memref<10000x384xf32, #tpu.memory_space<hbm>>) target(%dma_start3A_412 : memref<32x384xf32, #tpu.memory_space<vmem>>) offsets(%dma_start3A_413 : memref<32xi32, #tpu.memory_space<vmem>>) semaphore(%arg28 : memref<!tpu.dma_semaphore, #tpu.memory_space<semaphore_mem>>)
        %mul3A_417 = arith.constant 32 : i32
        %mul3A_418 = arith.muli %add3A_407, %mul3A_417 : i32
        %dma_start3A_419 = tpu.memref_slice %arg13[%mul3A_418] : memref<5120xi32, #tpu.memory_space<vmem>> -> memref<32xi32, #tpu.memory_space<vmem>>
        %dma_start3A_420 = arith.constant 0 : i32
        %dma_start3A_421 = arith.constant 0 : i32
        %dma_start3A_422 = tpu.memref_slice %arg8[%dma_start3A_420, %dma_start3A_421] : memref<400x128xf32, #tpu.memory_space<hbm>> -> memref<400x128xf32, #tpu.memory_space<hbm>>
        tpu.enqueue_indirect_dma source(%dma_start3A_422 : memref<400x128xf32, #tpu.memory_space<hbm>>) target(%arg24 : memref<32x128xf32, #tpu.memory_space<vmem>>) offsets(%dma_start3A_419 : memref<32xi32, #tpu.memory_space<vmem>>) semaphore(%arg32 : memref<!tpu.dma_semaphore, #tpu.memory_space<semaphore_mem>>)
      } else {
      }
      %mul3A_273 = arith.constant 4 : i32
      %mul3A_274 = arith.muli %scan3A_229, %mul3A_273 : i32
      %add3A_275 = arith.constant 1 : i32
      %add3A_276 = arith.addi %mul3A_274, %add3A_275 : i32
      %mul3A_277 = arith.constant 32 : i32
      %mul3A_278 = arith.muli %add3A_276, %mul3A_277 : i32
      %dma_wait3A_279 = arith.constant 0 : i32
      %dma_wait3A_280 = arith.constant 0 : i32
      %dma_wait3A_281 = tpu.memref_slice %arg19[%dma_wait3A_279, %dma_wait3A_280] : memref<32x512xf32, #tpu.memory_space<vmem>> -> memref<32x384xf32, #tpu.memory_space<vmem>>
      %dma_wait3A_282 = tpu.memref_slice %arg12[%mul3A_278] : memref<5120xi32, #tpu.memory_space<vmem>> -> memref<32xi32, #tpu.memory_space<vmem>>
      %dma_wait3A_283 = arith.constant 0 : i32
      %dma_wait3A_284 = arith.constant 0 : i32
      %dma_wait3A_285 = tpu.memref_slice %arg2[%dma_wait3A_283, %dma_wait3A_284] : memref<10000x384xf32, #tpu.memory_space<hbm>> -> memref<10000x384xf32, #tpu.memory_space<hbm>>
      tpu.wait_indirect_dma semaphore(%arg27 : memref<!tpu.dma_semaphore, #tpu.memory_space<semaphore_mem>>) src(%dma_wait3A_285 : memref<10000x384xf32, #tpu.memory_space<hbm>>) dst(%dma_wait3A_281 : memref<32x384xf32, #tpu.memory_space<vmem>>)
      %mul3A_286 = arith.constant 32 : i32
      %mul3A_287 = arith.muli %add3A_276, %mul3A_286 : i32
      %dma_wait3A_288 = tpu.memref_slice %arg13[%mul3A_287] : memref<5120xi32, #tpu.memory_space<vmem>> -> memref<32xi32, #tpu.memory_space<vmem>>
      %dma_wait3A_289 = arith.constant 0 : i32
      %dma_wait3A_290 = arith.constant 0 : i32
      %dma_wait3A_291 = tpu.memref_slice %arg8[%dma_wait3A_289, %dma_wait3A_290] : memref<400x128xf32, #tpu.memory_space<hbm>> -> memref<400x128xf32, #tpu.memory_space<hbm>>
      tpu.wait_indirect_dma semaphore(%arg31 : memref<!tpu.dma_semaphore, #tpu.memory_space<semaphore_mem>>) src(%dma_wait3A_291 : memref<400x128xf32, #tpu.memory_space<hbm>>) dst(%arg23 : memref<32x128xf32, #tpu.memory_space<vmem>>)
      %scan3A_292 = arith.constant 0 : i32
      %scan3A_293 = arith.constant 0 : i32
      %scan3A_294 = arith.constant 32 : i32
      %scan3A_295 = arith.addi %scan3A_293, %scan3A_294 : i32
      %scan3A_296 = arith.constant 1 : i32
      %scan3A_297 = scf.for %scan3A_406 = %scan3A_293 to %scan3A_295 step %scan3A_296 iter_args(%scan3A_407 = %scan3A_292) -> (i32)  : i32 {
        %get3A = arith.index_cast %scan3A_406 : i32 to index
        %get3A_408 = arith.constant 0 : index
        %get3A_409 = tpu.vector_load %arg23[%get3A, %get3A_408] {strides = array<i32>} : memref<32x128xf32, #tpu.memory_space<vmem>>, vector<16xf32>,
        %get3A_410 = arith.index_cast %scan3A_406 : i32 to index
        %get3A_411 = arith.constant 0 : index
        %get3A_412 = tpu.vector_load %arg19[%get3A_410, %get3A_411] {strides = array<i32>} : memref<32x512xf32, #tpu.memory_space<vmem>>, vector<16xf32>,
        %mul3A_413 = arith.mulf %get3A_412, %get3A_409 : vector<16xf32>
        %swap3A = arith.index_cast %scan3A_406 : i32 to index
        %swap3A_414 = arith.constant 0 : index
        %swap3A_415 = tpu.vector_load %arg19[%swap3A, %swap3A_414] {strides = array<i32>} : memref<32x512xf32, #tpu.memory_space<vmem>>, vector<16xf32>,
        tpu.vector_store %arg19[%swap3A, %swap3A_414], %mul3A_413 {strides = array<i32>} : memref<32x512xf32, #tpu.memory_space<vmem>>, vector<16xf32>,
        %get3A_416 = arith.index_cast %scan3A_406 : i32 to index
        %get3A_417 = arith.constant 128 : index
        %get3A_418 = tpu.vector_load %arg19[%get3A_416, %get3A_417] {strides = array<i32>} : memref<32x512xf32, #tpu.memory_space<vmem>>, vector<16xf32>,
        %mul3A_419 = arith.mulf %get3A_418, %get3A_409 : vector<16xf32>
        %swap3A_420 = arith.index_cast %scan3A_406 : i32 to index
        %swap3A_421 = arith.constant 128 : index
        %swap3A_422 = tpu.vector_load %arg19[%swap3A_420, %swap3A_421] {strides = array<i32>} : memref<32x512xf32, #tpu.memory_space<vmem>>, vector<16xf32>,
        tpu.vector_store %arg19[%swap3A_420, %swap3A_421], %mul3A_419 {strides = array<i32>} : memref<32x512xf32, #tpu.memory_space<vmem>>, vector<16xf32>,
        %get3A_423 = arith.index_cast %scan3A_406 : i32 to index
        %get3A_424 = arith.constant 256 : index
        %get3A_425 = tpu.vector_load %arg19[%get3A_423, %get3A_424] {strides = array<i32>} : memref<32x512xf32, #tpu.memory_space<vmem>>, vector<16xf32>,
        %mul3A_426 = arith.mulf %get3A_425, %get3A_409 : vector<16xf32>
        %swap3A_427 = arith.index_cast %scan3A_406 : i32 to index
        %swap3A_428 = arith.constant 256 : index
        %swap3A_429 = tpu.vector_load %arg19[%swap3A_427, %swap3A_428] {strides = array<i32>} : memref<32x512xf32, #tpu.memory_space<vmem>>, vector<16xf32>,
        tpu.vector_store %arg19[%swap3A_427, %swap3A_428], %mul3A_426 {strides = array<i32>} : memref<32x512xf32, #tpu.memory_space<vmem>>, vector<16xf32>,
        %get3A_430 = arith.index_cast %scan3A_406 : i32 to index
        %get3A_431 = arith.constant 16 : index
        %get3A_432 = tpu.vector_load %arg23[%get3A_430, %get3A_431] {strides = array<i32>} : memref<32x128xf32, #tpu.memory_space<vmem>>, vector<16xf32>,
        %get3A_433 = arith.index_cast %scan3A_406 : i32 to index
        %get3A_434 = arith.constant 16 : index
        %get3A_435 = tpu.vector_load %arg19[%get3A_433, %get3A_434] {strides = array<i32>} : memref<32x512xf32, #tpu.memory_space<vmem>>, vector<16xf32>,
        %mul3A_436 = arith.mulf %get3A_435, %get3A_432 : vector<16xf32>
        %swap3A_437 = arith.index_cast %scan3A_406 : i32 to index
        %swap3A_438 = arith.constant 16 : index
        %swap3A_439 = tpu.vector_load %arg19[%swap3A_437, %swap3A_438] {strides = array<i32>} : memref<32x512xf32, #tpu.memory_space<vmem>>, vector<16xf32>,
        tpu.vector_store %arg19[%swap3A_437, %swap3A_438], %mul3A_436 {strides = array<i32>} : memref<32x512xf32, #tpu.memory_space<vmem>>, vector<16xf32>,
        %get3A_440 = arith.index_cast %scan3A_406 : i32 to index
        %get3A_441 = arith.constant 144 : index
        %get3A_442 = tpu.vector_load %arg19[%get3A_440, %get3A_441] {strides = array<i32>} : memref<32x512xf32, #tpu.memory_space<vmem>>, vector<16xf32>,
        %mul3A_443 = arith.mulf %get3A_442, %get3A_432 : vector<16xf32>
        %swap3A_444 = arith.index_cast %scan3A_406 : i32 to index
        %swap3A_445 = arith.constant 144 : index
        %swap3A_446 = tpu.vector_load %arg19[%swap3A_444, %swap3A_445] {strides = array<i32>} : memref<32x512xf32, #tpu.memory_space<vmem>>, vector<16xf32>,
        tpu.vector_store %arg19[%swap3A_444, %swap3A_445], %mul3A_443 {strides = array<i32>} : memref<32x512xf32, #tpu.memory_space<vmem>>, vector<16xf32>,
        %get3A_447 = arith.index_cast %scan3A_406 : i32 to index
        %get3A_448 = arith.constant 272 : index
        %get3A_449 = tpu.vector_load %arg19[%get3A_447, %get3A_448] {strides = array<i32>} : memref<32x512xf32, #tpu.memory_space<vmem>>, vector<16xf32>,
        %mul3A_450 = arith.mulf %get3A_449, %get3A_432 : vector<16xf32>
        %swap3A_451 = arith.index_cast %scan3A_406 : i32 to index
        %swap3A_452 = arith.constant 272 : index
        %swap3A_453 = tpu.vector_load %arg19[%swap3A_451, %swap3A_452] {strides = array<i32>} : memref<32x512xf32, #tpu.memory_space<vmem>>, vector<16xf32>,
        tpu.vector_store %arg19[%swap3A_451, %swap3A_452], %mul3A_450 {strides = array<i32>} : memref<32x512xf32, #tpu.memory_space<vmem>>, vector<16xf32>,
        %get3A_454 = arith.index_cast %scan3A_406 : i32 to index
        %get3A_455 = arith.constant 32 : index
        %get3A_456 = tpu.vector_load %arg23[%get3A_454, %get3A_455] {strides = array<i32>} : memref<32x128xf32, #tpu.memory_space<vmem>>, vector<16xf32>,
        %get3A_457 = arith.index_cast %scan3A_406 : i32 to index
        %get3A_458 = arith.constant 32 : index
        %get3A_459 = tpu.vector_load %arg19[%get3A_457, %get3A_458] {strides = array<i32>} : memref<32x512xf32, #tpu.memory_space<vmem>>, vector<16xf32>,
        %mul3A_460 = arith.mulf %get3A_459, %get3A_456 : vector<16xf32>
        %swap3A_461 = arith.index_cast %scan3A_406 : i32 to index
        %swap3A_462 = arith.constant 32 : index
        %swap3A_463 = tpu.vector_load %arg19[%swap3A_461, %swap3A_462] {strides = array<i32>} : memref<32x512xf32, #tpu.memory_space<vmem>>, vector<16xf32>,
        tpu.vector_store %arg19[%swap3A_461, %swap3A_462], %mul3A_460 {strides = array<i32>} : memref<32x512xf32, #tpu.memory_space<vmem>>, vector<16xf32>,
        %get3A_464 = arith.index_cast %scan3A_406 : i32 to index
        %get3A_465 = arith.constant 160 : index
        %get3A_466 = tpu.vector_load %arg19[%get3A_464, %get3A_465] {strides = array<i32>} : memref<32x512xf32, #tpu.memory_space<vmem>>, vector<16xf32>,
        %mul3A_467 = arith.mulf %get3A_466, %get3A_456 : vector<16xf32>
        %swap3A_468 = arith.index_cast %scan3A_406 : i32 to index
        %swap3A_469 = arith.constant 160 : index
        %swap3A_470 = tpu.vector_load %arg19[%swap3A_468, %swap3A_469] {strides = array<i32>} : memref<32x512xf32, #tpu.memory_space<vmem>>, vector<16xf32>,
        tpu.vector_store %arg19[%swap3A_468, %swap3A_469], %mul3A_467 {strides = array<i32>} : memref<32x512xf32, #tpu.memory_space<vmem>>, vector<16xf32>,
        %get3A_471 = arith.index_cast %scan3A_406 : i32 to index
        %get3A_472 = arith.constant 288 : index
        %get3A_473 = tpu.vector_load %arg19[%get3A_471, %get3A_472] {strides = array<i32>} : memref<32x512xf32, #tpu.memory_space<vmem>>, vector<16xf32>,
        %mul3A_474 = arith.mulf %get3A_473, %get3A_456 : vector<16xf32>
        %swap3A_475 = arith.index_cast %scan3A_406 : i32 to index
        %swap3A_476 = arith.constant 288 : index
        %swap3A_477 = tpu.vector_load %arg19[%swap3A_475, %swap3A_476] {strides = array<i32>} : memref<32x512xf32, #tpu.memory_space<vmem>>, vector<16xf32>,
        tpu.vector_store %arg19[%swap3A_475, %swap3A_476], %mul3A_474 {strides = array<i32>} : memref<32x512xf32, #tpu.memory_space<vmem>>, vector<16xf32>,
        %get3A_478 = arith.index_cast %scan3A_406 : i32 to index
        %get3A_479 = arith.constant 48 : index
        %get3A_480 = tpu.vector_load %arg23[%get3A_478, %get3A_479] {strides = array<i32>} : memref<32x128xf32, #tpu.memory_space<vmem>>, vector<16xf32>,
        %get3A_481 = arith.index_cast %scan3A_406 : i32 to index
        %get3A_482 = arith.constant 48 : index
        %get3A_483 = tpu.vector_load %arg19[%get3A_481, %get3A_482] {strides = array<i32>} : memref<32x512xf32, #tpu.memory_space<vmem>>, vector<16xf32>,
        %mul3A_484 = arith.mulf %get3A_483, %get3A_480 : vector<16xf32>
        %swap3A_485 = arith.index_cast %scan3A_406 : i32 to index
        %swap3A_486 = arith.constant 48 : index
        %swap3A_487 = tpu.vector_load %arg19[%swap3A_485, %swap3A_486] {strides = array<i32>} : memref<32x512xf32, #tpu.memory_space<vmem>>, vector<16xf32>,
        tpu.vector_store %arg19[%swap3A_485, %swap3A_486], %mul3A_484 {strides = array<i32>} : memref<32x512xf32, #tpu.memory_space<vmem>>, vector<16xf32>,
        %get3A_488 = arith.index_cast %scan3A_406 : i32 to index
        %get3A_489 = arith.constant 176 : index
        %get3A_490 = tpu.vector_load %arg19[%get3A_488, %get3A_489] {strides = array<i32>} : memref<32x512xf32, #tpu.memory_space<vmem>>, vector<16xf32>,
        %mul3A_491 = arith.mulf %get3A_490, %get3A_480 : vector<16xf32>
        %swap3A_492 = arith.index_cast %scan3A_406 : i32 to index
        %swap3A_493 = arith.constant 176 : index
        %swap3A_494 = tpu.vector_load %arg19[%swap3A_492, %swap3A_493] {strides = array<i32>} : memref<32x512xf32, #tpu.memory_space<vmem>>, vector<16xf32>,
        tpu.vector_store %arg19[%swap3A_492, %swap3A_493], %mul3A_491 {strides = array<i32>} : memref<32x512xf32, #tpu.memory_space<vmem>>, vector<16xf32>,
        %get3A_495 = arith.index_cast %scan3A_406 : i32 to index
        %get3A_496 = arith.constant 304 : index
        %get3A_497 = tpu.vector_load %arg19[%get3A_495, %get3A_496] {strides = array<i32>} : memref<32x512xf32, #tpu.memory_space<vmem>>, vector<16xf32>,
        %mul3A_498 = arith.mulf %get3A_497, %get3A_480 : vector<16xf32>
        %swap3A_499 = arith.index_cast %scan3A_406 : i32 to index
        %swap3A_500 = arith.constant 304 : index
        %swap3A_501 = tpu.vector_load %arg19[%swap3A_499, %swap3A_500] {strides = array<i32>} : memref<32x512xf32, #tpu.memory_space<vmem>>, vector<16xf32>,
        tpu.vector_store %arg19[%swap3A_499, %swap3A_500], %mul3A_498 {strides = array<i32>} : memref<32x512xf32, #tpu.memory_space<vmem>>, vector<16xf32>,
        %get3A_502 = arith.index_cast %scan3A_406 : i32 to index
        %get3A_503 = arith.constant 64 : index
        %get3A_504 = tpu.vector_load %arg23[%get3A_502, %get3A_503] {strides = array<i32>} : memref<32x128xf32, #tpu.memory_space<vmem>>, vector<16xf32>,
        %get3A_505 = arith.index_cast %scan3A_406 : i32 to index
        %get3A_506 = arith.constant 64 : index
        %get3A_507 = tpu.vector_load %arg19[%get3A_505, %get3A_506] {strides = array<i32>} : memref<32x512xf32, #tpu.memory_space<vmem>>, vector<16xf32>,
        %mul3A_508 = arith.mulf %get3A_507, %get3A_504 : vector<16xf32>
        %swap3A_509 = arith.index_cast %scan3A_406 : i32 to index
        %swap3A_510 = arith.constant 64 : index
        %swap3A_511 = tpu.vector_load %arg19[%swap3A_509, %swap3A_510] {strides = array<i32>} : memref<32x512xf32, #tpu.memory_space<vmem>>, vector<16xf32>,
        tpu.vector_store %arg19[%swap3A_509, %swap3A_510], %mul3A_508 {strides = array<i32>} : memref<32x512xf32, #tpu.memory_space<vmem>>, vector<16xf32>,
        %get3A_512 = arith.index_cast %scan3A_406 : i32 to index
        %get3A_513 = arith.constant 192 : index
        %get3A_514 = tpu.vector_load %arg19[%get3A_512, %get3A_513] {strides = array<i32>} : memref<32x512xf32, #tpu.memory_space<vmem>>, vector<16xf32>,
        %mul3A_515 = arith.mulf %get3A_514, %get3A_504 : vector<16xf32>
        %swap3A_516 = arith.index_cast %scan3A_406 : i32 to index
        %swap3A_517 = arith.constant 192 : index
        %swap3A_518 = tpu.vector_load %arg19[%swap3A_516, %swap3A_517] {strides = array<i32>} : memref<32x512xf32, #tpu.memory_space<vmem>>, vector<16xf32>,
        tpu.vector_store %arg19[%swap3A_516, %swap3A_517], %mul3A_515 {strides = array<i32>} : memref<32x512xf32, #tpu.memory_space<vmem>>, vector<16xf32>,
        %get3A_519 = arith.index_cast %scan3A_406 : i32 to index
        %get3A_520 = arith.constant 320 : index
        %get3A_521 = tpu.vector_load %arg19[%get3A_519, %get3A_520] {strides = array<i32>} : memref<32x512xf32, #tpu.memory_space<vmem>>, vector<16xf32>,
        %mul3A_522 = arith.mulf %get3A_521, %get3A_504 : vector<16xf32>
        %swap3A_523 = arith.index_cast %scan3A_406 : i32 to index
        %swap3A_524 = arith.constant 320 : index
        %swap3A_525 = tpu.vector_load %arg19[%swap3A_523, %swap3A_524] {strides = array<i32>} : memref<32x512xf32, #tpu.memory_space<vmem>>, vector<16xf32>,
        tpu.vector_store %arg19[%swap3A_523, %swap3A_524], %mul3A_522 {strides = array<i32>} : memref<32x512xf32, #tpu.memory_space<vmem>>, vector<16xf32>,
        %get3A_526 = arith.index_cast %scan3A_406 : i32 to index
        %get3A_527 = arith.constant 80 : index
        %get3A_528 = tpu.vector_load %arg23[%get3A_526, %get3A_527] {strides = array<i32>} : memref<32x128xf32, #tpu.memory_space<vmem>>, vector<16xf32>,
        %get3A_529 = arith.index_cast %scan3A_406 : i32 to index
        %get3A_530 = arith.constant 80 : index
        %get3A_531 = tpu.vector_load %arg19[%get3A_529, %get3A_530] {strides = array<i32>} : memref<32x512xf32, #tpu.memory_space<vmem>>, vector<16xf32>,
        %mul3A_532 = arith.mulf %get3A_531, %get3A_528 : vector<16xf32>
        %swap3A_533 = arith.index_cast %scan3A_406 : i32 to index
        %swap3A_534 = arith.constant 80 : index
        %swap3A_535 = tpu.vector_load %arg19[%swap3A_533, %swap3A_534] {strides = array<i32>} : memref<32x512xf32, #tpu.memory_space<vmem>>, vector<16xf32>,
        tpu.vector_store %arg19[%swap3A_533, %swap3A_534], %mul3A_532 {strides = array<i32>} : memref<32x512xf32, #tpu.memory_space<vmem>>, vector<16xf32>,
        %get3A_536 = arith.index_cast %scan3A_406 : i32 to index
        %get3A_537 = arith.constant 208 : index
        %get3A_538 = tpu.vector_load %arg19[%get3A_536, %get3A_537] {strides = array<i32>} : memref<32x512xf32, #tpu.memory_space<vmem>>, vector<16xf32>,
        %mul3A_539 = arith.mulf %get3A_538, %get3A_528 : vector<16xf32>
        %swap3A_540 = arith.index_cast %scan3A_406 : i32 to index
        %swap3A_541 = arith.constant 208 : index
        %swap3A_542 = tpu.vector_load %arg19[%swap3A_540, %swap3A_541] {strides = array<i32>} : memref<32x512xf32, #tpu.memory_space<vmem>>, vector<16xf32>,
        tpu.vector_store %arg19[%swap3A_540, %swap3A_541], %mul3A_539 {strides = array<i32>} : memref<32x512xf32, #tpu.memory_space<vmem>>, vector<16xf32>,
        %get3A_543 = arith.index_cast %scan3A_406 : i32 to index
        %get3A_544 = arith.constant 336 : index
        %get3A_545 = tpu.vector_load %arg19[%get3A_543, %get3A_544] {strides = array<i32>} : memref<32x512xf32, #tpu.memory_space<vmem>>, vector<16xf32>,
        %mul3A_546 = arith.mulf %get3A_545, %get3A_528 : vector<16xf32>
        %swap3A_547 = arith.index_cast %scan3A_406 : i32 to index
        %swap3A_548 = arith.constant 336 : index
        %swap3A_549 = tpu.vector_load %arg19[%swap3A_547, %swap3A_548] {strides = array<i32>} : memref<32x512xf32, #tpu.memory_space<vmem>>, vector<16xf32>,
        tpu.vector_store %arg19[%swap3A_547, %swap3A_548], %mul3A_546 {strides = array<i32>} : memref<32x512xf32, #tpu.memory_space<vmem>>, vector<16xf32>,
        %get3A_550 = arith.index_cast %scan3A_406 : i32 to index
        %get3A_551 = arith.constant 96 : index
        %get3A_552 = tpu.vector_load %arg23[%get3A_550, %get3A_551] {strides = array<i32>} : memref<32x128xf32, #tpu.memory_space<vmem>>, vector<16xf32>,
        %get3A_553 = arith.index_cast %scan3A_406 : i32 to index
        %get3A_554 = arith.constant 96 : index
        %get3A_555 = tpu.vector_load %arg19[%get3A_553, %get3A_554] {strides = array<i32>} : memref<32x512xf32, #tpu.memory_space<vmem>>, vector<16xf32>,
        %mul3A_556 = arith.mulf %get3A_555, %get3A_552 : vector<16xf32>
        %swap3A_557 = arith.index_cast %scan3A_406 : i32 to index
        %swap3A_558 = arith.constant 96 : index
        %swap3A_559 = tpu.vector_load %arg19[%swap3A_557, %swap3A_558] {strides = array<i32>} : memref<32x512xf32, #tpu.memory_space<vmem>>, vector<16xf32>,
        tpu.vector_store %arg19[%swap3A_557, %swap3A_558], %mul3A_556 {strides = array<i32>} : memref<32x512xf32, #tpu.memory_space<vmem>>, vector<16xf32>,
        %get3A_560 = arith.index_cast %scan3A_406 : i32 to index
        %get3A_561 = arith.constant 224 : index
        %get3A_562 = tpu.vector_load %arg19[%get3A_560, %get3A_561] {strides = array<i32>} : memref<32x512xf32, #tpu.memory_space<vmem>>, vector<16xf32>,
        %mul3A_563 = arith.mulf %get3A_562, %get3A_552 : vector<16xf32>
        %swap3A_564 = arith.index_cast %scan3A_406 : i32 to index
        %swap3A_565 = arith.constant 224 : index
        %swap3A_566 = tpu.vector_load %arg19[%swap3A_564, %swap3A_565] {strides = array<i32>} : memref<32x512xf32, #tpu.memory_space<vmem>>, vector<16xf32>,
        tpu.vector_store %arg19[%swap3A_564, %swap3A_565], %mul3A_563 {strides = array<i32>} : memref<32x512xf32, #tpu.memory_space<vmem>>, vector<16xf32>,
        %get3A_567 = arith.index_cast %scan3A_406 : i32 to index
        %get3A_568 = arith.constant 352 : index
        %get3A_569 = tpu.vector_load %arg19[%get3A_567, %get3A_568] {strides = array<i32>} : memref<32x512xf32, #tpu.memory_space<vmem>>, vector<16xf32>,
        %mul3A_570 = arith.mulf %get3A_569, %get3A_552 : vector<16xf32>
        %swap3A_571 = arith.index_cast %scan3A_406 : i32 to index
        %swap3A_572 = arith.constant 352 : index
        %swap3A_573 = tpu.vector_load %arg19[%swap3A_571, %swap3A_572] {strides = array<i32>} : memref<32x512xf32, #tpu.memory_space<vmem>>, vector<16xf32>,
        tpu.vector_store %arg19[%swap3A_571, %swap3A_572], %mul3A_570 {strides = array<i32>} : memref<32x512xf32, #tpu.memory_space<vmem>>, vector<16xf32>,
        %get3A_574 = arith.index_cast %scan3A_406 : i32 to index
        %get3A_575 = arith.constant 112 : index
        %get3A_576 = tpu.vector_load %arg23[%get3A_574, %get3A_575] {strides = array<i32>} : memref<32x128xf32, #tpu.memory_space<vmem>>, vector<16xf32>,
        %get3A_577 = arith.index_cast %scan3A_406 : i32 to index
        %get3A_578 = arith.constant 112 : index
        %get3A_579 = tpu.vector_load %arg19[%get3A_577, %get3A_578] {strides = array<i32>} : memref<32x512xf32, #tpu.memory_space<vmem>>, vector<16xf32>,
        %mul3A_580 = arith.mulf %get3A_579, %get3A_576 : vector<16xf32>
        %swap3A_581 = arith.index_cast %scan3A_406 : i32 to index
        %swap3A_582 = arith.constant 112 : index
        %swap3A_583 = tpu.vector_load %arg19[%swap3A_581, %swap3A_582] {strides = array<i32>} : memref<32x512xf32, #tpu.memory_space<vmem>>, vector<16xf32>,
        tpu.vector_store %arg19[%swap3A_581, %swap3A_582], %mul3A_580 {strides = array<i32>} : memref<32x512xf32, #tpu.memory_space<vmem>>, vector<16xf32>,
        %get3A_584 = arith.index_cast %scan3A_406 : i32 to index
        %get3A_585 = arith.constant 240 : index
        %get3A_586 = tpu.vector_load %arg19[%get3A_584, %get3A_585] {strides = array<i32>} : memref<32x512xf32, #tpu.memory_space<vmem>>, vector<16xf32>,
        %mul3A_587 = arith.mulf %get3A_586, %get3A_576 : vector<16xf32>
        %swap3A_588 = arith.index_cast %scan3A_406 : i32 to index
        %swap3A_589 = arith.constant 240 : index
        %swap3A_590 = tpu.vector_load %arg19[%swap3A_588, %swap3A_589] {strides = array<i32>} : memref<32x512xf32, #tpu.memory_space<vmem>>, vector<16xf32>,
        tpu.vector_store %arg19[%swap3A_588, %swap3A_589], %mul3A_587 {strides = array<i32>} : memref<32x512xf32, #tpu.memory_space<vmem>>, vector<16xf32>,
        %get3A_591 = arith.index_cast %scan3A_406 : i32 to index
        %get3A_592 = arith.constant 368 : index
        %get3A_593 = tpu.vector_load %arg19[%get3A_591, %get3A_592] {strides = array<i32>} : memref<32x512xf32, #tpu.memory_space<vmem>>, vector<16xf32>,
        %mul3A_594 = arith.mulf %get3A_593, %get3A_576 : vector<16xf32>
        %swap3A_595 = arith.index_cast %scan3A_406 : i32 to index
        %swap3A_596 = arith.constant 368 : index
        %swap3A_597 = tpu.vector_load %arg19[%swap3A_595, %swap3A_596] {strides = array<i32>} : memref<32x512xf32, #tpu.memory_space<vmem>>, vector<16xf32>,
        tpu.vector_store %arg19[%swap3A_595, %swap3A_596], %mul3A_594 {strides = array<i32>} : memref<32x512xf32, #tpu.memory_space<vmem>>, vector<16xf32>,
        %scan3A_598 = arith.constant 0 : i32
        scf.yield %scan3A_598 : i32
      }
      %scan3A_298 = arith.constant 32 : i32
      %dma_start3A_299 = arith.constant 0 : i32
      %dma_start3A_300 = tpu.memref_slice %arg14[%add3A_276, %dma_start3A_299] : memref<160x32xi32, #tpu.memory_space<vmem>> -> memref<1x32xi32, #tpu.memory_space<vmem>>
      %dma_start3A_301 = tpu.memref_squeeze %dma_start3A_300 : memref<1x32xi32, #tpu.memory_space<vmem>> -> memref<32xi32, #tpu.memory_space<vmem>>
      %dma_start3A_302 = arith.constant 0 : i32
      %dma_start3A_303 = arith.constant 0 : i32
      %dma_start3A_304 = tpu.memref_slice %arg11[%dma_start3A_302, %dma_start3A_303] : memref<20480x512xf32, #tpu.memory_space<hbm>> -> memref<20480x512xf32, #tpu.memory_space<hbm>>
      tpu.enqueue_indirect_dma source(%arg19 : memref<32x512xf32, #tpu.memory_space<vmem>>) target(%dma_start3A_304 : memref<20480x512xf32, #tpu.memory_space<hbm>>) offsets(%dma_start3A_301 : memref<32xi32, #tpu.memory_space<vmem>>) semaphore(%arg35 : memref<!tpu.dma_semaphore, #tpu.memory_space<semaphore_mem>>) {add = true}
      %ge3A_305 = arith.constant 2 : i32
      %ge3A_306 = arith.cmpi sge, %add3A_276, %ge3A_305 : i32
      %convert_element_type3A_307 = arith.extui %ge3A_306 : i1 to i32
      %cond3A_308 = arith.constant 0 : i32
      %cond3A_309 = arith.cmpi ne, %convert_element_type3A_307, %cond3A_308 : i32
      scf.if %cond3A_309 {
        %sub3A = arith.constant 2 : i32
        %sub3A_406 = arith.subi %add3A_276, %sub3A : i32
        %dma_wait3A_407 = arith.constant 0 : i32
        %dma_wait3A_408 = tpu.memref_slice %arg14[%sub3A_406, %dma_wait3A_407] : memref<160x32xi32, #tpu.memory_space<vmem>> -> memref<1x32xi32, #tpu.memory_space<vmem>>
        %dma_wait3A_409 = tpu.memref_squeeze %dma_wait3A_408 : memref<1x32xi32, #tpu.memory_space<vmem>> -> memref<32xi32, #tpu.memory_space<vmem>>
        %dma_wait3A_410 = arith.constant 0 : i32
        %dma_wait3A_411 = arith.constant 0 : i32
        %dma_wait3A_412 = tpu.memref_slice %arg11[%dma_wait3A_410, %dma_wait3A_411] : memref<20480x512xf32, #tpu.memory_space<hbm>> -> memref<20480x512xf32, #tpu.memory_space<hbm>>
        tpu.wait_indirect_dma semaphore(%arg37 : memref<!tpu.dma_semaphore, #tpu.memory_space<semaphore_mem>>) src(%arg21 : memref<32x512xf32, #tpu.memory_space<vmem>>) dst(%dma_wait3A_412 : memref<20480x512xf32, #tpu.memory_space<hbm>>)
      } else {
      }
      %add3A_310 = arith.constant 2 : i32
      %add3A_311 = arith.addi %add3A_276, %add3A_310 : i32
      %lt3A_312 = arith.constant 160 : i32
      %lt3A_313 = arith.cmpi slt, %add3A_311, %lt3A_312 : i32
      %convert_element_type3A_314 = arith.extui %lt3A_313 : i1 to i32
      %cond3A_315 = arith.constant 0 : i32
      %cond3A_316 = arith.cmpi ne, %convert_element_type3A_314, %cond3A_315 : i32
      scf.if %cond3A_316 {
        %add3A_406 = arith.constant 2 : i32
        %add3A_407 = arith.addi %add3A_276, %add3A_406 : i32
        %mul3A_408 = arith.constant 32 : i32
        %mul3A_409 = arith.muli %add3A_407, %mul3A_408 : i32
        %dma_start3A_410 = arith.constant 0 : i32
        %dma_start3A_411 = arith.constant 0 : i32
        %dma_start3A_412 = tpu.memref_slice %arg21[%dma_start3A_410, %dma_start3A_411] : memref<32x512xf32, #tpu.memory_space<vmem>> -> memref<32x384xf32, #tpu.memory_space<vmem>>
        %dma_start3A_413 = tpu.memref_slice %arg12[%mul3A_409] : memref<5120xi32, #tpu.memory_space<vmem>> -> memref<32xi32, #tpu.memory_space<vmem>>
        %dma_start3A_414 = arith.constant 0 : i32
        %dma_start3A_415 = arith.constant 0 : i32
        %dma_start3A_416 = tpu.memref_slice %arg2[%dma_start3A_414, %dma_start3A_415] : memref<10000x384xf32, #tpu.memory_space<hbm>> -> memref<10000x384xf32, #tpu.memory_space<hbm>>
        tpu.enqueue_indirect_dma source(%dma_start3A_416 : memref<10000x384xf32, #tpu.memory_space<hbm>>) target(%dma_start3A_412 : memref<32x384xf32, #tpu.memory_space<vmem>>) offsets(%dma_start3A_413 : memref<32xi32, #tpu.memory_space<vmem>>) semaphore(%arg29 : memref<!tpu.dma_semaphore, #tpu.memory_space<semaphore_mem>>)
        %mul3A_417 = arith.constant 32 : i32
        %mul3A_418 = arith.muli %add3A_407, %mul3A_417 : i32
        %dma_start3A_419 = tpu.memref_slice %arg13[%mul3A_418] : memref<5120xi32, #tpu.memory_space<vmem>> -> memref<32xi32, #tpu.memory_space<vmem>>
        %dma_start3A_420 = arith.constant 0 : i32
        %dma_start3A_421 = arith.constant 0 : i32
        %dma_start3A_422 = tpu.memref_slice %arg8[%dma_start3A_420, %dma_start3A_421] : memref<400x128xf32, #tpu.memory_space<hbm>> -> memref<400x128xf32, #tpu.memory_space<hbm>>
        tpu.enqueue_indirect_dma source(%dma_start3A_422 : memref<400x128xf32, #tpu.memory_space<hbm>>) target(%arg25 : memref<32x128xf32, #tpu.memory_space<vmem>>) offsets(%dma_start3A_419 : memref<32xi32, #tpu.memory_space<vmem>>) semaphore(%arg33 : memref<!tpu.dma_semaphore, #tpu.memory_space<semaphore_mem>>)
      } else {
      }
      %mul3A_317 = arith.constant 4 : i32
      %mul3A_318 = arith.muli %scan3A_229, %mul3A_317 : i32
      %add3A_319 = arith.constant 2 : i32
      %add3A_320 = arith.addi %mul3A_318, %add3A_319 : i32
      %mul3A_321 = arith.constant 32 : i32
      %mul3A_322 = arith.muli %add3A_320, %mul3A_321 : i32
      %dma_wait3A_323 = arith.constant 0 : i32
      %dma_wait3A_324 = arith.constant 0 : i32
      %dma_wait3A_325 = tpu.memref_slice %arg20[%dma_wait3A_323, %dma_wait3A_324] : memref<32x512xf32, #tpu.memory_space<vmem>> -> memref<32x384xf32, #tpu.memory_space<vmem>>
      %dma_wait3A_326 = tpu.memref_slice %arg12[%mul3A_322] : memref<5120xi32, #tpu.memory_space<vmem>> -> memref<32xi32, #tpu.memory_space<vmem>>
      %dma_wait3A_327 = arith.constant 0 : i32
      %dma_wait3A_328 = arith.constant 0 : i32
      %dma_wait3A_329 = tpu.memref_slice %arg2[%dma_wait3A_327, %dma_wait3A_328] : memref<10000x384xf32, #tpu.memory_space<hbm>> -> memref<10000x384xf32, #tpu.memory_space<hbm>>
      tpu.wait_indirect_dma semaphore(%arg28 : memref<!tpu.dma_semaphore, #tpu.memory_space<semaphore_mem>>) src(%dma_wait3A_329 : memref<10000x384xf32, #tpu.memory_space<hbm>>) dst(%dma_wait3A_325 : memref<32x384xf32, #tpu.memory_space<vmem>>)
      %mul3A_330 = arith.constant 32 : i32
      %mul3A_331 = arith.muli %add3A_320, %mul3A_330 : i32
      %dma_wait3A_332 = tpu.memref_slice %arg13[%mul3A_331] : memref<5120xi32, #tpu.memory_space<vmem>> -> memref<32xi32, #tpu.memory_space<vmem>>
      %dma_wait3A_333 = arith.constant 0 : i32
      %dma_wait3A_334 = arith.constant 0 : i32
      %dma_wait3A_335 = tpu.memref_slice %arg8[%dma_wait3A_333, %dma_wait3A_334] : memref<400x128xf32, #tpu.memory_space<hbm>> -> memref<400x128xf32, #tpu.memory_space<hbm>>
      tpu.wait_indirect_dma semaphore(%arg32 : memref<!tpu.dma_semaphore, #tpu.memory_space<semaphore_mem>>) src(%dma_wait3A_335 : memref<400x128xf32, #tpu.memory_space<hbm>>) dst(%arg24 : memref<32x128xf32, #tpu.memory_space<vmem>>)
      %scan3A_336 = arith.constant 0 : i32
      %scan3A_337 = arith.constant 0 : i32
      %scan3A_338 = arith.constant 32 : i32
      %scan3A_339 = arith.addi %scan3A_337, %scan3A_338 : i32
      %scan3A_340 = arith.constant 1 : i32
      %scan3A_341 = scf.for %scan3A_406 = %scan3A_337 to %scan3A_339 step %scan3A_340 iter_args(%scan3A_407 = %scan3A_336) -> (i32)  : i32 {
        %get3A = arith.index_cast %scan3A_406 : i32 to index
        %get3A_408 = arith.constant 0 : index
        %get3A_409 = tpu.vector_load %arg24[%get3A, %get3A_408] {strides = array<i32>} : memref<32x128xf32, #tpu.memory_space<vmem>>, vector<16xf32>,
        %get3A_410 = arith.index_cast %scan3A_406 : i32 to index
        %get3A_411 = arith.constant 0 : index
        %get3A_412 = tpu.vector_load %arg20[%get3A_410, %get3A_411] {strides = array<i32>} : memref<32x512xf32, #tpu.memory_space<vmem>>, vector<16xf32>,
        %mul3A_413 = arith.mulf %get3A_412, %get3A_409 : vector<16xf32>
        %swap3A = arith.index_cast %scan3A_406 : i32 to index
        %swap3A_414 = arith.constant 0 : index
        %swap3A_415 = tpu.vector_load %arg20[%swap3A, %swap3A_414] {strides = array<i32>} : memref<32x512xf32, #tpu.memory_space<vmem>>, vector<16xf32>,
        tpu.vector_store %arg20[%swap3A, %swap3A_414], %mul3A_413 {strides = array<i32>} : memref<32x512xf32, #tpu.memory_space<vmem>>, vector<16xf32>,
        %get3A_416 = arith.index_cast %scan3A_406 : i32 to index
        %get3A_417 = arith.constant 128 : index
        %get3A_418 = tpu.vector_load %arg20[%get3A_416, %get3A_417] {strides = array<i32>} : memref<32x512xf32, #tpu.memory_space<vmem>>, vector<16xf32>,
        %mul3A_419 = arith.mulf %get3A_418, %get3A_409 : vector<16xf32>
        %swap3A_420 = arith.index_cast %scan3A_406 : i32 to index
        %swap3A_421 = arith.constant 128 : index
        %swap3A_422 = tpu.vector_load %arg20[%swap3A_420, %swap3A_421] {strides = array<i32>} : memref<32x512xf32, #tpu.memory_space<vmem>>, vector<16xf32>,
        tpu.vector_store %arg20[%swap3A_420, %swap3A_421], %mul3A_419 {strides = array<i32>} : memref<32x512xf32, #tpu.memory_space<vmem>>, vector<16xf32>,
        %get3A_423 = arith.index_cast %scan3A_406 : i32 to index
        %get3A_424 = arith.constant 256 : index
        %get3A_425 = tpu.vector_load %arg20[%get3A_423, %get3A_424] {strides = array<i32>} : memref<32x512xf32, #tpu.memory_space<vmem>>, vector<16xf32>,
        %mul3A_426 = arith.mulf %get3A_425, %get3A_409 : vector<16xf32>
        %swap3A_427 = arith.index_cast %scan3A_406 : i32 to index
        %swap3A_428 = arith.constant 256 : index
        %swap3A_429 = tpu.vector_load %arg20[%swap3A_427, %swap3A_428] {strides = array<i32>} : memref<32x512xf32, #tpu.memory_space<vmem>>, vector<16xf32>,
        tpu.vector_store %arg20[%swap3A_427, %swap3A_428], %mul3A_426 {strides = array<i32>} : memref<32x512xf32, #tpu.memory_space<vmem>>, vector<16xf32>,
        %get3A_430 = arith.index_cast %scan3A_406 : i32 to index
        %get3A_431 = arith.constant 16 : index
        %get3A_432 = tpu.vector_load %arg24[%get3A_430, %get3A_431] {strides = array<i32>} : memref<32x128xf32, #tpu.memory_space<vmem>>, vector<16xf32>,
        %get3A_433 = arith.index_cast %scan3A_406 : i32 to index
        %get3A_434 = arith.constant 16 : index
        %get3A_435 = tpu.vector_load %arg20[%get3A_433, %get3A_434] {strides = array<i32>} : memref<32x512xf32, #tpu.memory_space<vmem>>, vector<16xf32>,
        %mul3A_436 = arith.mulf %get3A_435, %get3A_432 : vector<16xf32>
        %swap3A_437 = arith.index_cast %scan3A_406 : i32 to index
        %swap3A_438 = arith.constant 16 : index
        %swap3A_439 = tpu.vector_load %arg20[%swap3A_437, %swap3A_438] {strides = array<i32>} : memref<32x512xf32, #tpu.memory_space<vmem>>, vector<16xf32>,
        tpu.vector_store %arg20[%swap3A_437, %swap3A_438], %mul3A_436 {strides = array<i32>} : memref<32x512xf32, #tpu.memory_space<vmem>>, vector<16xf32>,
        %get3A_440 = arith.index_cast %scan3A_406 : i32 to index
        %get3A_441 = arith.constant 144 : index
        %get3A_442 = tpu.vector_load %arg20[%get3A_440, %get3A_441] {strides = array<i32>} : memref<32x512xf32, #tpu.memory_space<vmem>>, vector<16xf32>,
        %mul3A_443 = arith.mulf %get3A_442, %get3A_432 : vector<16xf32>
        %swap3A_444 = arith.index_cast %scan3A_406 : i32 to index
        %swap3A_445 = arith.constant 144 : index
        %swap3A_446 = tpu.vector_load %arg20[%swap3A_444, %swap3A_445] {strides = array<i32>} : memref<32x512xf32, #tpu.memory_space<vmem>>, vector<16xf32>,
        tpu.vector_store %arg20[%swap3A_444, %swap3A_445], %mul3A_443 {strides = array<i32>} : memref<32x512xf32, #tpu.memory_space<vmem>>, vector<16xf32>,
        %get3A_447 = arith.index_cast %scan3A_406 : i32 to index
        %get3A_448 = arith.constant 272 : index
        %get3A_449 = tpu.vector_load %arg20[%get3A_447, %get3A_448] {strides = array<i32>} : memref<32x512xf32, #tpu.memory_space<vmem>>, vector<16xf32>,
        %mul3A_450 = arith.mulf %get3A_449, %get3A_432 : vector<16xf32>
        %swap3A_451 = arith.index_cast %scan3A_406 : i32 to index
        %swap3A_452 = arith.constant 272 : index
        %swap3A_453 = tpu.vector_load %arg20[%swap3A_451, %swap3A_452] {strides = array<i32>} : memref<32x512xf32, #tpu.memory_space<vmem>>, vector<16xf32>,
        tpu.vector_store %arg20[%swap3A_451, %swap3A_452], %mul3A_450 {strides = array<i32>} : memref<32x512xf32, #tpu.memory_space<vmem>>, vector<16xf32>,
        %get3A_454 = arith.index_cast %scan3A_406 : i32 to index
        %get3A_455 = arith.constant 32 : index
        %get3A_456 = tpu.vector_load %arg24[%get3A_454, %get3A_455] {strides = array<i32>} : memref<32x128xf32, #tpu.memory_space<vmem>>, vector<16xf32>,
        %get3A_457 = arith.index_cast %scan3A_406 : i32 to index
        %get3A_458 = arith.constant 32 : index
        %get3A_459 = tpu.vector_load %arg20[%get3A_457, %get3A_458] {strides = array<i32>} : memref<32x512xf32, #tpu.memory_space<vmem>>, vector<16xf32>,
        %mul3A_460 = arith.mulf %get3A_459, %get3A_456 : vector<16xf32>
        %swap3A_461 = arith.index_cast %scan3A_406 : i32 to index
        %swap3A_462 = arith.constant 32 : index
        %swap3A_463 = tpu.vector_load %arg20[%swap3A_461, %swap3A_462] {strides = array<i32>} : memref<32x512xf32, #tpu.memory_space<vmem>>, vector<16xf32>,
        tpu.vector_store %arg20[%swap3A_461, %swap3A_462], %mul3A_460 {strides = array<i32>} : memref<32x512xf32, #tpu.memory_space<vmem>>, vector<16xf32>,
        %get3A_464 = arith.index_cast %scan3A_406 : i32 to index
        %get3A_465 = arith.constant 160 : index
        %get3A_466 = tpu.vector_load %arg20[%get3A_464, %get3A_465] {strides = array<i32>} : memref<32x512xf32, #tpu.memory_space<vmem>>, vector<16xf32>,
        %mul3A_467 = arith.mulf %get3A_466, %get3A_456 : vector<16xf32>
        %swap3A_468 = arith.index_cast %scan3A_406 : i32 to index
        %swap3A_469 = arith.constant 160 : index
        %swap3A_470 = tpu.vector_load %arg20[%swap3A_468, %swap3A_469] {strides = array<i32>} : memref<32x512xf32, #tpu.memory_space<vmem>>, vector<16xf32>,
        tpu.vector_store %arg20[%swap3A_468, %swap3A_469], %mul3A_467 {strides = array<i32>} : memref<32x512xf32, #tpu.memory_space<vmem>>, vector<16xf32>,
        %get3A_471 = arith.index_cast %scan3A_406 : i32 to index
        %get3A_472 = arith.constant 288 : index
        %get3A_473 = tpu.vector_load %arg20[%get3A_471, %get3A_472] {strides = array<i32>} : memref<32x512xf32, #tpu.memory_space<vmem>>, vector<16xf32>,
        %mul3A_474 = arith.mulf %get3A_473, %get3A_456 : vector<16xf32>
        %swap3A_475 = arith.index_cast %scan3A_406 : i32 to index
        %swap3A_476 = arith.constant 288 : index
        %swap3A_477 = tpu.vector_load %arg20[%swap3A_475, %swap3A_476] {strides = array<i32>} : memref<32x512xf32, #tpu.memory_space<vmem>>, vector<16xf32>,
        tpu.vector_store %arg20[%swap3A_475, %swap3A_476], %mul3A_474 {strides = array<i32>} : memref<32x512xf32, #tpu.memory_space<vmem>>, vector<16xf32>,
        %get3A_478 = arith.index_cast %scan3A_406 : i32 to index
        %get3A_479 = arith.constant 48 : index
        %get3A_480 = tpu.vector_load %arg24[%get3A_478, %get3A_479] {strides = array<i32>} : memref<32x128xf32, #tpu.memory_space<vmem>>, vector<16xf32>,
        %get3A_481 = arith.index_cast %scan3A_406 : i32 to index
        %get3A_482 = arith.constant 48 : index
        %get3A_483 = tpu.vector_load %arg20[%get3A_481, %get3A_482] {strides = array<i32>} : memref<32x512xf32, #tpu.memory_space<vmem>>, vector<16xf32>,
        %mul3A_484 = arith.mulf %get3A_483, %get3A_480 : vector<16xf32>
        %swap3A_485 = arith.index_cast %scan3A_406 : i32 to index
        %swap3A_486 = arith.constant 48 : index
        %swap3A_487 = tpu.vector_load %arg20[%swap3A_485, %swap3A_486] {strides = array<i32>} : memref<32x512xf32, #tpu.memory_space<vmem>>, vector<16xf32>,
        tpu.vector_store %arg20[%swap3A_485, %swap3A_486], %mul3A_484 {strides = array<i32>} : memref<32x512xf32, #tpu.memory_space<vmem>>, vector<16xf32>,
        %get3A_488 = arith.index_cast %scan3A_406 : i32 to index
        %get3A_489 = arith.constant 176 : index
        %get3A_490 = tpu.vector_load %arg20[%get3A_488, %get3A_489] {strides = array<i32>} : memref<32x512xf32, #tpu.memory_space<vmem>>, vector<16xf32>,
        %mul3A_491 = arith.mulf %get3A_490, %get3A_480 : vector<16xf32>
        %swap3A_492 = arith.index_cast %scan3A_406 : i32 to index
        %swap3A_493 = arith.constant 176 : index
        %swap3A_494 = tpu.vector_load %arg20[%swap3A_492, %swap3A_493] {strides = array<i32>} : memref<32x512xf32, #tpu.memory_space<vmem>>, vector<16xf32>,
        tpu.vector_store %arg20[%swap3A_492, %swap3A_493], %mul3A_491 {strides = array<i32>} : memref<32x512xf32, #tpu.memory_space<vmem>>, vector<16xf32>,
        %get3A_495 = arith.index_cast %scan3A_406 : i32 to index
        %get3A_496 = arith.constant 304 : index
        %get3A_497 = tpu.vector_load %arg20[%get3A_495, %get3A_496] {strides = array<i32>} : memref<32x512xf32, #tpu.memory_space<vmem>>, vector<16xf32>,
        %mul3A_498 = arith.mulf %get3A_497, %get3A_480 : vector<16xf32>
        %swap3A_499 = arith.index_cast %scan3A_406 : i32 to index
        %swap3A_500 = arith.constant 304 : index
        %swap3A_501 = tpu.vector_load %arg20[%swap3A_499, %swap3A_500] {strides = array<i32>} : memref<32x512xf32, #tpu.memory_space<vmem>>, vector<16xf32>,
        tpu.vector_store %arg20[%swap3A_499, %swap3A_500], %mul3A_498 {strides = array<i32>} : memref<32x512xf32, #tpu.memory_space<vmem>>, vector<16xf32>,
        %get3A_502 = arith.index_cast %scan3A_406 : i32 to index
        %get3A_503 = arith.constant 64 : index
        %get3A_504 = tpu.vector_load %arg24[%get3A_502, %get3A_503] {strides = array<i32>} : memref<32x128xf32, #tpu.memory_space<vmem>>, vector<16xf32>,
        %get3A_505 = arith.index_cast %scan3A_406 : i32 to index
        %get3A_506 = arith.constant 64 : index
        %get3A_507 = tpu.vector_load %arg20[%get3A_505, %get3A_506] {strides = array<i32>} : memref<32x512xf32, #tpu.memory_space<vmem>>, vector<16xf32>,
        %mul3A_508 = arith.mulf %get3A_507, %get3A_504 : vector<16xf32>
        %swap3A_509 = arith.index_cast %scan3A_406 : i32 to index
        %swap3A_510 = arith.constant 64 : index
        %swap3A_511 = tpu.vector_load %arg20[%swap3A_509, %swap3A_510] {strides = array<i32>} : memref<32x512xf32, #tpu.memory_space<vmem>>, vector<16xf32>,
        tpu.vector_store %arg20[%swap3A_509, %swap3A_510], %mul3A_508 {strides = array<i32>} : memref<32x512xf32, #tpu.memory_space<vmem>>, vector<16xf32>,
        %get3A_512 = arith.index_cast %scan3A_406 : i32 to index
        %get3A_513 = arith.constant 192 : index
        %get3A_514 = tpu.vector_load %arg20[%get3A_512, %get3A_513] {strides = array<i32>} : memref<32x512xf32, #tpu.memory_space<vmem>>, vector<16xf32>,
        %mul3A_515 = arith.mulf %get3A_514, %get3A_504 : vector<16xf32>
        %swap3A_516 = arith.index_cast %scan3A_406 : i32 to index
        %swap3A_517 = arith.constant 192 : index
        %swap3A_518 = tpu.vector_load %arg20[%swap3A_516, %swap3A_517] {strides = array<i32>} : memref<32x512xf32, #tpu.memory_space<vmem>>, vector<16xf32>,
        tpu.vector_store %arg20[%swap3A_516, %swap3A_517], %mul3A_515 {strides = array<i32>} : memref<32x512xf32, #tpu.memory_space<vmem>>, vector<16xf32>,
        %get3A_519 = arith.index_cast %scan3A_406 : i32 to index
        %get3A_520 = arith.constant 320 : index
        %get3A_521 = tpu.vector_load %arg20[%get3A_519, %get3A_520] {strides = array<i32>} : memref<32x512xf32, #tpu.memory_space<vmem>>, vector<16xf32>,
        %mul3A_522 = arith.mulf %get3A_521, %get3A_504 : vector<16xf32>
        %swap3A_523 = arith.index_cast %scan3A_406 : i32 to index
        %swap3A_524 = arith.constant 320 : index
        %swap3A_525 = tpu.vector_load %arg20[%swap3A_523, %swap3A_524] {strides = array<i32>} : memref<32x512xf32, #tpu.memory_space<vmem>>, vector<16xf32>,
        tpu.vector_store %arg20[%swap3A_523, %swap3A_524], %mul3A_522 {strides = array<i32>} : memref<32x512xf32, #tpu.memory_space<vmem>>, vector<16xf32>,
        %get3A_526 = arith.index_cast %scan3A_406 : i32 to index
        %get3A_527 = arith.constant 80 : index
        %get3A_528 = tpu.vector_load %arg24[%get3A_526, %get3A_527] {strides = array<i32>} : memref<32x128xf32, #tpu.memory_space<vmem>>, vector<16xf32>,
        %get3A_529 = arith.index_cast %scan3A_406 : i32 to index
        %get3A_530 = arith.constant 80 : index
        %get3A_531 = tpu.vector_load %arg20[%get3A_529, %get3A_530] {strides = array<i32>} : memref<32x512xf32, #tpu.memory_space<vmem>>, vector<16xf32>,
        %mul3A_532 = arith.mulf %get3A_531, %get3A_528 : vector<16xf32>
        %swap3A_533 = arith.index_cast %scan3A_406 : i32 to index
        %swap3A_534 = arith.constant 80 : index
        %swap3A_535 = tpu.vector_load %arg20[%swap3A_533, %swap3A_534] {strides = array<i32>} : memref<32x512xf32, #tpu.memory_space<vmem>>, vector<16xf32>,
        tpu.vector_store %arg20[%swap3A_533, %swap3A_534], %mul3A_532 {strides = array<i32>} : memref<32x512xf32, #tpu.memory_space<vmem>>, vector<16xf32>,
        %get3A_536 = arith.index_cast %scan3A_406 : i32 to index
        %get3A_537 = arith.constant 208 : index
        %get3A_538 = tpu.vector_load %arg20[%get3A_536, %get3A_537] {strides = array<i32>} : memref<32x512xf32, #tpu.memory_space<vmem>>, vector<16xf32>,
        %mul3A_539 = arith.mulf %get3A_538, %get3A_528 : vector<16xf32>
        %swap3A_540 = arith.index_cast %scan3A_406 : i32 to index
        %swap3A_541 = arith.constant 208 : index
        %swap3A_542 = tpu.vector_load %arg20[%swap3A_540, %swap3A_541] {strides = array<i32>} : memref<32x512xf32, #tpu.memory_space<vmem>>, vector<16xf32>,
        tpu.vector_store %arg20[%swap3A_540, %swap3A_541], %mul3A_539 {strides = array<i32>} : memref<32x512xf32, #tpu.memory_space<vmem>>, vector<16xf32>,
        %get3A_543 = arith.index_cast %scan3A_406 : i32 to index
        %get3A_544 = arith.constant 336 : index
        %get3A_545 = tpu.vector_load %arg20[%get3A_543, %get3A_544] {strides = array<i32>} : memref<32x512xf32, #tpu.memory_space<vmem>>, vector<16xf32>,
        %mul3A_546 = arith.mulf %get3A_545, %get3A_528 : vector<16xf32>
        %swap3A_547 = arith.index_cast %scan3A_406 : i32 to index
        %swap3A_548 = arith.constant 336 : index
        %swap3A_549 = tpu.vector_load %arg20[%swap3A_547, %swap3A_548] {strides = array<i32>} : memref<32x512xf32, #tpu.memory_space<vmem>>, vector<16xf32>,
        tpu.vector_store %arg20[%swap3A_547, %swap3A_548], %mul3A_546 {strides = array<i32>} : memref<32x512xf32, #tpu.memory_space<vmem>>, vector<16xf32>,
        %get3A_550 = arith.index_cast %scan3A_406 : i32 to index
        %get3A_551 = arith.constant 96 : index
        %get3A_552 = tpu.vector_load %arg24[%get3A_550, %get3A_551] {strides = array<i32>} : memref<32x128xf32, #tpu.memory_space<vmem>>, vector<16xf32>,
        %get3A_553 = arith.index_cast %scan3A_406 : i32 to index
        %get3A_554 = arith.constant 96 : index
        %get3A_555 = tpu.vector_load %arg20[%get3A_553, %get3A_554] {strides = array<i32>} : memref<32x512xf32, #tpu.memory_space<vmem>>, vector<16xf32>,
        %mul3A_556 = arith.mulf %get3A_555, %get3A_552 : vector<16xf32>
        %swap3A_557 = arith.index_cast %scan3A_406 : i32 to index
        %swap3A_558 = arith.constant 96 : index
        %swap3A_559 = tpu.vector_load %arg20[%swap3A_557, %swap3A_558] {strides = array<i32>} : memref<32x512xf32, #tpu.memory_space<vmem>>, vector<16xf32>,
        tpu.vector_store %arg20[%swap3A_557, %swap3A_558], %mul3A_556 {strides = array<i32>} : memref<32x512xf32, #tpu.memory_space<vmem>>, vector<16xf32>,
        %get3A_560 = arith.index_cast %scan3A_406 : i32 to index
        %get3A_561 = arith.constant 224 : index
        %get3A_562 = tpu.vector_load %arg20[%get3A_560, %get3A_561] {strides = array<i32>} : memref<32x512xf32, #tpu.memory_space<vmem>>, vector<16xf32>,
        %mul3A_563 = arith.mulf %get3A_562, %get3A_552 : vector<16xf32>
        %swap3A_564 = arith.index_cast %scan3A_406 : i32 to index
        %swap3A_565 = arith.constant 224 : index
        %swap3A_566 = tpu.vector_load %arg20[%swap3A_564, %swap3A_565] {strides = array<i32>} : memref<32x512xf32, #tpu.memory_space<vmem>>, vector<16xf32>,
        tpu.vector_store %arg20[%swap3A_564, %swap3A_565], %mul3A_563 {strides = array<i32>} : memref<32x512xf32, #tpu.memory_space<vmem>>, vector<16xf32>,
        %get3A_567 = arith.index_cast %scan3A_406 : i32 to index
        %get3A_568 = arith.constant 352 : index
        %get3A_569 = tpu.vector_load %arg20[%get3A_567, %get3A_568] {strides = array<i32>} : memref<32x512xf32, #tpu.memory_space<vmem>>, vector<16xf32>,
        %mul3A_570 = arith.mulf %get3A_569, %get3A_552 : vector<16xf32>
        %swap3A_571 = arith.index_cast %scan3A_406 : i32 to index
        %swap3A_572 = arith.constant 352 : index
        %swap3A_573 = tpu.vector_load %arg20[%swap3A_571, %swap3A_572] {strides = array<i32>} : memref<32x512xf32, #tpu.memory_space<vmem>>, vector<16xf32>,
        tpu.vector_store %arg20[%swap3A_571, %swap3A_572], %mul3A_570 {strides = array<i32>} : memref<32x512xf32, #tpu.memory_space<vmem>>, vector<16xf32>,
        %get3A_574 = arith.index_cast %scan3A_406 : i32 to index
        %get3A_575 = arith.constant 112 : index
        %get3A_576 = tpu.vector_load %arg24[%get3A_574, %get3A_575] {strides = array<i32>} : memref<32x128xf32, #tpu.memory_space<vmem>>, vector<16xf32>,
        %get3A_577 = arith.index_cast %scan3A_406 : i32 to index
        %get3A_578 = arith.constant 112 : index
        %get3A_579 = tpu.vector_load %arg20[%get3A_577, %get3A_578] {strides = array<i32>} : memref<32x512xf32, #tpu.memory_space<vmem>>, vector<16xf32>,
        %mul3A_580 = arith.mulf %get3A_579, %get3A_576 : vector<16xf32>
        %swap3A_581 = arith.index_cast %scan3A_406 : i32 to index
        %swap3A_582 = arith.constant 112 : index
        %swap3A_583 = tpu.vector_load %arg20[%swap3A_581, %swap3A_582] {strides = array<i32>} : memref<32x512xf32, #tpu.memory_space<vmem>>, vector<16xf32>,
        tpu.vector_store %arg20[%swap3A_581, %swap3A_582], %mul3A_580 {strides = array<i32>} : memref<32x512xf32, #tpu.memory_space<vmem>>, vector<16xf32>,
        %get3A_584 = arith.index_cast %scan3A_406 : i32 to index
        %get3A_585 = arith.constant 240 : index
        %get3A_586 = tpu.vector_load %arg20[%get3A_584, %get3A_585] {strides = array<i32>} : memref<32x512xf32, #tpu.memory_space<vmem>>, vector<16xf32>,
        %mul3A_587 = arith.mulf %get3A_586, %get3A_576 : vector<16xf32>
        %swap3A_588 = arith.index_cast %scan3A_406 : i32 to index
        %swap3A_589 = arith.constant 240 : index
        %swap3A_590 = tpu.vector_load %arg20[%swap3A_588, %swap3A_589] {strides = array<i32>} : memref<32x512xf32, #tpu.memory_space<vmem>>, vector<16xf32>,
        tpu.vector_store %arg20[%swap3A_588, %swap3A_589], %mul3A_587 {strides = array<i32>} : memref<32x512xf32, #tpu.memory_space<vmem>>, vector<16xf32>,
        %get3A_591 = arith.index_cast %scan3A_406 : i32 to index
        %get3A_592 = arith.constant 368 : index
        %get3A_593 = tpu.vector_load %arg20[%get3A_591, %get3A_592] {strides = array<i32>} : memref<32x512xf32, #tpu.memory_space<vmem>>, vector<16xf32>,
        %mul3A_594 = arith.mulf %get3A_593, %get3A_576 : vector<16xf32>
        %swap3A_595 = arith.index_cast %scan3A_406 : i32 to index
        %swap3A_596 = arith.constant 368 : index
        %swap3A_597 = tpu.vector_load %arg20[%swap3A_595, %swap3A_596] {strides = array<i32>} : memref<32x512xf32, #tpu.memory_space<vmem>>, vector<16xf32>,
        tpu.vector_store %arg20[%swap3A_595, %swap3A_596], %mul3A_594 {strides = array<i32>} : memref<32x512xf32, #tpu.memory_space<vmem>>, vector<16xf32>,
        %scan3A_598 = arith.constant 0 : i32
        scf.yield %scan3A_598 : i32
      }
      %scan3A_342 = arith.constant 32 : i32
      %dma_start3A_343 = arith.constant 0 : i32
      %dma_start3A_344 = tpu.memref_slice %arg14[%add3A_320, %dma_start3A_343] : memref<160x32xi32, #tpu.memory_space<vmem>> -> memref<1x32xi32, #tpu.memory_space<vmem>>
      %dma_start3A_345 = tpu.memref_squeeze %dma_start3A_344 : memref<1x32xi32, #tpu.memory_space<vmem>> -> memref<32xi32, #tpu.memory_space<vmem>>
      %dma_start3A_346 = arith.constant 0 : i32
      %dma_start3A_347 = arith.constant 0 : i32
      %dma_start3A_348 = tpu.memref_slice %arg11[%dma_start3A_346, %dma_start3A_347] : memref<20480x512xf32, #tpu.memory_space<hbm>> -> memref<20480x512xf32, #tpu.memory_space<hbm>>
      tpu.enqueue_indirect_dma source(%arg20 : memref<32x512xf32, #tpu.memory_space<vmem>>) target(%dma_start3A_348 : memref<20480x512xf32, #tpu.memory_space<hbm>>) offsets(%dma_start3A_345 : memref<32xi32, #tpu.memory_space<vmem>>) semaphore(%arg36 : memref<!tpu.dma_semaphore, #tpu.memory_space<semaphore_mem>>) {add = true}
      %ge3A_349 = arith.constant 2 : i32
      %ge3A_350 = arith.cmpi sge, %add3A_320, %ge3A_349 : i32
      %convert_element_type3A_351 = arith.extui %ge3A_350 : i1 to i32
      %cond3A_352 = arith.constant 0 : i32
      %cond3A_353 = arith.cmpi ne, %convert_element_type3A_351, %cond3A_352 : i32
      scf.if %cond3A_353 {
        %sub3A = arith.constant 2 : i32
        %sub3A_406 = arith.subi %add3A_320, %sub3A : i32
        %dma_wait3A_407 = arith.constant 0 : i32
        %dma_wait3A_408 = tpu.memref_slice %arg14[%sub3A_406, %dma_wait3A_407] : memref<160x32xi32, #tpu.memory_space<vmem>> -> memref<1x32xi32, #tpu.memory_space<vmem>>
        %dma_wait3A_409 = tpu.memref_squeeze %dma_wait3A_408 : memref<1x32xi32, #tpu.memory_space<vmem>> -> memref<32xi32, #tpu.memory_space<vmem>>
        %dma_wait3A_410 = arith.constant 0 : i32
        %dma_wait3A_411 = arith.constant 0 : i32
        %dma_wait3A_412 = tpu.memref_slice %arg11[%dma_wait3A_410, %dma_wait3A_411] : memref<20480x512xf32, #tpu.memory_space<hbm>> -> memref<20480x512xf32, #tpu.memory_space<hbm>>
        tpu.wait_indirect_dma semaphore(%arg34 : memref<!tpu.dma_semaphore, #tpu.memory_space<semaphore_mem>>) src(%arg18 : memref<32x512xf32, #tpu.memory_space<vmem>>) dst(%dma_wait3A_412 : memref<20480x512xf32, #tpu.memory_space<hbm>>)
      } else {
      }
      %add3A_354 = arith.constant 2 : i32
      %add3A_355 = arith.addi %add3A_320, %add3A_354 : i32
      %lt3A_356 = arith.constant 160 : i32
      %lt3A_357 = arith.cmpi slt, %add3A_355, %lt3A_356 : i32
      %convert_element_type3A_358 = arith.extui %lt3A_357 : i1 to i32
      %cond3A_359 = arith.constant 0 : i32
      %cond3A_360 = arith.cmpi ne, %convert_element_type3A_358, %cond3A_359 : i32
      scf.if %cond3A_360 {
        %add3A_406 = arith.constant 2 : i32
        %add3A_407 = arith.addi %add3A_320, %add3A_406 : i32
        %mul3A_408 = arith.constant 32 : i32
        %mul3A_409 = arith.muli %add3A_407, %mul3A_408 : i32
        %dma_start3A_410 = arith.constant 0 : i32
        %dma_start3A_411 = arith.constant 0 : i32
        %dma_start3A_412 = tpu.memref_slice %arg18[%dma_start3A_410, %dma_start3A_411] : memref<32x512xf32, #tpu.memory_space<vmem>> -> memref<32x384xf32, #tpu.memory_space<vmem>>
        %dma_start3A_413 = tpu.memref_slice %arg12[%mul3A_409] : memref<5120xi32, #tpu.memory_space<vmem>> -> memref<32xi32, #tpu.memory_space<vmem>>
        %dma_start3A_414 = arith.constant 0 : i32
        %dma_start3A_415 = arith.constant 0 : i32
        %dma_start3A_416 = tpu.memref_slice %arg2[%dma_start3A_414, %dma_start3A_415] : memref<10000x384xf32, #tpu.memory_space<hbm>> -> memref<10000x384xf32, #tpu.memory_space<hbm>>
        tpu.enqueue_indirect_dma source(%dma_start3A_416 : memref<10000x384xf32, #tpu.memory_space<hbm>>) target(%dma_start3A_412 : memref<32x384xf32, #tpu.memory_space<vmem>>) offsets(%dma_start3A_413 : memref<32xi32, #tpu.memory_space<vmem>>) semaphore(%arg26 : memref<!tpu.dma_semaphore, #tpu.memory_space<semaphore_mem>>)
        %mul3A_417 = arith.constant 32 : i32
        %mul3A_418 = arith.muli %add3A_407, %mul3A_417 : i32
        %dma_start3A_419 = tpu.memref_slice %arg13[%mul3A_418] : memref<5120xi32, #tpu.memory_space<vmem>> -> memref<32xi32, #tpu.memory_space<vmem>>
        %dma_start3A_420 = arith.constant 0 : i32
        %dma_start3A_421 = arith.constant 0 : i32
        %dma_start3A_422 = tpu.memref_slice %arg8[%dma_start3A_420, %dma_start3A_421] : memref<400x128xf32, #tpu.memory_space<hbm>> -> memref<400x128xf32, #tpu.memory_space<hbm>>
        tpu.enqueue_indirect_dma source(%dma_start3A_422 : memref<400x128xf32, #tpu.memory_space<hbm>>) target(%arg22 : memref<32x128xf32, #tpu.memory_space<vmem>>) offsets(%dma_start3A_419 : memref<32xi32, #tpu.memory_space<vmem>>) semaphore(%arg30 : memref<!tpu.dma_semaphore, #tpu.memory_space<semaphore_mem>>)
      } else {
      }
      %mul3A_361 = arith.constant 4 : i32
      %mul3A_362 = arith.muli %scan3A_229, %mul3A_361 : i32
      %add3A_363 = arith.constant 3 : i32
      %add3A_364 = arith.addi %mul3A_362, %add3A_363 : i32
      %mul3A_365 = arith.constant 32 : i32
      %mul3A_366 = arith.muli %add3A_364, %mul3A_365 : i32
      %dma_wait3A_367 = arith.constant 0 : i32
      %dma_wait3A_368 = arith.constant 0 : i32
      %dma_wait3A_369 = tpu.memref_slice %arg21[%dma_wait3A_367, %dma_wait3A_368] : memref<32x512xf32, #tpu.memory_space<vmem>> -> memref<32x384xf32, #tpu.memory_space<vmem>>
      %dma_wait3A_370 = tpu.memref_slice %arg12[%mul3A_366] : memref<5120xi32, #tpu.memory_space<vmem>> -> memref<32xi32, #tpu.memory_space<vmem>>
      %dma_wait3A_371 = arith.constant 0 : i32
      %dma_wait3A_372 = arith.constant 0 : i32
      %dma_wait3A_373 = tpu.memref_slice %arg2[%dma_wait3A_371, %dma_wait3A_372] : memref<10000x384xf32, #tpu.memory_space<hbm>> -> memref<10000x384xf32, #tpu.memory_space<hbm>>
      tpu.wait_indirect_dma semaphore(%arg29 : memref<!tpu.dma_semaphore, #tpu.memory_space<semaphore_mem>>) src(%dma_wait3A_373 : memref<10000x384xf32, #tpu.memory_space<hbm>>) dst(%dma_wait3A_369 : memref<32x384xf32, #tpu.memory_space<vmem>>)
      %mul3A_374 = arith.constant 32 : i32
      %mul3A_375 = arith.muli %add3A_364, %mul3A_374 : i32
      %dma_wait3A_376 = tpu.memref_slice %arg13[%mul3A_375] : memref<5120xi32, #tpu.memory_space<vmem>> -> memref<32xi32, #tpu.memory_space<vmem>>
      %dma_wait3A_377 = arith.constant 0 : i32
      %dma_wait3A_378 = arith.constant 0 : i32
      %dma_wait3A_379 = tpu.memref_slice %arg8[%dma_wait3A_377, %dma_wait3A_378] : memref<400x128xf32, #tpu.memory_space<hbm>> -> memref<400x128xf32, #tpu.memory_space<hbm>>
      tpu.wait_indirect_dma semaphore(%arg33 : memref<!tpu.dma_semaphore, #tpu.memory_space<semaphore_mem>>) src(%dma_wait3A_379 : memref<400x128xf32, #tpu.memory_space<hbm>>) dst(%arg25 : memref<32x128xf32, #tpu.memory_space<vmem>>)
      %scan3A_380 = arith.constant 0 : i32
      %scan3A_381 = arith.constant 0 : i32
      %scan3A_382 = arith.constant 32 : i32
      %scan3A_383 = arith.addi %scan3A_381, %scan3A_382 : i32
      %scan3A_384 = arith.constant 1 : i32
      %scan3A_385 = scf.for %scan3A_406 = %scan3A_381 to %scan3A_383 step %scan3A_384 iter_args(%scan3A_407 = %scan3A_380) -> (i32)  : i32 {
        %get3A = arith.index_cast %scan3A_406 : i32 to index
        %get3A_408 = arith.constant 0 : index
        %get3A_409 = tpu.vector_load %arg25[%get3A, %get3A_408] {strides = array<i32>} : memref<32x128xf32, #tpu.memory_space<vmem>>, vector<16xf32>,
        %get3A_410 = arith.index_cast %scan3A_406 : i32 to index
        %get3A_411 = arith.constant 0 : index
        %get3A_412 = tpu.vector_load %arg21[%get3A_410, %get3A_411] {strides = array<i32>} : memref<32x512xf32, #tpu.memory_space<vmem>>, vector<16xf32>,
        %mul3A_413 = arith.mulf %get3A_412, %get3A_409 : vector<16xf32>
        %swap3A = arith.index_cast %scan3A_406 : i32 to index
        %swap3A_414 = arith.constant 0 : index
        %swap3A_415 = tpu.vector_load %arg21[%swap3A, %swap3A_414] {strides = array<i32>} : memref<32x512xf32, #tpu.memory_space<vmem>>, vector<16xf32>,
        tpu.vector_store %arg21[%swap3A, %swap3A_414], %mul3A_413 {strides = array<i32>} : memref<32x512xf32, #tpu.memory_space<vmem>>, vector<16xf32>,
        %get3A_416 = arith.index_cast %scan3A_406 : i32 to index
        %get3A_417 = arith.constant 128 : index
        %get3A_418 = tpu.vector_load %arg21[%get3A_416, %get3A_417] {strides = array<i32>} : memref<32x512xf32, #tpu.memory_space<vmem>>, vector<16xf32>,
        %mul3A_419 = arith.mulf %get3A_418, %get3A_409 : vector<16xf32>
        %swap3A_420 = arith.index_cast %scan3A_406 : i32 to index
        %swap3A_421 = arith.constant 128 : index
        %swap3A_422 = tpu.vector_load %arg21[%swap3A_420, %swap3A_421] {strides = array<i32>} : memref<32x512xf32, #tpu.memory_space<vmem>>, vector<16xf32>,
        tpu.vector_store %arg21[%swap3A_420, %swap3A_421], %mul3A_419 {strides = array<i32>} : memref<32x512xf32, #tpu.memory_space<vmem>>, vector<16xf32>,
        %get3A_423 = arith.index_cast %scan3A_406 : i32 to index
        %get3A_424 = arith.constant 256 : index
        %get3A_425 = tpu.vector_load %arg21[%get3A_423, %get3A_424] {strides = array<i32>} : memref<32x512xf32, #tpu.memory_space<vmem>>, vector<16xf32>,
        %mul3A_426 = arith.mulf %get3A_425, %get3A_409 : vector<16xf32>
        %swap3A_427 = arith.index_cast %scan3A_406 : i32 to index
        %swap3A_428 = arith.constant 256 : index
        %swap3A_429 = tpu.vector_load %arg21[%swap3A_427, %swap3A_428] {strides = array<i32>} : memref<32x512xf32, #tpu.memory_space<vmem>>, vector<16xf32>,
        tpu.vector_store %arg21[%swap3A_427, %swap3A_428], %mul3A_426 {strides = array<i32>} : memref<32x512xf32, #tpu.memory_space<vmem>>, vector<16xf32>,
        %get3A_430 = arith.index_cast %scan3A_406 : i32 to index
        %get3A_431 = arith.constant 16 : index
        %get3A_432 = tpu.vector_load %arg25[%get3A_430, %get3A_431] {strides = array<i32>} : memref<32x128xf32, #tpu.memory_space<vmem>>, vector<16xf32>,
        %get3A_433 = arith.index_cast %scan3A_406 : i32 to index
        %get3A_434 = arith.constant 16 : index
        %get3A_435 = tpu.vector_load %arg21[%get3A_433, %get3A_434] {strides = array<i32>} : memref<32x512xf32, #tpu.memory_space<vmem>>, vector<16xf32>,
        %mul3A_436 = arith.mulf %get3A_435, %get3A_432 : vector<16xf32>
        %swap3A_437 = arith.index_cast %scan3A_406 : i32 to index
        %swap3A_438 = arith.constant 16 : index
        %swap3A_439 = tpu.vector_load %arg21[%swap3A_437, %swap3A_438] {strides = array<i32>} : memref<32x512xf32, #tpu.memory_space<vmem>>, vector<16xf32>,
        tpu.vector_store %arg21[%swap3A_437, %swap3A_438], %mul3A_436 {strides = array<i32>} : memref<32x512xf32, #tpu.memory_space<vmem>>, vector<16xf32>,
        %get3A_440 = arith.index_cast %scan3A_406 : i32 to index
        %get3A_441 = arith.constant 144 : index
        %get3A_442 = tpu.vector_load %arg21[%get3A_440, %get3A_441] {strides = array<i32>} : memref<32x512xf32, #tpu.memory_space<vmem>>, vector<16xf32>,
        %mul3A_443 = arith.mulf %get3A_442, %get3A_432 : vector<16xf32>
        %swap3A_444 = arith.index_cast %scan3A_406 : i32 to index
        %swap3A_445 = arith.constant 144 : index
        %swap3A_446 = tpu.vector_load %arg21[%swap3A_444, %swap3A_445] {strides = array<i32>} : memref<32x512xf32, #tpu.memory_space<vmem>>, vector<16xf32>,
        tpu.vector_store %arg21[%swap3A_444, %swap3A_445], %mul3A_443 {strides = array<i32>} : memref<32x512xf32, #tpu.memory_space<vmem>>, vector<16xf32>,
        %get3A_447 = arith.index_cast %scan3A_406 : i32 to index
        %get3A_448 = arith.constant 272 : index
        %get3A_449 = tpu.vector_load %arg21[%get3A_447, %get3A_448] {strides = array<i32>} : memref<32x512xf32, #tpu.memory_space<vmem>>, vector<16xf32>,
        %mul3A_450 = arith.mulf %get3A_449, %get3A_432 : vector<16xf32>
        %swap3A_451 = arith.index_cast %scan3A_406 : i32 to index
        %swap3A_452 = arith.constant 272 : index
        %swap3A_453 = tpu.vector_load %arg21[%swap3A_451, %swap3A_452] {strides = array<i32>} : memref<32x512xf32, #tpu.memory_space<vmem>>, vector<16xf32>,
        tpu.vector_store %arg21[%swap3A_451, %swap3A_452], %mul3A_450 {strides = array<i32>} : memref<32x512xf32, #tpu.memory_space<vmem>>, vector<16xf32>,
        %get3A_454 = arith.index_cast %scan3A_406 : i32 to index
        %get3A_455 = arith.constant 32 : index
        %get3A_456 = tpu.vector_load %arg25[%get3A_454, %get3A_455] {strides = array<i32>} : memref<32x128xf32, #tpu.memory_space<vmem>>, vector<16xf32>,
        %get3A_457 = arith.index_cast %scan3A_406 : i32 to index
        %get3A_458 = arith.constant 32 : index
        %get3A_459 = tpu.vector_load %arg21[%get3A_457, %get3A_458] {strides = array<i32>} : memref<32x512xf32, #tpu.memory_space<vmem>>, vector<16xf32>,
        %mul3A_460 = arith.mulf %get3A_459, %get3A_456 : vector<16xf32>
        %swap3A_461 = arith.index_cast %scan3A_406 : i32 to index
        %swap3A_462 = arith.constant 32 : index
        %swap3A_463 = tpu.vector_load %arg21[%swap3A_461, %swap3A_462] {strides = array<i32>} : memref<32x512xf32, #tpu.memory_space<vmem>>, vector<16xf32>,
        tpu.vector_store %arg21[%swap3A_461, %swap3A_462], %mul3A_460 {strides = array<i32>} : memref<32x512xf32, #tpu.memory_space<vmem>>, vector<16xf32>,
        %get3A_464 = arith.index_cast %scan3A_406 : i32 to index
        %get3A_465 = arith.constant 160 : index
        %get3A_466 = tpu.vector_load %arg21[%get3A_464, %get3A_465] {strides = array<i32>} : memref<32x512xf32, #tpu.memory_space<vmem>>, vector<16xf32>,
        %mul3A_467 = arith.mulf %get3A_466, %get3A_456 : vector<16xf32>
        %swap3A_468 = arith.index_cast %scan3A_406 : i32 to index
        %swap3A_469 = arith.constant 160 : index
        %swap3A_470 = tpu.vector_load %arg21[%swap3A_468, %swap3A_469] {strides = array<i32>} : memref<32x512xf32, #tpu.memory_space<vmem>>, vector<16xf32>,
        tpu.vector_store %arg21[%swap3A_468, %swap3A_469], %mul3A_467 {strides = array<i32>} : memref<32x512xf32, #tpu.memory_space<vmem>>, vector<16xf32>,
        %get3A_471 = arith.index_cast %scan3A_406 : i32 to index
        %get3A_472 = arith.constant 288 : index
        %get3A_473 = tpu.vector_load %arg21[%get3A_471, %get3A_472] {strides = array<i32>} : memref<32x512xf32, #tpu.memory_space<vmem>>, vector<16xf32>,
        %mul3A_474 = arith.mulf %get3A_473, %get3A_456 : vector<16xf32>
        %swap3A_475 = arith.index_cast %scan3A_406 : i32 to index
        %swap3A_476 = arith.constant 288 : index
        %swap3A_477 = tpu.vector_load %arg21[%swap3A_475, %swap3A_476] {strides = array<i32>} : memref<32x512xf32, #tpu.memory_space<vmem>>, vector<16xf32>,
        tpu.vector_store %arg21[%swap3A_475, %swap3A_476], %mul3A_474 {strides = array<i32>} : memref<32x512xf32, #tpu.memory_space<vmem>>, vector<16xf32>,
        %get3A_478 = arith.index_cast %scan3A_406 : i32 to index
        %get3A_479 = arith.constant 48 : index
        %get3A_480 = tpu.vector_load %arg25[%get3A_478, %get3A_479] {strides = array<i32>} : memref<32x128xf32, #tpu.memory_space<vmem>>, vector<16xf32>,
        %get3A_481 = arith.index_cast %scan3A_406 : i32 to index
        %get3A_482 = arith.constant 48 : index
        %get3A_483 = tpu.vector_load %arg21[%get3A_481, %get3A_482] {strides = array<i32>} : memref<32x512xf32, #tpu.memory_space<vmem>>, vector<16xf32>,
        %mul3A_484 = arith.mulf %get3A_483, %get3A_480 : vector<16xf32>
        %swap3A_485 = arith.index_cast %scan3A_406 : i32 to index
        %swap3A_486 = arith.constant 48 : index
        %swap3A_487 = tpu.vector_load %arg21[%swap3A_485, %swap3A_486] {strides = array<i32>} : memref<32x512xf32, #tpu.memory_space<vmem>>, vector<16xf32>,
        tpu.vector_store %arg21[%swap3A_485, %swap3A_486], %mul3A_484 {strides = array<i32>} : memref<32x512xf32, #tpu.memory_space<vmem>>, vector<16xf32>,
        %get3A_488 = arith.index_cast %scan3A_406 : i32 to index
        %get3A_489 = arith.constant 176 : index
        %get3A_490 = tpu.vector_load %arg21[%get3A_488, %get3A_489] {strides = array<i32>} : memref<32x512xf32, #tpu.memory_space<vmem>>, vector<16xf32>,
        %mul3A_491 = arith.mulf %get3A_490, %get3A_480 : vector<16xf32>
        %swap3A_492 = arith.index_cast %scan3A_406 : i32 to index
        %swap3A_493 = arith.constant 176 : index
        %swap3A_494 = tpu.vector_load %arg21[%swap3A_492, %swap3A_493] {strides = array<i32>} : memref<32x512xf32, #tpu.memory_space<vmem>>, vector<16xf32>,
        tpu.vector_store %arg21[%swap3A_492, %swap3A_493], %mul3A_491 {strides = array<i32>} : memref<32x512xf32, #tpu.memory_space<vmem>>, vector<16xf32>,
        %get3A_495 = arith.index_cast %scan3A_406 : i32 to index
        %get3A_496 = arith.constant 304 : index
        %get3A_497 = tpu.vector_load %arg21[%get3A_495, %get3A_496] {strides = array<i32>} : memref<32x512xf32, #tpu.memory_space<vmem>>, vector<16xf32>,
        %mul3A_498 = arith.mulf %get3A_497, %get3A_480 : vector<16xf32>
        %swap3A_499 = arith.index_cast %scan3A_406 : i32 to index
        %swap3A_500 = arith.constant 304 : index
        %swap3A_501 = tpu.vector_load %arg21[%swap3A_499, %swap3A_500] {strides = array<i32>} : memref<32x512xf32, #tpu.memory_space<vmem>>, vector<16xf32>,
        tpu.vector_store %arg21[%swap3A_499, %swap3A_500], %mul3A_498 {strides = array<i32>} : memref<32x512xf32, #tpu.memory_space<vmem>>, vector<16xf32>,
        %get3A_502 = arith.index_cast %scan3A_406 : i32 to index
        %get3A_503 = arith.constant 64 : index
        %get3A_504 = tpu.vector_load %arg25[%get3A_502, %get3A_503] {strides = array<i32>} : memref<32x128xf32, #tpu.memory_space<vmem>>, vector<16xf32>,
        %get3A_505 = arith.index_cast %scan3A_406 : i32 to index
        %get3A_506 = arith.constant 64 : index
        %get3A_507 = tpu.vector_load %arg21[%get3A_505, %get3A_506] {strides = array<i32>} : memref<32x512xf32, #tpu.memory_space<vmem>>, vector<16xf32>,
        %mul3A_508 = arith.mulf %get3A_507, %get3A_504 : vector<16xf32>
        %swap3A_509 = arith.index_cast %scan3A_406 : i32 to index
        %swap3A_510 = arith.constant 64 : index
        %swap3A_511 = tpu.vector_load %arg21[%swap3A_509, %swap3A_510] {strides = array<i32>} : memref<32x512xf32, #tpu.memory_space<vmem>>, vector<16xf32>,
        tpu.vector_store %arg21[%swap3A_509, %swap3A_510], %mul3A_508 {strides = array<i32>} : memref<32x512xf32, #tpu.memory_space<vmem>>, vector<16xf32>,
        %get3A_512 = arith.index_cast %scan3A_406 : i32 to index
        %get3A_513 = arith.constant 192 : index
        %get3A_514 = tpu.vector_load %arg21[%get3A_512, %get3A_513] {strides = array<i32>} : memref<32x512xf32, #tpu.memory_space<vmem>>, vector<16xf32>,
        %mul3A_515 = arith.mulf %get3A_514, %get3A_504 : vector<16xf32>
        %swap3A_516 = arith.index_cast %scan3A_406 : i32 to index
        %swap3A_517 = arith.constant 192 : index
        %swap3A_518 = tpu.vector_load %arg21[%swap3A_516, %swap3A_517] {strides = array<i32>} : memref<32x512xf32, #tpu.memory_space<vmem>>, vector<16xf32>,
        tpu.vector_store %arg21[%swap3A_516, %swap3A_517], %mul3A_515 {strides = array<i32>} : memref<32x512xf32, #tpu.memory_space<vmem>>, vector<16xf32>,
        %get3A_519 = arith.index_cast %scan3A_406 : i32 to index
        %get3A_520 = arith.constant 320 : index
        %get3A_521 = tpu.vector_load %arg21[%get3A_519, %get3A_520] {strides = array<i32>} : memref<32x512xf32, #tpu.memory_space<vmem>>, vector<16xf32>,
        %mul3A_522 = arith.mulf %get3A_521, %get3A_504 : vector<16xf32>
        %swap3A_523 = arith.index_cast %scan3A_406 : i32 to index
        %swap3A_524 = arith.constant 320 : index
        %swap3A_525 = tpu.vector_load %arg21[%swap3A_523, %swap3A_524] {strides = array<i32>} : memref<32x512xf32, #tpu.memory_space<vmem>>, vector<16xf32>,
        tpu.vector_store %arg21[%swap3A_523, %swap3A_524], %mul3A_522 {strides = array<i32>} : memref<32x512xf32, #tpu.memory_space<vmem>>, vector<16xf32>,
        %get3A_526 = arith.index_cast %scan3A_406 : i32 to index
        %get3A_527 = arith.constant 80 : index
        %get3A_528 = tpu.vector_load %arg25[%get3A_526, %get3A_527] {strides = array<i32>} : memref<32x128xf32, #tpu.memory_space<vmem>>, vector<16xf32>,
        %get3A_529 = arith.index_cast %scan3A_406 : i32 to index
        %get3A_530 = arith.constant 80 : index
        %get3A_531 = tpu.vector_load %arg21[%get3A_529, %get3A_530] {strides = array<i32>} : memref<32x512xf32, #tpu.memory_space<vmem>>, vector<16xf32>,
        %mul3A_532 = arith.mulf %get3A_531, %get3A_528 : vector<16xf32>
        %swap3A_533 = arith.index_cast %scan3A_406 : i32 to index
        %swap3A_534 = arith.constant 80 : index
        %swap3A_535 = tpu.vector_load %arg21[%swap3A_533, %swap3A_534] {strides = array<i32>} : memref<32x512xf32, #tpu.memory_space<vmem>>, vector<16xf32>,
        tpu.vector_store %arg21[%swap3A_533, %swap3A_534], %mul3A_532 {strides = array<i32>} : memref<32x512xf32, #tpu.memory_space<vmem>>, vector<16xf32>,
        %get3A_536 = arith.index_cast %scan3A_406 : i32 to index
        %get3A_537 = arith.constant 208 : index
        %get3A_538 = tpu.vector_load %arg21[%get3A_536, %get3A_537] {strides = array<i32>} : memref<32x512xf32, #tpu.memory_space<vmem>>, vector<16xf32>,
        %mul3A_539 = arith.mulf %get3A_538, %get3A_528 : vector<16xf32>
        %swap3A_540 = arith.index_cast %scan3A_406 : i32 to index
        %swap3A_541 = arith.constant 208 : index
        %swap3A_542 = tpu.vector_load %arg21[%swap3A_540, %swap3A_541] {strides = array<i32>} : memref<32x512xf32, #tpu.memory_space<vmem>>, vector<16xf32>,
        tpu.vector_store %arg21[%swap3A_540, %swap3A_541], %mul3A_539 {strides = array<i32>} : memref<32x512xf32, #tpu.memory_space<vmem>>, vector<16xf32>,
        %get3A_543 = arith.index_cast %scan3A_406 : i32 to index
        %get3A_544 = arith.constant 336 : index
        %get3A_545 = tpu.vector_load %arg21[%get3A_543, %get3A_544] {strides = array<i32>} : memref<32x512xf32, #tpu.memory_space<vmem>>, vector<16xf32>,
        %mul3A_546 = arith.mulf %get3A_545, %get3A_528 : vector<16xf32>
        %swap3A_547 = arith.index_cast %scan3A_406 : i32 to index
        %swap3A_548 = arith.constant 336 : index
        %swap3A_549 = tpu.vector_load %arg21[%swap3A_547, %swap3A_548] {strides = array<i32>} : memref<32x512xf32, #tpu.memory_space<vmem>>, vector<16xf32>,
        tpu.vector_store %arg21[%swap3A_547, %swap3A_548], %mul3A_546 {strides = array<i32>} : memref<32x512xf32, #tpu.memory_space<vmem>>, vector<16xf32>,
        %get3A_550 = arith.index_cast %scan3A_406 : i32 to index
        %get3A_551 = arith.constant 96 : index
        %get3A_552 = tpu.vector_load %arg25[%get3A_550, %get3A_551] {strides = array<i32>} : memref<32x128xf32, #tpu.memory_space<vmem>>, vector<16xf32>,
        %get3A_553 = arith.index_cast %scan3A_406 : i32 to index
        %get3A_554 = arith.constant 96 : index
        %get3A_555 = tpu.vector_load %arg21[%get3A_553, %get3A_554] {strides = array<i32>} : memref<32x512xf32, #tpu.memory_space<vmem>>, vector<16xf32>,
        %mul3A_556 = arith.mulf %get3A_555, %get3A_552 : vector<16xf32>
        %swap3A_557 = arith.index_cast %scan3A_406 : i32 to index
        %swap3A_558 = arith.constant 96 : index
        %swap3A_559 = tpu.vector_load %arg21[%swap3A_557, %swap3A_558] {strides = array<i32>} : memref<32x512xf32, #tpu.memory_space<vmem>>, vector<16xf32>,
        tpu.vector_store %arg21[%swap3A_557, %swap3A_558], %mul3A_556 {strides = array<i32>} : memref<32x512xf32, #tpu.memory_space<vmem>>, vector<16xf32>,
        %get3A_560 = arith.index_cast %scan3A_406 : i32 to index
        %get3A_561 = arith.constant 224 : index
        %get3A_562 = tpu.vector_load %arg21[%get3A_560, %get3A_561] {strides = array<i32>} : memref<32x512xf32, #tpu.memory_space<vmem>>, vector<16xf32>,
        %mul3A_563 = arith.mulf %get3A_562, %get3A_552 : vector<16xf32>
        %swap3A_564 = arith.index_cast %scan3A_406 : i32 to index
        %swap3A_565 = arith.constant 224 : index
        %swap3A_566 = tpu.vector_load %arg21[%swap3A_564, %swap3A_565] {strides = array<i32>} : memref<32x512xf32, #tpu.memory_space<vmem>>, vector<16xf32>,
        tpu.vector_store %arg21[%swap3A_564, %swap3A_565], %mul3A_563 {strides = array<i32>} : memref<32x512xf32, #tpu.memory_space<vmem>>, vector<16xf32>,
        %get3A_567 = arith.index_cast %scan3A_406 : i32 to index
        %get3A_568 = arith.constant 352 : index
        %get3A_569 = tpu.vector_load %arg21[%get3A_567, %get3A_568] {strides = array<i32>} : memref<32x512xf32, #tpu.memory_space<vmem>>, vector<16xf32>,
        %mul3A_570 = arith.mulf %get3A_569, %get3A_552 : vector<16xf32>
        %swap3A_571 = arith.index_cast %scan3A_406 : i32 to index
        %swap3A_572 = arith.constant 352 : index
        %swap3A_573 = tpu.vector_load %arg21[%swap3A_571, %swap3A_572] {strides = array<i32>} : memref<32x512xf32, #tpu.memory_space<vmem>>, vector<16xf32>,
        tpu.vector_store %arg21[%swap3A_571, %swap3A_572], %mul3A_570 {strides = array<i32>} : memref<32x512xf32, #tpu.memory_space<vmem>>, vector<16xf32>,
        %get3A_574 = arith.index_cast %scan3A_406 : i32 to index
        %get3A_575 = arith.constant 112 : index
        %get3A_576 = tpu.vector_load %arg25[%get3A_574, %get3A_575] {strides = array<i32>} : memref<32x128xf32, #tpu.memory_space<vmem>>, vector<16xf32>,
        %get3A_577 = arith.index_cast %scan3A_406 : i32 to index
        %get3A_578 = arith.constant 112 : index
        %get3A_579 = tpu.vector_load %arg21[%get3A_577, %get3A_578] {strides = array<i32>} : memref<32x512xf32, #tpu.memory_space<vmem>>, vector<16xf32>,
        %mul3A_580 = arith.mulf %get3A_579, %get3A_576 : vector<16xf32>
        %swap3A_581 = arith.index_cast %scan3A_406 : i32 to index
        %swap3A_582 = arith.constant 112 : index
        %swap3A_583 = tpu.vector_load %arg21[%swap3A_581, %swap3A_582] {strides = array<i32>} : memref<32x512xf32, #tpu.memory_space<vmem>>, vector<16xf32>,
        tpu.vector_store %arg21[%swap3A_581, %swap3A_582], %mul3A_580 {strides = array<i32>} : memref<32x512xf32, #tpu.memory_space<vmem>>, vector<16xf32>,
        %get3A_584 = arith.index_cast %scan3A_406 : i32 to index
        %get3A_585 = arith.constant 240 : index
        %get3A_586 = tpu.vector_load %arg21[%get3A_584, %get3A_585] {strides = array<i32>} : memref<32x512xf32, #tpu.memory_space<vmem>>, vector<16xf32>,
        %mul3A_587 = arith.mulf %get3A_586, %get3A_576 : vector<16xf32>
        %swap3A_588 = arith.index_cast %scan3A_406 : i32 to index
        %swap3A_589 = arith.constant 240 : index
        %swap3A_590 = tpu.vector_load %arg21[%swap3A_588, %swap3A_589] {strides = array<i32>} : memref<32x512xf32, #tpu.memory_space<vmem>>, vector<16xf32>,
        tpu.vector_store %arg21[%swap3A_588, %swap3A_589], %mul3A_587 {strides = array<i32>} : memref<32x512xf32, #tpu.memory_space<vmem>>, vector<16xf32>,
        %get3A_591 = arith.index_cast %scan3A_406 : i32 to index
        %get3A_592 = arith.constant 368 : index
        %get3A_593 = tpu.vector_load %arg21[%get3A_591, %get3A_592] {strides = array<i32>} : memref<32x512xf32, #tpu.memory_space<vmem>>, vector<16xf32>,
        %mul3A_594 = arith.mulf %get3A_593, %get3A_576 : vector<16xf32>
        %swap3A_595 = arith.index_cast %scan3A_406 : i32 to index
        %swap3A_596 = arith.constant 368 : index
        %swap3A_597 = tpu.vector_load %arg21[%swap3A_595, %swap3A_596] {strides = array<i32>} : memref<32x512xf32, #tpu.memory_space<vmem>>, vector<16xf32>,
        tpu.vector_store %arg21[%swap3A_595, %swap3A_596], %mul3A_594 {strides = array<i32>} : memref<32x512xf32, #tpu.memory_space<vmem>>, vector<16xf32>,
        %scan3A_598 = arith.constant 0 : i32
        scf.yield %scan3A_598 : i32
      }
      %scan3A_386 = arith.constant 32 : i32
      %dma_start3A_387 = arith.constant 0 : i32
      %dma_start3A_388 = tpu.memref_slice %arg14[%add3A_364, %dma_start3A_387] : memref<160x32xi32, #tpu.memory_space<vmem>> -> memref<1x32xi32, #tpu.memory_space<vmem>>
      %dma_start3A_389 = tpu.memref_squeeze %dma_start3A_388 : memref<1x32xi32, #tpu.memory_space<vmem>> -> memref<32xi32, #tpu.memory_space<vmem>>
      %dma_start3A_390 = arith.constant 0 : i32
      %dma_start3A_391 = arith.constant 0 : i32
      %dma_start3A_392 = tpu.memref_slice %arg11[%dma_start3A_390, %dma_start3A_391] : memref<20480x512xf32, #tpu.memory_space<hbm>> -> memref<20480x512xf32, #tpu.memory_space<hbm>>
      tpu.enqueue_indirect_dma source(%arg21 : memref<32x512xf32, #tpu.memory_space<vmem>>) target(%dma_start3A_392 : memref<20480x512xf32, #tpu.memory_space<hbm>>) offsets(%dma_start3A_389 : memref<32xi32, #tpu.memory_space<vmem>>) semaphore(%arg37 : memref<!tpu.dma_semaphore, #tpu.memory_space<semaphore_mem>>) {add = true}
      %ge3A_393 = arith.constant 2 : i32
      %ge3A_394 = arith.cmpi sge, %add3A_364, %ge3A_393 : i32
      %convert_element_type3A_395 = arith.extui %ge3A_394 : i1 to i32
      %cond3A_396 = arith.constant 0 : i32
      %cond3A_397 = arith.cmpi ne, %convert_element_type3A_395, %cond3A_396 : i32
      scf.if %cond3A_397 {
        %sub3A = arith.constant 2 : i32
        %sub3A_406 = arith.subi %add3A_364, %sub3A : i32
        %dma_wait3A_407 = arith.constant 0 : i32
        %dma_wait3A_408 = tpu.memref_slice %arg14[%sub3A_406, %dma_wait3A_407] : memref<160x32xi32, #tpu.memory_space<vmem>> -> memref<1x32xi32, #tpu.memory_space<vmem>>
        %dma_wait3A_409 = tpu.memref_squeeze %dma_wait3A_408 : memref<1x32xi32, #tpu.memory_space<vmem>> -> memref<32xi32, #tpu.memory_space<vmem>>
        %dma_wait3A_410 = arith.constant 0 : i32
        %dma_wait3A_411 = arith.constant 0 : i32
        %dma_wait3A_412 = tpu.memref_slice %arg11[%dma_wait3A_410, %dma_wait3A_411] : memref<20480x512xf32, #tpu.memory_space<hbm>> -> memref<20480x512xf32, #tpu.memory_space<hbm>>
        tpu.wait_indirect_dma semaphore(%arg35 : memref<!tpu.dma_semaphore, #tpu.memory_space<semaphore_mem>>) src(%arg19 : memref<32x512xf32, #tpu.memory_space<vmem>>) dst(%dma_wait3A_412 : memref<20480x512xf32, #tpu.memory_space<hbm>>)
      } else {
      }
      %add3A_398 = arith.constant 2 : i32
      %add3A_399 = arith.addi %add3A_364, %add3A_398 : i32
      %lt3A_400 = arith.constant 160 : i32
      %lt3A_401 = arith.cmpi slt, %add3A_399, %lt3A_400 : i32
      %convert_element_type3A_402 = arith.extui %lt3A_401 : i1 to i32
      %cond3A_403 = arith.constant 0 : i32
      %cond3A_404 = arith.cmpi ne, %convert_element_type3A_402, %cond3A_403 : i32
      scf.if %cond3A_404 {
        %add3A_406 = arith.constant 2 : i32
        %add3A_407 = arith.addi %add3A_364, %add3A_406 : i32
        %mul3A_408 = arith.constant 32 : i32
        %mul3A_409 = arith.muli %add3A_407, %mul3A_408 : i32
        %dma_start3A_410 = arith.constant 0 : i32
        %dma_start3A_411 = arith.constant 0 : i32
        %dma_start3A_412 = tpu.memref_slice %arg19[%dma_start3A_410, %dma_start3A_411] : memref<32x512xf32, #tpu.memory_space<vmem>> -> memref<32x384xf32, #tpu.memory_space<vmem>>
        %dma_start3A_413 = tpu.memref_slice %arg12[%mul3A_409] : memref<5120xi32, #tpu.memory_space<vmem>> -> memref<32xi32, #tpu.memory_space<vmem>>
        %dma_start3A_414 = arith.constant 0 : i32
        %dma_start3A_415 = arith.constant 0 : i32
        %dma_start3A_416 = tpu.memref_slice %arg2[%dma_start3A_414, %dma_start3A_415] : memref<10000x384xf32, #tpu.memory_space<hbm>> -> memref<10000x384xf32, #tpu.memory_space<hbm>>
        tpu.enqueue_indirect_dma source(%dma_start3A_416 : memref<10000x384xf32, #tpu.memory_space<hbm>>) target(%dma_start3A_412 : memref<32x384xf32, #tpu.memory_space<vmem>>) offsets(%dma_start3A_413 : memref<32xi32, #tpu.memory_space<vmem>>) semaphore(%arg27 : memref<!tpu.dma_semaphore, #tpu.memory_space<semaphore_mem>>)
        %mul3A_417 = arith.constant 32 : i32
        %mul3A_418 = arith.muli %add3A_407, %mul3A_417 : i32
        %dma_start3A_419 = tpu.memref_slice %arg13[%mul3A_418] : memref<5120xi32, #tpu.memory_space<vmem>> -> memref<32xi32, #tpu.memory_space<vmem>>
        %dma_start3A_420 = arith.constant 0 : i32
        %dma_start3A_421 = arith.constant 0 : i32
        %dma_start3A_422 = tpu.memref_slice %arg8[%dma_start3A_420, %dma_start3A_421] : memref<400x128xf32, #tpu.memory_space<hbm>> -> memref<400x128xf32, #tpu.memory_space<hbm>>
        tpu.enqueue_indirect_dma source(%dma_start3A_422 : memref<400x128xf32, #tpu.memory_space<hbm>>) target(%arg23 : memref<32x128xf32, #tpu.memory_space<vmem>>) offsets(%dma_start3A_419 : memref<32xi32, #tpu.memory_space<vmem>>) semaphore(%arg31 : memref<!tpu.dma_semaphore, #tpu.memory_space<semaphore_mem>>)
      } else {
      }
      %scan3A_405 = arith.constant 0 : i32
      scf.yield %scan3A_405 : i32
    }
    %scan3A_64 = arith.constant 40 : i32
    %dma_wait3A = arith.constant 158 : i32
    %dma_wait3A_65 = arith.constant 0 : i32
    %dma_wait3A_66 = tpu.memref_slice %arg14[%dma_wait3A, %dma_wait3A_65] : memref<160x32xi32, #tpu.memory_space<vmem>> -> memref<1x32xi32, #tpu.memory_space<vmem>>
    %dma_wait3A_67 = tpu.memref_squeeze %dma_wait3A_66 : memref<1x32xi32, #tpu.memory_space<vmem>> -> memref<32xi32, #tpu.memory_space<vmem>>
    %dma_wait3A_68 = arith.constant 0 : i32
    %dma_wait3A_69 = arith.constant 0 : i32
    %dma_wait3A_70 = tpu.memref_slice %arg11[%dma_wait3A_68, %dma_wait3A_69] : memref<20480x512xf32, #tpu.memory_space<hbm>> -> memref<20480x512xf32, #tpu.memory_space<hbm>>
    tpu.wait_indirect_dma semaphore(%arg36 : memref<!tpu.dma_semaphore, #tpu.memory_space<semaphore_mem>>) src(%arg20 : memref<32x512xf32, #tpu.memory_space<vmem>>) dst(%dma_wait3A_70 : memref<20480x512xf32, #tpu.memory_space<hbm>>)
    %dma_wait3A_71 = arith.constant 159 : i32
    %dma_wait3A_72 = arith.constant 0 : i32
    %dma_wait3A_73 = tpu.memref_slice %arg14[%dma_wait3A_71, %dma_wait3A_72] : memref<160x32xi32, #tpu.memory_space<vmem>> -> memref<1x32xi32, #tpu.memory_space<vmem>>
    %dma_wait3A_74 = tpu.memref_squeeze %dma_wait3A_73 : memref<1x32xi32, #tpu.memory_space<vmem>> -> memref<32xi32, #tpu.memory_space<vmem>>
    %dma_wait3A_75 = arith.constant 0 : i32
    %dma_wait3A_76 = arith.constant 0 : i32
    %dma_wait3A_77 = tpu.memref_slice %arg11[%dma_wait3A_75, %dma_wait3A_76] : memref<20480x512xf32, #tpu.memory_space<hbm>> -> memref<20480x512xf32, #tpu.memory_space<hbm>>
    tpu.wait_indirect_dma semaphore(%arg37 : memref<!tpu.dma_semaphore, #tpu.memory_space<semaphore_mem>>) src(%arg21 : memref<32x512xf32, #tpu.memory_space<vmem>>) dst(%dma_wait3A_77 : memref<20480x512xf32, #tpu.memory_space<hbm>>)
    %barrier3A_78 = arith.constant 0 : index
    tpu.barrier barrier_id(%barrier3A_78)
    %mul3A_79 = arith.constant 256 : i32
    %mul3A_80 = arith.muli %arg1, %mul3A_79 : i32
    %add3A_81 = arith.constant 0 : i32
    %add3A_82 = arith.addi %mul3A_80, %add3A_81 : i32
    "tpu.region"() ({
      %run_scoped3A = tpu.sem_alloc : memref<!tpu.dma_semaphore, #tpu.memory_space<semaphore_mem>>
      %dma_start3A_229 = tpu.memref_slice %arg7[%arg0, %add3A_82] : memref<2x4096xi32, #tpu.memory_space<hbm>> -> memref<1x32xi32, #tpu.memory_space<hbm>>
      %dma_start3A_230 = tpu.memref_squeeze %dma_start3A_229 : memref<1x32xi32, #tpu.memory_space<hbm>> -> memref<32xi32, #tpu.memory_space<hbm>>
      %dma_start3A_231 = tpu.memref_slice %arg7[%arg0, %add3A_82] : memref<2x4096xi32, #tpu.memory_space<hbm>> -> memref<1x32xi32, #tpu.memory_space<hbm>>
      %dma_start3A_232 = tpu.memref_squeeze %dma_start3A_231 : memref<1x32xi32, #tpu.memory_space<hbm>> -> memref<32xi32, #tpu.memory_space<hbm>>
      tpu.enqueue_dma source(%dma_start3A_232 : memref<32xi32, #tpu.memory_space<hbm>>) target(%arg16 : memref<32xi32, #tpu.memory_space<vmem>>) target_semaphore(%run_scoped3A : memref<!tpu.dma_semaphore, #tpu.memory_space<semaphore_mem>>)
      %dma_wait3A_233 = tpu.memref_slice %arg7[%arg0, %add3A_82] : memref<2x4096xi32, #tpu.memory_space<hbm>> -> memref<1x32xi32, #tpu.memory_space<hbm>>
      %dma_wait3A_234 = tpu.memref_squeeze %dma_wait3A_233 : memref<1x32xi32, #tpu.memory_space<hbm>> -> memref<32xi32, #tpu.memory_space<hbm>>
      %dma_wait3A_235 = tpu.memref_slice %arg7[%arg0, %add3A_82] : memref<2x4096xi32, #tpu.memory_space<hbm>> -> memref<1x32xi32, #tpu.memory_space<hbm>>
      %dma_wait3A_236 = tpu.memref_squeeze %dma_wait3A_235 : memref<1x32xi32, #tpu.memory_space<hbm>> -> memref<32xi32, #tpu.memory_space<hbm>>
      tpu.wait_dma2 semaphore(%run_scoped3A : memref<!tpu.dma_semaphore, #tpu.memory_space<semaphore_mem>>) src(%dma_wait3A_236 : memref<32xi32, #tpu.memory_space<hbm>>) dst(%arg16 : memref<32xi32, #tpu.memory_space<vmem>>)
      tpu.yield
    }) : () -> ()
    %dma_start3A_83 = arith.constant 0 : i32
    %dma_start3A_84 = arith.constant 0 : i32
    %dma_start3A_85 = tpu.memref_slice %arg11[%dma_start3A_83, %dma_start3A_84] : memref<20480x512xf32, #tpu.memory_space<hbm>> -> memref<20480x512xf32, #tpu.memory_space<hbm>>
    tpu.enqueue_indirect_dma source(%dma_start3A_85 : memref<20480x512xf32, #tpu.memory_space<hbm>>) target(%arg18 : memref<32x512xf32, #tpu.memory_space<vmem>>) offsets(%arg16 : memref<32xi32, #tpu.memory_space<vmem>>) semaphore(%arg26 : memref<!tpu.dma_semaphore, #tpu.memory_space<semaphore_mem>>)
    %mul3A_86 = arith.constant 256 : i32
    %mul3A_87 = arith.muli %arg1, %mul3A_86 : i32
    %add3A_88 = arith.constant 32 : i32
    %add3A_89 = arith.addi %mul3A_87, %add3A_88 : i32
    "tpu.region"() ({
      %run_scoped3A = tpu.sem_alloc : memref<!tpu.dma_semaphore, #tpu.memory_space<semaphore_mem>>
      %dma_start3A_229 = tpu.memref_slice %arg7[%arg0, %add3A_89] : memref<2x4096xi32, #tpu.memory_space<hbm>> -> memref<1x32xi32, #tpu.memory_space<hbm>>
      %dma_start3A_230 = tpu.memref_squeeze %dma_start3A_229 : memref<1x32xi32, #tpu.memory_space<hbm>> -> memref<32xi32, #tpu.memory_space<hbm>>
      %dma_start3A_231 = tpu.memref_slice %arg7[%arg0, %add3A_89] : memref<2x4096xi32, #tpu.memory_space<hbm>> -> memref<1x32xi32, #tpu.memory_space<hbm>>
      %dma_start3A_232 = tpu.memref_squeeze %dma_start3A_231 : memref<1x32xi32, #tpu.memory_space<hbm>> -> memref<32xi32, #tpu.memory_space<hbm>>
      tpu.enqueue_dma source(%dma_start3A_232 : memref<32xi32, #tpu.memory_space<hbm>>) target(%arg15 : memref<32xi32, #tpu.memory_space<vmem>>) target_semaphore(%run_scoped3A : memref<!tpu.dma_semaphore, #tpu.memory_space<semaphore_mem>>)
      %dma_wait3A_233 = tpu.memref_slice %arg7[%arg0, %add3A_89] : memref<2x4096xi32, #tpu.memory_space<hbm>> -> memref<1x32xi32, #tpu.memory_space<hbm>>
      %dma_wait3A_234 = tpu.memref_squeeze %dma_wait3A_233 : memref<1x32xi32, #tpu.memory_space<hbm>> -> memref<32xi32, #tpu.memory_space<hbm>>
      %dma_wait3A_235 = tpu.memref_slice %arg7[%arg0, %add3A_89] : memref<2x4096xi32, #tpu.memory_space<hbm>> -> memref<1x32xi32, #tpu.memory_space<hbm>>
      %dma_wait3A_236 = tpu.memref_squeeze %dma_wait3A_235 : memref<1x32xi32, #tpu.memory_space<hbm>> -> memref<32xi32, #tpu.memory_space<hbm>>
      tpu.wait_dma2 semaphore(%run_scoped3A : memref<!tpu.dma_semaphore, #tpu.memory_space<semaphore_mem>>) src(%dma_wait3A_236 : memref<32xi32, #tpu.memory_space<hbm>>) dst(%arg15 : memref<32xi32, #tpu.memory_space<vmem>>)
      tpu.yield
    }) : () -> ()
    %dma_start3A_90 = arith.constant 0 : i32
    %dma_start3A_91 = arith.constant 0 : i32
    %dma_start3A_92 = tpu.memref_slice %arg11[%dma_start3A_90, %dma_start3A_91] : memref<20480x512xf32, #tpu.memory_space<hbm>> -> memref<20480x512xf32, #tpu.memory_space<hbm>>
    tpu.enqueue_indirect_dma source(%dma_start3A_92 : memref<20480x512xf32, #tpu.memory_space<hbm>>) target(%arg19 : memref<32x512xf32, #tpu.memory_space<vmem>>) offsets(%arg15 : memref<32xi32, #tpu.memory_space<vmem>>) semaphore(%arg27 : memref<!tpu.dma_semaphore, #tpu.memory_space<semaphore_mem>>)
    %mul3A_93 = arith.constant 256 : i32
    %mul3A_94 = arith.muli %arg1, %mul3A_93 : i32
    %add3A_95 = arith.constant 0 : i32
    %add3A_96 = arith.addi %mul3A_94, %add3A_95 : i32
    %dma_wait3A_97 = arith.constant 0 : i32
    %dma_wait3A_98 = arith.constant 0 : i32
    %dma_wait3A_99 = tpu.memref_slice %arg11[%dma_wait3A_97, %dma_wait3A_98] : memref<20480x512xf32, #tpu.memory_space<hbm>> -> memref<20480x512xf32, #tpu.memory_space<hbm>>
    tpu.wait_indirect_dma semaphore(%arg26 : memref<!tpu.dma_semaphore, #tpu.memory_space<semaphore_mem>>) src(%dma_wait3A_99 : memref<20480x512xf32, #tpu.memory_space<hbm>>) dst(%arg18 : memref<32x512xf32, #tpu.memory_space<vmem>>)
    "tpu.region"() ({
      %run_scoped3A = tpu.sem_alloc : memref<!tpu.dma_semaphore, #tpu.memory_space<semaphore_mem>>
      %dma_start3A_229 = arith.constant 0 : i32
      %dma_start3A_230 = tpu.memref_slice %arg9[%arg0, %add3A_96, %dma_start3A_229] : memref<2x4096x512xf32, #tpu.memory_space<hbm>> -> memref<1x32x512xf32, #tpu.memory_space<hbm>>
      %dma_start3A_231 = tpu.memref_squeeze %dma_start3A_230 : memref<1x32x512xf32, #tpu.memory_space<hbm>> -> memref<32x512xf32, #tpu.memory_space<hbm>>
      %dma_start3A_232 = arith.constant 0 : i32
      %dma_start3A_233 = tpu.memref_slice %arg9[%arg0, %add3A_96, %dma_start3A_232] : memref<2x4096x512xf32, #tpu.memory_space<hbm>> -> memref<1x32x512xf32, #tpu.memory_space<hbm>>
      %dma_start3A_234 = tpu.memref_squeeze %dma_start3A_233 : memref<1x32x512xf32, #tpu.memory_space<hbm>> -> memref<32x512xf32, #tpu.memory_space<hbm>>
      tpu.enqueue_dma source(%arg18 : memref<32x512xf32, #tpu.memory_space<vmem>>) target(%dma_start3A_234 : memref<32x512xf32, #tpu.memory_space<hbm>>) target_semaphore(%run_scoped3A : memref<!tpu.dma_semaphore, #tpu.memory_space<semaphore_mem>>)
      %dma_wait3A_235 = arith.constant 0 : i32
      %dma_wait3A_236 = tpu.memref_slice %arg9[%arg0, %add3A_96, %dma_wait3A_235] : memref<2x4096x512xf32, #tpu.memory_space<hbm>> -> memref<1x32x512xf32, #tpu.memory_space<hbm>>
      %dma_wait3A_237 = tpu.memref_squeeze %dma_wait3A_236 : memref<1x32x512xf32, #tpu.memory_space<hbm>> -> memref<32x512xf32, #tpu.memory_space<hbm>>
      %dma_wait3A_238 = arith.constant 0 : i32
      %dma_wait3A_239 = tpu.memref_slice %arg9[%arg0, %add3A_96, %dma_wait3A_238] : memref<2x4096x512xf32, #tpu.memory_space<hbm>> -> memref<1x32x512xf32, #tpu.memory_space<hbm>>
      %dma_wait3A_240 = tpu.memref_squeeze %dma_wait3A_239 : memref<1x32x512xf32, #tpu.memory_space<hbm>> -> memref<32x512xf32, #tpu.memory_space<hbm>>
      tpu.wait_dma2 semaphore(%run_scoped3A : memref<!tpu.dma_semaphore, #tpu.memory_space<semaphore_mem>>) src(%arg18 : memref<32x512xf32, #tpu.memory_space<vmem>>) dst(%dma_wait3A_240 : memref<32x512xf32, #tpu.memory_space<hbm>>)
      tpu.yield
    }) : () -> ()
    %mul3A_100 = arith.constant 256 : i32
    %mul3A_101 = arith.muli %arg1, %mul3A_100 : i32
    %add3A_102 = arith.constant 64 : i32
    %add3A_103 = arith.addi %mul3A_101, %add3A_102 : i32
    "tpu.region"() ({
      %run_scoped3A = tpu.sem_alloc : memref<!tpu.dma_semaphore, #tpu.memory_space<semaphore_mem>>
      %dma_start3A_229 = tpu.memref_slice %arg7[%arg0, %add3A_103] : memref<2x4096xi32, #tpu.memory_space<hbm>> -> memref<1x32xi32, #tpu.memory_space<hbm>>
      %dma_start3A_230 = tpu.memref_squeeze %dma_start3A_229 : memref<1x32xi32, #tpu.memory_space<hbm>> -> memref<32xi32, #tpu.memory_space<hbm>>
      %dma_start3A_231 = tpu.memref_slice %arg7[%arg0, %add3A_103] : memref<2x4096xi32, #tpu.memory_space<hbm>> -> memref<1x32xi32, #tpu.memory_space<hbm>>
      %dma_start3A_232 = tpu.memref_squeeze %dma_start3A_231 : memref<1x32xi32, #tpu.memory_space<hbm>> -> memref<32xi32, #tpu.memory_space<hbm>>
      tpu.enqueue_dma source(%dma_start3A_232 : memref<32xi32, #tpu.memory_space<hbm>>) target(%arg16 : memref<32xi32, #tpu.memory_space<vmem>>) target_semaphore(%run_scoped3A : memref<!tpu.dma_semaphore, #tpu.memory_space<semaphore_mem>>)
      %dma_wait3A_233 = tpu.memref_slice %arg7[%arg0, %add3A_103] : memref<2x4096xi32, #tpu.memory_space<hbm>> -> memref<1x32xi32, #tpu.memory_space<hbm>>
      %dma_wait3A_234 = tpu.memref_squeeze %dma_wait3A_233 : memref<1x32xi32, #tpu.memory_space<hbm>> -> memref<32xi32, #tpu.memory_space<hbm>>
      %dma_wait3A_235 = tpu.memref_slice %arg7[%arg0, %add3A_103] : memref<2x4096xi32, #tpu.memory_space<hbm>> -> memref<1x32xi32, #tpu.memory_space<hbm>>
      %dma_wait3A_236 = tpu.memref_squeeze %dma_wait3A_235 : memref<1x32xi32, #tpu.memory_space<hbm>> -> memref<32xi32, #tpu.memory_space<hbm>>
      tpu.wait_dma2 semaphore(%run_scoped3A : memref<!tpu.dma_semaphore, #tpu.memory_space<semaphore_mem>>) src(%dma_wait3A_236 : memref<32xi32, #tpu.memory_space<hbm>>) dst(%arg16 : memref<32xi32, #tpu.memory_space<vmem>>)
      tpu.yield
    }) : () -> ()
    %dma_start3A_104 = arith.constant 0 : i32
    %dma_start3A_105 = arith.constant 0 : i32
    %dma_start3A_106 = tpu.memref_slice %arg11[%dma_start3A_104, %dma_start3A_105] : memref<20480x512xf32, #tpu.memory_space<hbm>> -> memref<20480x512xf32, #tpu.memory_space<hbm>>
    tpu.enqueue_indirect_dma source(%dma_start3A_106 : memref<20480x512xf32, #tpu.memory_space<hbm>>) target(%arg18 : memref<32x512xf32, #tpu.memory_space<vmem>>) offsets(%arg16 : memref<32xi32, #tpu.memory_space<vmem>>) semaphore(%arg26 : memref<!tpu.dma_semaphore, #tpu.memory_space<semaphore_mem>>)
    %mul3A_107 = arith.constant 256 : i32
    %mul3A_108 = arith.muli %arg1, %mul3A_107 : i32
    %add3A_109 = arith.constant 32 : i32
    %add3A_110 = arith.addi %mul3A_108, %add3A_109 : i32
    %dma_wait3A_111 = arith.constant 0 : i32
    %dma_wait3A_112 = arith.constant 0 : i32
    %dma_wait3A_113 = tpu.memref_slice %arg11[%dma_wait3A_111, %dma_wait3A_112] : memref<20480x512xf32, #tpu.memory_space<hbm>> -> memref<20480x512xf32, #tpu.memory_space<hbm>>
    tpu.wait_indirect_dma semaphore(%arg27 : memref<!tpu.dma_semaphore, #tpu.memory_space<semaphore_mem>>) src(%dma_wait3A_113 : memref<20480x512xf32, #tpu.memory_space<hbm>>) dst(%arg19 : memref<32x512xf32, #tpu.memory_space<vmem>>)
    "tpu.region"() ({
      %run_scoped3A = tpu.sem_alloc : memref<!tpu.dma_semaphore, #tpu.memory_space<semaphore_mem>>
      %dma_start3A_229 = arith.constant 0 : i32
      %dma_start3A_230 = tpu.memref_slice %arg9[%arg0, %add3A_110, %dma_start3A_229] : memref<2x4096x512xf32, #tpu.memory_space<hbm>> -> memref<1x32x512xf32, #tpu.memory_space<hbm>>
      %dma_start3A_231 = tpu.memref_squeeze %dma_start3A_230 : memref<1x32x512xf32, #tpu.memory_space<hbm>> -> memref<32x512xf32, #tpu.memory_space<hbm>>
      %dma_start3A_232 = arith.constant 0 : i32
      %dma_start3A_233 = tpu.memref_slice %arg9[%arg0, %add3A_110, %dma_start3A_232] : memref<2x4096x512xf32, #tpu.memory_space<hbm>> -> memref<1x32x512xf32, #tpu.memory_space<hbm>>
      %dma_start3A_234 = tpu.memref_squeeze %dma_start3A_233 : memref<1x32x512xf32, #tpu.memory_space<hbm>> -> memref<32x512xf32, #tpu.memory_space<hbm>>
      tpu.enqueue_dma source(%arg19 : memref<32x512xf32, #tpu.memory_space<vmem>>) target(%dma_start3A_234 : memref<32x512xf32, #tpu.memory_space<hbm>>) target_semaphore(%run_scoped3A : memref<!tpu.dma_semaphore, #tpu.memory_space<semaphore_mem>>)
      %dma_wait3A_235 = arith.constant 0 : i32
      %dma_wait3A_236 = tpu.memref_slice %arg9[%arg0, %add3A_110, %dma_wait3A_235] : memref<2x4096x512xf32, #tpu.memory_space<hbm>> -> memref<1x32x512xf32, #tpu.memory_space<hbm>>
      %dma_wait3A_237 = tpu.memref_squeeze %dma_wait3A_236 : memref<1x32x512xf32, #tpu.memory_space<hbm>> -> memref<32x512xf32, #tpu.memory_space<hbm>>
      %dma_wait3A_238 = arith.constant 0 : i32
      %dma_wait3A_239 = tpu.memref_slice %arg9[%arg0, %add3A_110, %dma_wait3A_238] : memref<2x4096x512xf32, #tpu.memory_space<hbm>> -> memref<1x32x512xf32, #tpu.memory_space<hbm>>
      %dma_wait3A_240 = tpu.memref_squeeze %dma_wait3A_239 : memref<1x32x512xf32, #tpu.memory_space<hbm>> -> memref<32x512xf32, #tpu.memory_space<hbm>>
      tpu.wait_dma2 semaphore(%run_scoped3A : memref<!tpu.dma_semaphore, #tpu.memory_space<semaphore_mem>>) src(%arg19 : memref<32x512xf32, #tpu.memory_space<vmem>>) dst(%dma_wait3A_240 : memref<32x512xf32, #tpu.memory_space<hbm>>)
      tpu.yield
    }) : () -> ()
    %mul3A_114 = arith.constant 256 : i32
    %mul3A_115 = arith.muli %arg1, %mul3A_114 : i32
    %add3A_116 = arith.constant 96 : i32
    %add3A_117 = arith.addi %mul3A_115, %add3A_116 : i32
    "tpu.region"() ({
      %run_scoped3A = tpu.sem_alloc : memref<!tpu.dma_semaphore, #tpu.memory_space<semaphore_mem>>
      %dma_start3A_229 = tpu.memref_slice %arg7[%arg0, %add3A_117] : memref<2x4096xi32, #tpu.memory_space<hbm>> -> memref<1x32xi32, #tpu.memory_space<hbm>>
      %dma_start3A_230 = tpu.memref_squeeze %dma_start3A_229 : memref<1x32xi32, #tpu.memory_space<hbm>> -> memref<32xi32, #tpu.memory_space<hbm>>
      %dma_start3A_231 = tpu.memref_slice %arg7[%arg0, %add3A_117] : memref<2x4096xi32, #tpu.memory_space<hbm>> -> memref<1x32xi32, #tpu.memory_space<hbm>>
      %dma_start3A_232 = tpu.memref_squeeze %dma_start3A_231 : memref<1x32xi32, #tpu.memory_space<hbm>> -> memref<32xi32, #tpu.memory_space<hbm>>
      tpu.enqueue_dma source(%dma_start3A_232 : memref<32xi32, #tpu.memory_space<hbm>>) target(%arg15 : memref<32xi32, #tpu.memory_space<vmem>>) target_semaphore(%run_scoped3A : memref<!tpu.dma_semaphore, #tpu.memory_space<semaphore_mem>>)
      %dma_wait3A_233 = tpu.memref_slice %arg7[%arg0, %add3A_117] : memref<2x4096xi32, #tpu.memory_space<hbm>> -> memref<1x32xi32, #tpu.memory_space<hbm>>
      %dma_wait3A_234 = tpu.memref_squeeze %dma_wait3A_233 : memref<1x32xi32, #tpu.memory_space<hbm>> -> memref<32xi32, #tpu.memory_space<hbm>>
      %dma_wait3A_235 = tpu.memref_slice %arg7[%arg0, %add3A_117] : memref<2x4096xi32, #tpu.memory_space<hbm>> -> memref<1x32xi32, #tpu.memory_space<hbm>>
      %dma_wait3A_236 = tpu.memref_squeeze %dma_wait3A_235 : memref<1x32xi32, #tpu.memory_space<hbm>> -> memref<32xi32, #tpu.memory_space<hbm>>
      tpu.wait_dma2 semaphore(%run_scoped3A : memref<!tpu.dma_semaphore, #tpu.memory_space<semaphore_mem>>) src(%dma_wait3A_236 : memref<32xi32, #tpu.memory_space<hbm>>) dst(%arg15 : memref<32xi32, #tpu.memory_space<vmem>>)
      tpu.yield
    }) : () -> ()
    %dma_start3A_118 = arith.constant 0 : i32
    %dma_start3A_119 = arith.constant 0 : i32
    %dma_start3A_120 = tpu.memref_slice %arg11[%dma_start3A_118, %dma_start3A_119] : memref<20480x512xf32, #tpu.memory_space<hbm>> -> memref<20480x512xf32, #tpu.memory_space<hbm>>
    tpu.enqueue_indirect_dma source(%dma_start3A_120 : memref<20480x512xf32, #tpu.memory_space<hbm>>) target(%arg19 : memref<32x512xf32, #tpu.memory_space<vmem>>) offsets(%arg15 : memref<32xi32, #tpu.memory_space<vmem>>) semaphore(%arg27 : memref<!tpu.dma_semaphore, #tpu.memory_space<semaphore_mem>>)
    %mul3A_121 = arith.constant 256 : i32
    %mul3A_122 = arith.muli %arg1, %mul3A_121 : i32
    %add3A_123 = arith.constant 64 : i32
    %add3A_124 = arith.addi %mul3A_122, %add3A_123 : i32
    %dma_wait3A_125 = arith.constant 0 : i32
    %dma_wait3A_126 = arith.constant 0 : i32
    %dma_wait3A_127 = tpu.memref_slice %arg11[%dma_wait3A_125, %dma_wait3A_126] : memref<20480x512xf32, #tpu.memory_space<hbm>> -> memref<20480x512xf32, #tpu.memory_space<hbm>>
    tpu.wait_indirect_dma semaphore(%arg26 : memref<!tpu.dma_semaphore, #tpu.memory_space<semaphore_mem>>) src(%dma_wait3A_127 : memref<20480x512xf32, #tpu.memory_space<hbm>>) dst(%arg18 : memref<32x512xf32, #tpu.memory_space<vmem>>)
    "tpu.region"() ({
      %run_scoped3A = tpu.sem_alloc : memref<!tpu.dma_semaphore, #tpu.memory_space<semaphore_mem>>
      %dma_start3A_229 = arith.constant 0 : i32
      %dma_start3A_230 = tpu.memref_slice %arg9[%arg0, %add3A_124, %dma_start3A_229] : memref<2x4096x512xf32, #tpu.memory_space<hbm>> -> memref<1x32x512xf32, #tpu.memory_space<hbm>>
      %dma_start3A_231 = tpu.memref_squeeze %dma_start3A_230 : memref<1x32x512xf32, #tpu.memory_space<hbm>> -> memref<32x512xf32, #tpu.memory_space<hbm>>
      %dma_start3A_232 = arith.constant 0 : i32
      %dma_start3A_233 = tpu.memref_slice %arg9[%arg0, %add3A_124, %dma_start3A_232] : memref<2x4096x512xf32, #tpu.memory_space<hbm>> -> memref<1x32x512xf32, #tpu.memory_space<hbm>>
      %dma_start3A_234 = tpu.memref_squeeze %dma_start3A_233 : memref<1x32x512xf32, #tpu.memory_space<hbm>> -> memref<32x512xf32, #tpu.memory_space<hbm>>
      tpu.enqueue_dma source(%arg18 : memref<32x512xf32, #tpu.memory_space<vmem>>) target(%dma_start3A_234 : memref<32x512xf32, #tpu.memory_space<hbm>>) target_semaphore(%run_scoped3A : memref<!tpu.dma_semaphore, #tpu.memory_space<semaphore_mem>>)
      %dma_wait3A_235 = arith.constant 0 : i32
      %dma_wait3A_236 = tpu.memref_slice %arg9[%arg0, %add3A_124, %dma_wait3A_235] : memref<2x4096x512xf32, #tpu.memory_space<hbm>> -> memref<1x32x512xf32, #tpu.memory_space<hbm>>
      %dma_wait3A_237 = tpu.memref_squeeze %dma_wait3A_236 : memref<1x32x512xf32, #tpu.memory_space<hbm>> -> memref<32x512xf32, #tpu.memory_space<hbm>>
      %dma_wait3A_238 = arith.constant 0 : i32
      %dma_wait3A_239 = tpu.memref_slice %arg9[%arg0, %add3A_124, %dma_wait3A_238] : memref<2x4096x512xf32, #tpu.memory_space<hbm>> -> memref<1x32x512xf32, #tpu.memory_space<hbm>>
      %dma_wait3A_240 = tpu.memref_squeeze %dma_wait3A_239 : memref<1x32x512xf32, #tpu.memory_space<hbm>> -> memref<32x512xf32, #tpu.memory_space<hbm>>
      tpu.wait_dma2 semaphore(%run_scoped3A : memref<!tpu.dma_semaphore, #tpu.memory_space<semaphore_mem>>) src(%arg18 : memref<32x512xf32, #tpu.memory_space<vmem>>) dst(%dma_wait3A_240 : memref<32x512xf32, #tpu.memory_space<hbm>>)
      tpu.yield
    }) : () -> ()
    %mul3A_128 = arith.constant 256 : i32
    %mul3A_129 = arith.muli %arg1, %mul3A_128 : i32
    %add3A_130 = arith.constant 128 : i32
    %add3A_131 = arith.addi %mul3A_129, %add3A_130 : i32
    "tpu.region"() ({
      %run_scoped3A = tpu.sem_alloc : memref<!tpu.dma_semaphore, #tpu.memory_space<semaphore_mem>>
      %dma_start3A_229 = tpu.memref_slice %arg7[%arg0, %add3A_131] : memref<2x4096xi32, #tpu.memory_space<hbm>> -> memref<1x32xi32, #tpu.memory_space<hbm>>
      %dma_start3A_230 = tpu.memref_squeeze %dma_start3A_229 : memref<1x32xi32, #tpu.memory_space<hbm>> -> memref<32xi32, #tpu.memory_space<hbm>>
      %dma_start3A_231 = tpu.memref_slice %arg7[%arg0, %add3A_131] : memref<2x4096xi32, #tpu.memory_space<hbm>> -> memref<1x32xi32, #tpu.memory_space<hbm>>
      %dma_start3A_232 = tpu.memref_squeeze %dma_start3A_231 : memref<1x32xi32, #tpu.memory_space<hbm>> -> memref<32xi32, #tpu.memory_space<hbm>>
      tpu.enqueue_dma source(%dma_start3A_232 : memref<32xi32, #tpu.memory_space<hbm>>) target(%arg16 : memref<32xi32, #tpu.memory_space<vmem>>) target_semaphore(%run_scoped3A : memref<!tpu.dma_semaphore, #tpu.memory_space<semaphore_mem>>)
      %dma_wait3A_233 = tpu.memref_slice %arg7[%arg0, %add3A_131] : memref<2x4096xi32, #tpu.memory_space<hbm>> -> memref<1x32xi32, #tpu.memory_space<hbm>>
      %dma_wait3A_234 = tpu.memref_squeeze %dma_wait3A_233 : memref<1x32xi32, #tpu.memory_space<hbm>> -> memref<32xi32, #tpu.memory_space<hbm>>
      %dma_wait3A_235 = tpu.memref_slice %arg7[%arg0, %add3A_131] : memref<2x4096xi32, #tpu.memory_space<hbm>> -> memref<1x32xi32, #tpu.memory_space<hbm>>
      %dma_wait3A_236 = tpu.memref_squeeze %dma_wait3A_235 : memref<1x32xi32, #tpu.memory_space<hbm>> -> memref<32xi32, #tpu.memory_space<hbm>>
      tpu.wait_dma2 semaphore(%run_scoped3A : memref<!tpu.dma_semaphore, #tpu.memory_space<semaphore_mem>>) src(%dma_wait3A_236 : memref<32xi32, #tpu.memory_space<hbm>>) dst(%arg16 : memref<32xi32, #tpu.memory_space<vmem>>)
      tpu.yield
    }) : () -> ()
    %dma_start3A_132 = arith.constant 0 : i32
    %dma_start3A_133 = arith.constant 0 : i32
    %dma_start3A_134 = tpu.memref_slice %arg11[%dma_start3A_132, %dma_start3A_133] : memref<20480x512xf32, #tpu.memory_space<hbm>> -> memref<20480x512xf32, #tpu.memory_space<hbm>>
    tpu.enqueue_indirect_dma source(%dma_start3A_134 : memref<20480x512xf32, #tpu.memory_space<hbm>>) target(%arg18 : memref<32x512xf32, #tpu.memory_space<vmem>>) offsets(%arg16 : memref<32xi32, #tpu.memory_space<vmem>>) semaphore(%arg26 : memref<!tpu.dma_semaphore, #tpu.memory_space<semaphore_mem>>)
    %mul3A_135 = arith.constant 256 : i32
    %mul3A_136 = arith.muli %arg1, %mul3A_135 : i32
    %add3A_137 = arith.constant 96 : i32
    %add3A_138 = arith.addi %mul3A_136, %add3A_137 : i32
    %dma_wait3A_139 = arith.constant 0 : i32
    %dma_wait3A_140 = arith.constant 0 : i32
    %dma_wait3A_141 = tpu.memref_slice %arg11[%dma_wait3A_139, %dma_wait3A_140] : memref<20480x512xf32, #tpu.memory_space<hbm>> -> memref<20480x512xf32, #tpu.memory_space<hbm>>
    tpu.wait_indirect_dma semaphore(%arg27 : memref<!tpu.dma_semaphore, #tpu.memory_space<semaphore_mem>>) src(%dma_wait3A_141 : memref<20480x512xf32, #tpu.memory_space<hbm>>) dst(%arg19 : memref<32x512xf32, #tpu.memory_space<vmem>>)
    "tpu.region"() ({
      %run_scoped3A = tpu.sem_alloc : memref<!tpu.dma_semaphore, #tpu.memory_space<semaphore_mem>>
      %dma_start3A_229 = arith.constant 0 : i32
      %dma_start3A_230 = tpu.memref_slice %arg9[%arg0, %add3A_138, %dma_start3A_229] : memref<2x4096x512xf32, #tpu.memory_space<hbm>> -> memref<1x32x512xf32, #tpu.memory_space<hbm>>
      %dma_start3A_231 = tpu.memref_squeeze %dma_start3A_230 : memref<1x32x512xf32, #tpu.memory_space<hbm>> -> memref<32x512xf32, #tpu.memory_space<hbm>>
      %dma_start3A_232 = arith.constant 0 : i32
      %dma_start3A_233 = tpu.memref_slice %arg9[%arg0, %add3A_138, %dma_start3A_232] : memref<2x4096x512xf32, #tpu.memory_space<hbm>> -> memref<1x32x512xf32, #tpu.memory_space<hbm>>
      %dma_start3A_234 = tpu.memref_squeeze %dma_start3A_233 : memref<1x32x512xf32, #tpu.memory_space<hbm>> -> memref<32x512xf32, #tpu.memory_space<hbm>>
      tpu.enqueue_dma source(%arg19 : memref<32x512xf32, #tpu.memory_space<vmem>>) target(%dma_start3A_234 : memref<32x512xf32, #tpu.memory_space<hbm>>) target_semaphore(%run_scoped3A : memref<!tpu.dma_semaphore, #tpu.memory_space<semaphore_mem>>)
      %dma_wait3A_235 = arith.constant 0 : i32
      %dma_wait3A_236 = tpu.memref_slice %arg9[%arg0, %add3A_138, %dma_wait3A_235] : memref<2x4096x512xf32, #tpu.memory_space<hbm>> -> memref<1x32x512xf32, #tpu.memory_space<hbm>>
      %dma_wait3A_237 = tpu.memref_squeeze %dma_wait3A_236 : memref<1x32x512xf32, #tpu.memory_space<hbm>> -> memref<32x512xf32, #tpu.memory_space<hbm>>
      %dma_wait3A_238 = arith.constant 0 : i32
      %dma_wait3A_239 = tpu.memref_slice %arg9[%arg0, %add3A_138, %dma_wait3A_238] : memref<2x4096x512xf32, #tpu.memory_space<hbm>> -> memref<1x32x512xf32, #tpu.memory_space<hbm>>
      %dma_wait3A_240 = tpu.memref_squeeze %dma_wait3A_239 : memref<1x32x512xf32, #tpu.memory_space<hbm>> -> memref<32x512xf32, #tpu.memory_space<hbm>>
      tpu.wait_dma2 semaphore(%run_scoped3A : memref<!tpu.dma_semaphore, #tpu.memory_space<semaphore_mem>>) src(%arg19 : memref<32x512xf32, #tpu.memory_space<vmem>>) dst(%dma_wait3A_240 : memref<32x512xf32, #tpu.memory_space<hbm>>)
      tpu.yield
    }) : () -> ()
    %mul3A_142 = arith.constant 256 : i32
    %mul3A_143 = arith.muli %arg1, %mul3A_142 : i32
    %add3A_144 = arith.constant 160 : i32
    %add3A_145 = arith.addi %mul3A_143, %add3A_144 : i32
    "tpu.region"() ({
      %run_scoped3A = tpu.sem_alloc : memref<!tpu.dma_semaphore, #tpu.memory_space<semaphore_mem>>
      %dma_start3A_229 = tpu.memref_slice %arg7[%arg0, %add3A_145] : memref<2x4096xi32, #tpu.memory_space<hbm>> -> memref<1x32xi32, #tpu.memory_space<hbm>>
      %dma_start3A_230 = tpu.memref_squeeze %dma_start3A_229 : memref<1x32xi32, #tpu.memory_space<hbm>> -> memref<32xi32, #tpu.memory_space<hbm>>
      %dma_start3A_231 = tpu.memref_slice %arg7[%arg0, %add3A_145] : memref<2x4096xi32, #tpu.memory_space<hbm>> -> memref<1x32xi32, #tpu.memory_space<hbm>>
      %dma_start3A_232 = tpu.memref_squeeze %dma_start3A_231 : memref<1x32xi32, #tpu.memory_space<hbm>> -> memref<32xi32, #tpu.memory_space<hbm>>
      tpu.enqueue_dma source(%dma_start3A_232 : memref<32xi32, #tpu.memory_space<hbm>>) target(%arg15 : memref<32xi32, #tpu.memory_space<vmem>>) target_semaphore(%run_scoped3A : memref<!tpu.dma_semaphore, #tpu.memory_space<semaphore_mem>>)
      %dma_wait3A_233 = tpu.memref_slice %arg7[%arg0, %add3A_145] : memref<2x4096xi32, #tpu.memory_space<hbm>> -> memref<1x32xi32, #tpu.memory_space<hbm>>
      %dma_wait3A_234 = tpu.memref_squeeze %dma_wait3A_233 : memref<1x32xi32, #tpu.memory_space<hbm>> -> memref<32xi32, #tpu.memory_space<hbm>>
      %dma_wait3A_235 = tpu.memref_slice %arg7[%arg0, %add3A_145] : memref<2x4096xi32, #tpu.memory_space<hbm>> -> memref<1x32xi32, #tpu.memory_space<hbm>>
      %dma_wait3A_236 = tpu.memref_squeeze %dma_wait3A_235 : memref<1x32xi32, #tpu.memory_space<hbm>> -> memref<32xi32, #tpu.memory_space<hbm>>
      tpu.wait_dma2 semaphore(%run_scoped3A : memref<!tpu.dma_semaphore, #tpu.memory_space<semaphore_mem>>) src(%dma_wait3A_236 : memref<32xi32, #tpu.memory_space<hbm>>) dst(%arg15 : memref<32xi32, #tpu.memory_space<vmem>>)
      tpu.yield
    }) : () -> ()
    %dma_start3A_146 = arith.constant 0 : i32
    %dma_start3A_147 = arith.constant 0 : i32
    %dma_start3A_148 = tpu.memref_slice %arg11[%dma_start3A_146, %dma_start3A_147] : memref<20480x512xf32, #tpu.memory_space<hbm>> -> memref<20480x512xf32, #tpu.memory_space<hbm>>
    tpu.enqueue_indirect_dma source(%dma_start3A_148 : memref<20480x512xf32, #tpu.memory_space<hbm>>) target(%arg19 : memref<32x512xf32, #tpu.memory_space<vmem>>) offsets(%arg15 : memref<32xi32, #tpu.memory_space<vmem>>) semaphore(%arg27 : memref<!tpu.dma_semaphore, #tpu.memory_space<semaphore_mem>>)
    %mul3A_149 = arith.constant 256 : i32
    %mul3A_150 = arith.muli %arg1, %mul3A_149 : i32
    %add3A_151 = arith.constant 128 : i32
    %add3A_152 = arith.addi %mul3A_150, %add3A_151 : i32
    %dma_wait3A_153 = arith.constant 0 : i32
    %dma_wait3A_154 = arith.constant 0 : i32
    %dma_wait3A_155 = tpu.memref_slice %arg11[%dma_wait3A_153, %dma_wait3A_154] : memref<20480x512xf32, #tpu.memory_space<hbm>> -> memref<20480x512xf32, #tpu.memory_space<hbm>>
    tpu.wait_indirect_dma semaphore(%arg26 : memref<!tpu.dma_semaphore, #tpu.memory_space<semaphore_mem>>) src(%dma_wait3A_155 : memref<20480x512xf32, #tpu.memory_space<hbm>>) dst(%arg18 : memref<32x512xf32, #tpu.memory_space<vmem>>)
    "tpu.region"() ({
      %run_scoped3A = tpu.sem_alloc : memref<!tpu.dma_semaphore, #tpu.memory_space<semaphore_mem>>
      %dma_start3A_229 = arith.constant 0 : i32
      %dma_start3A_230 = tpu.memref_slice %arg9[%arg0, %add3A_152, %dma_start3A_229] : memref<2x4096x512xf32, #tpu.memory_space<hbm>> -> memref<1x32x512xf32, #tpu.memory_space<hbm>>
      %dma_start3A_231 = tpu.memref_squeeze %dma_start3A_230 : memref<1x32x512xf32, #tpu.memory_space<hbm>> -> memref<32x512xf32, #tpu.memory_space<hbm>>
      %dma_start3A_232 = arith.constant 0 : i32
      %dma_start3A_233 = tpu.memref_slice %arg9[%arg0, %add3A_152, %dma_start3A_232] : memref<2x4096x512xf32, #tpu.memory_space<hbm>> -> memref<1x32x512xf32, #tpu.memory_space<hbm>>
      %dma_start3A_234 = tpu.memref_squeeze %dma_start3A_233 : memref<1x32x512xf32, #tpu.memory_space<hbm>> -> memref<32x512xf32, #tpu.memory_space<hbm>>
      tpu.enqueue_dma source(%arg18 : memref<32x512xf32, #tpu.memory_space<vmem>>) target(%dma_start3A_234 : memref<32x512xf32, #tpu.memory_space<hbm>>) target_semaphore(%run_scoped3A : memref<!tpu.dma_semaphore, #tpu.memory_space<semaphore_mem>>)
      %dma_wait3A_235 = arith.constant 0 : i32
      %dma_wait3A_236 = tpu.memref_slice %arg9[%arg0, %add3A_152, %dma_wait3A_235] : memref<2x4096x512xf32, #tpu.memory_space<hbm>> -> memref<1x32x512xf32, #tpu.memory_space<hbm>>
      %dma_wait3A_237 = tpu.memref_squeeze %dma_wait3A_236 : memref<1x32x512xf32, #tpu.memory_space<hbm>> -> memref<32x512xf32, #tpu.memory_space<hbm>>
      %dma_wait3A_238 = arith.constant 0 : i32
      %dma_wait3A_239 = tpu.memref_slice %arg9[%arg0, %add3A_152, %dma_wait3A_238] : memref<2x4096x512xf32, #tpu.memory_space<hbm>> -> memref<1x32x512xf32, #tpu.memory_space<hbm>>
      %dma_wait3A_240 = tpu.memref_squeeze %dma_wait3A_239 : memref<1x32x512xf32, #tpu.memory_space<hbm>> -> memref<32x512xf32, #tpu.memory_space<hbm>>
      tpu.wait_dma2 semaphore(%run_scoped3A : memref<!tpu.dma_semaphore, #tpu.memory_space<semaphore_mem>>) src(%arg18 : memref<32x512xf32, #tpu.memory_space<vmem>>) dst(%dma_wait3A_240 : memref<32x512xf32, #tpu.memory_space<hbm>>)
      tpu.yield
    }) : () -> ()
    %mul3A_156 = arith.constant 256 : i32
    %mul3A_157 = arith.muli %arg1, %mul3A_156 : i32
    %add3A_158 = arith.constant 192 : i32
    %add3A_159 = arith.addi %mul3A_157, %add3A_158 : i32
    "tpu.region"() ({
      %run_scoped3A = tpu.sem_alloc : memref<!tpu.dma_semaphore, #tpu.memory_space<semaphore_mem>>
      %dma_start3A_229 = tpu.memref_slice %arg7[%arg0, %add3A_159] : memref<2x4096xi32, #tpu.memory_space<hbm>> -> memref<1x32xi32, #tpu.memory_space<hbm>>
      %dma_start3A_230 = tpu.memref_squeeze %dma_start3A_229 : memref<1x32xi32, #tpu.memory_space<hbm>> -> memref<32xi32, #tpu.memory_space<hbm>>
      %dma_start3A_231 = tpu.memref_slice %arg7[%arg0, %add3A_159] : memref<2x4096xi32, #tpu.memory_space<hbm>> -> memref<1x32xi32, #tpu.memory_space<hbm>>
      %dma_start3A_232 = tpu.memref_squeeze %dma_start3A_231 : memref<1x32xi32, #tpu.memory_space<hbm>> -> memref<32xi32, #tpu.memory_space<hbm>>
      tpu.enqueue_dma source(%dma_start3A_232 : memref<32xi32, #tpu.memory_space<hbm>>) target(%arg16 : memref<32xi32, #tpu.memory_space<vmem>>) target_semaphore(%run_scoped3A : memref<!tpu.dma_semaphore, #tpu.memory_space<semaphore_mem>>)
      %dma_wait3A_233 = tpu.memref_slice %arg7[%arg0, %add3A_159] : memref<2x4096xi32, #tpu.memory_space<hbm>> -> memref<1x32xi32, #tpu.memory_space<hbm>>
      %dma_wait3A_234 = tpu.memref_squeeze %dma_wait3A_233 : memref<1x32xi32, #tpu.memory_space<hbm>> -> memref<32xi32, #tpu.memory_space<hbm>>
      %dma_wait3A_235 = tpu.memref_slice %arg7[%arg0, %add3A_159] : memref<2x4096xi32, #tpu.memory_space<hbm>> -> memref<1x32xi32, #tpu.memory_space<hbm>>
      %dma_wait3A_236 = tpu.memref_squeeze %dma_wait3A_235 : memref<1x32xi32, #tpu.memory_space<hbm>> -> memref<32xi32, #tpu.memory_space<hbm>>
      tpu.wait_dma2 semaphore(%run_scoped3A : memref<!tpu.dma_semaphore, #tpu.memory_space<semaphore_mem>>) src(%dma_wait3A_236 : memref<32xi32, #tpu.memory_space<hbm>>) dst(%arg16 : memref<32xi32, #tpu.memory_space<vmem>>)
      tpu.yield
    }) : () -> ()
    %dma_start3A_160 = arith.constant 0 : i32
    %dma_start3A_161 = arith.constant 0 : i32
    %dma_start3A_162 = tpu.memref_slice %arg11[%dma_start3A_160, %dma_start3A_161] : memref<20480x512xf32, #tpu.memory_space<hbm>> -> memref<20480x512xf32, #tpu.memory_space<hbm>>
    tpu.enqueue_indirect_dma source(%dma_start3A_162 : memref<20480x512xf32, #tpu.memory_space<hbm>>) target(%arg18 : memref<32x512xf32, #tpu.memory_space<vmem>>) offsets(%arg16 : memref<32xi32, #tpu.memory_space<vmem>>) semaphore(%arg26 : memref<!tpu.dma_semaphore, #tpu.memory_space<semaphore_mem>>)
    %mul3A_163 = arith.constant 256 : i32
    %mul3A_164 = arith.muli %arg1, %mul3A_163 : i32
    %add3A_165 = arith.constant 160 : i32
    %add3A_166 = arith.addi %mul3A_164, %add3A_165 : i32
    %dma_wait3A_167 = arith.constant 0 : i32
    %dma_wait3A_168 = arith.constant 0 : i32
    %dma_wait3A_169 = tpu.memref_slice %arg11[%dma_wait3A_167, %dma_wait3A_168] : memref<20480x512xf32, #tpu.memory_space<hbm>> -> memref<20480x512xf32, #tpu.memory_space<hbm>>
    tpu.wait_indirect_dma semaphore(%arg27 : memref<!tpu.dma_semaphore, #tpu.memory_space<semaphore_mem>>) src(%dma_wait3A_169 : memref<20480x512xf32, #tpu.memory_space<hbm>>) dst(%arg19 : memref<32x512xf32, #tpu.memory_space<vmem>>)
    "tpu.region"() ({
      %run_scoped3A = tpu.sem_alloc : memref<!tpu.dma_semaphore, #tpu.memory_space<semaphore_mem>>
      %dma_start3A_229 = arith.constant 0 : i32
      %dma_start3A_230 = tpu.memref_slice %arg9[%arg0, %add3A_166, %dma_start3A_229] : memref<2x4096x512xf32, #tpu.memory_space<hbm>> -> memref<1x32x512xf32, #tpu.memory_space<hbm>>
      %dma_start3A_231 = tpu.memref_squeeze %dma_start3A_230 : memref<1x32x512xf32, #tpu.memory_space<hbm>> -> memref<32x512xf32, #tpu.memory_space<hbm>>
      %dma_start3A_232 = arith.constant 0 : i32
      %dma_start3A_233 = tpu.memref_slice %arg9[%arg0, %add3A_166, %dma_start3A_232] : memref<2x4096x512xf32, #tpu.memory_space<hbm>> -> memref<1x32x512xf32, #tpu.memory_space<hbm>>
      %dma_start3A_234 = tpu.memref_squeeze %dma_start3A_233 : memref<1x32x512xf32, #tpu.memory_space<hbm>> -> memref<32x512xf32, #tpu.memory_space<hbm>>
      tpu.enqueue_dma source(%arg19 : memref<32x512xf32, #tpu.memory_space<vmem>>) target(%dma_start3A_234 : memref<32x512xf32, #tpu.memory_space<hbm>>) target_semaphore(%run_scoped3A : memref<!tpu.dma_semaphore, #tpu.memory_space<semaphore_mem>>)
      %dma_wait3A_235 = arith.constant 0 : i32
      %dma_wait3A_236 = tpu.memref_slice %arg9[%arg0, %add3A_166, %dma_wait3A_235] : memref<2x4096x512xf32, #tpu.memory_space<hbm>> -> memref<1x32x512xf32, #tpu.memory_space<hbm>>
      %dma_wait3A_237 = tpu.memref_squeeze %dma_wait3A_236 : memref<1x32x512xf32, #tpu.memory_space<hbm>> -> memref<32x512xf32, #tpu.memory_space<hbm>>
      %dma_wait3A_238 = arith.constant 0 : i32
      %dma_wait3A_239 = tpu.memref_slice %arg9[%arg0, %add3A_166, %dma_wait3A_238] : memref<2x4096x512xf32, #tpu.memory_space<hbm>> -> memref<1x32x512xf32, #tpu.memory_space<hbm>>
      %dma_wait3A_240 = tpu.memref_squeeze %dma_wait3A_239 : memref<1x32x512xf32, #tpu.memory_space<hbm>> -> memref<32x512xf32, #tpu.memory_space<hbm>>
      tpu.wait_dma2 semaphore(%run_scoped3A : memref<!tpu.dma_semaphore, #tpu.memory_space<semaphore_mem>>) src(%arg19 : memref<32x512xf32, #tpu.memory_space<vmem>>) dst(%dma_wait3A_240 : memref<32x512xf32, #tpu.memory_space<hbm>>)
      tpu.yield
    }) : () -> ()
    %mul3A_170 = arith.constant 256 : i32
    %mul3A_171 = arith.muli %arg1, %mul3A_170 : i32
    %add3A_172 = arith.constant 224 : i32
    %add3A_173 = arith.addi %mul3A_171, %add3A_172 : i32
    "tpu.region"() ({
      %run_scoped3A = tpu.sem_alloc : memref<!tpu.dma_semaphore, #tpu.memory_space<semaphore_mem>>
      %dma_start3A_229 = tpu.memref_slice %arg7[%arg0, %add3A_173] : memref<2x4096xi32, #tpu.memory_space<hbm>> -> memref<1x32xi32, #tpu.memory_space<hbm>>
      %dma_start3A_230 = tpu.memref_squeeze %dma_start3A_229 : memref<1x32xi32, #tpu.memory_space<hbm>> -> memref<32xi32, #tpu.memory_space<hbm>>
      %dma_start3A_231 = tpu.memref_slice %arg7[%arg0, %add3A_173] : memref<2x4096xi32, #tpu.memory_space<hbm>> -> memref<1x32xi32, #tpu.memory_space<hbm>>
      %dma_start3A_232 = tpu.memref_squeeze %dma_start3A_231 : memref<1x32xi32, #tpu.memory_space<hbm>> -> memref<32xi32, #tpu.memory_space<hbm>>
      tpu.enqueue_dma source(%dma_start3A_232 : memref<32xi32, #tpu.memory_space<hbm>>) target(%arg15 : memref<32xi32, #tpu.memory_space<vmem>>) target_semaphore(%run_scoped3A : memref<!tpu.dma_semaphore, #tpu.memory_space<semaphore_mem>>)
      %dma_wait3A_233 = tpu.memref_slice %arg7[%arg0, %add3A_173] : memref<2x4096xi32, #tpu.memory_space<hbm>> -> memref<1x32xi32, #tpu.memory_space<hbm>>
      %dma_wait3A_234 = tpu.memref_squeeze %dma_wait3A_233 : memref<1x32xi32, #tpu.memory_space<hbm>> -> memref<32xi32, #tpu.memory_space<hbm>>
      %dma_wait3A_235 = tpu.memref_slice %arg7[%arg0, %add3A_173] : memref<2x4096xi32, #tpu.memory_space<hbm>> -> memref<1x32xi32, #tpu.memory_space<hbm>>
      %dma_wait3A_236 = tpu.memref_squeeze %dma_wait3A_235 : memref<1x32xi32, #tpu.memory_space<hbm>> -> memref<32xi32, #tpu.memory_space<hbm>>
      tpu.wait_dma2 semaphore(%run_scoped3A : memref<!tpu.dma_semaphore, #tpu.memory_space<semaphore_mem>>) src(%dma_wait3A_236 : memref<32xi32, #tpu.memory_space<hbm>>) dst(%arg15 : memref<32xi32, #tpu.memory_space<vmem>>)
      tpu.yield
    }) : () -> ()
    %dma_start3A_174 = arith.constant 0 : i32
    %dma_start3A_175 = arith.constant 0 : i32
    %dma_start3A_176 = tpu.memref_slice %arg11[%dma_start3A_174, %dma_start3A_175] : memref<20480x512xf32, #tpu.memory_space<hbm>> -> memref<20480x512xf32, #tpu.memory_space<hbm>>
    tpu.enqueue_indirect_dma source(%dma_start3A_176 : memref<20480x512xf32, #tpu.memory_space<hbm>>) target(%arg19 : memref<32x512xf32, #tpu.memory_space<vmem>>) offsets(%arg15 : memref<32xi32, #tpu.memory_space<vmem>>) semaphore(%arg27 : memref<!tpu.dma_semaphore, #tpu.memory_space<semaphore_mem>>)
    %mul3A_177 = arith.constant 256 : i32
    %mul3A_178 = arith.muli %arg1, %mul3A_177 : i32
    %add3A_179 = arith.constant 192 : i32
    %add3A_180 = arith.addi %mul3A_178, %add3A_179 : i32
    %dma_wait3A_181 = arith.constant 0 : i32
    %dma_wait3A_182 = arith.constant 0 : i32
    %dma_wait3A_183 = tpu.memref_slice %arg11[%dma_wait3A_181, %dma_wait3A_182] : memref<20480x512xf32, #tpu.memory_space<hbm>> -> memref<20480x512xf32, #tpu.memory_space<hbm>>
    tpu.wait_indirect_dma semaphore(%arg26 : memref<!tpu.dma_semaphore, #tpu.memory_space<semaphore_mem>>) src(%dma_wait3A_183 : memref<20480x512xf32, #tpu.memory_space<hbm>>) dst(%arg18 : memref<32x512xf32, #tpu.memory_space<vmem>>)
    "tpu.region"() ({
      %run_scoped3A = tpu.sem_alloc : memref<!tpu.dma_semaphore, #tpu.memory_space<semaphore_mem>>
      %dma_start3A_229 = arith.constant 0 : i32
      %dma_start3A_230 = tpu.memref_slice %arg9[%arg0, %add3A_180, %dma_start3A_229] : memref<2x4096x512xf32, #tpu.memory_space<hbm>> -> memref<1x32x512xf32, #tpu.memory_space<hbm>>
      %dma_start3A_231 = tpu.memref_squeeze %dma_start3A_230 : memref<1x32x512xf32, #tpu.memory_space<hbm>> -> memref<32x512xf32, #tpu.memory_space<hbm>>
      %dma_start3A_232 = arith.constant 0 : i32
      %dma_start3A_233 = tpu.memref_slice %arg9[%arg0, %add3A_180, %dma_start3A_232] : memref<2x4096x512xf32, #tpu.memory_space<hbm>> -> memref<1x32x512xf32, #tpu.memory_space<hbm>>
      %dma_start3A_234 = tpu.memref_squeeze %dma_start3A_233 : memref<1x32x512xf32, #tpu.memory_space<hbm>> -> memref<32x512xf32, #tpu.memory_space<hbm>>
      tpu.enqueue_dma source(%arg18 : memref<32x512xf32, #tpu.memory_space<vmem>>) target(%dma_start3A_234 : memref<32x512xf32, #tpu.memory_space<hbm>>) target_semaphore(%run_scoped3A : memref<!tpu.dma_semaphore, #tpu.memory_space<semaphore_mem>>)
      %dma_wait3A_235 = arith.constant 0 : i32
      %dma_wait3A_236 = tpu.memref_slice %arg9[%arg0, %add3A_180, %dma_wait3A_235] : memref<2x4096x512xf32, #tpu.memory_space<hbm>> -> memref<1x32x512xf32, #tpu.memory_space<hbm>>
      %dma_wait3A_237 = tpu.memref_squeeze %dma_wait3A_236 : memref<1x32x512xf32, #tpu.memory_space<hbm>> -> memref<32x512xf32, #tpu.memory_space<hbm>>
      %dma_wait3A_238 = arith.constant 0 : i32
      %dma_wait3A_239 = tpu.memref_slice %arg9[%arg0, %add3A_180, %dma_wait3A_238] : memref<2x4096x512xf32, #tpu.memory_space<hbm>> -> memref<1x32x512xf32, #tpu.memory_space<hbm>>
      %dma_wait3A_240 = tpu.memref_squeeze %dma_wait3A_239 : memref<1x32x512xf32, #tpu.memory_space<hbm>> -> memref<32x512xf32, #tpu.memory_space<hbm>>
      tpu.wait_dma2 semaphore(%run_scoped3A : memref<!tpu.dma_semaphore, #tpu.memory_space<semaphore_mem>>) src(%arg18 : memref<32x512xf32, #tpu.memory_space<vmem>>) dst(%dma_wait3A_240 : memref<32x512xf32, #tpu.memory_space<hbm>>)
      tpu.yield
    }) : () -> ()
    %mul3A_184 = arith.constant 256 : i32
    %mul3A_185 = arith.muli %arg1, %mul3A_184 : i32
    %add3A_186 = arith.constant 224 : i32
    %add3A_187 = arith.addi %mul3A_185, %add3A_186 : i32
    %dma_wait3A_188 = arith.constant 0 : i32
    %dma_wait3A_189 = arith.constant 0 : i32
    %dma_wait3A_190 = tpu.memref_slice %arg11[%dma_wait3A_188, %dma_wait3A_189] : memref<20480x512xf32, #tpu.memory_space<hbm>> -> memref<20480x512xf32, #tpu.memory_space<hbm>>
    tpu.wait_indirect_dma semaphore(%arg27 : memref<!tpu.dma_semaphore, #tpu.memory_space<semaphore_mem>>) src(%dma_wait3A_190 : memref<20480x512xf32, #tpu.memory_space<hbm>>) dst(%arg19 : memref<32x512xf32, #tpu.memory_space<vmem>>)
    "tpu.region"() ({
      %run_scoped3A = tpu.sem_alloc : memref<!tpu.dma_semaphore, #tpu.memory_space<semaphore_mem>>
      %dma_start3A_229 = arith.constant 0 : i32
      %dma_start3A_230 = tpu.memref_slice %arg9[%arg0, %add3A_187, %dma_start3A_229] : memref<2x4096x512xf32, #tpu.memory_space<hbm>> -> memref<1x32x512xf32, #tpu.memory_space<hbm>>
      %dma_start3A_231 = tpu.memref_squeeze %dma_start3A_230 : memref<1x32x512xf32, #tpu.memory_space<hbm>> -> memref<32x512xf32, #tpu.memory_space<hbm>>
      %dma_start3A_232 = arith.constant 0 : i32
      %dma_start3A_233 = tpu.memref_slice %arg9[%arg0, %add3A_187, %dma_start3A_232] : memref<2x4096x512xf32, #tpu.memory_space<hbm>> -> memref<1x32x512xf32, #tpu.memory_space<hbm>>
      %dma_start3A_234 = tpu.memref_squeeze %dma_start3A_233 : memref<1x32x512xf32, #tpu.memory_space<hbm>> -> memref<32x512xf32, #tpu.memory_space<hbm>>
      tpu.enqueue_dma source(%arg19 : memref<32x512xf32, #tpu.memory_space<vmem>>) target(%dma_start3A_234 : memref<32x512xf32, #tpu.memory_space<hbm>>) target_semaphore(%run_scoped3A : memref<!tpu.dma_semaphore, #tpu.memory_space<semaphore_mem>>)
      %dma_wait3A_235 = arith.constant 0 : i32
      %dma_wait3A_236 = tpu.memref_slice %arg9[%arg0, %add3A_187, %dma_wait3A_235] : memref<2x4096x512xf32, #tpu.memory_space<hbm>> -> memref<1x32x512xf32, #tpu.memory_space<hbm>>
      %dma_wait3A_237 = tpu.memref_squeeze %dma_wait3A_236 : memref<1x32x512xf32, #tpu.memory_space<hbm>> -> memref<32x512xf32, #tpu.memory_space<hbm>>
      %dma_wait3A_238 = arith.constant 0 : i32
      %dma_wait3A_239 = tpu.memref_slice %arg9[%arg0, %add3A_187, %dma_wait3A_238] : memref<2x4096x512xf32, #tpu.memory_space<hbm>> -> memref<1x32x512xf32, #tpu.memory_space<hbm>>
      %dma_wait3A_240 = tpu.memref_squeeze %dma_wait3A_239 : memref<1x32x512xf32, #tpu.memory_space<hbm>> -> memref<32x512xf32, #tpu.memory_space<hbm>>
      tpu.wait_dma2 semaphore(%run_scoped3A : memref<!tpu.dma_semaphore, #tpu.memory_space<semaphore_mem>>) src(%arg19 : memref<32x512xf32, #tpu.memory_space<vmem>>) dst(%dma_wait3A_240 : memref<32x512xf32, #tpu.memory_space<hbm>>)
      tpu.yield
    }) : () -> ()
    %eq3A_191 = arith.constant 0 : i32
    %eq3A_192 = arith.cmpi eq, %arg0, %eq3A_191 : i32
    %convert_element_type3A = arith.extui %eq3A_192 : i1 to i32
    %cond3A = arith.constant 0 : i32
    %cond3A_193 = arith.cmpi ne, %convert_element_type3A, %cond3A : i32
    scf.if %cond3A_193 {
      %mul3A_229 = arith.constant 256 : i32
      %mul3A_230 = arith.muli %arg1, %mul3A_229 : i32
      %add3A_231 = arith.constant 0 : i32
      %add3A_232 = arith.addi %mul3A_230, %add3A_231 : i32
      "tpu.region"() ({
        %run_scoped3A = tpu.sem_alloc : memref<!tpu.dma_semaphore, #tpu.memory_space<semaphore_mem>>
        %dma_start3A_239 = tpu.memref_slice %arg6[%add3A_232] : memref<4096xi32, #tpu.memory_space<hbm>> -> memref<32xi32, #tpu.memory_space<hbm>>
        %dma_start3A_240 = tpu.memref_slice %arg6[%add3A_232] : memref<4096xi32, #tpu.memory_space<hbm>> -> memref<32xi32, #tpu.memory_space<hbm>>
        tpu.enqueue_dma source(%dma_start3A_240 : memref<32xi32, #tpu.memory_space<hbm>>) target(%arg15 : memref<32xi32, #tpu.memory_space<vmem>>) target_semaphore(%run_scoped3A : memref<!tpu.dma_semaphore, #tpu.memory_space<semaphore_mem>>)
        %dma_wait3A_241 = tpu.memref_slice %arg6[%add3A_232] : memref<4096xi32, #tpu.memory_space<hbm>> -> memref<32xi32, #tpu.memory_space<hbm>>
        %dma_wait3A_242 = tpu.memref_slice %arg6[%add3A_232] : memref<4096xi32, #tpu.memory_space<hbm>> -> memref<32xi32, #tpu.memory_space<hbm>>
        tpu.wait_dma2 semaphore(%run_scoped3A : memref<!tpu.dma_semaphore, #tpu.memory_space<semaphore_mem>>) src(%dma_wait3A_242 : memref<32xi32, #tpu.memory_space<hbm>>) dst(%arg15 : memref<32xi32, #tpu.memory_space<vmem>>)
        tpu.yield
      }) : () -> ()
      %dma_start3A_233 = arith.constant 0 : i32
      %dma_start3A_234 = arith.constant 0 : i32
      %dma_start3A_235 = tpu.memref_slice %arg2[%dma_start3A_233, %dma_start3A_234] : memref<10000x384xf32, #tpu.memory_space<hbm>> -> memref<10000x384xf32, #tpu.memory_space<hbm>>
      tpu.enqueue_indirect_dma source(%dma_start3A_235 : memref<10000x384xf32, #tpu.memory_space<hbm>>) target(%arg17 : memref<32x384xf32, #tpu.memory_space<vmem>>) offsets(%arg15 : memref<32xi32, #tpu.memory_space<vmem>>) semaphore(%arg27 : memref<!tpu.dma_semaphore, #tpu.memory_space<semaphore_mem>>)
      %dma_wait3A_236 = arith.constant 0 : i32
      %dma_wait3A_237 = arith.constant 0 : i32
      %dma_wait3A_238 = tpu.memref_slice %arg2[%dma_wait3A_236, %dma_wait3A_237] : memref<10000x384xf32, #tpu.memory_space<hbm>> -> memref<10000x384xf32, #tpu.memory_space<hbm>>
      tpu.wait_indirect_dma semaphore(%arg27 : memref<!tpu.dma_semaphore, #tpu.memory_space<semaphore_mem>>) src(%dma_wait3A_238 : memref<10000x384xf32, #tpu.memory_space<hbm>>) dst(%arg17 : memref<32x384xf32, #tpu.memory_space<vmem>>)
      "tpu.region"() ({
        %run_scoped3A = tpu.sem_alloc : memref<!tpu.dma_semaphore, #tpu.memory_space<semaphore_mem>>
        %dma_start3A_239 = arith.constant 0 : i32
        %dma_start3A_240 = tpu.memref_slice %arg10[%add3A_232, %dma_start3A_239] : memref<4096x384xf32, #tpu.memory_space<hbm>> -> memref<32x384xf32, #tpu.memory_space<hbm>>
        %dma_start3A_241 = arith.constant 0 : i32
        %dma_start3A_242 = tpu.memref_slice %arg10[%add3A_232, %dma_start3A_241] : memref<4096x384xf32, #tpu.memory_space<hbm>> -> memref<32x384xf32, #tpu.memory_space<hbm>>
        tpu.enqueue_dma source(%arg17 : memref<32x384xf32, #tpu.memory_space<vmem>>) target(%dma_start3A_242 : memref<32x384xf32, #tpu.memory_space<hbm>>) target_semaphore(%run_scoped3A : memref<!tpu.dma_semaphore, #tpu.memory_space<semaphore_mem>>)
        %dma_wait3A_243 = arith.constant 0 : i32
        %dma_wait3A_244 = tpu.memref_slice %arg10[%add3A_232, %dma_wait3A_243] : memref<4096x384xf32, #tpu.memory_space<hbm>> -> memref<32x384xf32, #tpu.memory_space<hbm>>
        %dma_wait3A_245 = arith.constant 0 : i32
        %dma_wait3A_246 = tpu.memref_slice %arg10[%add3A_232, %dma_wait3A_245] : memref<4096x384xf32, #tpu.memory_space<hbm>> -> memref<32x384xf32, #tpu.memory_space<hbm>>
        tpu.wait_dma2 semaphore(%run_scoped3A : memref<!tpu.dma_semaphore, #tpu.memory_space<semaphore_mem>>) src(%arg17 : memref<32x384xf32, #tpu.memory_space<vmem>>) dst(%dma_wait3A_246 : memref<32x384xf32, #tpu.memory_space<hbm>>)
        tpu.yield
      }) : () -> ()
    } else {
    }
    %eq3A_194 = arith.constant 1 : i32
    %eq3A_195 = arith.cmpi eq, %arg0, %eq3A_194 : i32
    %convert_element_type3A_196 = arith.extui %eq3A_195 : i1 to i32
    %cond3A_197 = arith.constant 0 : i32
    %cond3A_198 = arith.cmpi ne, %convert_element_type3A_196, %cond3A_197 : i32
    scf.if %cond3A_198 {
      %mul3A_229 = arith.constant 256 : i32
      %mul3A_230 = arith.muli %arg1, %mul3A_229 : i32
      %add3A_231 = arith.constant 128 : i32
      %add3A_232 = arith.addi %mul3A_230, %add3A_231 : i32
      "tpu.region"() ({
        %run_scoped3A = tpu.sem_alloc : memref<!tpu.dma_semaphore, #tpu.memory_space<semaphore_mem>>
        %dma_start3A_239 = tpu.memref_slice %arg6[%add3A_232] : memref<4096xi32, #tpu.memory_space<hbm>> -> memref<32xi32, #tpu.memory_space<hbm>>
        %dma_start3A_240 = tpu.memref_slice %arg6[%add3A_232] : memref<4096xi32, #tpu.memory_space<hbm>> -> memref<32xi32, #tpu.memory_space<hbm>>
        tpu.enqueue_dma source(%dma_start3A_240 : memref<32xi32, #tpu.memory_space<hbm>>) target(%arg15 : memref<32xi32, #tpu.memory_space<vmem>>) target_semaphore(%run_scoped3A : memref<!tpu.dma_semaphore, #tpu.memory_space<semaphore_mem>>)
        %dma_wait3A_241 = tpu.memref_slice %arg6[%add3A_232] : memref<4096xi32, #tpu.memory_space<hbm>> -> memref<32xi32, #tpu.memory_space<hbm>>
        %dma_wait3A_242 = tpu.memref_slice %arg6[%add3A_232] : memref<4096xi32, #tpu.memory_space<hbm>> -> memref<32xi32, #tpu.memory_space<hbm>>
        tpu.wait_dma2 semaphore(%run_scoped3A : memref<!tpu.dma_semaphore, #tpu.memory_space<semaphore_mem>>) src(%dma_wait3A_242 : memref<32xi32, #tpu.memory_space<hbm>>) dst(%arg15 : memref<32xi32, #tpu.memory_space<vmem>>)
        tpu.yield
      }) : () -> ()
      %dma_start3A_233 = arith.constant 0 : i32
      %dma_start3A_234 = arith.constant 0 : i32
      %dma_start3A_235 = tpu.memref_slice %arg2[%dma_start3A_233, %dma_start3A_234] : memref<10000x384xf32, #tpu.memory_space<hbm>> -> memref<10000x384xf32, #tpu.memory_space<hbm>>
      tpu.enqueue_indirect_dma source(%dma_start3A_235 : memref<10000x384xf32, #tpu.memory_space<hbm>>) target(%arg17 : memref<32x384xf32, #tpu.memory_space<vmem>>) offsets(%arg15 : memref<32xi32, #tpu.memory_space<vmem>>) semaphore(%arg27 : memref<!tpu.dma_semaphore, #tpu.memory_space<semaphore_mem>>)
      %dma_wait3A_236 = arith.constant 0 : i32
      %dma_wait3A_237 = arith.constant 0 : i32
      %dma_wait3A_238 = tpu.memref_slice %arg2[%dma_wait3A_236, %dma_wait3A_237] : memref<10000x384xf32, #tpu.memory_space<hbm>> -> memref<10000x384xf32, #tpu.memory_space<hbm>>
      tpu.wait_indirect_dma semaphore(%arg27 : memref<!tpu.dma_semaphore, #tpu.memory_space<semaphore_mem>>) src(%dma_wait3A_238 : memref<10000x384xf32, #tpu.memory_space<hbm>>) dst(%arg17 : memref<32x384xf32, #tpu.memory_space<vmem>>)
      "tpu.region"() ({
        %run_scoped3A = tpu.sem_alloc : memref<!tpu.dma_semaphore, #tpu.memory_space<semaphore_mem>>
        %dma_start3A_239 = arith.constant 0 : i32
        %dma_start3A_240 = tpu.memref_slice %arg10[%add3A_232, %dma_start3A_239] : memref<4096x384xf32, #tpu.memory_space<hbm>> -> memref<32x384xf32, #tpu.memory_space<hbm>>
        %dma_start3A_241 = arith.constant 0 : i32
        %dma_start3A_242 = tpu.memref_slice %arg10[%add3A_232, %dma_start3A_241] : memref<4096x384xf32, #tpu.memory_space<hbm>> -> memref<32x384xf32, #tpu.memory_space<hbm>>
        tpu.enqueue_dma source(%arg17 : memref<32x384xf32, #tpu.memory_space<vmem>>) target(%dma_start3A_242 : memref<32x384xf32, #tpu.memory_space<hbm>>) target_semaphore(%run_scoped3A : memref<!tpu.dma_semaphore, #tpu.memory_space<semaphore_mem>>)
        %dma_wait3A_243 = arith.constant 0 : i32
        %dma_wait3A_244 = tpu.memref_slice %arg10[%add3A_232, %dma_wait3A_243] : memref<4096x384xf32, #tpu.memory_space<hbm>> -> memref<32x384xf32, #tpu.memory_space<hbm>>
        %dma_wait3A_245 = arith.constant 0 : i32
        %dma_wait3A_246 = tpu.memref_slice %arg10[%add3A_232, %dma_wait3A_245] : memref<4096x384xf32, #tpu.memory_space<hbm>> -> memref<32x384xf32, #tpu.memory_space<hbm>>
        tpu.wait_dma2 semaphore(%run_scoped3A : memref<!tpu.dma_semaphore, #tpu.memory_space<semaphore_mem>>) src(%arg17 : memref<32x384xf32, #tpu.memory_space<vmem>>) dst(%dma_wait3A_246 : memref<32x384xf32, #tpu.memory_space<hbm>>)
        tpu.yield
      }) : () -> ()
    } else {
    }
    %eq3A_199 = arith.constant 0 : i32
    %eq3A_200 = arith.cmpi eq, %arg0, %eq3A_199 : i32
    %convert_element_type3A_201 = arith.extui %eq3A_200 : i1 to i32
    %cond3A_202 = arith.constant 0 : i32
    %cond3A_203 = arith.cmpi ne, %convert_element_type3A_201, %cond3A_202 : i32
    scf.if %cond3A_203 {
      %mul3A_229 = arith.constant 256 : i32
      %mul3A_230 = arith.muli %arg1, %mul3A_229 : i32
      %add3A_231 = arith.constant 32 : i32
      %add3A_232 = arith.addi %mul3A_230, %add3A_231 : i32
      "tpu.region"() ({
        %run_scoped3A = tpu.sem_alloc : memref<!tpu.dma_semaphore, #tpu.memory_space<semaphore_mem>>
        %dma_start3A_239 = tpu.memref_slice %arg6[%add3A_232] : memref<4096xi32, #tpu.memory_space<hbm>> -> memref<32xi32, #tpu.memory_space<hbm>>
        %dma_start3A_240 = tpu.memref_slice %arg6[%add3A_232] : memref<4096xi32, #tpu.memory_space<hbm>> -> memref<32xi32, #tpu.memory_space<hbm>>
        tpu.enqueue_dma source(%dma_start3A_240 : memref<32xi32, #tpu.memory_space<hbm>>) target(%arg15 : memref<32xi32, #tpu.memory_space<vmem>>) target_semaphore(%run_scoped3A : memref<!tpu.dma_semaphore, #tpu.memory_space<semaphore_mem>>)
        %dma_wait3A_241 = tpu.memref_slice %arg6[%add3A_232] : memref<4096xi32, #tpu.memory_space<hbm>> -> memref<32xi32, #tpu.memory_space<hbm>>
        %dma_wait3A_242 = tpu.memref_slice %arg6[%add3A_232] : memref<4096xi32, #tpu.memory_space<hbm>> -> memref<32xi32, #tpu.memory_space<hbm>>
        tpu.wait_dma2 semaphore(%run_scoped3A : memref<!tpu.dma_semaphore, #tpu.memory_space<semaphore_mem>>) src(%dma_wait3A_242 : memref<32xi32, #tpu.memory_space<hbm>>) dst(%arg15 : memref<32xi32, #tpu.memory_space<vmem>>)
        tpu.yield
      }) : () -> ()
      %dma_start3A_233 = arith.constant 0 : i32
      %dma_start3A_234 = arith.constant 0 : i32
      %dma_start3A_235 = tpu.memref_slice %arg2[%dma_start3A_233, %dma_start3A_234] : memref<10000x384xf32, #tpu.memory_space<hbm>> -> memref<10000x384xf32, #tpu.memory_space<hbm>>
      tpu.enqueue_indirect_dma source(%dma_start3A_235 : memref<10000x384xf32, #tpu.memory_space<hbm>>) target(%arg17 : memref<32x384xf32, #tpu.memory_space<vmem>>) offsets(%arg15 : memref<32xi32, #tpu.memory_space<vmem>>) semaphore(%arg27 : memref<!tpu.dma_semaphore, #tpu.memory_space<semaphore_mem>>)
      %dma_wait3A_236 = arith.constant 0 : i32
      %dma_wait3A_237 = arith.constant 0 : i32
      %dma_wait3A_238 = tpu.memref_slice %arg2[%dma_wait3A_236, %dma_wait3A_237] : memref<10000x384xf32, #tpu.memory_space<hbm>> -> memref<10000x384xf32, #tpu.memory_space<hbm>>
      tpu.wait_indirect_dma semaphore(%arg27 : memref<!tpu.dma_semaphore, #tpu.memory_space<semaphore_mem>>) src(%dma_wait3A_238 : memref<10000x384xf32, #tpu.memory_space<hbm>>) dst(%arg17 : memref<32x384xf32, #tpu.memory_space<vmem>>)
      "tpu.region"() ({
        %run_scoped3A = tpu.sem_alloc : memref<!tpu.dma_semaphore, #tpu.memory_space<semaphore_mem>>
        %dma_start3A_239 = arith.constant 0 : i32
        %dma_start3A_240 = tpu.memref_slice %arg10[%add3A_232, %dma_start3A_239] : memref<4096x384xf32, #tpu.memory_space<hbm>> -> memref<32x384xf32, #tpu.memory_space<hbm>>
        %dma_start3A_241 = arith.constant 0 : i32
        %dma_start3A_242 = tpu.memref_slice %arg10[%add3A_232, %dma_start3A_241] : memref<4096x384xf32, #tpu.memory_space<hbm>> -> memref<32x384xf32, #tpu.memory_space<hbm>>
        tpu.enqueue_dma source(%arg17 : memref<32x384xf32, #tpu.memory_space<vmem>>) target(%dma_start3A_242 : memref<32x384xf32, #tpu.memory_space<hbm>>) target_semaphore(%run_scoped3A : memref<!tpu.dma_semaphore, #tpu.memory_space<semaphore_mem>>)
        %dma_wait3A_243 = arith.constant 0 : i32
        %dma_wait3A_244 = tpu.memref_slice %arg10[%add3A_232, %dma_wait3A_243] : memref<4096x384xf32, #tpu.memory_space<hbm>> -> memref<32x384xf32, #tpu.memory_space<hbm>>
        %dma_wait3A_245 = arith.constant 0 : i32
        %dma_wait3A_246 = tpu.memref_slice %arg10[%add3A_232, %dma_wait3A_245] : memref<4096x384xf32, #tpu.memory_space<hbm>> -> memref<32x384xf32, #tpu.memory_space<hbm>>
        tpu.wait_dma2 semaphore(%run_scoped3A : memref<!tpu.dma_semaphore, #tpu.memory_space<semaphore_mem>>) src(%arg17 : memref<32x384xf32, #tpu.memory_space<vmem>>) dst(%dma_wait3A_246 : memref<32x384xf32, #tpu.memory_space<hbm>>)
        tpu.yield
      }) : () -> ()
    } else {
    }
    %eq3A_204 = arith.constant 1 : i32
    %eq3A_205 = arith.cmpi eq, %arg0, %eq3A_204 : i32
    %convert_element_type3A_206 = arith.extui %eq3A_205 : i1 to i32
    %cond3A_207 = arith.constant 0 : i32
    %cond3A_208 = arith.cmpi ne, %convert_element_type3A_206, %cond3A_207 : i32
    scf.if %cond3A_208 {
      %mul3A_229 = arith.constant 256 : i32
      %mul3A_230 = arith.muli %arg1, %mul3A_229 : i32
      %add3A_231 = arith.constant 160 : i32
      %add3A_232 = arith.addi %mul3A_230, %add3A_231 : i32
      "tpu.region"() ({
        %run_scoped3A = tpu.sem_alloc : memref<!tpu.dma_semaphore, #tpu.memory_space<semaphore_mem>>
        %dma_start3A_239 = tpu.memref_slice %arg6[%add3A_232] : memref<4096xi32, #tpu.memory_space<hbm>> -> memref<32xi32, #tpu.memory_space<hbm>>
        %dma_start3A_240 = tpu.memref_slice %arg6[%add3A_232] : memref<4096xi32, #tpu.memory_space<hbm>> -> memref<32xi32, #tpu.memory_space<hbm>>
        tpu.enqueue_dma source(%dma_start3A_240 : memref<32xi32, #tpu.memory_space<hbm>>) target(%arg15 : memref<32xi32, #tpu.memory_space<vmem>>) target_semaphore(%run_scoped3A : memref<!tpu.dma_semaphore, #tpu.memory_space<semaphore_mem>>)
        %dma_wait3A_241 = tpu.memref_slice %arg6[%add3A_232] : memref<4096xi32, #tpu.memory_space<hbm>> -> memref<32xi32, #tpu.memory_space<hbm>>
        %dma_wait3A_242 = tpu.memref_slice %arg6[%add3A_232] : memref<4096xi32, #tpu.memory_space<hbm>> -> memref<32xi32, #tpu.memory_space<hbm>>
        tpu.wait_dma2 semaphore(%run_scoped3A : memref<!tpu.dma_semaphore, #tpu.memory_space<semaphore_mem>>) src(%dma_wait3A_242 : memref<32xi32, #tpu.memory_space<hbm>>) dst(%arg15 : memref<32xi32, #tpu.memory_space<vmem>>)
        tpu.yield
      }) : () -> ()
      %dma_start3A_233 = arith.constant 0 : i32
      %dma_start3A_234 = arith.constant 0 : i32
      %dma_start3A_235 = tpu.memref_slice %arg2[%dma_start3A_233, %dma_start3A_234] : memref<10000x384xf32, #tpu.memory_space<hbm>> -> memref<10000x384xf32, #tpu.memory_space<hbm>>
      tpu.enqueue_indirect_dma source(%dma_start3A_235 : memref<10000x384xf32, #tpu.memory_space<hbm>>) target(%arg17 : memref<32x384xf32, #tpu.memory_space<vmem>>) offsets(%arg15 : memref<32xi32, #tpu.memory_space<vmem>>) semaphore(%arg27 : memref<!tpu.dma_semaphore, #tpu.memory_space<semaphore_mem>>)
      %dma_wait3A_236 = arith.constant 0 : i32
      %dma_wait3A_237 = arith.constant 0 : i32
      %dma_wait3A_238 = tpu.memref_slice %arg2[%dma_wait3A_236, %dma_wait3A_237] : memref<10000x384xf32, #tpu.memory_space<hbm>> -> memref<10000x384xf32, #tpu.memory_space<hbm>>
      tpu.wait_indirect_dma semaphore(%arg27 : memref<!tpu.dma_semaphore, #tpu.memory_space<semaphore_mem>>) src(%dma_wait3A_238 : memref<10000x384xf32, #tpu.memory_space<hbm>>) dst(%arg17 : memref<32x384xf32, #tpu.memory_space<vmem>>)
      "tpu.region"() ({
        %run_scoped3A = tpu.sem_alloc : memref<!tpu.dma_semaphore, #tpu.memory_space<semaphore_mem>>
        %dma_start3A_239 = arith.constant 0 : i32
        %dma_start3A_240 = tpu.memref_slice %arg10[%add3A_232, %dma_start3A_239] : memref<4096x384xf32, #tpu.memory_space<hbm>> -> memref<32x384xf32, #tpu.memory_space<hbm>>
        %dma_start3A_241 = arith.constant 0 : i32
        %dma_start3A_242 = tpu.memref_slice %arg10[%add3A_232, %dma_start3A_241] : memref<4096x384xf32, #tpu.memory_space<hbm>> -> memref<32x384xf32, #tpu.memory_space<hbm>>
        tpu.enqueue_dma source(%arg17 : memref<32x384xf32, #tpu.memory_space<vmem>>) target(%dma_start3A_242 : memref<32x384xf32, #tpu.memory_space<hbm>>) target_semaphore(%run_scoped3A : memref<!tpu.dma_semaphore, #tpu.memory_space<semaphore_mem>>)
        %dma_wait3A_243 = arith.constant 0 : i32
        %dma_wait3A_244 = tpu.memref_slice %arg10[%add3A_232, %dma_wait3A_243] : memref<4096x384xf32, #tpu.memory_space<hbm>> -> memref<32x384xf32, #tpu.memory_space<hbm>>
        %dma_wait3A_245 = arith.constant 0 : i32
        %dma_wait3A_246 = tpu.memref_slice %arg10[%add3A_232, %dma_wait3A_245] : memref<4096x384xf32, #tpu.memory_space<hbm>> -> memref<32x384xf32, #tpu.memory_space<hbm>>
        tpu.wait_dma2 semaphore(%run_scoped3A : memref<!tpu.dma_semaphore, #tpu.memory_space<semaphore_mem>>) src(%arg17 : memref<32x384xf32, #tpu.memory_space<vmem>>) dst(%dma_wait3A_246 : memref<32x384xf32, #tpu.memory_space<hbm>>)
        tpu.yield
      }) : () -> ()
    } else {
    }
    %eq3A_209 = arith.constant 0 : i32
    %eq3A_210 = arith.cmpi eq, %arg0, %eq3A_209 : i32
    %convert_element_type3A_211 = arith.extui %eq3A_210 : i1 to i32
    %cond3A_212 = arith.constant 0 : i32
    %cond3A_213 = arith.cmpi ne, %convert_element_type3A_211, %cond3A_212 : i32
    scf.if %cond3A_213 {
      %mul3A_229 = arith.constant 256 : i32
      %mul3A_230 = arith.muli %arg1, %mul3A_229 : i32
      %add3A_231 = arith.constant 64 : i32
      %add3A_232 = arith.addi %mul3A_230, %add3A_231 : i32
      "tpu.region"() ({
        %run_scoped3A = tpu.sem_alloc : memref<!tpu.dma_semaphore, #tpu.memory_space<semaphore_mem>>
        %dma_start3A_239 = tpu.memref_slice %arg6[%add3A_232] : memref<4096xi32, #tpu.memory_space<hbm>> -> memref<32xi32, #tpu.memory_space<hbm>>
        %dma_start3A_240 = tpu.memref_slice %arg6[%add3A_232] : memref<4096xi32, #tpu.memory_space<hbm>> -> memref<32xi32, #tpu.memory_space<hbm>>
        tpu.enqueue_dma source(%dma_start3A_240 : memref<32xi32, #tpu.memory_space<hbm>>) target(%arg15 : memref<32xi32, #tpu.memory_space<vmem>>) target_semaphore(%run_scoped3A : memref<!tpu.dma_semaphore, #tpu.memory_space<semaphore_mem>>)
        %dma_wait3A_241 = tpu.memref_slice %arg6[%add3A_232] : memref<4096xi32, #tpu.memory_space<hbm>> -> memref<32xi32, #tpu.memory_space<hbm>>
        %dma_wait3A_242 = tpu.memref_slice %arg6[%add3A_232] : memref<4096xi32, #tpu.memory_space<hbm>> -> memref<32xi32, #tpu.memory_space<hbm>>
        tpu.wait_dma2 semaphore(%run_scoped3A : memref<!tpu.dma_semaphore, #tpu.memory_space<semaphore_mem>>) src(%dma_wait3A_242 : memref<32xi32, #tpu.memory_space<hbm>>) dst(%arg15 : memref<32xi32, #tpu.memory_space<vmem>>)
        tpu.yield
      }) : () -> ()
      %dma_start3A_233 = arith.constant 0 : i32
      %dma_start3A_234 = arith.constant 0 : i32
      %dma_start3A_235 = tpu.memref_slice %arg2[%dma_start3A_233, %dma_start3A_234] : memref<10000x384xf32, #tpu.memory_space<hbm>> -> memref<10000x384xf32, #tpu.memory_space<hbm>>
      tpu.enqueue_indirect_dma source(%dma_start3A_235 : memref<10000x384xf32, #tpu.memory_space<hbm>>) target(%arg17 : memref<32x384xf32, #tpu.memory_space<vmem>>) offsets(%arg15 : memref<32xi32, #tpu.memory_space<vmem>>) semaphore(%arg27 : memref<!tpu.dma_semaphore, #tpu.memory_space<semaphore_mem>>)
      %dma_wait3A_236 = arith.constant 0 : i32
      %dma_wait3A_237 = arith.constant 0 : i32
      %dma_wait3A_238 = tpu.memref_slice %arg2[%dma_wait3A_236, %dma_wait3A_237] : memref<10000x384xf32, #tpu.memory_space<hbm>> -> memref<10000x384xf32, #tpu.memory_space<hbm>>
      tpu.wait_indirect_dma semaphore(%arg27 : memref<!tpu.dma_semaphore, #tpu.memory_space<semaphore_mem>>) src(%dma_wait3A_238 : memref<10000x384xf32, #tpu.memory_space<hbm>>) dst(%arg17 : memref<32x384xf32, #tpu.memory_space<vmem>>)
      "tpu.region"() ({
        %run_scoped3A = tpu.sem_alloc : memref<!tpu.dma_semaphore, #tpu.memory_space<semaphore_mem>>
        %dma_start3A_239 = arith.constant 0 : i32
        %dma_start3A_240 = tpu.memref_slice %arg10[%add3A_232, %dma_start3A_239] : memref<4096x384xf32, #tpu.memory_space<hbm>> -> memref<32x384xf32, #tpu.memory_space<hbm>>
        %dma_start3A_241 = arith.constant 0 : i32
        %dma_start3A_242 = tpu.memref_slice %arg10[%add3A_232, %dma_start3A_241] : memref<4096x384xf32, #tpu.memory_space<hbm>> -> memref<32x384xf32, #tpu.memory_space<hbm>>
        tpu.enqueue_dma source(%arg17 : memref<32x384xf32, #tpu.memory_space<vmem>>) target(%dma_start3A_242 : memref<32x384xf32, #tpu.memory_space<hbm>>) target_semaphore(%run_scoped3A : memref<!tpu.dma_semaphore, #tpu.memory_space<semaphore_mem>>)
        %dma_wait3A_243 = arith.constant 0 : i32
        %dma_wait3A_244 = tpu.memref_slice %arg10[%add3A_232, %dma_wait3A_243] : memref<4096x384xf32, #tpu.memory_space<hbm>> -> memref<32x384xf32, #tpu.memory_space<hbm>>
        %dma_wait3A_245 = arith.constant 0 : i32
        %dma_wait3A_246 = tpu.memref_slice %arg10[%add3A_232, %dma_wait3A_245] : memref<4096x384xf32, #tpu.memory_space<hbm>> -> memref<32x384xf32, #tpu.memory_space<hbm>>
        tpu.wait_dma2 semaphore(%run_scoped3A : memref<!tpu.dma_semaphore, #tpu.memory_space<semaphore_mem>>) src(%arg17 : memref<32x384xf32, #tpu.memory_space<vmem>>) dst(%dma_wait3A_246 : memref<32x384xf32, #tpu.memory_space<hbm>>)
        tpu.yield
      }) : () -> ()
    } else {
    }
    %eq3A_214 = arith.constant 1 : i32
    %eq3A_215 = arith.cmpi eq, %arg0, %eq3A_214 : i32
    %convert_element_type3A_216 = arith.extui %eq3A_215 : i1 to i32
    %cond3A_217 = arith.constant 0 : i32
    %cond3A_218 = arith.cmpi ne, %convert_element_type3A_216, %cond3A_217 : i32
    scf.if %cond3A_218 {
      %mul3A_229 = arith.constant 256 : i32
      %mul3A_230 = arith.muli %arg1, %mul3A_229 : i32
      %add3A_231 = arith.constant 192 : i32
      %add3A_232 = arith.addi %mul3A_230, %add3A_231 : i32
      "tpu.region"() ({
        %run_scoped3A = tpu.sem_alloc : memref<!tpu.dma_semaphore, #tpu.memory_space<semaphore_mem>>
        %dma_start3A_239 = tpu.memref_slice %arg6[%add3A_232] : memref<4096xi32, #tpu.memory_space<hbm>> -> memref<32xi32, #tpu.memory_space<hbm>>
        %dma_start3A_240 = tpu.memref_slice %arg6[%add3A_232] : memref<4096xi32, #tpu.memory_space<hbm>> -> memref<32xi32, #tpu.memory_space<hbm>>
        tpu.enqueue_dma source(%dma_start3A_240 : memref<32xi32, #tpu.memory_space<hbm>>) target(%arg15 : memref<32xi32, #tpu.memory_space<vmem>>) target_semaphore(%run_scoped3A : memref<!tpu.dma_semaphore, #tpu.memory_space<semaphore_mem>>)
        %dma_wait3A_241 = tpu.memref_slice %arg6[%add3A_232] : memref<4096xi32, #tpu.memory_space<hbm>> -> memref<32xi32, #tpu.memory_space<hbm>>
        %dma_wait3A_242 = tpu.memref_slice %arg6[%add3A_232] : memref<4096xi32, #tpu.memory_space<hbm>> -> memref<32xi32, #tpu.memory_space<hbm>>
        tpu.wait_dma2 semaphore(%run_scoped3A : memref<!tpu.dma_semaphore, #tpu.memory_space<semaphore_mem>>) src(%dma_wait3A_242 : memref<32xi32, #tpu.memory_space<hbm>>) dst(%arg15 : memref<32xi32, #tpu.memory_space<vmem>>)
        tpu.yield
      }) : () -> ()
      %dma_start3A_233 = arith.constant 0 : i32
      %dma_start3A_234 = arith.constant 0 : i32
      %dma_start3A_235 = tpu.memref_slice %arg2[%dma_start3A_233, %dma_start3A_234] : memref<10000x384xf32, #tpu.memory_space<hbm>> -> memref<10000x384xf32, #tpu.memory_space<hbm>>
      tpu.enqueue_indirect_dma source(%dma_start3A_235 : memref<10000x384xf32, #tpu.memory_space<hbm>>) target(%arg17 : memref<32x384xf32, #tpu.memory_space<vmem>>) offsets(%arg15 : memref<32xi32, #tpu.memory_space<vmem>>) semaphore(%arg27 : memref<!tpu.dma_semaphore, #tpu.memory_space<semaphore_mem>>)
      %dma_wait3A_236 = arith.constant 0 : i32
      %dma_wait3A_237 = arith.constant 0 : i32
      %dma_wait3A_238 = tpu.memref_slice %arg2[%dma_wait3A_236, %dma_wait3A_237] : memref<10000x384xf32, #tpu.memory_space<hbm>> -> memref<10000x384xf32, #tpu.memory_space<hbm>>
      tpu.wait_indirect_dma semaphore(%arg27 : memref<!tpu.dma_semaphore, #tpu.memory_space<semaphore_mem>>) src(%dma_wait3A_238 : memref<10000x384xf32, #tpu.memory_space<hbm>>) dst(%arg17 : memref<32x384xf32, #tpu.memory_space<vmem>>)
      "tpu.region"() ({
        %run_scoped3A = tpu.sem_alloc : memref<!tpu.dma_semaphore, #tpu.memory_space<semaphore_mem>>
        %dma_start3A_239 = arith.constant 0 : i32
        %dma_start3A_240 = tpu.memref_slice %arg10[%add3A_232, %dma_start3A_239] : memref<4096x384xf32, #tpu.memory_space<hbm>> -> memref<32x384xf32, #tpu.memory_space<hbm>>
        %dma_start3A_241 = arith.constant 0 : i32
        %dma_start3A_242 = tpu.memref_slice %arg10[%add3A_232, %dma_start3A_241] : memref<4096x384xf32, #tpu.memory_space<hbm>> -> memref<32x384xf32, #tpu.memory_space<hbm>>
        tpu.enqueue_dma source(%arg17 : memref<32x384xf32, #tpu.memory_space<vmem>>) target(%dma_start3A_242 : memref<32x384xf32, #tpu.memory_space<hbm>>) target_semaphore(%run_scoped3A : memref<!tpu.dma_semaphore, #tpu.memory_space<semaphore_mem>>)
        %dma_wait3A_243 = arith.constant 0 : i32
        %dma_wait3A_244 = tpu.memref_slice %arg10[%add3A_232, %dma_wait3A_243] : memref<4096x384xf32, #tpu.memory_space<hbm>> -> memref<32x384xf32, #tpu.memory_space<hbm>>
        %dma_wait3A_245 = arith.constant 0 : i32
        %dma_wait3A_246 = tpu.memref_slice %arg10[%add3A_232, %dma_wait3A_245] : memref<4096x384xf32, #tpu.memory_space<hbm>> -> memref<32x384xf32, #tpu.memory_space<hbm>>
        tpu.wait_dma2 semaphore(%run_scoped3A : memref<!tpu.dma_semaphore, #tpu.memory_space<semaphore_mem>>) src(%arg17 : memref<32x384xf32, #tpu.memory_space<vmem>>) dst(%dma_wait3A_246 : memref<32x384xf32, #tpu.memory_space<hbm>>)
        tpu.yield
      }) : () -> ()
    } else {
    }
    %eq3A_219 = arith.constant 0 : i32
    %eq3A_220 = arith.cmpi eq, %arg0, %eq3A_219 : i32
    %convert_element_type3A_221 = arith.extui %eq3A_220 : i1 to i32
    %cond3A_222 = arith.constant 0 : i32
    %cond3A_223 = arith.cmpi ne, %convert_element_type3A_221, %cond3A_222 : i32
    scf.if %cond3A_223 {
      %mul3A_229 = arith.constant 256 : i32
      %mul3A_230 = arith.muli %arg1, %mul3A_229 : i32
      %add3A_231 = arith.constant 96 : i32
      %add3A_232 = arith.addi %mul3A_230, %add3A_231 : i32
      "tpu.region"() ({
        %run_scoped3A = tpu.sem_alloc : memref<!tpu.dma_semaphore, #tpu.memory_space<semaphore_mem>>
        %dma_start3A_239 = tpu.memref_slice %arg6[%add3A_232] : memref<4096xi32, #tpu.memory_space<hbm>> -> memref<32xi32, #tpu.memory_space<hbm>>
        %dma_start3A_240 = tpu.memref_slice %arg6[%add3A_232] : memref<4096xi32, #tpu.memory_space<hbm>> -> memref<32xi32, #tpu.memory_space<hbm>>
        tpu.enqueue_dma source(%dma_start3A_240 : memref<32xi32, #tpu.memory_space<hbm>>) target(%arg15 : memref<32xi32, #tpu.memory_space<vmem>>) target_semaphore(%run_scoped3A : memref<!tpu.dma_semaphore, #tpu.memory_space<semaphore_mem>>)
        %dma_wait3A_241 = tpu.memref_slice %arg6[%add3A_232] : memref<4096xi32, #tpu.memory_space<hbm>> -> memref<32xi32, #tpu.memory_space<hbm>>
        %dma_wait3A_242 = tpu.memref_slice %arg6[%add3A_232] : memref<4096xi32, #tpu.memory_space<hbm>> -> memref<32xi32, #tpu.memory_space<hbm>>
        tpu.wait_dma2 semaphore(%run_scoped3A : memref<!tpu.dma_semaphore, #tpu.memory_space<semaphore_mem>>) src(%dma_wait3A_242 : memref<32xi32, #tpu.memory_space<hbm>>) dst(%arg15 : memref<32xi32, #tpu.memory_space<vmem>>)
        tpu.yield
      }) : () -> ()
      %dma_start3A_233 = arith.constant 0 : i32
      %dma_start3A_234 = arith.constant 0 : i32
      %dma_start3A_235 = tpu.memref_slice %arg2[%dma_start3A_233, %dma_start3A_234] : memref<10000x384xf32, #tpu.memory_space<hbm>> -> memref<10000x384xf32, #tpu.memory_space<hbm>>
      tpu.enqueue_indirect_dma source(%dma_start3A_235 : memref<10000x384xf32, #tpu.memory_space<hbm>>) target(%arg17 : memref<32x384xf32, #tpu.memory_space<vmem>>) offsets(%arg15 : memref<32xi32, #tpu.memory_space<vmem>>) semaphore(%arg27 : memref<!tpu.dma_semaphore, #tpu.memory_space<semaphore_mem>>)
      %dma_wait3A_236 = arith.constant 0 : i32
      %dma_wait3A_237 = arith.constant 0 : i32
      %dma_wait3A_238 = tpu.memref_slice %arg2[%dma_wait3A_236, %dma_wait3A_237] : memref<10000x384xf32, #tpu.memory_space<hbm>> -> memref<10000x384xf32, #tpu.memory_space<hbm>>
      tpu.wait_indirect_dma semaphore(%arg27 : memref<!tpu.dma_semaphore, #tpu.memory_space<semaphore_mem>>) src(%dma_wait3A_238 : memref<10000x384xf32, #tpu.memory_space<hbm>>) dst(%arg17 : memref<32x384xf32, #tpu.memory_space<vmem>>)
      "tpu.region"() ({
        %run_scoped3A = tpu.sem_alloc : memref<!tpu.dma_semaphore, #tpu.memory_space<semaphore_mem>>
        %dma_start3A_239 = arith.constant 0 : i32
        %dma_start3A_240 = tpu.memref_slice %arg10[%add3A_232, %dma_start3A_239] : memref<4096x384xf32, #tpu.memory_space<hbm>> -> memref<32x384xf32, #tpu.memory_space<hbm>>
        %dma_start3A_241 = arith.constant 0 : i32
        %dma_start3A_242 = tpu.memref_slice %arg10[%add3A_232, %dma_start3A_241] : memref<4096x384xf32, #tpu.memory_space<hbm>> -> memref<32x384xf32, #tpu.memory_space<hbm>>
        tpu.enqueue_dma source(%arg17 : memref<32x384xf32, #tpu.memory_space<vmem>>) target(%dma_start3A_242 : memref<32x384xf32, #tpu.memory_space<hbm>>) target_semaphore(%run_scoped3A : memref<!tpu.dma_semaphore, #tpu.memory_space<semaphore_mem>>)
        %dma_wait3A_243 = arith.constant 0 : i32
        %dma_wait3A_244 = tpu.memref_slice %arg10[%add3A_232, %dma_wait3A_243] : memref<4096x384xf32, #tpu.memory_space<hbm>> -> memref<32x384xf32, #tpu.memory_space<hbm>>
        %dma_wait3A_245 = arith.constant 0 : i32
        %dma_wait3A_246 = tpu.memref_slice %arg10[%add3A_232, %dma_wait3A_245] : memref<4096x384xf32, #tpu.memory_space<hbm>> -> memref<32x384xf32, #tpu.memory_space<hbm>>
        tpu.wait_dma2 semaphore(%run_scoped3A : memref<!tpu.dma_semaphore, #tpu.memory_space<semaphore_mem>>) src(%arg17 : memref<32x384xf32, #tpu.memory_space<vmem>>) dst(%dma_wait3A_246 : memref<32x384xf32, #tpu.memory_space<hbm>>)
        tpu.yield
      }) : () -> ()
    } else {
    }
    %eq3A_224 = arith.constant 1 : i32
    %eq3A_225 = arith.cmpi eq, %arg0, %eq3A_224 : i32
    %convert_element_type3A_226 = arith.extui %eq3A_225 : i1 to i32
    %cond3A_227 = arith.constant 0 : i32
    %cond3A_228 = arith.cmpi ne, %convert_element_type3A_226, %cond3A_227 : i32
    scf.if %cond3A_228 {
      %mul3A_229 = arith.constant 256 : i32
      %mul3A_230 = arith.muli %arg1, %mul3A_229 : i32
      %add3A_231 = arith.constant 224 : i32
      %add3A_232 = arith.addi %mul3A_230, %add3A_231 : i32
      "tpu.region"() ({
        %run_scoped3A = tpu.sem_alloc : memref<!tpu.dma_semaphore, #tpu.memory_space<semaphore_mem>>
        %dma_start3A_239 = tpu.memref_slice %arg6[%add3A_232] : memref<4096xi32, #tpu.memory_space<hbm>> -> memref<32xi32, #tpu.memory_space<hbm>>
        %dma_start3A_240 = tpu.memref_slice %arg6[%add3A_232] : memref<4096xi32, #tpu.memory_space<hbm>> -> memref<32xi32, #tpu.memory_space<hbm>>
        tpu.enqueue_dma source(%dma_start3A_240 : memref<32xi32, #tpu.memory_space<hbm>>) target(%arg15 : memref<32xi32, #tpu.memory_space<vmem>>) target_semaphore(%run_scoped3A : memref<!tpu.dma_semaphore, #tpu.memory_space<semaphore_mem>>)
        %dma_wait3A_241 = tpu.memref_slice %arg6[%add3A_232] : memref<4096xi32, #tpu.memory_space<hbm>> -> memref<32xi32, #tpu.memory_space<hbm>>
        %dma_wait3A_242 = tpu.memref_slice %arg6[%add3A_232] : memref<4096xi32, #tpu.memory_space<hbm>> -> memref<32xi32, #tpu.memory_space<hbm>>
        tpu.wait_dma2 semaphore(%run_scoped3A : memref<!tpu.dma_semaphore, #tpu.memory_space<semaphore_mem>>) src(%dma_wait3A_242 : memref<32xi32, #tpu.memory_space<hbm>>) dst(%arg15 : memref<32xi32, #tpu.memory_space<vmem>>)
        tpu.yield
      }) : () -> ()
      %dma_start3A_233 = arith.constant 0 : i32
      %dma_start3A_234 = arith.constant 0 : i32
      %dma_start3A_235 = tpu.memref_slice %arg2[%dma_start3A_233, %dma_start3A_234] : memref<10000x384xf32, #tpu.memory_space<hbm>> -> memref<10000x384xf32, #tpu.memory_space<hbm>>
      tpu.enqueue_indirect_dma source(%dma_start3A_235 : memref<10000x384xf32, #tpu.memory_space<hbm>>) target(%arg17 : memref<32x384xf32, #tpu.memory_space<vmem>>) offsets(%arg15 : memref<32xi32, #tpu.memory_space<vmem>>) semaphore(%arg27 : memref<!tpu.dma_semaphore, #tpu.memory_space<semaphore_mem>>)
      %dma_wait3A_236 = arith.constant 0 : i32
      %dma_wait3A_237 = arith.constant 0 : i32
      %dma_wait3A_238 = tpu.memref_slice %arg2[%dma_wait3A_236, %dma_wait3A_237] : memref<10000x384xf32, #tpu.memory_space<hbm>> -> memref<10000x384xf32, #tpu.memory_space<hbm>>
      tpu.wait_indirect_dma semaphore(%arg27 : memref<!tpu.dma_semaphore, #tpu.memory_space<semaphore_mem>>) src(%dma_wait3A_238 : memref<10000x384xf32, #tpu.memory_space<hbm>>) dst(%arg17 : memref<32x384xf32, #tpu.memory_space<vmem>>)
      "tpu.region"() ({
        %run_scoped3A = tpu.sem_alloc : memref<!tpu.dma_semaphore, #tpu.memory_space<semaphore_mem>>
        %dma_start3A_239 = arith.constant 0 : i32
        %dma_start3A_240 = tpu.memref_slice %arg10[%add3A_232, %dma_start3A_239] : memref<4096x384xf32, #tpu.memory_space<hbm>> -> memref<32x384xf32, #tpu.memory_space<hbm>>
        %dma_start3A_241 = arith.constant 0 : i32
        %dma_start3A_242 = tpu.memref_slice %arg10[%add3A_232, %dma_start3A_241] : memref<4096x384xf32, #tpu.memory_space<hbm>> -> memref<32x384xf32, #tpu.memory_space<hbm>>
        tpu.enqueue_dma source(%arg17 : memref<32x384xf32, #tpu.memory_space<vmem>>) target(%dma_start3A_242 : memref<32x384xf32, #tpu.memory_space<hbm>>) target_semaphore(%run_scoped3A : memref<!tpu.dma_semaphore, #tpu.memory_space<semaphore_mem>>)
        %dma_wait3A_243 = arith.constant 0 : i32
        %dma_wait3A_244 = tpu.memref_slice %arg10[%add3A_232, %dma_wait3A_243] : memref<4096x384xf32, #tpu.memory_space<hbm>> -> memref<32x384xf32, #tpu.memory_space<hbm>>
        %dma_wait3A_245 = arith.constant 0 : i32
        %dma_wait3A_246 = tpu.memref_slice %arg10[%add3A_232, %dma_wait3A_245] : memref<4096x384xf32, #tpu.memory_space<hbm>> -> memref<32x384xf32, #tpu.memory_space<hbm>>
        tpu.wait_dma2 semaphore(%run_scoped3A : memref<!tpu.dma_semaphore, #tpu.memory_space<semaphore_mem>>) src(%arg17 : memref<32x384xf32, #tpu.memory_space<vmem>>) dst(%dma_wait3A_246 : memref<32x384xf32, #tpu.memory_space<hbm>>)
        tpu.yield
      }) : () -> ()
    } else {
    }
    return
  }
}

module attributes {stable_mosaic.version = 14 : i64} {
  func.func @_pca_body(%arg0: i32, %arg1: memref<1000x128xf32, #tpu.memory_space<vmem>>, %arg2: memref<128x384xf32, #tpu.memory_space<vmem>>, %arg3: memref<1x384xf32, #tpu.memory_space<vmem>>, %arg4: memref<1000x384xf32, #tpu.memory_space<vmem>>) attributes {dimension_semantics = [#tpu.dimension_semantics<arbitrary>], iteration_bounds = array<i64: 10>, scalar_prefetch = 0 : i64, scratch_operands = 0 : i64, tpu.core_type = #tpu.core_type<tc>, window_params = [{transform_indices = @transform_0, window_bounds = array<i64: 1000, 128>}, {pipeline_mode = #tpu.pipeline_mode<synchronous>, transform_indices = @transform_1, window_bounds = array<i64: 128, 384>}, {pipeline_mode = #tpu.pipeline_mode<synchronous>, transform_indices = @transform_2, window_bounds = array<i64: 1, 384>}, {transform_indices = @transform_3, window_bounds = array<i64: 1000, 384>}]} {
    %get3A = arith.constant 0 : index
    %get3A_0 = arith.constant 0 : index
    %get3A_1 = vector.load %arg1[%get3A, %get3A_0] : memref<1000x128xf32, #tpu.memory_space<vmem>>, vector<1000x128xf32>
    %get3A_2 = arith.constant 0 : index
    %get3A_3 = arith.constant 0 : index
    %get3A_4 = vector.load %arg2[%get3A_2, %get3A_3] : memref<128x384xf32, #tpu.memory_space<vmem>>, vector<128x384xf32>
    %dot_general3A = arith.constant dense<0.000000e+00> : vector<1000x384xf32>
    %dot_general3A_5 = tpu.matmul %get3A_1, %get3A_4, %dot_general3A {dimension_numbers = #tpu.dot_dimension_numbers<[1], [0], [0], [1], [0, 0, 1, 1], [], []>, transpose_lhs_hint = false} : vector<1000x128xf32>, vector<128x384xf32>, vector<1000x384xf32> -> vector<1000x384xf32>
    %get3A_6 = arith.constant 0 : index
    %get3A_7 = arith.constant 0 : index
    %get3A_8 = vector.load %arg3[%get3A_6, %get3A_7] : memref<1x384xf32, #tpu.memory_space<vmem>>, vector<1x384xf32>
    %add3A = vector.broadcast %get3A_8 : vector<1x384xf32> to vector<1000x384xf32>
    %add3A_9 = arith.addf %dot_general3A_5, %add3A : vector<1000x384xf32>
    %tanh3A = math.tanh %add3A_9 : vector<1000x384xf32>
    %swap3A = arith.constant 0 : index
    %swap3A_10 = arith.constant 0 : index
    %swap3A_11 = vector.load %arg4[%swap3A, %swap3A_10] : memref<1000x384xf32, #tpu.memory_space<vmem>>, vector<1000x384xf32>
    tpu.vector_store %arg4[%swap3A, %swap3A_10], %tanh3A {strides = array<i32>} : memref<1000x384xf32, #tpu.memory_space<vmem>>, vector<1000x384xf32>,
    return
  }
  func.func @transform_0(%arg0: i32) -> (i32, i32) {
    %c0_i32 = arith.constant 0 : i32
    %c0_i32_0 = arith.constant 0 : i32
    return %arg0, %c0_i32 : i32, i32
  }
  func.func @transform_1(%arg0: i32) -> (i32, i32) {
    %c0_i32 = arith.constant 0 : i32
    %c0_i32_0 = arith.constant 0 : i32
    %c0_i32_1 = arith.constant 0 : i32
    return %c0_i32, %c0_i32_0 : i32, i32
  }
  func.func @transform_2(%arg0: i32) -> (i32, i32) {
    %c0_i32 = arith.constant 0 : i32
    %c0_i32_0 = arith.constant 0 : i32
    %c0_i32_1 = arith.constant 0 : i32
    return %c0_i32, %c0_i32_0 : i32, i32
  }
  func.func @transform_3(%arg0: i32) -> (i32, i32) {
    %c0_i32 = arith.constant 0 : i32
    %c0_i32_0 = arith.constant 0 : i32
    return %arg0, %c0_i32 : i32, i32
  }
}

module attributes {stable_mosaic.version = 14 : i64} {
  func.func @_club_body(%arg0: i32, %arg1: memref<2x512x512xf32, #tpu.memory_space<vmem>>, %arg2: memref<512x384xf32, #tpu.memory_space<vmem>>, %arg3: memref<3x128x128xf32, #tpu.memory_space<vmem>>, %arg4: memref<3x128x64xf32, #tpu.memory_space<vmem>>, %arg5: memref<3x64xf32, #tpu.memory_space<vmem>>, %arg6: memref<3x64x128xf32, #tpu.memory_space<vmem>>, %arg7: memref<3x128xf32, #tpu.memory_space<vmem>>, %arg8: memref<3x128x64xf32, #tpu.memory_space<vmem>>, %arg9: memref<3x64xf32, #tpu.memory_space<vmem>>, %arg10: memref<3x64x128xf32, #tpu.memory_space<vmem>>, %arg11: memref<3x128xf32, #tpu.memory_space<vmem>>, %arg12: memref<1x1xf32, #tpu.memory_space<vmem>>) attributes {dimension_semantics = [#tpu.dimension_semantics<arbitrary>], iteration_bounds = array<i64: 8>, scalar_prefetch = 0 : i64, scratch_operands = 0 : i64, tpu.core_type = #tpu.core_type<tc>, window_params = [{transform_indices = @transform_0, window_bounds = array<i64: 2, 512, 512>}, {transform_indices = @transform_1, window_bounds = array<i64: 512, 384>}, {pipeline_mode = #tpu.pipeline_mode<synchronous>, transform_indices = @transform_2, window_bounds = array<i64: 3, 128, 128>}, {pipeline_mode = #tpu.pipeline_mode<synchronous>, transform_indices = @transform_3, window_bounds = array<i64: 3, 128, 64>}, {pipeline_mode = #tpu.pipeline_mode<synchronous>, transform_indices = @transform_4, window_bounds = array<i64: 3, 64>}, {pipeline_mode = #tpu.pipeline_mode<synchronous>, transform_indices = @transform_5, window_bounds = array<i64: 3, 64, 128>}, {pipeline_mode = #tpu.pipeline_mode<synchronous>, transform_indices = @transform_6, window_bounds = array<i64: 3, 128>}, {pipeline_mode = #tpu.pipeline_mode<synchronous>, transform_indices = @transform_7, window_bounds = array<i64: 3, 128, 64>}, {pipeline_mode = #tpu.pipeline_mode<synchronous>, transform_indices = @transform_8, window_bounds = array<i64: 3, 64>}, {pipeline_mode = #tpu.pipeline_mode<synchronous>, transform_indices = @transform_9, window_bounds = array<i64: 3, 64, 128>}, {pipeline_mode = #tpu.pipeline_mode<synchronous>, transform_indices = @transform_10, window_bounds = array<i64: 3, 128>}, {pipeline_mode = #tpu.pipeline_mode<synchronous>, transform_indices = @transform_11, window_bounds = array<i64: 1, 1>}]} {
    %get3A = arith.constant 0 : index
    %get3A_0 = arith.constant 0 : index
    %get3A_1 = arith.constant 0 : index
    %get3A_2 = vector.load %arg1[%get3A, %get3A_0, %get3A_1] : memref<2x512x512xf32, #tpu.memory_space<vmem>>, vector<1x512x512xf32>
    %get3A_3 = vector.shape_cast %get3A_2 : vector<1x512x512xf32> to vector<512x512xf32>
    %get3A_4 = arith.constant 1 : index
    %get3A_5 = arith.constant 0 : index
    %get3A_6 = arith.constant 0 : index
    %get3A_7 = vector.load %arg1[%get3A_4, %get3A_5, %get3A_6] : memref<2x512x512xf32, #tpu.memory_space<vmem>>, vector<1x512x512xf32>
    %get3A_8 = vector.shape_cast %get3A_7 : vector<1x512x512xf32> to vector<512x512xf32>
    %add3A = arith.addf %get3A_3, %get3A_8 : vector<512x512xf32>
    %slice3A = vector.extract_strided_slice %add3A {offsets = [0, 384], sizes = [512, 1], strides = [1, 1]} : vector<512x512xf32> to vector<512x1xf32>
    %slice3A_9 = vector.extract_strided_slice %add3A {offsets = [0, 0], sizes = [512, 384], strides = [1, 1]} : vector<512x512xf32> to vector<512x384xf32>
    %max3A = arith.constant 1.000000e+00 : f32
    %max3A_10 = vector.broadcast %max3A : f32 to vector<512x1xf32>
    %max3A_11 = arith.maximumf %slice3A, %max3A_10 : vector<512x1xf32>
    %div3A = vector.broadcast %max3A_11 : vector<512x1xf32> to vector<512x384xf32>
    %div3A_12 = arith.divf %slice3A_9, %div3A : vector<512x384xf32>
    %get3A_13 = arith.constant 0 : index
    %get3A_14 = arith.constant 0 : index
    %get3A_15 = vector.load %arg2[%get3A_13, %get3A_14] : memref<512x384xf32, #tpu.memory_space<vmem>>, vector<512x384xf32>
    %slice3A_16 = vector.extract_strided_slice %div3A_12 {offsets = [0, 0], sizes = [512, 128], strides = [1, 1]} : vector<512x384xf32> to vector<512x128xf32>
    %get3A_17 = arith.constant 0 : index
    %get3A_18 = arith.constant 0 : index
    %get3A_19 = arith.constant 0 : index
    %get3A_20 = vector.load %arg3[%get3A_17, %get3A_18, %get3A_19] : memref<3x128x128xf32, #tpu.memory_space<vmem>>, vector<1x128x128xf32>
    %get3A_21 = vector.shape_cast %get3A_20 : vector<1x128x128xf32> to vector<128x128xf32>
    %dot_general3A = arith.constant dense<0.000000e+00> : vector<512x128xf32>
    %dot_general3A_22 = tpu.matmul %slice3A_16, %get3A_21, %dot_general3A {dimension_numbers = #tpu.dot_dimension_numbers<[1], [0], [0], [1], [0, 0, 1, 1], [], []>, transpose_lhs_hint = false} : vector<512x128xf32>, vector<128x128xf32>, vector<512x128xf32> -> vector<512x128xf32>
    %slice3A_23 = vector.extract_strided_slice %get3A_15 {offsets = [0, 0], sizes = [512, 128], strides = [1, 1]} : vector<512x384xf32> to vector<512x128xf32>
    %add3A_24 = arith.addf %dot_general3A_22, %slice3A_23 : vector<512x128xf32>
    %tanh3A = math.tanh %add3A_24 : vector<512x128xf32>
    %slice3A_25 = vector.extract_strided_slice %div3A_12 {offsets = [0, 128], sizes = [512, 128], strides = [1, 1]} : vector<512x384xf32> to vector<512x128xf32>
    %get3A_26 = arith.constant 1 : index
    %get3A_27 = arith.constant 0 : index
    %get3A_28 = arith.constant 0 : index
    %get3A_29 = vector.load %arg3[%get3A_26, %get3A_27, %get3A_28] : memref<3x128x128xf32, #tpu.memory_space<vmem>>, vector<1x128x128xf32>
    %get3A_30 = vector.shape_cast %get3A_29 : vector<1x128x128xf32> to vector<128x128xf32>
    %dot_general3A_31 = arith.constant dense<0.000000e+00> : vector<512x128xf32>
    %dot_general3A_32 = tpu.matmul %slice3A_25, %get3A_30, %dot_general3A_31 {dimension_numbers = #tpu.dot_dimension_numbers<[1], [0], [0], [1], [0, 0, 1, 1], [], []>, transpose_lhs_hint = false} : vector<512x128xf32>, vector<128x128xf32>, vector<512x128xf32> -> vector<512x128xf32>
    %slice3A_33 = vector.extract_strided_slice %get3A_15 {offsets = [0, 128], sizes = [512, 128], strides = [1, 1]} : vector<512x384xf32> to vector<512x128xf32>
    %add3A_34 = arith.addf %dot_general3A_32, %slice3A_33 : vector<512x128xf32>
    %tanh3A_35 = math.tanh %add3A_34 : vector<512x128xf32>
    %slice3A_36 = vector.extract_strided_slice %div3A_12 {offsets = [0, 256], sizes = [512, 128], strides = [1, 1]} : vector<512x384xf32> to vector<512x128xf32>
    %get3A_37 = arith.constant 2 : index
    %get3A_38 = arith.constant 0 : index
    %get3A_39 = arith.constant 0 : index
    %get3A_40 = vector.load %arg3[%get3A_37, %get3A_38, %get3A_39] : memref<3x128x128xf32, #tpu.memory_space<vmem>>, vector<1x128x128xf32>
    %get3A_41 = vector.shape_cast %get3A_40 : vector<1x128x128xf32> to vector<128x128xf32>
    %dot_general3A_42 = arith.constant dense<0.000000e+00> : vector<512x128xf32>
    %dot_general3A_43 = tpu.matmul %slice3A_36, %get3A_41, %dot_general3A_42 {dimension_numbers = #tpu.dot_dimension_numbers<[1], [0], [0], [1], [0, 0, 1, 1], [], []>, transpose_lhs_hint = false} : vector<512x128xf32>, vector<128x128xf32>, vector<512x128xf32> -> vector<512x128xf32>
    %slice3A_44 = vector.extract_strided_slice %get3A_15 {offsets = [0, 256], sizes = [512, 128], strides = [1, 1]} : vector<512x384xf32> to vector<512x128xf32>
    %add3A_45 = arith.addf %dot_general3A_43, %slice3A_44 : vector<512x128xf32>
    %tanh3A_46 = math.tanh %add3A_45 : vector<512x128xf32>
    %broadcast_in_dim3A = arith.constant 0.000000e+00 : f32
    %broadcast_in_dim3A_47 = vector.broadcast %broadcast_in_dim3A : f32 to vector<1x1xf32>
    %get3A_48 = arith.constant 0 : index
    %get3A_49 = arith.constant 0 : index
    %get3A_50 = arith.constant 0 : index
    %get3A_51 = vector.load %arg4[%get3A_48, %get3A_49, %get3A_50] : memref<3x128x64xf32, #tpu.memory_space<vmem>>, vector<1x128x64xf32>
    %get3A_52 = vector.shape_cast %get3A_51 : vector<1x128x64xf32> to vector<128x64xf32>
    %dot_general3A_53 = arith.constant dense<0.000000e+00> : vector<512x64xf32>
    %dot_general3A_54 = tpu.matmul %tanh3A, %get3A_52, %dot_general3A_53 {dimension_numbers = #tpu.dot_dimension_numbers<[1], [0], [0], [1], [0, 0, 1, 1], [], []>, transpose_lhs_hint = false} : vector<512x128xf32>, vector<128x64xf32>, vector<512x64xf32> -> vector<512x64xf32>
    %get3A_55 = arith.constant 0 : index
    %get3A_56 = arith.constant 0 : index
    %get3A_57 = vector.load %arg5[%get3A_55, %get3A_56] : memref<3x64xf32, #tpu.memory_space<vmem>>, vector<1x64xf32>
    %get3A_58 = vector.shape_cast %get3A_57 : vector<1x64xf32> to vector<64xf32>
    %broadcast_in_dim3A_59 = vector.shape_cast %get3A_58 : vector<64xf32> to vector<1x64xf32>
    %add3A_60 = vector.broadcast %broadcast_in_dim3A_59 : vector<1x64xf32> to vector<512x64xf32>
    %add3A_61 = arith.addf %dot_general3A_54, %add3A_60 : vector<512x64xf32>
    %max3A_62 = arith.constant 0.000000e+00 : f32
    %max3A_63 = vector.broadcast %max3A_62 : f32 to vector<512x64xf32>
    %max3A_64 = arith.maximumf %add3A_61, %max3A_63 : vector<512x64xf32>
    %get3A_65 = arith.constant 0 : index
    %get3A_66 = arith.constant 0 : index
    %get3A_67 = arith.constant 0 : index
    %get3A_68 = vector.load %arg6[%get3A_65, %get3A_66, %get3A_67] : memref<3x64x128xf32, #tpu.memory_space<vmem>>, vector<1x64x128xf32>
    %get3A_69 = vector.shape_cast %get3A_68 : vector<1x64x128xf32> to vector<64x128xf32>
    %dot_general3A_70 = arith.constant dense<0.000000e+00> : vector<512x128xf32>
    %dot_general3A_71 = tpu.matmul %max3A_64, %get3A_69, %dot_general3A_70 {dimension_numbers = #tpu.dot_dimension_numbers<[1], [0], [0], [1], [0, 0, 1, 1], [], []>, transpose_lhs_hint = false} : vector<512x64xf32>, vector<64x128xf32>, vector<512x128xf32> -> vector<512x128xf32>
    %get3A_72 = arith.constant 0 : index
    %get3A_73 = arith.constant 0 : index
    %get3A_74 = vector.load %arg7[%get3A_72, %get3A_73] : memref<3x128xf32, #tpu.memory_space<vmem>>, vector<1x128xf32>
    %get3A_75 = vector.shape_cast %get3A_74 : vector<1x128xf32> to vector<128xf32>
    %broadcast_in_dim3A_76 = vector.shape_cast %get3A_75 : vector<128xf32> to vector<1x128xf32>
    %add3A_77 = vector.broadcast %broadcast_in_dim3A_76 : vector<1x128xf32> to vector<512x128xf32>
    %add3A_78 = arith.addf %dot_general3A_71, %add3A_77 : vector<512x128xf32>
    %get3A_79 = arith.constant 0 : index
    %get3A_80 = arith.constant 0 : index
    %get3A_81 = arith.constant 0 : index
    %get3A_82 = vector.load %arg8[%get3A_79, %get3A_80, %get3A_81] : memref<3x128x64xf32, #tpu.memory_space<vmem>>, vector<1x128x64xf32>
    %get3A_83 = vector.shape_cast %get3A_82 : vector<1x128x64xf32> to vector<128x64xf32>
    %dot_general3A_84 = arith.constant dense<0.000000e+00> : vector<512x64xf32>
    %dot_general3A_85 = tpu.matmul %tanh3A, %get3A_83, %dot_general3A_84 {dimension_numbers = #tpu.dot_dimension_numbers<[1], [0], [0], [1], [0, 0, 1, 1], [], []>, transpose_lhs_hint = false} : vector<512x128xf32>, vector<128x64xf32>, vector<512x64xf32> -> vector<512x64xf32>
    %get3A_86 = arith.constant 0 : index
    %get3A_87 = arith.constant 0 : index
    %get3A_88 = vector.load %arg9[%get3A_86, %get3A_87] : memref<3x64xf32, #tpu.memory_space<vmem>>, vector<1x64xf32>
    %get3A_89 = vector.shape_cast %get3A_88 : vector<1x64xf32> to vector<64xf32>
    %broadcast_in_dim3A_90 = vector.shape_cast %get3A_89 : vector<64xf32> to vector<1x64xf32>
    %add3A_91 = vector.broadcast %broadcast_in_dim3A_90 : vector<1x64xf32> to vector<512x64xf32>
    %add3A_92 = arith.addf %dot_general3A_85, %add3A_91 : vector<512x64xf32>
    %max3A_93 = arith.constant 0.000000e+00 : f32
    %max3A_94 = vector.broadcast %max3A_93 : f32 to vector<512x64xf32>
    %max3A_95 = arith.maximumf %add3A_92, %max3A_94 : vector<512x64xf32>
    %get3A_96 = arith.constant 0 : index
    %get3A_97 = arith.constant 0 : index
    %get3A_98 = arith.constant 0 : index
    %get3A_99 = vector.load %arg10[%get3A_96, %get3A_97, %get3A_98] : memref<3x64x128xf32, #tpu.memory_space<vmem>>, vector<1x64x128xf32>
    %get3A_100 = vector.shape_cast %get3A_99 : vector<1x64x128xf32> to vector<64x128xf32>
    %dot_general3A_101 = arith.constant dense<0.000000e+00> : vector<512x128xf32>
    %dot_general3A_102 = tpu.matmul %max3A_95, %get3A_100, %dot_general3A_101 {dimension_numbers = #tpu.dot_dimension_numbers<[1], [0], [0], [1], [0, 0, 1, 1], [], []>, transpose_lhs_hint = false} : vector<512x64xf32>, vector<64x128xf32>, vector<512x128xf32> -> vector<512x128xf32>
    %get3A_103 = arith.constant 0 : index
    %get3A_104 = arith.constant 0 : index
    %get3A_105 = vector.load %arg11[%get3A_103, %get3A_104] : memref<3x128xf32, #tpu.memory_space<vmem>>, vector<1x128xf32>
    %get3A_106 = vector.shape_cast %get3A_105 : vector<1x128xf32> to vector<128xf32>
    %broadcast_in_dim3A_107 = vector.shape_cast %get3A_106 : vector<128xf32> to vector<1x128xf32>
    %add3A_108 = vector.broadcast %broadcast_in_dim3A_107 : vector<1x128xf32> to vector<512x128xf32>
    %add3A_109 = arith.addf %dot_general3A_102, %add3A_108 : vector<512x128xf32>
    %tanh3A_110 = math.tanh %add3A_109 : vector<512x128xf32>
    %sub3A = arith.subf %add3A_78, %tanh3A_35 : vector<512x128xf32>
    %integer_pow3A = arith.mulf %sub3A, %sub3A : vector<512x128xf32>
    %mul3A = arith.constant 5.000000e-01 : f32
    %mul3A_111 = vector.broadcast %mul3A : f32 to vector<512x128xf32>
    %mul3A_112 = arith.mulf %integer_pow3A, %mul3A_111 : vector<512x128xf32>
    %neg3A = arith.constant 0.000000e+00 : f32
    %neg3A_113 = vector.broadcast %neg3A : f32 to vector<512x128xf32>
    %neg3A_114 = arith.subf %neg3A_113, %tanh3A_110 : vector<512x128xf32>
    %exp3A = math.exp %neg3A_114 : vector<512x128xf32>
    %mul3A_115 = arith.mulf %mul3A_112, %exp3A : vector<512x128xf32>
    %reduce_sum3A = vector.shape_cast %mul3A_115 : vector<512x128xf32> to vector<1x512x128xf32>
    %reduce_sum3A_116 = arith.constant dense<0.000000e+00> : vector<1xf32>
    %reduce_sum3A_117 = vector.multi_reduction <add>, %reduce_sum3A, %reduce_sum3A_116 [1, 2] : vector<1x512x128xf32> to vector<1xf32>
    %reduce_sum3A_118 = vector.shape_cast %reduce_sum3A_117 : vector<1xf32> to vector<1x1x1xf32>
    %reduce_sum3A_119 = vector.extract %reduce_sum3A_118[0, 0, 0] : f32 from vector<1x1x1xf32>
    %reshape3A = vector.broadcast %reduce_sum3A_119 : f32 to vector<1x1xf32>
    %add3A_120 = arith.addf %broadcast_in_dim3A_47, %reshape3A : vector<1x1xf32>
    %get3A_121 = arith.constant 1 : index
    %get3A_122 = arith.constant 0 : index
    %get3A_123 = arith.constant 0 : index
    %get3A_124 = vector.load %arg4[%get3A_121, %get3A_122, %get3A_123] : memref<3x128x64xf32, #tpu.memory_space<vmem>>, vector<1x128x64xf32>
    %get3A_125 = vector.shape_cast %get3A_124 : vector<1x128x64xf32> to vector<128x64xf32>
    %dot_general3A_126 = arith.constant dense<0.000000e+00> : vector<512x64xf32>
    %dot_general3A_127 = tpu.matmul %tanh3A, %get3A_125, %dot_general3A_126 {dimension_numbers = #tpu.dot_dimension_numbers<[1], [0], [0], [1], [0, 0, 1, 1], [], []>, transpose_lhs_hint = false} : vector<512x128xf32>, vector<128x64xf32>, vector<512x64xf32> -> vector<512x64xf32>
    %get3A_128 = arith.constant 1 : index
    %get3A_129 = arith.constant 0 : index
    %get3A_130 = vector.load %arg5[%get3A_128, %get3A_129] : memref<3x64xf32, #tpu.memory_space<vmem>>, vector<1x64xf32>
    %get3A_131 = vector.shape_cast %get3A_130 : vector<1x64xf32> to vector<64xf32>
    %broadcast_in_dim3A_132 = vector.shape_cast %get3A_131 : vector<64xf32> to vector<1x64xf32>
    %add3A_133 = vector.broadcast %broadcast_in_dim3A_132 : vector<1x64xf32> to vector<512x64xf32>
    %add3A_134 = arith.addf %dot_general3A_127, %add3A_133 : vector<512x64xf32>
    %max3A_135 = arith.constant 0.000000e+00 : f32
    %max3A_136 = vector.broadcast %max3A_135 : f32 to vector<512x64xf32>
    %max3A_137 = arith.maximumf %add3A_134, %max3A_136 : vector<512x64xf32>
    %get3A_138 = arith.constant 1 : index
    %get3A_139 = arith.constant 0 : index
    %get3A_140 = arith.constant 0 : index
    %get3A_141 = vector.load %arg6[%get3A_138, %get3A_139, %get3A_140] : memref<3x64x128xf32, #tpu.memory_space<vmem>>, vector<1x64x128xf32>
    %get3A_142 = vector.shape_cast %get3A_141 : vector<1x64x128xf32> to vector<64x128xf32>
    %dot_general3A_143 = arith.constant dense<0.000000e+00> : vector<512x128xf32>
    %dot_general3A_144 = tpu.matmul %max3A_137, %get3A_142, %dot_general3A_143 {dimension_numbers = #tpu.dot_dimension_numbers<[1], [0], [0], [1], [0, 0, 1, 1], [], []>, transpose_lhs_hint = false} : vector<512x64xf32>, vector<64x128xf32>, vector<512x128xf32> -> vector<512x128xf32>
    %get3A_145 = arith.constant 1 : index
    %get3A_146 = arith.constant 0 : index
    %get3A_147 = vector.load %arg7[%get3A_145, %get3A_146] : memref<3x128xf32, #tpu.memory_space<vmem>>, vector<1x128xf32>
    %get3A_148 = vector.shape_cast %get3A_147 : vector<1x128xf32> to vector<128xf32>
    %broadcast_in_dim3A_149 = vector.shape_cast %get3A_148 : vector<128xf32> to vector<1x128xf32>
    %add3A_150 = vector.broadcast %broadcast_in_dim3A_149 : vector<1x128xf32> to vector<512x128xf32>
    %add3A_151 = arith.addf %dot_general3A_144, %add3A_150 : vector<512x128xf32>
    %get3A_152 = arith.constant 1 : index
    %get3A_153 = arith.constant 0 : index
    %get3A_154 = arith.constant 0 : index
    %get3A_155 = vector.load %arg8[%get3A_152, %get3A_153, %get3A_154] : memref<3x128x64xf32, #tpu.memory_space<vmem>>, vector<1x128x64xf32>
    %get3A_156 = vector.shape_cast %get3A_155 : vector<1x128x64xf32> to vector<128x64xf32>
    %dot_general3A_157 = arith.constant dense<0.000000e+00> : vector<512x64xf32>
    %dot_general3A_158 = tpu.matmul %tanh3A, %get3A_156, %dot_general3A_157 {dimension_numbers = #tpu.dot_dimension_numbers<[1], [0], [0], [1], [0, 0, 1, 1], [], []>, transpose_lhs_hint = false} : vector<512x128xf32>, vector<128x64xf32>, vector<512x64xf32> -> vector<512x64xf32>
    %get3A_159 = arith.constant 1 : index
    %get3A_160 = arith.constant 0 : index
    %get3A_161 = vector.load %arg9[%get3A_159, %get3A_160] : memref<3x64xf32, #tpu.memory_space<vmem>>, vector<1x64xf32>
    %get3A_162 = vector.shape_cast %get3A_161 : vector<1x64xf32> to vector<64xf32>
    %broadcast_in_dim3A_163 = vector.shape_cast %get3A_162 : vector<64xf32> to vector<1x64xf32>
    %add3A_164 = vector.broadcast %broadcast_in_dim3A_163 : vector<1x64xf32> to vector<512x64xf32>
    %add3A_165 = arith.addf %dot_general3A_158, %add3A_164 : vector<512x64xf32>
    %max3A_166 = arith.constant 0.000000e+00 : f32
    %max3A_167 = vector.broadcast %max3A_166 : f32 to vector<512x64xf32>
    %max3A_168 = arith.maximumf %add3A_165, %max3A_167 : vector<512x64xf32>
    %get3A_169 = arith.constant 1 : index
    %get3A_170 = arith.constant 0 : index
    %get3A_171 = arith.constant 0 : index
    %get3A_172 = vector.load %arg10[%get3A_169, %get3A_170, %get3A_171] : memref<3x64x128xf32, #tpu.memory_space<vmem>>, vector<1x64x128xf32>
    %get3A_173 = vector.shape_cast %get3A_172 : vector<1x64x128xf32> to vector<64x128xf32>
    %dot_general3A_174 = arith.constant dense<0.000000e+00> : vector<512x128xf32>
    %dot_general3A_175 = tpu.matmul %max3A_168, %get3A_173, %dot_general3A_174 {dimension_numbers = #tpu.dot_dimension_numbers<[1], [0], [0], [1], [0, 0, 1, 1], [], []>, transpose_lhs_hint = false} : vector<512x64xf32>, vector<64x128xf32>, vector<512x128xf32> -> vector<512x128xf32>
    %get3A_176 = arith.constant 1 : index
    %get3A_177 = arith.constant 0 : index
    %get3A_178 = vector.load %arg11[%get3A_176, %get3A_177] : memref<3x128xf32, #tpu.memory_space<vmem>>, vector<1x128xf32>
    %get3A_179 = vector.shape_cast %get3A_178 : vector<1x128xf32> to vector<128xf32>
    %broadcast_in_dim3A_180 = vector.shape_cast %get3A_179 : vector<128xf32> to vector<1x128xf32>
    %add3A_181 = vector.broadcast %broadcast_in_dim3A_180 : vector<1x128xf32> to vector<512x128xf32>
    %add3A_182 = arith.addf %dot_general3A_175, %add3A_181 : vector<512x128xf32>
    %tanh3A_183 = math.tanh %add3A_182 : vector<512x128xf32>
    %sub3A_184 = arith.subf %add3A_151, %tanh3A_46 : vector<512x128xf32>
    %integer_pow3A_185 = arith.mulf %sub3A_184, %sub3A_184 : vector<512x128xf32>
    %mul3A_186 = arith.constant 5.000000e-01 : f32
    %mul3A_187 = vector.broadcast %mul3A_186 : f32 to vector<512x128xf32>
    %mul3A_188 = arith.mulf %integer_pow3A_185, %mul3A_187 : vector<512x128xf32>
    %neg3A_189 = arith.constant 0.000000e+00 : f32
    %neg3A_190 = vector.broadcast %neg3A_189 : f32 to vector<512x128xf32>
    %neg3A_191 = arith.subf %neg3A_190, %tanh3A_183 : vector<512x128xf32>
    %exp3A_192 = math.exp %neg3A_191 : vector<512x128xf32>
    %mul3A_193 = arith.mulf %mul3A_188, %exp3A_192 : vector<512x128xf32>
    %reduce_sum3A_194 = vector.shape_cast %mul3A_193 : vector<512x128xf32> to vector<1x512x128xf32>
    %reduce_sum3A_195 = arith.constant dense<0.000000e+00> : vector<1xf32>
    %reduce_sum3A_196 = vector.multi_reduction <add>, %reduce_sum3A_194, %reduce_sum3A_195 [1, 2] : vector<1x512x128xf32> to vector<1xf32>
    %reduce_sum3A_197 = vector.shape_cast %reduce_sum3A_196 : vector<1xf32> to vector<1x1x1xf32>
    %reduce_sum3A_198 = vector.extract %reduce_sum3A_197[0, 0, 0] : f32 from vector<1x1x1xf32>
    %reshape3A_199 = vector.broadcast %reduce_sum3A_198 : f32 to vector<1x1xf32>
    %add3A_200 = arith.addf %add3A_120, %reshape3A_199 : vector<1x1xf32>
    %get3A_201 = arith.constant 2 : index
    %get3A_202 = arith.constant 0 : index
    %get3A_203 = arith.constant 0 : index
    %get3A_204 = vector.load %arg4[%get3A_201, %get3A_202, %get3A_203] : memref<3x128x64xf32, #tpu.memory_space<vmem>>, vector<1x128x64xf32>
    %get3A_205 = vector.shape_cast %get3A_204 : vector<1x128x64xf32> to vector<128x64xf32>
    %dot_general3A_206 = arith.constant dense<0.000000e+00> : vector<512x64xf32>
    %dot_general3A_207 = tpu.matmul %tanh3A_35, %get3A_205, %dot_general3A_206 {dimension_numbers = #tpu.dot_dimension_numbers<[1], [0], [0], [1], [0, 0, 1, 1], [], []>, transpose_lhs_hint = false} : vector<512x128xf32>, vector<128x64xf32>, vector<512x64xf32> -> vector<512x64xf32>
    %get3A_208 = arith.constant 2 : index
    %get3A_209 = arith.constant 0 : index
    %get3A_210 = vector.load %arg5[%get3A_208, %get3A_209] : memref<3x64xf32, #tpu.memory_space<vmem>>, vector<1x64xf32>
    %get3A_211 = vector.shape_cast %get3A_210 : vector<1x64xf32> to vector<64xf32>
    %broadcast_in_dim3A_212 = vector.shape_cast %get3A_211 : vector<64xf32> to vector<1x64xf32>
    %add3A_213 = vector.broadcast %broadcast_in_dim3A_212 : vector<1x64xf32> to vector<512x64xf32>
    %add3A_214 = arith.addf %dot_general3A_207, %add3A_213 : vector<512x64xf32>
    %max3A_215 = arith.constant 0.000000e+00 : f32
    %max3A_216 = vector.broadcast %max3A_215 : f32 to vector<512x64xf32>
    %max3A_217 = arith.maximumf %add3A_214, %max3A_216 : vector<512x64xf32>
    %get3A_218 = arith.constant 2 : index
    %get3A_219 = arith.constant 0 : index
    %get3A_220 = arith.constant 0 : index
    %get3A_221 = vector.load %arg6[%get3A_218, %get3A_219, %get3A_220] : memref<3x64x128xf32, #tpu.memory_space<vmem>>, vector<1x64x128xf32>
    %get3A_222 = vector.shape_cast %get3A_221 : vector<1x64x128xf32> to vector<64x128xf32>
    %dot_general3A_223 = arith.constant dense<0.000000e+00> : vector<512x128xf32>
    %dot_general3A_224 = tpu.matmul %max3A_217, %get3A_222, %dot_general3A_223 {dimension_numbers = #tpu.dot_dimension_numbers<[1], [0], [0], [1], [0, 0, 1, 1], [], []>, transpose_lhs_hint = false} : vector<512x64xf32>, vector<64x128xf32>, vector<512x128xf32> -> vector<512x128xf32>
    %get3A_225 = arith.constant 2 : index
    %get3A_226 = arith.constant 0 : index
    %get3A_227 = vector.load %arg7[%get3A_225, %get3A_226] : memref<3x128xf32, #tpu.memory_space<vmem>>, vector<1x128xf32>
    %get3A_228 = vector.shape_cast %get3A_227 : vector<1x128xf32> to vector<128xf32>
    %broadcast_in_dim3A_229 = vector.shape_cast %get3A_228 : vector<128xf32> to vector<1x128xf32>
    %add3A_230 = vector.broadcast %broadcast_in_dim3A_229 : vector<1x128xf32> to vector<512x128xf32>
    %add3A_231 = arith.addf %dot_general3A_224, %add3A_230 : vector<512x128xf32>
    %get3A_232 = arith.constant 2 : index
    %get3A_233 = arith.constant 0 : index
    %get3A_234 = arith.constant 0 : index
    %get3A_235 = vector.load %arg8[%get3A_232, %get3A_233, %get3A_234] : memref<3x128x64xf32, #tpu.memory_space<vmem>>, vector<1x128x64xf32>
    %get3A_236 = vector.shape_cast %get3A_235 : vector<1x128x64xf32> to vector<128x64xf32>
    %dot_general3A_237 = arith.constant dense<0.000000e+00> : vector<512x64xf32>
    %dot_general3A_238 = tpu.matmul %tanh3A_35, %get3A_236, %dot_general3A_237 {dimension_numbers = #tpu.dot_dimension_numbers<[1], [0], [0], [1], [0, 0, 1, 1], [], []>, transpose_lhs_hint = false} : vector<512x128xf32>, vector<128x64xf32>, vector<512x64xf32> -> vector<512x64xf32>
    %get3A_239 = arith.constant 2 : index
    %get3A_240 = arith.constant 0 : index
    %get3A_241 = vector.load %arg9[%get3A_239, %get3A_240] : memref<3x64xf32, #tpu.memory_space<vmem>>, vector<1x64xf32>
    %get3A_242 = vector.shape_cast %get3A_241 : vector<1x64xf32> to vector<64xf32>
    %broadcast_in_dim3A_243 = vector.shape_cast %get3A_242 : vector<64xf32> to vector<1x64xf32>
    %add3A_244 = vector.broadcast %broadcast_in_dim3A_243 : vector<1x64xf32> to vector<512x64xf32>
    %add3A_245 = arith.addf %dot_general3A_238, %add3A_244 : vector<512x64xf32>
    %max3A_246 = arith.constant 0.000000e+00 : f32
    %max3A_247 = vector.broadcast %max3A_246 : f32 to vector<512x64xf32>
    %max3A_248 = arith.maximumf %add3A_245, %max3A_247 : vector<512x64xf32>
    %get3A_249 = arith.constant 2 : index
    %get3A_250 = arith.constant 0 : index
    %get3A_251 = arith.constant 0 : index
    %get3A_252 = vector.load %arg10[%get3A_249, %get3A_250, %get3A_251] : memref<3x64x128xf32, #tpu.memory_space<vmem>>, vector<1x64x128xf32>
    %get3A_253 = vector.shape_cast %get3A_252 : vector<1x64x128xf32> to vector<64x128xf32>
    %dot_general3A_254 = arith.constant dense<0.000000e+00> : vector<512x128xf32>
    %dot_general3A_255 = tpu.matmul %max3A_248, %get3A_253, %dot_general3A_254 {dimension_numbers = #tpu.dot_dimension_numbers<[1], [0], [0], [1], [0, 0, 1, 1], [], []>, transpose_lhs_hint = false} : vector<512x64xf32>, vector<64x128xf32>, vector<512x128xf32> -> vector<512x128xf32>
    %get3A_256 = arith.constant 2 : index
    %get3A_257 = arith.constant 0 : index
    %get3A_258 = vector.load %arg11[%get3A_256, %get3A_257] : memref<3x128xf32, #tpu.memory_space<vmem>>, vector<1x128xf32>
    %get3A_259 = vector.shape_cast %get3A_258 : vector<1x128xf32> to vector<128xf32>
    %broadcast_in_dim3A_260 = vector.shape_cast %get3A_259 : vector<128xf32> to vector<1x128xf32>
    %add3A_261 = vector.broadcast %broadcast_in_dim3A_260 : vector<1x128xf32> to vector<512x128xf32>
    %add3A_262 = arith.addf %dot_general3A_255, %add3A_261 : vector<512x128xf32>
    %tanh3A_263 = math.tanh %add3A_262 : vector<512x128xf32>
    %sub3A_264 = arith.subf %add3A_231, %tanh3A_46 : vector<512x128xf32>
    %integer_pow3A_265 = arith.mulf %sub3A_264, %sub3A_264 : vector<512x128xf32>
    %mul3A_266 = arith.constant 5.000000e-01 : f32
    %mul3A_267 = vector.broadcast %mul3A_266 : f32 to vector<512x128xf32>
    %mul3A_268 = arith.mulf %integer_pow3A_265, %mul3A_267 : vector<512x128xf32>
    %neg3A_269 = arith.constant 0.000000e+00 : f32
    %neg3A_270 = vector.broadcast %neg3A_269 : f32 to vector<512x128xf32>
    %neg3A_271 = arith.subf %neg3A_270, %tanh3A_263 : vector<512x128xf32>
    %exp3A_272 = math.exp %neg3A_271 : vector<512x128xf32>
    %mul3A_273 = arith.mulf %mul3A_268, %exp3A_272 : vector<512x128xf32>
    %reduce_sum3A_274 = vector.shape_cast %mul3A_273 : vector<512x128xf32> to vector<1x512x128xf32>
    %reduce_sum3A_275 = arith.constant dense<0.000000e+00> : vector<1xf32>
    %reduce_sum3A_276 = vector.multi_reduction <add>, %reduce_sum3A_274, %reduce_sum3A_275 [1, 2] : vector<1x512x128xf32> to vector<1xf32>
    %reduce_sum3A_277 = vector.shape_cast %reduce_sum3A_276 : vector<1xf32> to vector<1x1x1xf32>
    %reduce_sum3A_278 = vector.extract %reduce_sum3A_277[0, 0, 0] : f32 from vector<1x1x1xf32>
    %reshape3A_279 = vector.broadcast %reduce_sum3A_278 : f32 to vector<1x1xf32>
    %add3A_280 = arith.addf %add3A_200, %reshape3A_279 : vector<1x1xf32>
    %eq3A = arith.constant 0 : i32
    %eq3A_281 = arith.cmpi eq, %arg0, %eq3A : i32
    %convert_element_type3A = arith.extui %eq3A_281 : i1 to i32
    %cond3A = arith.constant 0 : i32
    %cond3A_282 = arith.cmpi ne, %convert_element_type3A, %cond3A : i32
    scf.if %cond3A_282 {
      %broadcast_in_dim3A_289 = arith.constant 0.000000e+00 : f32
      %broadcast_in_dim3A_290 = vector.broadcast %broadcast_in_dim3A_289 : f32 to vector<1x1xf32>
      %swap3A_291 = arith.constant 0 : index
      %swap3A_292 = arith.constant 0 : index
      %swap3A_293 = vector.load %arg12[%swap3A_291, %swap3A_292] : memref<1x1xf32, #tpu.memory_space<vmem>>, vector<1x1xf32>
      tpu.vector_store %arg12[%swap3A_291, %swap3A_292], %broadcast_in_dim3A_290 {strides = array<i32>} : memref<1x1xf32, #tpu.memory_space<vmem>>, vector<1x1xf32>,
    } else {
    }
    %get3A_283 = arith.constant 0 : index
    %get3A_284 = arith.constant 0 : index
    %get3A_285 = vector.load %arg12[%get3A_283, %get3A_284] : memref<1x1xf32, #tpu.memory_space<vmem>>, vector<1x1xf32>
    %add3A_286 = arith.addf %get3A_285, %add3A_280 : vector<1x1xf32>
    %swap3A = arith.constant 0 : index
    %swap3A_287 = arith.constant 0 : index
    %swap3A_288 = vector.load %arg12[%swap3A, %swap3A_287] : memref<1x1xf32, #tpu.memory_space<vmem>>, vector<1x1xf32>
    tpu.vector_store %arg12[%swap3A, %swap3A_287], %add3A_286 {strides = array<i32>} : memref<1x1xf32, #tpu.memory_space<vmem>>, vector<1x1xf32>,
    return
  }
  func.func @transform_0(%arg0: i32) -> (i32, i32, i32) {
    %c0_i32 = arith.constant 0 : i32
    %c0_i32_0 = arith.constant 0 : i32
    %c0_i32_1 = arith.constant 0 : i32
    return %c0_i32, %arg0, %c0_i32_0 : i32, i32, i32
  }
  func.func @transform_1(%arg0: i32) -> (i32, i32) {
    %c0_i32 = arith.constant 0 : i32
    %c0_i32_0 = arith.constant 0 : i32
    return %arg0, %c0_i32 : i32, i32
  }
  func.func @transform_2(%arg0: i32) -> (i32, i32, i32) {
    %c0_i32 = arith.constant 0 : i32
    %c0_i32_0 = arith.constant 0 : i32
    %c0_i32_1 = arith.constant 0 : i32
    %c0_i32_2 = arith.constant 0 : i32
    return %c0_i32, %c0_i32_0, %c0_i32_1 : i32, i32, i32
  }
  func.func @transform_3(%arg0: i32) -> (i32, i32, i32) {
    %c0_i32 = arith.constant 0 : i32
    %c0_i32_0 = arith.constant 0 : i32
    %c0_i32_1 = arith.constant 0 : i32
    %c0_i32_2 = arith.constant 0 : i32
    return %c0_i32, %c0_i32_0, %c0_i32_1 : i32, i32, i32
  }
  func.func @transform_4(%arg0: i32) -> (i32, i32) {
    %c0_i32 = arith.constant 0 : i32
    %c0_i32_0 = arith.constant 0 : i32
    %c0_i32_1 = arith.constant 0 : i32
    return %c0_i32, %c0_i32_0 : i32, i32
  }
  func.func @transform_5(%arg0: i32) -> (i32, i32, i32) {
    %c0_i32 = arith.constant 0 : i32
    %c0_i32_0 = arith.constant 0 : i32
    %c0_i32_1 = arith.constant 0 : i32
    %c0_i32_2 = arith.constant 0 : i32
    return %c0_i32, %c0_i32_0, %c0_i32_1 : i32, i32, i32
  }
  func.func @transform_6(%arg0: i32) -> (i32, i32) {
    %c0_i32 = arith.constant 0 : i32
    %c0_i32_0 = arith.constant 0 : i32
    %c0_i32_1 = arith.constant 0 : i32
    return %c0_i32, %c0_i32_0 : i32, i32
  }
  func.func @transform_7(%arg0: i32) -> (i32, i32, i32) {
    %c0_i32 = arith.constant 0 : i32
    %c0_i32_0 = arith.constant 0 : i32
    %c0_i32_1 = arith.constant 0 : i32
    %c0_i32_2 = arith.constant 0 : i32
    return %c0_i32, %c0_i32_0, %c0_i32_1 : i32, i32, i32
  }
  func.func @transform_8(%arg0: i32) -> (i32, i32) {
    %c0_i32 = arith.constant 0 : i32
    %c0_i32_0 = arith.constant 0 : i32
    %c0_i32_1 = arith.constant 0 : i32
    return %c0_i32, %c0_i32_0 : i32, i32
  }
  func.func @transform_9(%arg0: i32) -> (i32, i32, i32) {
    %c0_i32 = arith.constant 0 : i32
    %c0_i32_0 = arith.constant 0 : i32
    %c0_i32_1 = arith.constant 0 : i32
    %c0_i32_2 = arith.constant 0 : i32
    return %c0_i32, %c0_i32_0, %c0_i32_1 : i32, i32, i32
  }
  func.func @transform_10(%arg0: i32) -> (i32, i32) {
    %c0_i32 = arith.constant 0 : i32
    %c0_i32_0 = arith.constant 0 : i32
    %c0_i32_1 = arith.constant 0 : i32
    return %c0_i32, %c0_i32_0 : i32, i32
  }
  func.func @transform_11(%arg0: i32) -> (i32, i32) {
    %c0_i32 = arith.constant 0 : i32
    %c0_i32_0 = arith.constant 0 : i32
    %c0_i32_1 = arith.constant 0 : i32
    return %c0_i32, %c0_i32_0 : i32, i32
  }
}

</mosaic_0001>

<sc_bundles>
// kernel: kernel.5.cloned.1.call-start
scs
__scs_entry_jumppad:
0x0: {  	(pc) =	sbr.rel $0x88, $3  }
0x1: {  	(tag) =	ssettag $0x0;
	lr =	simm.s32 $0x1  }
0x2: {  	[smem:$0x3F91] =	sst lr;
	_ =	strace $0xD0000000  }
0x3: {  	_ = 	snop  }
0x4: {  	_ = 	snop  }
0x5: {  	_ = 	snop  }
0x6: {  	_ = 	snop  }
0x7: {  	_ = 	snop  }
__scs_overlays_trampoline_lowered:
0x8: {  	[smem:$0x3FA0] =	sst s0  }
0x9: {  	[smem:$0x3FA1] =	sst s1  }
0xa: {  	[smem:$0x3FA2] =	sst s2  }
0xb: {  	[smem:$0x3FA3] =	sst s3  }
0xc: {  	[smem:$0x3FA4] =	sst s4  }
0xd: {  	[smem:$0x3FA5] =	sst s5  }
0xe: {  	[smem:$0x3FA6] =	sst s6  }
0xf: {  	[smem:$0x3FA7] =	sst s7  }
0x10: {  	[smem:$0x3FA8] =	sst s8  }
0x11: {  	[smem:$0x3FA9] =	sst s9;
	s0 =	simm.s32 @!p0 $0x0  }
0x12: {  	s1 =	sld [smem:$0x3F8F];
	s0 =	simm.s32 @p0 $0x1  }
0x13: {  	[smem:$0x3FAA] =	sst s0;
	s0 =	simm.s32 @!p1 $0x0  }
0x14: {  	s2 =	sld [smem:$0x3F8E];
	s0 =	simm.s32 @p1 $0x1  }
0x15: {  	[smem:$0x3FAB] =	sst s0;
	s0 =	simm.s32 @!p2 $0x0  }
0x16: {  	s3 =	sld [smem:$0x3FDB];
	s0 =	simm.s32 @p2 $0x1  }
0x17: {  	s4 =	simm.s32 $0x1BF5;
	[smem:$0x3FAD] =	sst s0  }
0x18: {  	s0 =	sld [smem:$0x3F90];
	_ =	swait.ge [sflag:s4], $0x0  }
0x19: {  	s7 =	sld [smem:$0x3F91]  }
0x1a: {  	s8 =	sadd.s32 $0xFFFFE003, lr  }
0x1b: {  	s9 =	sadd.s32 $0xFFFFFEF7, lr;
	s5 =	simm.s32 $0xFFFFFFFF;
	p2 =	slt.u32 s8, $0xFFFFF086  }
0x1c: {  	p1 =	slt.u32 s9, $0xF7A;
	s5 =	simm.s32 @!p2 $0x0  }
0x1d: {  	s5 =	simm.s32 @p1 $0x1;
	p0 =	seq.s32 s7, s2  }
0x1e: {  	s7 =	smul.u32 @!p0 $0xF7A, s2;
	p2 =	seq.s32 @!p0 s5, $0x0  }
0x1f: {  	s9 =	smul.u32 $0xF7A, s1;
	s8 =	simm.s32 @!p0 $0x1BF5;
	p2 =	por !p2, p0  }
0x20: {  	[sflag:s8] =	ssyncset.s32 @!p0 $0xFFFFF086;
	s6 =	sadd.s32 @!p0 s3, s7;
	s7 =	simm.s32 @!p0 $0x108  }
0x21: {  	s3 =	sadd.s32 s3, s9;
	s6 =	sadd.s32 @!p0 $0x88, s6;
	s7 =	simm.s32 @p2 $0x1082  }
0x22: {  	[simem:s7], [sflag:s8] =	dma.local @!p0 [hbm:s6], $0xF7A  }
0x23: {  	s9 =	sor.u32 $0xD0000000, s2;
	s6 =	simm.s32 $0x108;
	_ =	swait.ge @!p0 [sflag:s8], $0x0  }
0x24: {  	s3 =	sadd.s32 $0x88, s3;
	s6 =	simm.s32 @!p1 $0x1082;
	[sflag:s4] =	ssyncset.s32 $0xFFFFF086  }
0x25: {  	[simem:s6], [sflag:s4] =	dma.local [hbm:s3], $0xF7A  }
0x26: {  	[smem:$0x3F91] =	sst s1;
	(tag) =	ssettag s2;
	_ =	strace s9  }
0x27: {  	s1 =	sld [smem:$0x3FA1]  }
0x28: {  	s2 =	sld [smem:$0x3FA2]  }
0x29: {  	s4 =	sld [smem:$0x3FA4]  }
0x2a: {  	p0 =	seq.s32 s5, $0x0;
	s5 =	sld [smem:$0x3FA5]  }
0x2b: {  	s6 =	sld [smem:$0x3FA6]  }
0x2c: {  	s7 =	sld [smem:$0x3FA7]  }
0x2d: {  	s3 =	simm.s32 $0x108;
	s8 =	sld [smem:$0x3FA8]  }
0x2e: {  	s3 =	simm.s32 @!p0 $0x1082;
	s9 =	sld [smem:$0x3FA9]  }
0x2f: {  	lr =	sadd.s32 s0, s3;
	s0 =	sld [smem:$0x3FA0]  }
0x30: {  	s3 =	sld [smem:$0x3FA3]  }
0x31: {  	[smem:$0x3FAC] =	sst s10  }
0x32: {  	s10 =	sld [smem:$0x3FAA];
	_ =	sdelay $0x3  }
0x33: {  	p0 =	seq.s32 s10, $0x1;
	s10 =	sld [smem:$0x3FAC];
	_ =	sdelay $0x3  }
0x34: {  	[smem:$0x3FAC] =	sst s10  }
0x35: {  	s10 =	sld [smem:$0x3FAB];
	_ =	sdelay $0x3  }
0x36: {  	p1 =	seq.s32 s10, $0x1;
	s10 =	sld [smem:$0x3FAC];
	_ =	sdelay $0x3  }
0x37: {  	[smem:$0x3FAC] =	sst s10  }
0x38: {  	s10 =	sld [smem:$0x3FAD]  }
0x39: {  	_ = 	snop;
	(pc) =	sbr.ind lr, $3  }
0x3a: {  	_ = 	snop  }
0x3b: {  	_ = 	snop  }
0x3c: {  	p2 =	seq.s32 s10, $0x1;
	s10 =	sld [smem:$0x3FAC]  }
0x3d: {  	_ =	shalt  }
0x3e: {  	_ =	shalt  }
0x3f: {  	_ =	shalt  }
0x40: {  	_ =	shalt  }
0x41: {  	_ =	shalt  }
0x42: {  	_ =	shalt  }
0x43: {  	_ =	shalt  }
0x44: {  	_ =	shalt  }
0x45: {  	_ =	shalt  }
0x46: {  	_ =	shalt  }
0x47: {  	_ =	shalt  }
0x48: {  	_ =	shalt  }
0x49: {  	_ =	shalt  }
0x4a: {  	_ =	shalt  }
0x4b: {  	_ =	shalt  }
0x4c: {  	_ =	shalt  }
0x4d: {  	_ =	shalt  }
0x4e: {  	_ =	shalt  }
0x4f: {  	_ =	shalt  }
0x50: {  	_ =	shalt  }
0x51: {  	_ =	shalt  }
0x52: {  	_ =	shalt  }
0x53: {  	_ =	shalt  }
0x54: {  	_ =	shalt  }
0x55: {  	_ =	shalt  }
0x56: {  	_ =	shalt  }
0x57: {  	_ =	shalt  }
0x58: {  	_ =	shalt  }
0x59: {  	_ =	shalt  }
0x5a: {  	_ =	shalt  }
0x5b: {  	_ =	shalt  }
0x5c: {  	_ =	shalt  }
0x5d: {  	_ =	shalt  }
0x5e: {  	_ =	shalt  }
0x5f: {  	_ =	shalt  }
0x60: {  	_ =	shalt  }
0x61: {  	_ =	shalt  }
0x62: {  	_ =	shalt  }
0x63: {  	_ =	shalt  }
0x64: {  	_ =	shalt  }
0x65: {  	_ =	shalt  }
0x66: {  	_ =	shalt  }
0x67: {  	_ =	shalt  }
0x68: {  	_ =	shalt  }
0x69: {  	_ =	shalt  }
0x6a: {  	_ =	shalt  }
0x6b: {  	_ =	shalt  }
0x6c: {  	_ =	shalt  }
0x6d: {  	_ =	shalt  }
0x6e: {  	_ =	shalt  }
0x6f: {  	_ =	shalt  }
0x70: {  	_ =	shalt  }
0x71: {  	_ =	shalt  }
0x72: {  	_ =	shalt  }
0x73: {  	_ =	shalt  }
0x74: {  	_ =	shalt  }
0x75: {  	_ =	shalt  }
0x76: {  	_ =	shalt  }
0x77: {  	_ =	shalt  }
0x78: {  	_ =	shalt  }
0x79: {  	_ =	shalt  }
0x7a: {  	_ =	shalt  }
0x7b: {  	_ =	shalt  }
0x7c: {  	_ =	shalt  }
0x7d: {  	_ =	shalt  }
0x7e: {  	_ =	shalt  }
0x7f: {  	_ =	shalt  }
0x80: {  	_ =	shalt  }
0x81: {  	_ =	shalt  }
0x82: {  	_ =	shalt  }
0x83: {  	_ =	shalt  }
0x84: {  	_ =	shalt  }
0x85: {  	_ =	shalt  }
0x86: {  	_ =	shalt  }
0x87: {  	_ =	shalt  }
.Lfunc_end0:
.L_simem_size_0:
called_computation_lowered:
.L_overlay_start_0:
0x88: {  	s2 =	sld [smem:$0x3FD9]  }
0x89: {  	s3 =	sld [smem:$0x3FFE];
	_ =	sdelay $0x1  }
0x8a: {  	s1 =	srdreg.scid  }
0x8b: {  	s0 =	sand.u32 $0x1, s1  }
0x8c: {  	s17 =	sshll.u32 s0, $0xA;
	s2 =	sadd.s32 s3, s2  }
0x8d: {  	s2 =	sadd.s32 s2, s17  }
0x8e: {  	[smem:$0x3FB8] =	sst s2  }
0x8f: {  	_ = 	snop  }
0x90: {  	s2 =	sld [smem:$0x3FC9]  }
0x91: {  	s18 =	sld [smem:$0x3FC5];
	(tm) =	ssettm $0x1  }
0x92: {  	s4 =	sld [smem:$0x3FFB];
	_ =	sdelay $0x3  }
0x93: {  	_ =	strace s4  }
0x94: {  	s4 =	sld [smem:$0x3FFC];
	_ =	sdelay $0x3  }
0x95: {  	_ =	strace s4  }
0x96: {  	s4 =	sld [smem:$0x3FFD];
	_ =	sdelay $0x3  }
0x97: {  	_ =	strace s4  }
0x98: {  	_ =	strace $0x8FFFFFFF  }
0x99: {  	s19 =	sld [smem:$0x3FDB];
	_ =	sdelay $0x1  }
0x9a: {  	s5 =	simm.s32 $_scs_section_size  }
0x9b: {  	s6 =	simm.s32 $_size__tile_overlayer_lowered;
	s7 =	simm.s32 $_tile_overlayer_lowered  }
0x9c: {  	s22 =	simm.s32 $0x1BFF;
	s21 =	sshll.u32 s7, $0x1;
	s4 =	sadd.s32 s5, s19  }
0x9d: {  	s8 =	simm.s32 $0x0;
	s20 =	sshll.u32 s6, $0x1;
	s6 =	sadd.s32 s21, s4  }
0x9e: {  	[timem:s8], [sflag:s22] =	dma.local [hbm:s6], s20  }
0x9f: {  	_ =	swait.ge [sflag:s22], s20  }
0xa0: {  	s5 =	ssub.s32 $0x0, s20;
	[sflag:s22] =	ssyncset.done $0x0  }
0xa1: {  	[sflag:s22] =	ssyncadd.s32 s5;
	_ =	sdelay $0x1  }
0xa2: {  	s23 =	simm.s32 $0x1B8B  }
0xa3: {  	_ =	swait.ge [sflag:s23], $0x1  }
0xa4: {  	[sflag:s23] =	ssyncset.done $0x0  }
0xa5: {  	s25 =	simm.s32 $0x1B8E;
	s24 =	sld [smem:$0x3FFE];
	[sflag:s23] =	ssyncadd.s32 $0xFFFFFFFF  }
0xa6: {  	s26 =	simm.s32 $execute0_lowered;
	[smem:$0x3FD2] =	sst s25  }
0xa7: {  	s6 =	sshll.u32 s26, $0x1;
	_ =	strace $0x80000046;
	[dreg:$0x1] =	wrdreg $0xFFFFFFFF  }
0xa8: {  	s28 =	simm.s32 $_size_execute0_lowered;
	s4 =	sadd.s32 s4, s6;
	[dreg:$0x0] =	wrdreg $0x0  }
0xa9: {  	s6 =	sshll.u32 s28, $0x1;
	[dreg:$0x2] =	wrdreg s4  }
0xaa: {  	[dreg:$0x3] =	wrdreg s6  }
0xab: {  	[dreg:$0x4] =	wrdreg $0xC0  }
0xac: {  	_ =	task [dreg:s8], $0x5FFFF  }
0xad: {  	[dreg:$0x1] =	wrdreg $0xFFFFFFFF  }
0xae: {  	[dreg:$0x0] =	wrdreg $0x60  }
0xaf: {  	[dreg:$0x2] =	wrdreg s24  }
0xb0: {  	[dreg:$0x3] =	wrdreg s2  }
0xb1: {  	[dreg:$0x4] =	wrdreg s18  }
0xb2: {  	[dreg:$0x5] =	wrdreg $0x9  }
0xb3: {  	_ =	task.clear_ibuf [dreg:s8], $0x6FFFF;
	_ =	strace $0x90000046  }
0xb4: {  	s29 =	simm.s32 $0x9;
	_ =	strace $0x80000048  }
0xb5: {  	_ =	swait.ge [sflag:s29], $0x1  }
0xb6: {  	[sflag:s29] =	ssyncadd.s32 $0xFFFFFFFF  }
0xb7: {  	_ =	strace $0x90000048  }
0xb8: {  	_ =	sfence  }
0xb9: {  	s30 =	sld [smem:$0x0];
	_ =	sdelay $0x2  }
0xba: {  	s31 =	sshll.u32 s1, $0xD;
	s1 =	sshrl.u32 s1, $0x2  }
0xbb: {  	s3 =	sand.u32 $0x4000, s31;
	s1 =	sadd.s32 s1, s30  }
0xbc: {  	s0 =	sor.u32 s3, s0;
	s1 =	sshll.u32 s1, $0x11  }
0xbd: {  	s0 =	sor.u32 s1, s0  }
0xbe: {  	s0 =	sadd.s32 $0x8F2B, s0  }
0xbf: {  	[sflag:s0] =	ssyncadd.remote.s32 $0x1  }
0xc0: {  	_ =	sfence.sel $0xFFFF  }
0xc1: {  	[dreg:$0x0] =	wrdreg $0xFFFFFFFF;
	(pc) =	sbr.abs _section_cstart, $3  }
0xc2: {  	[dreg:$0x1] =	wrdreg $0xFFFFFFFF  }
0xc3: {  	_ =	task.clear_ibuf [dreg:s8], $0x2FFFF;
	_ =	strace $0x9FFFFFFF  }
0xc4: {  	(tm) =	ssettm $0x7FFFFFFF  }
0xc5: {  	_ =	shalt  }
tec
execute0_lowered:
.L_overlay_start_1:
0x0: {  	(tag) =	ssettag $0x1  }
0x1: {  	s0 =	srdreg.scid;
	s21 =	stileid.u32  }
0x2: {  	s8 =	sand.u32 $0x1, s0;
	s16 =	sshll.u32 s21, $0x7;
	s5 =	smul.u32 $0xA000, s21  }
0x3: {  	s10 =	sshll.u32 s21, $0x9;
	s20 =	sshll.u32 s21, $0x11;
	s0 =	sshll.u32 s8, $0x4  }
0x4: {  	s2 =	sand.u32 $0x380, s16;
	s17 =	smul.u32 $0xA0000, s8;
	s4 =	ssub.s32 $0x2, s8  }
0x5: {  	s9 =	sshll.u32 s8, $0x7;
	s14 =	sshll.u32 s8, $0x15;
	p0 =	seq.s32 s8, $0x0  }
0x6: {  	s3 =	sor.u32 s21, s0;
	s7 =	sshrl.u32 s4, $0x1;
	s18 =	sor.u32 s9, s10  }
0x7: {  	s10 =	sshll.u32 s21, $0x8;
	s16 =	sor.u32 s20, s14;
	s0 =	sshrl.u32 s3, $0x3  }
0x8: {  	s4 =	ssub.s32 s4, s7;
	s11 =	sshrl.u32 s18, $0x3;
	s13 =	sor.u32 $0x20, s10  }
0x9: {  	s15 =	sor.u32 $0x80, s10;
	s1 =	smul.u32 $0xA000, s0;
	s0 =	rddreg [dreg:$0x0]  }
0xa: {  	s22 =	sshll.u32 s15, $0x1;
	s6 =	sadd.s32 $0x20600, s0;
	s12 =	sadd.s32 $0x20604, s0  }
0xb: {  	s7 =	sor.u32 s9, s22;
	s30 =	sadd.s32 $0x2060C, s0;
	s1 =	sor.u32 s2, s1  }
0xc: {  	s2 =	sadd.s32 s5, s17;
	s5 =	sadd.s32 s6, s11;
	s19 =	sadd.s32 s11, s12  }
0xd: {  	s17 =	sadd.s32 $0x20608, s0;
	s7 =	sshrl.u32 s7, $0x3;
	[dreg:$0x4] =	wrdreg s5  }
0xe: {  	[dreg:$0x5] =	wrdreg s19;
	s5 =	sor.u32 $0xA0, s10;
	s19 =	sadd.s32 s11, s17  }
0xf: {  	s6 =	sadd.s32 s6, s7;
	s7 =	sor.u32 $0xE0, s10;
	[dreg:$0x6] =	wrdreg s19  }
0x10: {  	s11 =	sadd.s32 s11, s30;
	s18 =	sshll.u32 s5, $0x1;
	[dreg:$0x7] =	wrdreg s6  }
0x11: {  	s6 =	sor.u32 $0xC0, s10;
	s26 =	sshll.u32 s7, $0x1;
	[dreg:$0x9] =	wrdreg s11  }
0x12: {  	s19 =	sshll.u32 s13, $0x9;
	s18 =	sand.u32 $0x1F00, s18;
	s24 =	sshll.u32 s6, $0x1  }
0x13: {  	s23 =	sor.u32 s9, s18;
	s25 =	sand.u32 $0x1F00, s24;
	s24 =	sshrl.u32 s16, $0x3  }
0x14: {  	s18 =	sshrl.u32 s23, $0x3;
	s23 =	sshll.u32 s5, $0x9;
	s5 =	smov.u32 @p0 s13  }
0x15: {  	s12 =	sadd.s32 s18, s12;
	s18 =	sand.u32 $0x1F00, s26;
	s5 =	sshrl.u32 s5, $0x3  }
0x16: {  	[dreg:$0x8] =	wrdreg s12;
	s12 =	sor.u32 s9, s25;
	s9 =	sor.u32 s9, s18  }
0x17: {  	s25 =	sadd.s32 $0x205E00, s0;
	s12 =	sshrl.u32 s12, $0x3;
	s9 =	sshrl.u32 s9, $0x3  }
0x18: {  	s11 =	sadd.s32 s12, s17;
	s12 =	sshll.u32 s21, $0x5;
	s9 =	sadd.s32 s9, s30  }
0x19: {  	s21 =	smul.u32 $0x3000, s21;
	[dreg:$0xa] =	wrdreg s11;
	s11 =	sshrl.u32 s15, $0x3  }
0x1a: {  	[dreg:$0xb] =	wrdreg s9;
	s9 =	sor.u32 s14, s19;
	s15 =	sshll.u32 s15, $0x9  }
0x1b: {  	s19 =	sor.u32 s14, s23;
	s8 =	smul.u32 $0x180, s11;
	s11 =	smov.u32 @p0 s12  }
0x1c: {  	s12 =	sor.u32 $0x40, s10;
	s10 =	sor.u32 $0x60, s10;
	s15 =	sor.u32 s14, s15  }
0x1d: {  	s9 =	sshrl.u32 s9, $0x3;
	s16 =	sshrl.u32 s19, $0x3;
	s20 =	sshll.u32 s12, $0x9  }
0x1e: {  	s22 =	sshll.u32 s10, $0x9;
	s9 =	sadd.s32 s25, s9;
	s17 =	sor.u32 s14, s20  }
0x1f: {  	s18 =	sor.u32 s14, s22;
	s20 =	sshll.u32 s6, $0x9;
	s8 =	smov.u32 @p0 s21  }
0x20: {  	s6 =	smov.u32 @p0 s12;
	s12 =	sadd.s32 s25, s24;
	[dreg:$0xd] =	wrdreg s9  }
0x21: {  	[dreg:$0xc] =	wrdreg s12;
	s26 =	sshrl.u32 s17, $0x3;
	s17 =	sadd.s32 s25, s16  }
0x22: {  	s21 =	sadd.s32 $0x1D5E00, s0;
	s16 =	simm.s32 $0x0;
	[dreg:$0x11] =	wrdreg s17  }
0x23: {  	s20 =	sor.u32 s14, s20;
	s12 =	sshrl.u32 s18, $0x3;
	[smem:$0x7FF] =	sst s16  }
0x24: {  	s8 =	sadd.s32 s21, s8;
	s18 =	sshrl.u32 s20, $0x3;
	s20 =	rddreg [dreg:$0x1]  }
0x25: {  	s15 =	sshrl.u32 s15, $0x3;
	s30 =	sadd.s32 s25, s26;
	[dreg:$0x15] =	wrdreg s8  }
0x26: {  	s22 =	sshll.u32 s7, $0x9;
	s9 =	sadd.s32 s25, s12;
	[dreg:$0xe] =	wrdreg s30  }
0x27: {  	s7 =	smov.u32 @p0 s10;
	[dreg:$0xf] =	wrdreg s9;
	s9 =	sadd.s32 s25, s15  }
0x28: {  	s14 =	sor.u32 s14, s22;
	s11 =	sadd.s32 s20, s11;
	[dreg:$0x10] =	wrdreg s9  }
0x29: {  	s6 =	sshrl.u32 s6, $0x3;
	s22 =	sadd.s32 s20, s5;
	[dreg:$0x14] =	wrdreg s11  }
0x2a: {  	s7 =	sshrl.u32 s7, $0x3;
	s23 =	sadd.s32 s20, s6;
	[dreg:$0x16] =	wrdreg s22  }
0x2b: {  	s24 =	sadd.s32 s20, s7;
	[dreg:$0x17] =	wrdreg s23  }
0x2c: {  	s3 =	smul.u32 $0xA00, s3;
	s19 =	sshrl.u32 s14, $0x3;
	[dreg:$0x18] =	wrdreg s24  }
0x2d: {  	s5 =	smul.u32 $0x180, s5;
	s9 =	sadd.s32 s25, s18;
	s24 =	rddreg [dreg:$0x2]  }
0x2e: {  	s6 =	smul.u32 $0x180, s6;
	[dreg:$0x12] =	wrdreg s9;
	s9 =	sadd.s32 s25, s19  }
0x2f: {  	s7 =	smul.u32 $0x180, s7;
	s5 =	sadd.s32 s21, s5;
	[dreg:$0x13] =	wrdreg s9  }
0x30: {  	s1 =	sshrl.u32 s1, $0x3;
	s25 =	sadd.s32 s21, s6;
	[dreg:$0x19] =	wrdreg s5  }
0x31: {  	s1 =	sadd.s32 s1, s0;
	s26 =	sadd.s32 s21, s7;
	[dreg:$0x1a] =	wrdreg s25  }
0x32: {  	s3 =	sadd.s32 s3, s0;
	s30 =	sadd.s32 $0x2600, s1;
	[dreg:$0x1b] =	wrdreg s26  }
0x33: {  	s1 =	sadd.s32 $0x7600, s1;
	_ =	strace $0x80000047;
	[dreg:$0x1d] =	wrdreg s30  }
0x34: {  	s3 =	sadd.s32 $0xC600, s3;
	[dreg:$0x1e] =	wrdreg s1  }
0x35: {  	s29 =	sadd.s32 $0x95E00, s0;
	s6 =	smax.u32 s4, $0x1;
	[dreg:$0x1f] =	wrdreg s3  }
0x36: {  	s5 =	sadd.s32 s29, s2;
	[smem:$0x7EA] =	sst s6  }
0x37: {  	s7 =	sadd.s32 $0x800, s5;
	[dreg:$0x1c] =	wrdreg s5  }
0x38: {  	s8 =	sadd.s32 $0x1000, s5;
	[smem:$0x7EB] =	sst s7  }
0x39: {  	s9 =	sadd.s32 $0x1800, s5;
	[smem:$0x7EC] =	sst s8  }
0x3a: {  	s10 =	sadd.s32 $0x2000, s5;
	[smem:$0x7ED] =	sst s9  }
0x3b: {  	s11 =	sadd.s32 $0x2800, s5;
	[smem:$0x7EE] =	sst s10  }
0x3c: {  	s12 =	sadd.s32 $0x3000, s5;
	[smem:$0x7EF] =	sst s11  }
0x3d: {  	s13 =	sadd.s32 $0x3800, s5;
	[smem:$0x7F0] =	sst s12  }
0x3e: {  	s14 =	sadd.s32 $0x4000, s5;
	[smem:$0x7F1] =	sst s13  }
0x3f: {  	s15 =	sadd.s32 $0x4800, s5;
	[smem:$0x7F2] =	sst s14  }
0x40: {  	s17 =	sadd.s32 $0x5000, s5;
	[smem:$0x7F3] =	sst s15  }
0x41: {  	s18 =	sadd.s32 $0x5800, s5;
	[smem:$0x7F4] =	sst s17  }
0x42: {  	s31 =	simm.s32 $0x9;
	s19 =	sadd.s32 $0x6000, s5;
	[smem:$0x7F5] =	sst s18  }
0x43: {  	s28 =	simm.s32 $0x8;
	s20 =	sadd.s32 $0x6800, s5;
	[smem:$0x7F6] =	sst s19  }
0x44: {  	s4 =	simm.s32 $0x0;
	s21 =	sadd.s32 $0x7000, s5;
	[smem:$0x7F7] =	sst s20  }
0x45: {  	s2 =	sadd.s32 $0x20B00, s0;
	s22 =	sadd.s32 $0x7800, s5;
	[smem:$0x7F8] =	sst s21  }
0x46: {  	s1 =	sadd.s32 $0x20A00, s0;
	s23 =	sadd.s32 $0x8000, s5;
	[smem:$0x7F9] =	sst s22  }
0x47: {  	s3 =	sadd.s32 $0x95F00, s0;
	s25 =	sadd.s32 $0x8800, s5;
	[smem:$0x7FA] =	sst s23  }
0x48: {  	s26 =	sadd.s32 $0x9000, s5;
	s30 =	sadd.s32 $0x9800, s5;
	[smem:$0x7FB] =	sst s25  }
.Ltmp0:
0x49: {  	s5 =	simm.s32 $0x11900;
	[smem:$0x7FC] =	sst s26;
	(pc) =	sbr.rel .LBB2_1-.Ltmp0, $4  }
0x4a: {  	v4 =	vlaneseq.u32;
	s6 =	simm.s32 $0x12100;
	[smem:$0x7FD] =	sst s30;
	s19 =	simm.s32 $0xE900  }
0x4b: {  	v0 =	vimm.f32 $0.0e+00;
	vm0 =	vcmask $0x300;
	vm1 =	vmmov $0xff;
	s22 =	simm.s32 $0xF100;
	s11 =	simm.s32 $0xF900;
	s18 =	simm.s32 $0x10100  }
0x4c: {  	v3 =	vshrl.u32 v4, $0x3;
	v1 =	vsel vm0, $0x3F800000, v0;
	v2 =	vand.u32 $0x7, v4;
	s23 =	simm.s32 $0x10900;
	s10 =	simm.s32 $0x11100;
	s21 =	simm.s32 $0x1  }
0x4d: {  	vm0 =	vmmov $0xffff;
	v4 =	vor.u32 $0x8, v4;
	v3 =	vmul.u32 $0x8, v3;
	s7 =	simm.s32 $0x2;
	s9 =	simm.s32 $0x4;
	s25 =	simm.s32 $0xA  }
.LBB2_16:
0x4e: {  	s0 =	simm.s32 $0xB  }
0x4f: {  	_ =	swait.ge [sflag:s0], $0x4000  }
0x50: {  	[sflag:s0] =	ssyncset.done $0x0  }
0x51: {  	s19 =	simm.s32 $0xC;
	[sflag:s0] =	ssyncadd.s32 $0xFFFFC000  }
0x52: {  	_ =	swait.ge [sflag:s19], $0x4000  }
0x53: {  	[sflag:s19] =	ssyncset.done $0x0  }
0x54: {  	[sflag:s19] =	ssyncadd.s32 $0xFFFFC000  }
0x55: {  	[bflag:$0x0] =	sbarrier.arrive $0xFFFF  }
0x56: {  	s5 =	simm.s32 $0x7880;
	s12 =	simm.s32 $0xD;
	s20 =	rddreg [dreg:$0x4]  }
0x57: {  	[tilespmem:s5], [sflag:$0xD] =	stream.linear.gather [hbm4b:s20+s16], $0x20, $0x38;
	[tilespmem:$0x1E900] =	vst v63  }
0x58: {  	_ =	swait.ge [sflag:s12], $0x20  }
0x59: {  	[sflag:s12] =	ssyncset.done $0x0  }
0x5a: {  	[sflag:s12] =	ssyncadd.s32 $0xFFFFFFE0  }
0x5b: {  	v5 =	vld [tilespmem:$0x7880];
	_ =	sdelay $0x4  }
0x5c: {  	v6 =	vshll.u32 v5, $0x2  }
0x5d: {  	v5 =	vand.u32 $0x7, v5;
	v6 =	vand.u32 $0xFFFFFFE0, v6  }
0x5e: {  	v5 =	vor.u32 v5, v6  }
0x5f: {  	v6 =	vperm.xlane v5, v2;
	_ =	sdelay $0x1  }
0x60: {  	v6 =	vadd.s32 v3, v6;
	_ =	sdelay $0x1  }
0x61: {  	v5 =	vperm.xlane v5, v4;
	_ =	sdelay $0x1  }
0x62: {  	s4 =	simm.s32 $0xA900;
	v5 =	vadd.s32 v3, v5  }
0x63: {  	[tilespmem:s4], [sflag:$0x1] =	stream.indirect_vreg.gather [hbm4b:s29+s16], $0x80, v6, vm0, $0xb8;
	[tilespmem:$0x1E900] =	vst v63  }
0x64: {  	s11 =	simm.s32 $0xB100  }
0x65: {  	[tilespmem:s11], [sflag:$0x1] =	stream.indirect_vreg.gather [hbm4b:s3+s16], $0x80, v6, vm0, $0xb8;
	[tilespmem:$0x1E900] =	vst v63  }
0x66: {  	s13 =	simm.s32 $0xB900  }
0x67: {  	[tilespmem:s13], [sflag:$0x1] =	stream.indirect_vreg.gather [hbm4b:s29+s16], $0x80, v5, vm0, $0xb8;
	[tilespmem:$0x1E900] =	vst v63  }
0x68: {  	s14 =	simm.s32 $0xC100  }
0x69: {  	[tilespmem:s14], [sflag:$0x1] =	stream.indirect_vreg.gather [hbm4b:s3+s16], $0x80, v5, vm0, $0xb8;
	[tilespmem:$0x1E900] =	vst v63  }
0x6a: {  	v5 =	vld [tilespmem:$0x7890];
	_ =	sdelay $0x4  }
0x6b: {  	v6 =	vshll.u32 v5, $0x2  }
0x6c: {  	v5 =	vand.u32 $0x7, v5;
	v6 =	vand.u32 $0xFFFFFFE0, v6  }
0x6d: {  	v5 =	vor.u32 v5, v6  }
0x6e: {  	v6 =	vperm.xlane v5, v2;
	_ =	sdelay $0x1  }
0x6f: {  	v6 =	vadd.s32 v3, v6;
	_ =	sdelay $0x1  }
0x70: {  	v5 =	vperm.xlane v5, v4;
	_ =	sdelay $0x1  }
0x71: {  	s15 =	simm.s32 $0xC900;
	v5 =	vadd.s32 v3, v5  }
0x72: {  	[tilespmem:s15], [sflag:$0x1] =	stream.indirect_vreg.gather [hbm4b:s29+s16], $0x80, v6, vm0, $0xb8;
	[tilespmem:$0x1E900] =	vst v63  }
0x73: {  	s17 =	simm.s32 $0xD100  }
0x74: {  	[tilespmem:s17], [sflag:$0x1] =	stream.indirect_vreg.gather [hbm4b:s3+s16], $0x80, v6, vm0, $0xb8;
	[tilespmem:$0x1E900] =	vst v63  }
0x75: {  	s20 =	simm.s32 $0xD900  }
0x76: {  	[tilespmem:s20], [sflag:$0x1] =	stream.indirect_vreg.gather [hbm4b:s29+s16], $0x80, v5, vm0, $0xb8;
	[tilespmem:$0x1E900] =	vst v63  }
0x77: {  	s26 =	simm.s32 $0xE100  }
0x78: {  	[tilespmem:s26], [sflag:$0x1] =	stream.indirect_vreg.gather [hbm4b:s3+s16], $0x80, v5, vm0, $0xb8;
	[tilespmem:$0x1E900] =	vst v63  }
0x79: {  	s8 =	simm.s32 $0x7800;
	s22 =	rddreg [dreg:$0x5]  }
0x7a: {  	[tilespmem:s8], [sflag:$0xD] =	stream.linear.gather [hbm4b:s22+s16], $0x20, $0x38;
	[tilespmem:$0x1E900] =	vst v63  }
0x7b: {  	_ =	swait.ge [sflag:s12], $0x20  }
0x7c: {  	[sflag:s12] =	ssyncset.done $0x0  }
0x7d: {  	[sflag:s12] =	ssyncadd.s32 $0xFFFFFFE0  }
0x7e: {  	v5 =	vld [tilespmem:$0x7800];
	_ =	sdelay $0x4  }
0x7f: {  	v6 =	vshll.u32 v5, $0x2  }
0x80: {  	v5 =	vand.u32 $0x7, v5;
	v6 =	vand.u32 $0xFFFFFFE0, v6  }
0x81: {  	v5 =	vor.u32 v5, v6  }
0x82: {  	v6 =	vperm.xlane v5, v2;
	_ =	sdelay $0x1  }
0x83: {  	v6 =	vadd.s32 v3, v6;
	_ =	sdelay $0x1  }
0x84: {  	v5 =	vperm.xlane v5, v4;
	_ =	sdelay $0x1  }
0x85: {  	s30 =	simm.s32 $0xE900;
	v5 =	vadd.s32 v3, v5  }
0x86: {  	[tilespmem:s30], [sflag:$0x2] =	stream.indirect_vreg.gather [hbm4b:s29+s16], $0x80, v6, vm0, $0xb8;
	[tilespmem:$0x1E900] =	vst v63  }
0x87: {  	s23 =	simm.s32 $0xF100  }
0x88: {  	[tilespmem:s23], [sflag:$0x2] =	stream.indirect_vreg.gather [hbm4b:s3+s16], $0x80, v6, vm0, $0xb8;
	[tilespmem:$0x1E900] =	vst v63  }
0x89: {  	s6 =	simm.s32 $0xF900  }
0x8a: {  	[tilespmem:s6], [sflag:$0x2] =	stream.indirect_vreg.gather [hbm4b:s29+s16], $0x80, v5, vm0, $0xb8;
	[tilespmem:$0x1E900] =	vst v63  }
0x8b: {  	s10 =	simm.s32 $0x10100  }
0x8c: {  	[tilespmem:s10], [sflag:$0x2] =	stream.indirect_vreg.gather [hbm4b:s3+s16], $0x80, v5, vm0, $0xb8;
	[tilespmem:$0x1E900] =	vst v63  }
0x8d: {  	v5 =	vld [tilespmem:$0x7810];
	_ =	sdelay $0x4  }
0x8e: {  	v6 =	vshll.u32 v5, $0x2  }
0x8f: {  	v5 =	vand.u32 $0x7, v5;
	v6 =	vand.u32 $0xFFFFFFE0, v6  }
0x90: {  	v5 =	vor.u32 v5, v6  }
0x91: {  	v6 =	vperm.xlane v5, v2;
	_ =	sdelay $0x1  }
0x92: {  	v6 =	vadd.s32 v3, v6;
	_ =	sdelay $0x1  }
0x93: {  	v5 =	vperm.xlane v5, v4;
	_ =	sdelay $0x1  }
0x94: {  	s18 =	simm.s32 $0x10900;
	v5 =	vadd.s32 v3, v5  }
0x95: {  	[tilespmem:s18], [sflag:$0x2] =	stream.indirect_vreg.gather [hbm4b:s29+s16], $0x80, v6, vm0, $0xb8;
	[tilespmem:$0x1E900] =	vst v63  }
0x96: {  	s22 =	simm.s32 $0x11100  }
0x97: {  	[tilespmem:s22], [sflag:$0x2] =	stream.indirect_vreg.gather [hbm4b:s3+s16], $0x80, v6, vm0, $0xb8;
	[tilespmem:$0x1E900] =	vst v63  }
0x98: {  	s6 =	simm.s32 $0x11900  }
0x99: {  	[tilespmem:s6], [sflag:$0x2] =	stream.indirect_vreg.gather [hbm4b:s29+s16], $0x80, v5, vm0, $0xb8;
	[tilespmem:$0x1E900] =	vst v63  }
0x9a: {  	s6 =	simm.s32 $0x12100  }
0x9b: {  	[tilespmem:s6], [sflag:$0x2] =	stream.indirect_vreg.gather [hbm4b:s3+s16], $0x80, v5, vm0, $0xb8;
	[tilespmem:$0x1E900] =	vst v63  }
0x9c: {  	_ =	swait.ge [sflag:s21], $0x4000  }
0x9d: {  	[sflag:s21] =	ssyncset.done $0x0  }
0x9e: {  	s0 =	rddreg [dreg:$0xc];
	[sflag:s21] =	ssyncadd.s32 $0xFFFFC000  }
0x9f: {  	[hbm4b:s0+s16] =	stream.linear.scatter [tilespmem:s4], [sflag:$0xD], $0x4000, $0x38;
	[tilespmem:$0x1E900] =	vst v63  }
0xa0: {  	_ =	swait.ge [sflag:s12], $0x4000  }
0xa1: {  	[sflag:s12] =	ssyncset.done $0x0  }
0xa2: {  	s0 =	rddreg [dreg:$0x6];
	[sflag:s12] =	ssyncadd.s32 $0xFFFFC000  }
0xa3: {  	[tilespmem:s5], [sflag:$0xD] =	stream.linear.gather [hbm4b:s0+s16], $0x20, $0x38;
	[tilespmem:$0x1E900] =	vst v63  }
0xa4: {  	_ =	swait.ge [sflag:s12], $0x20  }
0xa5: {  	[sflag:s12] =	ssyncset.done $0x0  }
0xa6: {  	[sflag:s12] =	ssyncadd.s32 $0xFFFFFFE0  }
0xa7: {  	v5 =	vld [tilespmem:$0x7880];
	_ =	sdelay $0x4  }
0xa8: {  	v6 =	vshll.u32 v5, $0x2  }
0xa9: {  	v5 =	vand.u32 $0x7, v5;
	v6 =	vand.u32 $0xFFFFFFE0, v6  }
0xaa: {  	v5 =	vor.u32 v5, v6  }
0xab: {  	v6 =	vperm.xlane v5, v2;
	_ =	sdelay $0x1  }
0xac: {  	v6 =	vadd.s32 v3, v6;
	_ =	sdelay $0x1  }
0xad: {  	v5 =	vperm.xlane v5, v4;
	_ =	sdelay $0x1  }
0xae: {  	v5 =	vadd.s32 v3, v5  }
0xaf: {  	[tilespmem:s4], [sflag:$0x1] =	stream.indirect_vreg.gather [hbm4b:s29+s16], $0x80, v6, vm0, $0xb8;
	[tilespmem:$0x1E900] =	vst v63  }
0xb0: {  	_ = 	snop  }
0xb1: {  	[tilespmem:s11], [sflag:$0x1] =	stream.indirect_vreg.gather [hbm4b:s3+s16], $0x80, v6, vm0, $0xb8;
	[tilespmem:$0x1E900] =	vst v63  }
0xb2: {  	_ = 	snop  }
0xb3: {  	[tilespmem:s13], [sflag:$0x1] =	stream.indirect_vreg.gather [hbm4b:s29+s16], $0x80, v5, vm0, $0xb8;
	[tilespmem:$0x1E900] =	vst v63  }
0xb4: {  	_ = 	snop  }
0xb5: {  	[tilespmem:s14], [sflag:$0x1] =	stream.indirect_vreg.gather [hbm4b:s3+s16], $0x80, v5, vm0, $0xb8;
	[tilespmem:$0x1E900] =	vst v63  }
0xb6: {  	v5 =	vld [tilespmem:$0x7890];
	_ =	sdelay $0x4  }
0xb7: {  	v6 =	vshll.u32 v5, $0x2  }
0xb8: {  	v5 =	vand.u32 $0x7, v5;
	v6 =	vand.u32 $0xFFFFFFE0, v6  }
0xb9: {  	v5 =	vor.u32 v5, v6  }
0xba: {  	v6 =	vperm.xlane v5, v2;
	_ =	sdelay $0x1  }
0xbb: {  	v6 =	vadd.s32 v3, v6;
	_ =	sdelay $0x1  }
0xbc: {  	v5 =	vperm.xlane v5, v4;
	_ =	sdelay $0x1  }
0xbd: {  	v5 =	vadd.s32 v3, v5  }
0xbe: {  	[tilespmem:s15], [sflag:$0x1] =	stream.indirect_vreg.gather [hbm4b:s29+s16], $0x80, v6, vm0, $0xb8;
	[tilespmem:$0x1E900] =	vst v63  }
0xbf: {  	_ = 	snop  }
0xc0: {  	[tilespmem:s17], [sflag:$0x1] =	stream.indirect_vreg.gather [hbm4b:s3+s16], $0x80, v6, vm0, $0xb8;
	[tilespmem:$0x1E900] =	vst v63  }
0xc1: {  	_ = 	snop  }
0xc2: {  	[tilespmem:s20], [sflag:$0x1] =	stream.indirect_vreg.gather [hbm4b:s29+s16], $0x80, v5, vm0, $0xb8;
	[tilespmem:$0x1E900] =	vst v63  }
0xc3: {  	_ = 	snop  }
0xc4: {  	[tilespmem:s26], [sflag:$0x1] =	stream.indirect_vreg.gather [hbm4b:s3+s16], $0x80, v5, vm0, $0xb8;
	[tilespmem:$0x1E900] =	vst v63  }
0xc5: {  	_ =	swait.ge [sflag:s7], $0x4000  }
0xc6: {  	[sflag:s7] =	ssyncset.done $0x0  }
0xc7: {  	s0 =	rddreg [dreg:$0xd];
	[sflag:s7] =	ssyncadd.s32 $0xFFFFC000  }
0xc8: {  	[hbm4b:s0+s16] =	stream.linear.scatter [tilespmem:s30], [sflag:$0xD], $0x4000, $0x38;
	[tilespmem:$0x1E900] =	vst v63  }
0xc9: {  	_ =	swait.ge [sflag:s12], $0x4000  }
0xca: {  	[sflag:s12] =	ssyncset.done $0x0  }
0xcb: {  	s0 =	rddreg [dreg:$0x9];
	[sflag:s12] =	ssyncadd.s32 $0xFFFFC000  }
0xcc: {  	[tilespmem:s8], [sflag:$0xD] =	stream.linear.gather [hbm4b:s0+s16], $0x20, $0x38;
	[tilespmem:$0x1E900] =	vst v63  }
0xcd: {  	_ =	swait.ge [sflag:s12], $0x20  }
0xce: {  	[sflag:s12] =	ssyncset.done $0x0  }
0xcf: {  	[sflag:s12] =	ssyncadd.s32 $0xFFFFFFE0  }
0xd0: {  	v5 =	vld [tilespmem:$0x7800];
	_ =	sdelay $0x4  }
0xd1: {  	v6 =	vshll.u32 v5, $0x2  }
0xd2: {  	v5 =	vand.u32 $0x7, v5;
	v6 =	vand.u32 $0xFFFFFFE0, v6  }
0xd3: {  	v5 =	vor.u32 v5, v6  }
0xd4: {  	v6 =	vperm.xlane v5, v2;
	_ =	sdelay $0x1  }
0xd5: {  	v6 =	vadd.s32 v3, v6;
	_ =	sdelay $0x1  }
0xd6: {  	v5 =	vperm.xlane v5, v4;
	_ =	sdelay $0x1  }
0xd7: {  	v5 =	vadd.s32 v3, v5  }
0xd8: {  	[tilespmem:s30], [sflag:$0x2] =	stream.indirect_vreg.gather [hbm4b:s29+s16], $0x80, v6, vm0, $0xb8;
	[tilespmem:$0x1E900] =	vst v63  }
0xd9: {  	s23 =	simm.s32 $0xF100  }
0xda: {  	[tilespmem:s23], [sflag:$0x2] =	stream.indirect_vreg.gather [hbm4b:s3+s16], $0x80, v6, vm0, $0xb8;
	[tilespmem:$0x1E900] =	vst v63  }
0xdb: {  	s19 =	simm.s32 $0xF900  }
0xdc: {  	[tilespmem:s19], [sflag:$0x2] =	stream.indirect_vreg.gather [hbm4b:s29+s16], $0x80, v5, vm0, $0xb8;
	[tilespmem:$0x1E900] =	vst v63  }
0xdd: {  	s10 =	simm.s32 $0x10100  }
0xde: {  	[tilespmem:s10], [sflag:$0x2] =	stream.indirect_vreg.gather [hbm4b:s3+s16], $0x80, v5, vm0, $0xb8;
	[tilespmem:$0x1E900] =	vst v63  }
0xdf: {  	v5 =	vld [tilespmem:$0x7810];
	_ =	sdelay $0x4  }
0xe0: {  	v6 =	vshll.u32 v5, $0x2  }
0xe1: {  	v5 =	vand.u32 $0x7, v5;
	v6 =	vand.u32 $0xFFFFFFE0, v6  }
0xe2: {  	v5 =	vor.u32 v5, v6  }
0xe3: {  	v6 =	vperm.xlane v5, v2;
	_ =	sdelay $0x1  }
0xe4: {  	v6 =	vadd.s32 v3, v6;
	_ =	sdelay $0x1  }
0xe5: {  	v5 =	vperm.xlane v5, v4;
	_ =	sdelay $0x1  }
0xe6: {  	s18 =	simm.s32 $0x10900;
	v5 =	vadd.s32 v3, v5  }
0xe7: {  	[tilespmem:s18], [sflag:$0x2] =	stream.indirect_vreg.gather [hbm4b:s29+s16], $0x80, v6, vm0, $0xb8;
	[tilespmem:$0x1E900] =	vst v63  }
0xe8: {  	s22 =	simm.s32 $0x11100  }
0xe9: {  	[tilespmem:s22], [sflag:$0x2] =	stream.indirect_vreg.gather [hbm4b:s3+s16], $0x80, v6, vm0, $0xb8;
	[tilespmem:$0x1E900] =	vst v63  }
0xea: {  	s22 =	simm.s32 $0x11900  }
0xeb: {  	[tilespmem:s22], [sflag:$0x2] =	stream.indirect_vreg.gather [hbm4b:s29+s16], $0x80, v5, vm0, $0xb8;
	[tilespmem:$0x1E900] =	vst v63  }
0xec: {  	s6 =	simm.s32 $0x12100  }
0xed: {  	[tilespmem:s6], [sflag:$0x2] =	stream.indirect_vreg.gather [hbm4b:s3+s16], $0x80, v5, vm0, $0xb8;
	[tilespmem:$0x1E900] =	vst v63  }
0xee: {  	_ =	swait.ge [sflag:s21], $0x4000  }
0xef: {  	[sflag:s21] =	ssyncset.done $0x0  }
0xf0: {  	s10 =	rddreg [dreg:$0xe];
	[sflag:s21] =	ssyncadd.s32 $0xFFFFC000  }
0xf1: {  	[hbm4b:s10+s16] =	stream.linear.scatter [tilespmem:s4], [sflag:$0xD], $0x4000, $0x38;
	[tilespmem:$0x1E900] =	vst v63  }
0xf2: {  	_ =	swait.ge [sflag:s12], $0x4000  }
0xf3: {  	[sflag:s12] =	ssyncset.done $0x0  }
0xf4: {  	s6 =	rddreg [dreg:$0x7];
	[sflag:s12] =	ssyncadd.s32 $0xFFFFC000  }
0xf5: {  	[tilespmem:s5], [sflag:$0xD] =	stream.linear.gather [hbm4b:s6+s16], $0x20, $0x38;
	[tilespmem:$0x1E900] =	vst v63  }
0xf6: {  	_ =	swait.ge [sflag:s12], $0x20  }
0xf7: {  	[sflag:s12] =	ssyncset.done $0x0  }
0xf8: {  	[sflag:s12] =	ssyncadd.s32 $0xFFFFFFE0  }
0xf9: {  	v5 =	vld [tilespmem:$0x7880];
	_ =	sdelay $0x4  }
0xfa: {  	v6 =	vshll.u32 v5, $0x2  }
0xfb: {  	v5 =	vand.u32 $0x7, v5;
	v6 =	vand.u32 $0xFFFFFFE0, v6  }
0xfc: {  	v5 =	vor.u32 v5, v6  }
0xfd: {  	v6 =	vperm.xlane v5, v2;
	_ =	sdelay $0x1  }
0xfe: {  	v6 =	vadd.s32 v3, v6;
	_ =	sdelay $0x1  }
0xff: {  	v5 =	vperm.xlane v5, v4;
	_ =	sdelay $0x1  }
0x100: {  	v5 =	vadd.s32 v3, v5  }
0x101: {  	[tilespmem:s4], [sflag:$0x1] =	stream.indirect_vreg.gather [hbm4b:s29+s16], $0x80, v6, vm0, $0xb8;
	[tilespmem:$0x1E900] =	vst v63  }
0x102: {  	_ = 	snop  }
0x103: {  	[tilespmem:s11], [sflag:$0x1] =	stream.indirect_vreg.gather [hbm4b:s3+s16], $0x80, v6, vm0, $0xb8;
	[tilespmem:$0x1E900] =	vst v63  }
0x104: {  	_ = 	snop  }
0x105: {  	[tilespmem:s13], [sflag:$0x1] =	stream.indirect_vreg.gather [hbm4b:s29+s16], $0x80, v5, vm0, $0xb8;
	[tilespmem:$0x1E900] =	vst v63  }
0x106: {  	_ = 	snop  }
0x107: {  	[tilespmem:s14], [sflag:$0x1] =	stream.indirect_vreg.gather [hbm4b:s3+s16], $0x80, v5, vm0, $0xb8;
	[tilespmem:$0x1E900] =	vst v63  }
0x108: {  	v5 =	vld [tilespmem:$0x7890];
	_ =	sdelay $0x4  }
0x109: {  	v6 =	vshll.u32 v5, $0x2  }
0x10a: {  	v5 =	vand.u32 $0x7, v5;
	v6 =	vand.u32 $0xFFFFFFE0, v6  }
0x10b: {  	v5 =	vor.u32 v5, v6  }
0x10c: {  	v6 =	vperm.xlane v5, v2;
	_ =	sdelay $0x1  }
0x10d: {  	v6 =	vadd.s32 v3, v6;
	_ =	sdelay $0x1  }
0x10e: {  	v5 =	vperm.xlane v5, v4;
	_ =	sdelay $0x1  }
0x10f: {  	v5 =	vadd.s32 v3, v5  }
0x110: {  	[tilespmem:s15], [sflag:$0x1] =	stream.indirect_vreg.gather [hbm4b:s29+s16], $0x80, v6, vm0, $0xb8;
	[tilespmem:$0x1E900] =	vst v63  }
0x111: {  	_ = 	snop  }
0x112: {  	[tilespmem:s17], [sflag:$0x1] =	stream.indirect_vreg.gather [hbm4b:s3+s16], $0x80, v6, vm0, $0xb8;
	[tilespmem:$0x1E900] =	vst v63  }
0x113: {  	_ = 	snop  }
0x114: {  	[tilespmem:s20], [sflag:$0x1] =	stream.indirect_vreg.gather [hbm4b:s29+s16], $0x80, v5, vm0, $0xb8;
	[tilespmem:$0x1E900] =	vst v63  }
0x115: {  	_ = 	snop  }
0x116: {  	[tilespmem:s26], [sflag:$0x1] =	stream.indirect_vreg.gather [hbm4b:s3+s16], $0x80, v5, vm0, $0xb8;
	[tilespmem:$0x1E900] =	vst v63  }
0x117: {  	_ =	swait.ge [sflag:s7], $0x4000  }
0x118: {  	[sflag:s7] =	ssyncset.done $0x0  }
0x119: {  	s10 =	rddreg [dreg:$0xf];
	[sflag:s7] =	ssyncadd.s32 $0xFFFFC000  }
0x11a: {  	[hbm4b:s10+s16] =	stream.linear.scatter [tilespmem:s30], [sflag:$0xD], $0x4000, $0x38;
	[tilespmem:$0x1E900] =	vst v63  }
0x11b: {  	_ =	swait.ge [sflag:s12], $0x4000  }
0x11c: {  	[sflag:s12] =	ssyncset.done $0x0  }
0x11d: {  	s6 =	rddreg [dreg:$0x8];
	[sflag:s12] =	ssyncadd.s32 $0xFFFFC000  }
0x11e: {  	[tilespmem:s8], [sflag:$0xD] =	stream.linear.gather [hbm4b:s6+s16], $0x20, $0x38;
	[tilespmem:$0x1E900] =	vst v63  }
0x11f: {  	_ =	swait.ge [sflag:s12], $0x20  }
0x120: {  	[sflag:s12] =	ssyncset.done $0x0  }
0x121: {  	[sflag:s12] =	ssyncadd.s32 $0xFFFFFFE0  }
0x122: {  	v5 =	vld [tilespmem:$0x7800];
	_ =	sdelay $0x4  }
0x123: {  	v6 =	vshll.u32 v5, $0x2  }
0x124: {  	v5 =	vand.u32 $0x7, v5;
	v6 =	vand.u32 $0xFFFFFFE0, v6  }
0x125: {  	v5 =	vor.u32 v5, v6  }
0x126: {  	v6 =	vperm.xlane v5, v2;
	_ =	sdelay $0x1  }
0x127: {  	v6 =	vadd.s32 v3, v6;
	_ =	sdelay $0x1  }
0x128: {  	v5 =	vperm.xlane v5, v4;
	_ =	sdelay $0x1  }
0x129: {  	v5 =	vadd.s32 v3, v5  }
0x12a: {  	[tilespmem:s30], [sflag:$0x2] =	stream.indirect_vreg.gather [hbm4b:s29+s16], $0x80, v6, vm0, $0xb8;
	[tilespmem:$0x1E900] =	vst v63  }
0x12b: {  	s10 =	simm.s32 $0xF100  }
0x12c: {  	[tilespmem:s10], [sflag:$0x2] =	stream.indirect_vreg.gather [hbm4b:s3+s16], $0x80, v6, vm0, $0xb8;
	[tilespmem:$0x1E900] =	vst v63  }
0x12d: {  	s23 =	simm.s32 $0xF900  }
0x12e: {  	[tilespmem:s23], [sflag:$0x2] =	stream.indirect_vreg.gather [hbm4b:s29+s16], $0x80, v5, vm0, $0xb8;
	[tilespmem:$0x1E900] =	vst v63  }
0x12f: {  	s23 =	simm.s32 $0x10100  }
0x130: {  	[tilespmem:s23], [sflag:$0x2] =	stream.indirect_vreg.gather [hbm4b:s3+s16], $0x80, v5, vm0, $0xb8;
	[tilespmem:$0x1E900] =	vst v63  }
0x131: {  	v5 =	vld [tilespmem:$0x7810];
	_ =	sdelay $0x4  }
0x132: {  	v6 =	vshll.u32 v5, $0x2  }
0x133: {  	v5 =	vand.u32 $0x7, v5;
	v6 =	vand.u32 $0xFFFFFFE0, v6  }
0x134: {  	v5 =	vor.u32 v5, v6  }
0x135: {  	v6 =	vperm.xlane v5, v2;
	_ =	sdelay $0x1  }
0x136: {  	v6 =	vadd.s32 v3, v6;
	_ =	sdelay $0x1  }
0x137: {  	v5 =	vperm.xlane v5, v4;
	_ =	sdelay $0x1  }
0x138: {  	s6 =	simm.s32 $0x10900;
	v5 =	vadd.s32 v3, v5  }
0x139: {  	[tilespmem:s6], [sflag:$0x2] =	stream.indirect_vreg.gather [hbm4b:s29+s16], $0x80, v6, vm0, $0xb8;
	[tilespmem:$0x1E900] =	vst v63  }
0x13a: {  	s18 =	simm.s32 $0x11100  }
0x13b: {  	[tilespmem:s18], [sflag:$0x2] =	stream.indirect_vreg.gather [hbm4b:s3+s16], $0x80, v6, vm0, $0xb8;
	[tilespmem:$0x1E900] =	vst v63  }
0x13c: {  	s22 =	simm.s32 $0x11900  }
0x13d: {  	[tilespmem:s22], [sflag:$0x2] =	stream.indirect_vreg.gather [hbm4b:s29+s16], $0x80, v5, vm0, $0xb8;
	[tilespmem:$0x1E900] =	vst v63  }
0x13e: {  	s19 =	simm.s32 $0x12100  }
0x13f: {  	[tilespmem:s19], [sflag:$0x2] =	stream.indirect_vreg.gather [hbm4b:s3+s16], $0x80, v5, vm0, $0xb8;
	[tilespmem:$0x1E900] =	vst v63  }
0x140: {  	_ =	swait.ge [sflag:s21], $0x4000  }
0x141: {  	[sflag:s21] =	ssyncset.done $0x0  }
0x142: {  	s22 =	rddreg [dreg:$0x10];
	[sflag:s21] =	ssyncadd.s32 $0xFFFFC000  }
0x143: {  	[hbm4b:s22+s16] =	stream.linear.scatter [tilespmem:s4], [sflag:$0xD], $0x4000, $0x38;
	[tilespmem:$0x1E900] =	vst v63  }
0x144: {  	_ =	swait.ge [sflag:s12], $0x4000  }
0x145: {  	[sflag:s12] =	ssyncset.done $0x0  }
0x146: {  	s18 =	rddreg [dreg:$0xa];
	[sflag:s12] =	ssyncadd.s32 $0xFFFFC000  }
0x147: {  	[tilespmem:s5], [sflag:$0xD] =	stream.linear.gather [hbm4b:s18+s16], $0x20, $0x38;
	[tilespmem:$0x1E900] =	vst v63  }
0x148: {  	_ =	swait.ge [sflag:s12], $0x20  }
0x149: {  	[sflag:s12] =	ssyncset.done $0x0  }
0x14a: {  	[sflag:s12] =	ssyncadd.s32 $0xFFFFFFE0  }
0x14b: {  	v5 =	vld [tilespmem:$0x7880];
	_ =	sdelay $0x4  }
0x14c: {  	v6 =	vshll.u32 v5, $0x2  }
0x14d: {  	v5 =	vand.u32 $0x7, v5;
	v6 =	vand.u32 $0xFFFFFFE0, v6  }
0x14e: {  	v5 =	vor.u32 v5, v6  }
0x14f: {  	v6 =	vperm.xlane v5, v2;
	_ =	sdelay $0x1  }
0x150: {  	v6 =	vadd.s32 v3, v6;
	_ =	sdelay $0x1  }
0x151: {  	v5 =	vperm.xlane v5, v4;
	_ =	sdelay $0x1  }
0x152: {  	v5 =	vadd.s32 v3, v5  }
0x153: {  	[tilespmem:s4], [sflag:$0x1] =	stream.indirect_vreg.gather [hbm4b:s29+s16], $0x80, v6, vm0, $0xb8;
	[tilespmem:$0x1E900] =	vst v63  }
0x154: {  	_ = 	snop  }
0x155: {  	[tilespmem:s11], [sflag:$0x1] =	stream.indirect_vreg.gather [hbm4b:s3+s16], $0x80, v6, vm0, $0xb8;
	[tilespmem:$0x1E900] =	vst v63  }
0x156: {  	_ = 	snop  }
0x157: {  	[tilespmem:s13], [sflag:$0x1] =	stream.indirect_vreg.gather [hbm4b:s29+s16], $0x80, v5, vm0, $0xb8;
	[tilespmem:$0x1E900] =	vst v63  }
0x158: {  	_ = 	snop  }
0x159: {  	[tilespmem:s14], [sflag:$0x1] =	stream.indirect_vreg.gather [hbm4b:s3+s16], $0x80, v5, vm0, $0xb8;
	[tilespmem:$0x1E900] =	vst v63  }
0x15a: {  	v5 =	vld [tilespmem:$0x7890];
	_ =	sdelay $0x4  }
0x15b: {  	v6 =	vshll.u32 v5, $0x2  }
0x15c: {  	v5 =	vand.u32 $0x7, v5;
	v6 =	vand.u32 $0xFFFFFFE0, v6  }
0x15d: {  	v5 =	vor.u32 v5, v6  }
0x15e: {  	v6 =	vperm.xlane v5, v2;
	_ =	sdelay $0x1  }
0x15f: {  	v6 =	vadd.s32 v3, v6;
	_ =	sdelay $0x1  }
0x160: {  	v5 =	vperm.xlane v5, v4;
	_ =	sdelay $0x1  }
0x161: {  	v5 =	vadd.s32 v3, v5  }
0x162: {  	[tilespmem:s15], [sflag:$0x1] =	stream.indirect_vreg.gather [hbm4b:s29+s16], $0x80, v6, vm0, $0xb8;
	[tilespmem:$0x1E900] =	vst v63  }
0x163: {  	_ = 	snop  }
0x164: {  	[tilespmem:s17], [sflag:$0x1] =	stream.indirect_vreg.gather [hbm4b:s3+s16], $0x80, v6, vm0, $0xb8;
	[tilespmem:$0x1E900] =	vst v63  }
0x165: {  	_ = 	snop  }
0x166: {  	[tilespmem:s20], [sflag:$0x1] =	stream.indirect_vreg.gather [hbm4b:s29+s16], $0x80, v5, vm0, $0xb8;
	[tilespmem:$0x1E900] =	vst v63  }
0x167: {  	_ = 	snop  }
0x168: {  	[tilespmem:s26], [sflag:$0x1] =	stream.indirect_vreg.gather [hbm4b:s3+s16], $0x80, v5, vm0, $0xb8;
	[tilespmem:$0x1E900] =	vst v63  }
0x169: {  	_ =	swait.ge [sflag:s7], $0x4000  }
0x16a: {  	[sflag:s7] =	ssyncset.done $0x0  }
0x16b: {  	s22 =	rddreg [dreg:$0x11];
	[sflag:s7] =	ssyncadd.s32 $0xFFFFC000  }
0x16c: {  	[hbm4b:s22+s16] =	stream.linear.scatter [tilespmem:s30], [sflag:$0xD], $0x4000, $0x38;
	[tilespmem:$0x1E900] =	vst v63  }
0x16d: {  	_ =	swait.ge [sflag:s12], $0x4000  }
0x16e: {  	[sflag:s12] =	ssyncset.done $0x0  }
0x16f: {  	s26 =	rddreg [dreg:$0xb];
	[sflag:s12] =	ssyncadd.s32 $0xFFFFC000  }
0x170: {  	[tilespmem:s8], [sflag:$0xD] =	stream.linear.gather [hbm4b:s26+s16], $0x20, $0x38;
	[tilespmem:$0x1E900] =	vst v63  }
0x171: {  	_ =	swait.ge [sflag:s12], $0x20  }
0x172: {  	[sflag:s12] =	ssyncset.done $0x0  }
0x173: {  	[sflag:s12] =	ssyncadd.s32 $0xFFFFFFE0  }
0x174: {  	v5 =	vld [tilespmem:$0x7800];
	_ =	sdelay $0x4  }
0x175: {  	v6 =	vshll.u32 v5, $0x2  }
0x176: {  	v5 =	vand.u32 $0x7, v5;
	v6 =	vand.u32 $0xFFFFFFE0, v6  }
0x177: {  	v5 =	vor.u32 v5, v6  }
0x178: {  	v6 =	vperm.xlane v5, v2;
	_ =	sdelay $0x1  }
0x179: {  	v6 =	vadd.s32 v3, v6;
	_ =	sdelay $0x1  }
0x17a: {  	v5 =	vperm.xlane v5, v4;
	_ =	sdelay $0x1  }
0x17b: {  	v5 =	vadd.s32 v3, v5  }
0x17c: {  	[tilespmem:s30], [sflag:$0x2] =	stream.indirect_vreg.gather [hbm4b:s29+s16], $0x80, v6, vm0, $0xb8;
	[tilespmem:$0x1E900] =	vst v63  }
0x17d: {  	s5 =	simm.s32 $0xF100  }
0x17e: {  	[tilespmem:s5], [sflag:$0x2] =	stream.indirect_vreg.gather [hbm4b:s3+s16], $0x80, v6, vm0, $0xb8;
	[tilespmem:$0x1E900] =	vst v63  }
0x17f: {  	s10 =	simm.s32 $0xF900  }
0x180: {  	[tilespmem:s10], [sflag:$0x2] =	stream.indirect_vreg.gather [hbm4b:s29+s16], $0x80, v5, vm0, $0xb8;
	[tilespmem:$0x1E900] =	vst v63  }
0x181: {  	s23 =	simm.s32 $0x10100  }
0x182: {  	[tilespmem:s23], [sflag:$0x2] =	stream.indirect_vreg.gather [hbm4b:s3+s16], $0x80, v5, vm0, $0xb8;
	[tilespmem:$0x1E900] =	vst v63  }
0x183: {  	v5 =	vld [tilespmem:$0x7810];
	_ =	sdelay $0x4  }
0x184: {  	v6 =	vshll.u32 v5, $0x2  }
0x185: {  	v5 =	vand.u32 $0x7, v5;
	v6 =	vand.u32 $0xFFFFFFE0, v6  }
0x186: {  	v5 =	vor.u32 v5, v6  }
0x187: {  	v6 =	vperm.xlane v5, v2;
	_ =	sdelay $0x1  }
0x188: {  	v6 =	vadd.s32 v3, v6;
	_ =	sdelay $0x1  }
0x189: {  	v5 =	vperm.xlane v5, v4;
	_ =	sdelay $0x1  }
0x18a: {  	s10 =	simm.s32 $0x10900;
	v5 =	vadd.s32 v3, v5  }
0x18b: {  	[tilespmem:s10], [sflag:$0x2] =	stream.indirect_vreg.gather [hbm4b:s29+s16], $0x80, v6, vm0, $0xb8;
	[tilespmem:$0x1E900] =	vst v63  }
0x18c: {  	s6 =	simm.s32 $0x11100  }
0x18d: {  	[tilespmem:s6], [sflag:$0x2] =	stream.indirect_vreg.gather [hbm4b:s3+s16], $0x80, v6, vm0, $0xb8;
	[tilespmem:$0x1E900] =	vst v63  }
0x18e: {  	s13 =	simm.s32 $0x11900  }
0x18f: {  	[tilespmem:s13], [sflag:$0x2] =	stream.indirect_vreg.gather [hbm4b:s29+s16], $0x80, v5, vm0, $0xb8;
	[tilespmem:$0x1E900] =	vst v63  }
0x190: {  	s19 =	simm.s32 $0x12100  }
0x191: {  	[tilespmem:s19], [sflag:$0x2] =	stream.indirect_vreg.gather [hbm4b:s3+s16], $0x80, v5, vm0, $0xb8;
	[tilespmem:$0x1E900] =	vst v63  }
0x192: {  	_ =	swait.ge [sflag:s21], $0x4000  }
0x193: {  	[sflag:s21] =	ssyncset.done $0x0  }
0x194: {  	s14 =	rddreg [dreg:$0x12];
	[sflag:s21] =	ssyncadd.s32 $0xFFFFC000  }
0x195: {  	[hbm4b:s14+s16] =	stream.linear.scatter [tilespmem:s4], [sflag:$0xD], $0x4000, $0x38;
	[tilespmem:$0x1E900] =	vst v63  }
0x196: {  	_ =	swait.ge [sflag:s12], $0x4000  }
0x197: {  	[sflag:s12] =	ssyncset.done $0x0  }
0x198: {  	[sflag:s12] =	ssyncadd.s32 $0xFFFFC000  }
0x199: {  	_ =	swait.ge [sflag:s7], $0x4000  }
0x19a: {  	[sflag:s7] =	ssyncset.done $0x0  }
0x19b: {  	s15 =	rddreg [dreg:$0x13];
	[sflag:s7] =	ssyncadd.s32 $0xFFFFC000  }
0x19c: {  	[hbm4b:s15+s16] =	stream.linear.scatter [tilespmem:s30], [sflag:$0xD], $0x4000, $0x38;
	[tilespmem:$0x1E900] =	vst v63  }
0x19d: {  	_ =	swait.ge [sflag:s12], $0x4000  }
0x19e: {  	[sflag:s12] =	ssyncset.done $0x0  }
0x19f: {  	s17 =	rddreg [dreg:$0x14];
	[sflag:s12] =	ssyncadd.s32 $0xFFFFC000  }
0x1a0: {  	[tilespmem:s8], [sflag:$0xD] =	stream.linear.gather [hbm4b:s17+s16], $0x20, $0x38;
	[tilespmem:$0x1E900] =	vst v63  }
0x1a1: {  	_ =	swait.ge [sflag:s12], $0x20  }
0x1a2: {  	[sflag:s12] =	ssyncset.done $0x0  }
0x1a3: {  	[sflag:s12] =	ssyncadd.s32 $0xFFFFFFE0  }
0x1a4: {  	v5 =	vld [tilespmem:$0x7800];
	_ =	sdelay $0x4  }
0x1a5: {  	v6 =	vshrl.u32 v5, $0x3  }
0x1a6: {  	v6 =	vmul.u32 $0x18, v6  }
0x1a7: {  	v5 =	vand.u32 $0x7, v5  }
0x1a8: {  	v5 =	vor.u32 v5, v6  }
0x1a9: {  	v6 =	vperm.xlane v5, v2;
	_ =	sdelay $0x1  }
0x1aa: {  	v6 =	vadd.s32 v3, v6;
	_ =	sdelay $0x1  }
0x1ab: {  	v5 =	vperm.xlane v5, v4;
	_ =	sdelay $0x1  }
0x1ac: {  	s4 =	simm.s32 $0x7900;
	v5 =	vadd.s32 v3, v5  }
0x1ad: {  	[tilespmem:s4], [sflag:$0x2] =	stream.indirect_vreg.gather [hbm4b:s1+s16], $0x80, v6, vm0, $0xb8;
	[tilespmem:$0x1E900] =	vst v63  }
0x1ae: {  	s13 =	simm.s32 $0x8100  }
0x1af: {  	[tilespmem:s13], [sflag:$0x2] =	stream.indirect_vreg.gather [hbm4b:s2+s16], $0x80, v6, vm1, $0xb8;
	[tilespmem:$0x1E900] =	vst v63  }
0x1b0: {  	s14 =	simm.s32 $0x8500  }
0x1b1: {  	[tilespmem:s14], [sflag:$0x2] =	stream.indirect_vreg.gather [hbm4b:s1+s16], $0x80, v5, vm0, $0xb8;
	[tilespmem:$0x1E900] =	vst v63  }
0x1b2: {  	s15 =	simm.s32 $0x8D00  }
0x1b3: {  	[tilespmem:s15], [sflag:$0x2] =	stream.indirect_vreg.gather [hbm4b:s2+s16], $0x80, v5, vm1, $0xb8;
	[tilespmem:$0x1E900] =	vst v63  }
0x1b4: {  	v5 =	vld [tilespmem:$0x7810];
	_ =	sdelay $0x4  }
0x1b5: {  	v6 =	vshrl.u32 v5, $0x3  }
0x1b6: {  	v6 =	vmul.u32 $0x18, v6  }
0x1b7: {  	v5 =	vand.u32 $0x7, v5  }
0x1b8: {  	v5 =	vor.u32 v5, v6  }
0x1b9: {  	v6 =	vperm.xlane v5, v2;
	_ =	sdelay $0x1  }
0x1ba: {  	v6 =	vadd.s32 v3, v6;
	_ =	sdelay $0x1  }
0x1bb: {  	v5 =	vperm.xlane v5, v4;
	_ =	sdelay $0x1  }
0x1bc: {  	s17 =	simm.s32 $0x9100;
	v5 =	vadd.s32 v3, v5  }
0x1bd: {  	[tilespmem:s17], [sflag:$0x2] =	stream.indirect_vreg.gather [hbm4b:s1+s16], $0x80, v6, vm0, $0xb8;
	[tilespmem:$0x1E900] =	vst v63  }
0x1be: {  	s20 =	simm.s32 $0x9900  }
0x1bf: {  	[tilespmem:s20], [sflag:$0x2] =	stream.indirect_vreg.gather [hbm4b:s2+s16], $0x80, v6, vm1, $0xb8;
	[tilespmem:$0x1E900] =	vst v63  }
0x1c0: {  	s26 =	simm.s32 $0x9D00  }
0x1c1: {  	[tilespmem:s26], [sflag:$0x2] =	stream.indirect_vreg.gather [hbm4b:s1+s16], $0x80, v5, vm0, $0xb8;
	[tilespmem:$0x1E900] =	vst v63  }
0x1c2: {  	s30 =	simm.s32 $0xA500  }
0x1c3: {  	[tilespmem:s30], [sflag:$0x2] =	stream.indirect_vreg.gather [hbm4b:s2+s16], $0x80, v5, vm1, $0xb8;
	[tilespmem:$0x1E900] =	vst v63  }
0x1c4: {  	_ =	swait.ge [sflag:s7], $0x3000  }
0x1c5: {  	[sflag:s7] =	ssyncset.done $0x0  }
0x1c6: {  	s0 =	rddreg [dreg:$0x15];
	[sflag:s7] =	ssyncadd.s32 $0xFFFFD000  }
0x1c7: {  	[hbm4b:s0+s16] =	stream.linear.scatter [tilespmem:s4], [sflag:$0xD], $0x3000, $0x38;
	[tilespmem:$0x1E900] =	vst v63  }
0x1c8: {  	_ =	swait.ge [sflag:s12], $0x3000  }
0x1c9: {  	[sflag:s12] =	ssyncset.done $0x0  }
0x1ca: {  	s0 =	rddreg [dreg:$0x16];
	[sflag:s12] =	ssyncadd.s32 $0xFFFFD000  }
0x1cb: {  	[tilespmem:s8], [sflag:$0xD] =	stream.linear.gather [hbm4b:s0+s16], $0x20, $0x38;
	[tilespmem:$0x1E900] =	vst v63  }
0x1cc: {  	_ =	swait.ge [sflag:s12], $0x20  }
0x1cd: {  	[sflag:s12] =	ssyncset.done $0x0  }
0x1ce: {  	[sflag:s12] =	ssyncadd.s32 $0xFFFFFFE0  }
0x1cf: {  	v5 =	vld [tilespmem:$0x7800];
	_ =	sdelay $0x4  }
0x1d0: {  	v6 =	vshrl.u32 v5, $0x3  }
0x1d1: {  	v6 =	vmul.u32 $0x18, v6  }
0x1d2: {  	v5 =	vand.u32 $0x7, v5  }
0x1d3: {  	v5 =	vor.u32 v5, v6  }
0x1d4: {  	v6 =	vperm.xlane v5, v2;
	_ =	sdelay $0x1  }
0x1d5: {  	v6 =	vadd.s32 v3, v6;
	_ =	sdelay $0x1  }
0x1d6: {  	v5 =	vperm.xlane v5, v4;
	_ =	sdelay $0x1  }
0x1d7: {  	v5 =	vadd.s32 v3, v5  }
0x1d8: {  	[tilespmem:s4], [sflag:$0x2] =	stream.indirect_vreg.gather [hbm4b:s1+s16], $0x80, v6, vm0, $0xb8;
	[tilespmem:$0x1E900] =	vst v63  }
0x1d9: {  	_ = 	snop  }
0x1da: {  	[tilespmem:s13], [sflag:$0x2] =	stream.indirect_vreg.gather [hbm4b:s2+s16], $0x80, v6, vm1, $0xb8;
	[tilespmem:$0x1E900] =	vst v63  }
0x1db: {  	_ = 	snop  }
0x1dc: {  	[tilespmem:s14], [sflag:$0x2] =	stream.indirect_vreg.gather [hbm4b:s1+s16], $0x80, v5, vm0, $0xb8;
	[tilespmem:$0x1E900] =	vst v63  }
0x1dd: {  	_ = 	snop  }
0x1de: {  	[tilespmem:s15], [sflag:$0x2] =	stream.indirect_vreg.gather [hbm4b:s2+s16], $0x80, v5, vm1, $0xb8;
	[tilespmem:$0x1E900] =	vst v63  }
0x1df: {  	v5 =	vld [tilespmem:$0x7810];
	_ =	sdelay $0x4  }
0x1e0: {  	v6 =	vshrl.u32 v5, $0x3  }
0x1e1: {  	v6 =	vmul.u32 $0x18, v6  }
0x1e2: {  	v5 =	vand.u32 $0x7, v5  }
0x1e3: {  	v5 =	vor.u32 v5, v6  }
0x1e4: {  	v6 =	vperm.xlane v5, v2;
	_ =	sdelay $0x1  }
0x1e5: {  	v6 =	vadd.s32 v3, v6;
	_ =	sdelay $0x1  }
0x1e6: {  	v5 =	vperm.xlane v5, v4;
	_ =	sdelay $0x1  }
0x1e7: {  	v5 =	vadd.s32 v3, v5  }
0x1e8: {  	[tilespmem:s17], [sflag:$0x2] =	stream.indirect_vreg.gather [hbm4b:s1+s16], $0x80, v6, vm0, $0xb8;
	[tilespmem:$0x1E900] =	vst v63  }
0x1e9: {  	_ = 	snop  }
0x1ea: {  	[tilespmem:s20], [sflag:$0x2] =	stream.indirect_vreg.gather [hbm4b:s2+s16], $0x80, v6, vm1, $0xb8;
	[tilespmem:$0x1E900] =	vst v63  }
0x1eb: {  	_ = 	snop  }
0x1ec: {  	[tilespmem:s26], [sflag:$0x2] =	stream.indirect_vreg.gather [hbm4b:s1+s16], $0x80, v5, vm0, $0xb8;
	[tilespmem:$0x1E900] =	vst v63  }
0x1ed: {  	_ = 	snop  }
0x1ee: {  	[tilespmem:s30], [sflag:$0x2] =	stream.indirect_vreg.gather [hbm4b:s2+s16], $0x80, v5, vm1, $0xb8;
	[tilespmem:$0x1E900] =	vst v63  }
0x1ef: {  	_ =	swait.ge [sflag:s7], $0x3000  }
0x1f0: {  	[sflag:s7] =	ssyncset.done $0x0  }
0x1f1: {  	s0 =	rddreg [dreg:$0x19];
	[sflag:s7] =	ssyncadd.s32 $0xFFFFD000  }
0x1f2: {  	[hbm4b:s0+s16] =	stream.linear.scatter [tilespmem:s4], [sflag:$0xD], $0x3000, $0x38;
	[tilespmem:$0x1E900] =	vst v63  }
0x1f3: {  	_ =	swait.ge [sflag:s12], $0x3000  }
0x1f4: {  	[sflag:s12] =	ssyncset.done $0x0  }
0x1f5: {  	s0 =	rddreg [dreg:$0x17];
	[sflag:s12] =	ssyncadd.s32 $0xFFFFD000  }
0x1f6: {  	[tilespmem:s8], [sflag:$0xD] =	stream.linear.gather [hbm4b:s0+s16], $0x20, $0x38;
	[tilespmem:$0x1E900] =	vst v63  }
0x1f7: {  	_ =	swait.ge [sflag:s12], $0x20  }
0x1f8: {  	[sflag:s12] =	ssyncset.done $0x0  }
0x1f9: {  	[sflag:s12] =	ssyncadd.s32 $0xFFFFFFE0  }
0x1fa: {  	v5 =	vld [tilespmem:$0x7800];
	_ =	sdelay $0x4  }
0x1fb: {  	v6 =	vshrl.u32 v5, $0x3  }
0x1fc: {  	v6 =	vmul.u32 $0x18, v6  }
0x1fd: {  	v5 =	vand.u32 $0x7, v5  }
0x1fe: {  	v5 =	vor.u32 v5, v6  }
0x1ff: {  	v6 =	vperm.xlane v5, v2;
	_ =	sdelay $0x1  }
0x200: {  	v6 =	vadd.s32 v3, v6;
	_ =	sdelay $0x1  }
0x201: {  	v5 =	vperm.xlane v5, v4;
	_ =	sdelay $0x1  }
0x202: {  	v5 =	vadd.s32 v3, v5  }
0x203: {  	[tilespmem:s4], [sflag:$0x2] =	stream.indirect_vreg.gather [hbm4b:s1+s16], $0x80, v6, vm0, $0xb8;
	[tilespmem:$0x1E900] =	vst v63  }
0x204: {  	_ = 	snop  }
0x205: {  	[tilespmem:s13], [sflag:$0x2] =	stream.indirect_vreg.gather [hbm4b:s2+s16], $0x80, v6, vm1, $0xb8;
	[tilespmem:$0x1E900] =	vst v63  }
0x206: {  	_ = 	snop  }
0x207: {  	[tilespmem:s14], [sflag:$0x2] =	stream.indirect_vreg.gather [hbm4b:s1+s16], $0x80, v5, vm0, $0xb8;
	[tilespmem:$0x1E900] =	vst v63  }
0x208: {  	_ = 	snop  }
0x209: {  	[tilespmem:s15], [sflag:$0x2] =	stream.indirect_vreg.gather [hbm4b:s2+s16], $0x80, v5, vm1, $0xb8;
	[tilespmem:$0x1E900] =	vst v63  }
0x20a: {  	v5 =	vld [tilespmem:$0x7810];
	_ =	sdelay $0x4  }
0x20b: {  	v6 =	vshrl.u32 v5, $0x3  }
0x20c: {  	v6 =	vmul.u32 $0x18, v6  }
0x20d: {  	v5 =	vand.u32 $0x7, v5  }
0x20e: {  	v5 =	vor.u32 v5, v6  }
0x20f: {  	v6 =	vperm.xlane v5, v2;
	_ =	sdelay $0x1  }
0x210: {  	v6 =	vadd.s32 v3, v6;
	_ =	sdelay $0x1  }
0x211: {  	v5 =	vperm.xlane v5, v4;
	_ =	sdelay $0x1  }
0x212: {  	v5 =	vadd.s32 v3, v5  }
0x213: {  	[tilespmem:s17], [sflag:$0x2] =	stream.indirect_vreg.gather [hbm4b:s1+s16], $0x80, v6, vm0, $0xb8;
	[tilespmem:$0x1E900] =	vst v63  }
0x214: {  	_ = 	snop  }
0x215: {  	[tilespmem:s20], [sflag:$0x2] =	stream.indirect_vreg.gather [hbm4b:s2+s16], $0x80, v6, vm1, $0xb8;
	[tilespmem:$0x1E900] =	vst v63  }
0x216: {  	_ = 	snop  }
0x217: {  	[tilespmem:s26], [sflag:$0x2] =	stream.indirect_vreg.gather [hbm4b:s1+s16], $0x80, v5, vm0, $0xb8;
	[tilespmem:$0x1E900] =	vst v63  }
0x218: {  	_ = 	snop  }
0x219: {  	[tilespmem:s30], [sflag:$0x2] =	stream.indirect_vreg.gather [hbm4b:s2+s16], $0x80, v5, vm1, $0xb8;
	[tilespmem:$0x1E900] =	vst v63  }
0x21a: {  	_ =	swait.ge [sflag:s7], $0x3000  }
0x21b: {  	[sflag:s7] =	ssyncset.done $0x0  }
0x21c: {  	s0 =	rddreg [dreg:$0x1a];
	[sflag:s7] =	ssyncadd.s32 $0xFFFFD000  }
0x21d: {  	[hbm4b:s0+s16] =	stream.linear.scatter [tilespmem:s4], [sflag:$0xD], $0x3000, $0x38;
	[tilespmem:$0x1E900] =	vst v63  }
0x21e: {  	_ =	swait.ge [sflag:s12], $0x3000  }
0x21f: {  	[sflag:s12] =	ssyncset.done $0x0  }
0x220: {  	s0 =	rddreg [dreg:$0x18];
	[sflag:s12] =	ssyncadd.s32 $0xFFFFD000  }
0x221: {  	[tilespmem:s8], [sflag:$0xD] =	stream.linear.gather [hbm4b:s0+s16], $0x20, $0x38;
	[tilespmem:$0x1E900] =	vst v63  }
0x222: {  	_ =	swait.ge [sflag:s12], $0x20  }
0x223: {  	[sflag:s12] =	ssyncset.done $0x0  }
0x224: {  	[sflag:s12] =	ssyncadd.s32 $0xFFFFFFE0  }
0x225: {  	v5 =	vld [tilespmem:$0x7800];
	_ =	sdelay $0x4  }
0x226: {  	v6 =	vshrl.u32 v5, $0x3  }
0x227: {  	v6 =	vmul.u32 $0x18, v6  }
0x228: {  	v5 =	vand.u32 $0x7, v5  }
0x229: {  	v5 =	vor.u32 v5, v6  }
0x22a: {  	v6 =	vperm.xlane v5, v2;
	_ =	sdelay $0x1  }
0x22b: {  	v6 =	vadd.s32 v3, v6;
	_ =	sdelay $0x1  }
0x22c: {  	v5 =	vperm.xlane v5, v4;
	_ =	sdelay $0x1  }
0x22d: {  	v5 =	vadd.s32 v3, v5  }
0x22e: {  	[tilespmem:s4], [sflag:$0x2] =	stream.indirect_vreg.gather [hbm4b:s1+s16], $0x80, v6, vm0, $0xb8;
	[tilespmem:$0x1E900] =	vst v63  }
0x22f: {  	_ = 	snop  }
0x230: {  	[tilespmem:s13], [sflag:$0x2] =	stream.indirect_vreg.gather [hbm4b:s2+s16], $0x80, v6, vm1, $0xb8;
	[tilespmem:$0x1E900] =	vst v63  }
0x231: {  	_ = 	snop  }
0x232: {  	[tilespmem:s14], [sflag:$0x2] =	stream.indirect_vreg.gather [hbm4b:s1+s16], $0x80, v5, vm0, $0xb8;
	[tilespmem:$0x1E900] =	vst v63  }
0x233: {  	_ = 	snop  }
0x234: {  	[tilespmem:s15], [sflag:$0x2] =	stream.indirect_vreg.gather [hbm4b:s2+s16], $0x80, v5, vm1, $0xb8;
	[tilespmem:$0x1E900] =	vst v63  }
0x235: {  	v5 =	vld [tilespmem:$0x7810];
	_ =	sdelay $0x4  }
0x236: {  	v6 =	vshrl.u32 v5, $0x3  }
0x237: {  	v6 =	vmul.u32 $0x18, v6  }
0x238: {  	v5 =	vand.u32 $0x7, v5  }
0x239: {  	v5 =	vor.u32 v5, v6  }
0x23a: {  	v6 =	vperm.xlane v5, v2;
	_ =	sdelay $0x1  }
0x23b: {  	v6 =	vadd.s32 v3, v6;
	_ =	sdelay $0x1  }
0x23c: {  	v5 =	vperm.xlane v5, v4;
	_ =	sdelay $0x1  }
0x23d: {  	v5 =	vadd.s32 v3, v5  }
0x23e: {  	[tilespmem:s17], [sflag:$0x2] =	stream.indirect_vreg.gather [hbm4b:s1+s16], $0x80, v6, vm0, $0xb8;
	[tilespmem:$0x1E900] =	vst v63  }
0x23f: {  	_ = 	snop  }
0x240: {  	[tilespmem:s20], [sflag:$0x2] =	stream.indirect_vreg.gather [hbm4b:s2+s16], $0x80, v6, vm1, $0xb8;
	[tilespmem:$0x1E900] =	vst v63  }
0x241: {  	_ = 	snop  }
0x242: {  	[tilespmem:s26], [sflag:$0x2] =	stream.indirect_vreg.gather [hbm4b:s1+s16], $0x80, v5, vm0, $0xb8;
	[tilespmem:$0x1E900] =	vst v63  }
0x243: {  	_ = 	snop  }
0x244: {  	[tilespmem:s30], [sflag:$0x2] =	stream.indirect_vreg.gather [hbm4b:s2+s16], $0x80, v5, vm1, $0xb8;
	[tilespmem:$0x1E900] =	vst v63  }
0x245: {  	_ =	swait.ge [sflag:s7], $0x3000  }
0x246: {  	[sflag:s7] =	ssyncset.done $0x0  }
0x247: {  	s20 =	rddreg [dreg:$0x1b];
	[sflag:s7] =	ssyncadd.s32 $0xFFFFD000  }
0x248: {  	[hbm4b:s20+s16] =	stream.linear.scatter [tilespmem:s4], [sflag:$0xD], $0x3000, $0x38;
	[tilespmem:$0x1E900] =	vst v63  }
0x249: {  	_ =	swait.ge [sflag:s12], $0x3000  }
0x24a: {  	s26 =	sld [smem:$0x7E9]  }
0x24b: {  	s30 =	sld [smem:$0x7EA];
	_ =	sdelay $0x1  }
0x24c: {  	s4 =	sadd.s32 $0x1, s26  }
0x24d: {  	p0 =	sne.s32 s4, s30  }
.Ltmp1:
0x24e: {  	_ = 	snop;
	(pc) =	sbr.rel @!p0 .LBB2_17-.Ltmp1, $4  }
0x24f: {  	s18 =	simm.s32 $0x10100  }
0x250: {  	s11 =	simm.s32 $0xF900;
	s22 =	simm.s32 $0xF100;
	s5 =	simm.s32 $0x11900  }
0x251: {  	s23 =	simm.s32 $0x10900;
	s10 =	simm.s32 $0x11100;
	[sflag:s12] =	ssyncset.done $0x0  }
0x252: {  	s6 =	simm.s32 $0x12100;
	s19 =	simm.s32 $0xE900;
	[sflag:s12] =	ssyncadd.s32 $0xFFFFD000  }
.LBB2_1:
0x253: {  	s0 =	sand.u32 $0x3000, s16;
	s30 =	sand.u32 $0x380, s16  }
0x254: {  	s0 =	sor.u32 s30, s0  }
0x255: {  	[tilespmem:s0+$0xB570] =	vst v0  }
0x256: {  	[tilespmem:s0+$0xA900] =	vst v0  }
0x257: {  	[tilespmem:s0+$0xA910] =	vst v0  }
0x258: {  	[tilespmem:s0+$0xA920] =	vst v0  }
0x259: {  	[tilespmem:s0+$0xA930] =	vst v0  }
0x25a: {  	[tilespmem:s0+$0xA940] =	vst v0  }
0x25b: {  	[tilespmem:s0+$0xA950] =	vst v0  }
0x25c: {  	[tilespmem:s0+$0xA960] =	vst v0  }
0x25d: {  	[tilespmem:s0+$0xA970] =	vst v0  }
0x25e: {  	[tilespmem:s0+$0xAD00] =	vst v0  }
0x25f: {  	[tilespmem:s0+$0xAD10] =	vst v0  }
0x260: {  	[tilespmem:s0+$0xAD20] =	vst v0  }
0x261: {  	[tilespmem:s0+$0xAD30] =	vst v0  }
0x262: {  	[tilespmem:s0+$0xAD40] =	vst v0  }
0x263: {  	[tilespmem:s0+$0xAD50] =	vst v0  }
0x264: {  	[tilespmem:s0+$0xAD60] =	vst v0  }
0x265: {  	[tilespmem:s0+$0xAD70] =	vst v0  }
0x266: {  	[tilespmem:s0+$0xB100] =	vst v0  }
0x267: {  	[tilespmem:s0+$0xB110] =	vst v0  }
0x268: {  	[tilespmem:s0+$0xB120] =	vst v0  }
0x269: {  	[tilespmem:s0+$0xB130] =	vst v0  }
0x26a: {  	[tilespmem:s0+$0xB140] =	vst v0  }
0x26b: {  	[tilespmem:s0+$0xB150] =	vst v0  }
0x26c: {  	[tilespmem:s0+$0xB160] =	vst v0  }
0x26d: {  	[tilespmem:s0+$0xB170] =	vst v0  }
0x26e: {  	[tilespmem:s0+$0xB500] =	vst v0  }
0x26f: {  	[tilespmem:s0+$0xB510] =	vst v0  }
0x270: {  	[tilespmem:s0+$0xB520] =	vst v0  }
0x271: {  	[tilespmem:s0+$0xB530] =	vst v0  }
0x272: {  	[smem:$0x7E9] =	sst s4;
	s12 =	simm.s32 $0x200;
	s4 =	simm.s32 $0x80;
	[tilespmem:s0+$0xB540] =	vst v0  }
0x273: {  	s13 =	sand.u32 $0x3000, s12;
	s14 =	sand.u32 $0x380, s4;
	s12 =	simm.s32 $0x400;
	[tilespmem:s0+$0xB550] =	vst v0  }
.LBB2_2:
0x274: {  	p0 =	sne.s32 s12, $0x3E00;
	[tilespmem:s0+$0xB560] =	vst v0;
	s0 =	sor.u32 s14, s13  }
0x275: {  	[tilespmem:s0+$0xB570] =	vst v0  }
0x276: {  	[tilespmem:s0+$0xA900] =	vst v0  }
0x277: {  	[tilespmem:s0+$0xA910] =	vst v0  }
0x278: {  	[tilespmem:s0+$0xA920] =	vst v0  }
0x279: {  	[tilespmem:s0+$0xA930] =	vst v0  }
0x27a: {  	[tilespmem:s0+$0xA940] =	vst v0  }
0x27b: {  	[tilespmem:s0+$0xA950] =	vst v0  }
0x27c: {  	[tilespmem:s0+$0xA960] =	vst v0  }
0x27d: {  	[tilespmem:s0+$0xA970] =	vst v0  }
0x27e: {  	[tilespmem:s0+$0xAD00] =	vst v0  }
0x27f: {  	[tilespmem:s0+$0xAD10] =	vst v0  }
0x280: {  	[tilespmem:s0+$0xAD20] =	vst v0  }
0x281: {  	[tilespmem:s0+$0xAD30] =	vst v0  }
0x282: {  	[tilespmem:s0+$0xAD40] =	vst v0  }
0x283: {  	[tilespmem:s0+$0xAD50] =	vst v0  }
0x284: {  	[tilespmem:s0+$0xAD60] =	vst v0  }
0x285: {  	[tilespmem:s0+$0xAD70] =	vst v0  }
0x286: {  	[tilespmem:s0+$0xB100] =	vst v0  }
0x287: {  	[tilespmem:s0+$0xB110] =	vst v0  }
0x288: {  	[tilespmem:s0+$0xB120] =	vst v0  }
0x289: {  	[tilespmem:s0+$0xB130] =	vst v0  }
0x28a: {  	[tilespmem:s0+$0xB140] =	vst v0  }
0x28b: {  	[tilespmem:s0+$0xB150] =	vst v0  }
0x28c: {  	[tilespmem:s0+$0xB160] =	vst v0  }
0x28d: {  	[tilespmem:s0+$0xB170] =	vst v0  }
0x28e: {  	[tilespmem:s0+$0xB500] =	vst v0  }
.Ltmp2:
0x28f: {  	[tilespmem:s0+$0xB510] =	vst v0;
	(pc) =	sbr.rel @p0 .LBB2_2-.Ltmp2, $4  }
0x290: {  	[tilespmem:s0+$0xB520] =	vst v0  }
0x291: {  	[tilespmem:s0+$0xB530] =	vst v0  }
0x292: {  	s4 =	sadd.s32 $0x80, s4;
	[tilespmem:s0+$0xB540] =	vst v0  }
0x293: {  	s13 =	sand.u32 $0x3000, s12;
	s12 =	sadd.s32 $0x200, s12;
	s14 =	sand.u32 $0x380, s4;
	[tilespmem:s0+$0xB550] =	vst v0  }
0x294: {  	s4 =	sor.u32 s14, s13;
	[tilespmem:s0+$0xB560] =	vst v0  }
0x295: {  	[tilespmem:s4+$0xB570] =	vst v0  }
0x296: {  	[tilespmem:s4+$0xA900] =	vst v0  }
0x297: {  	[tilespmem:s4+$0xA910] =	vst v0  }
0x298: {  	[tilespmem:s4+$0xA920] =	vst v0  }
0x299: {  	[tilespmem:s4+$0xA930] =	vst v0  }
0x29a: {  	[tilespmem:s4+$0xA940] =	vst v0  }
0x29b: {  	[tilespmem:s4+$0xA950] =	vst v0  }
0x29c: {  	[tilespmem:s4+$0xA960] =	vst v0  }
0x29d: {  	[tilespmem:s4+$0xA970] =	vst v0  }
0x29e: {  	[tilespmem:s4+$0xAD00] =	vst v0  }
0x29f: {  	[tilespmem:s4+$0xAD10] =	vst v0  }
0x2a0: {  	[tilespmem:s4+$0xAD20] =	vst v0  }
0x2a1: {  	[tilespmem:s4+$0xAD30] =	vst v0  }
0x2a2: {  	[tilespmem:s4+$0xAD40] =	vst v0  }
0x2a3: {  	[tilespmem:s4+$0xAD50] =	vst v0  }
0x2a4: {  	[tilespmem:s4+$0xAD60] =	vst v0  }
0x2a5: {  	[tilespmem:s4+$0xAD70] =	vst v0  }
0x2a6: {  	[tilespmem:s4+$0xB100] =	vst v0  }
0x2a7: {  	[tilespmem:s4+$0xB110] =	vst v0  }
0x2a8: {  	[tilespmem:s4+$0xB120] =	vst v0  }
0x2a9: {  	[tilespmem:s4+$0xB130] =	vst v0  }
0x2aa: {  	[tilespmem:s4+$0xB140] =	vst v0  }
0x2ab: {  	[tilespmem:s4+$0xB150] =	vst v0  }
0x2ac: {  	[tilespmem:s4+$0xB160] =	vst v0  }
0x2ad: {  	[tilespmem:s4+$0xB170] =	vst v0  }
0x2ae: {  	[tilespmem:s4+$0xB500] =	vst v0  }
0x2af: {  	[tilespmem:s4+$0xB510] =	vst v0  }
0x2b0: {  	[tilespmem:s4+$0xB520] =	vst v0  }
0x2b1: {  	[tilespmem:s4+$0xB530] =	vst v0  }
0x2b2: {  	[tilespmem:s4+$0xB540] =	vst v0  }
0x2b3: {  	s14 =	rddreg [dreg:$0x1c];
	[tilespmem:s4+$0xB550] =	vst v0  }
0x2b4: {  	s0 =	simm.s32 $0x0;
	s12 =	simm.s32 $0xA900;
	s15 =	sld [smem:$0x7EB];
	[tilespmem:s4+$0xB560] =	vst v0  }
0x2b5: {  	[hbm4b:s14+s0] =	stream.linear.scatter [tilespmem:s12], [sflag:$0x9], $0x4000, $0x38;
	[tilespmem:$0x1E900] =	vst v63  }
0x2b6: {  	s17 =	sld [smem:$0x7EC]  }
0x2b7: {  	[hbm4b:s15+s0] =	stream.linear.scatter [tilespmem:s12], [sflag:$0x9], $0x4000, $0x38;
	[tilespmem:$0x1E900] =	vst v63  }
0x2b8: {  	s20 =	sld [smem:$0x7ED]  }
0x2b9: {  	[hbm4b:s17+s0] =	stream.linear.scatter [tilespmem:s12], [sflag:$0x9], $0x4000, $0x38;
	[tilespmem:$0x1E900] =	vst v63  }
0x2ba: {  	s26 =	sld [smem:$0x7EE]  }
0x2bb: {  	[hbm4b:s20+s0] =	stream.linear.scatter [tilespmem:s12], [sflag:$0x9], $0x4000, $0x38;
	[tilespmem:$0x1E900] =	vst v63  }
0x2bc: {  	s30 =	sld [smem:$0x7EF]  }
0x2bd: {  	[hbm4b:s26+s0] =	stream.linear.scatter [tilespmem:s12], [sflag:$0x9], $0x4000, $0x38;
	[tilespmem:$0x1E900] =	vst v63  }
0x2be: {  	s8 =	sld [smem:$0x7F0]  }
0x2bf: {  	[hbm4b:s30+s0] =	stream.linear.scatter [tilespmem:s12], [sflag:$0x9], $0x4000, $0x38;
	[tilespmem:$0x1E900] =	vst v63  }
0x2c0: {  	s13 =	sld [smem:$0x7F1]  }
0x2c1: {  	[hbm4b:s8+s0] =	stream.linear.scatter [tilespmem:s12], [sflag:$0x9], $0x4000, $0x38;
	[tilespmem:$0x1E900] =	vst v63  }
0x2c2: {  	s14 =	sld [smem:$0x7F2]  }
0x2c3: {  	[hbm4b:s13+s0] =	stream.linear.scatter [tilespmem:s12], [sflag:$0x9], $0x4000, $0x38;
	[tilespmem:$0x1E900] =	vst v63  }
0x2c4: {  	s15 =	sld [smem:$0x7F3]  }
0x2c5: {  	[hbm4b:s14+s0] =	stream.linear.scatter [tilespmem:s12], [sflag:$0x9], $0x4000, $0x38;
	[tilespmem:$0x1E900] =	vst v63  }
0x2c6: {  	s17 =	sld [smem:$0x7F4]  }
0x2c7: {  	[hbm4b:s15+s0] =	stream.linear.scatter [tilespmem:s12], [sflag:$0x9], $0x4000, $0x38;
	[tilespmem:$0x1E900] =	vst v63  }
0x2c8: {  	s20 =	sld [smem:$0x7F5]  }
0x2c9: {  	[hbm4b:s17+s0] =	stream.linear.scatter [tilespmem:s12], [sflag:$0x9], $0x4000, $0x38;
	[tilespmem:$0x1E900] =	vst v63  }
0x2ca: {  	s26 =	sld [smem:$0x7F6]  }
0x2cb: {  	[hbm4b:s20+s0] =	stream.linear.scatter [tilespmem:s12], [sflag:$0x9], $0x4000, $0x38;
	[tilespmem:$0x1E900] =	vst v63  }
0x2cc: {  	s30 =	sld [smem:$0x7F7]  }
0x2cd: {  	[hbm4b:s26+s0] =	stream.linear.scatter [tilespmem:s12], [sflag:$0x9], $0x4000, $0x38;
	[tilespmem:$0x1E900] =	vst v63  }
0x2ce: {  	s8 =	sld [smem:$0x7F8]  }
0x2cf: {  	[hbm4b:s30+s0] =	stream.linear.scatter [tilespmem:s12], [sflag:$0x9], $0x4000, $0x38;
	[tilespmem:$0x1E900] =	vst v63  }
0x2d0: {  	s13 =	sld [smem:$0x7F9]  }
0x2d1: {  	[hbm4b:s8+s0] =	stream.linear.scatter [tilespmem:s12], [sflag:$0x9], $0x4000, $0x38;
	[tilespmem:$0x1E900] =	vst v63  }
0x2d2: {  	s14 =	sld [smem:$0x7FA]  }
0x2d3: {  	[hbm4b:s13+s0] =	stream.linear.scatter [tilespmem:s12], [sflag:$0x9], $0x4000, $0x38;
	[tilespmem:$0x1E900] =	vst v63  }
0x2d4: {  	s15 =	sld [smem:$0x7FB]  }
0x2d5: {  	[hbm4b:s14+s0] =	stream.linear.scatter [tilespmem:s12], [sflag:$0x9], $0x4000, $0x38;
	[tilespmem:$0x1E900] =	vst v63  }
0x2d6: {  	s17 =	sld [smem:$0x7FC]  }
0x2d7: {  	[hbm4b:s15+s0] =	stream.linear.scatter [tilespmem:s12], [sflag:$0x9], $0x4000, $0x38;
	[tilespmem:$0x1E900] =	vst v63  }
0x2d8: {  	s20 =	sld [smem:$0x7FD]  }
0x2d9: {  	[hbm4b:s17+s0] =	stream.linear.scatter [tilespmem:s12], [sflag:$0x9], $0x4000, $0x38;
	[tilespmem:$0x1E900] =	vst v63  }
0x2da: {  	_ = 	snop  }
0x2db: {  	[hbm4b:s20+s0] =	stream.linear.scatter [tilespmem:s12], [sflag:$0x9], $0x4000, $0x38;
	[tilespmem:$0x1E900] =	vst v63  }
0x2dc: {  	_ =	swait.ge [sflag:s31], $0x4000  }
0x2dd: {  	[sflag:s31] =	ssyncset.done $0x0  }
0x2de: {  	[sflag:s31] =	ssyncadd.s32 $0xFFFFC000  }
0x2df: {  	_ =	swait.ge [sflag:s31], $0x4000  }
0x2e0: {  	[sflag:s31] =	ssyncset.done $0x0  }
0x2e1: {  	[sflag:s31] =	ssyncadd.s32 $0xFFFFC000  }
0x2e2: {  	_ =	swait.ge [sflag:s31], $0x4000  }
0x2e3: {  	[sflag:s31] =	ssyncset.done $0x0  }
0x2e4: {  	[sflag:s31] =	ssyncadd.s32 $0xFFFFC000  }
0x2e5: {  	_ =	swait.ge [sflag:s31], $0x4000  }
0x2e6: {  	[sflag:s31] =	ssyncset.done $0x0  }
0x2e7: {  	[sflag:s31] =	ssyncadd.s32 $0xFFFFC000  }
0x2e8: {  	_ =	swait.ge [sflag:s31], $0x4000  }
0x2e9: {  	[sflag:s31] =	ssyncset.done $0x0  }
0x2ea: {  	[sflag:s31] =	ssyncadd.s32 $0xFFFFC000  }
0x2eb: {  	_ =	swait.ge [sflag:s31], $0x4000  }
0x2ec: {  	[sflag:s31] =	ssyncset.done $0x0  }
0x2ed: {  	[sflag:s31] =	ssyncadd.s32 $0xFFFFC000  }
0x2ee: {  	_ =	swait.ge [sflag:s31], $0x4000  }
0x2ef: {  	[sflag:s31] =	ssyncset.done $0x0  }
0x2f0: {  	[sflag:s31] =	ssyncadd.s32 $0xFFFFC000  }
0x2f1: {  	_ =	swait.ge [sflag:s31], $0x4000  }
0x2f2: {  	[sflag:s31] =	ssyncset.done $0x0  }
0x2f3: {  	[sflag:s31] =	ssyncadd.s32 $0xFFFFC000  }
0x2f4: {  	_ =	swait.ge [sflag:s31], $0x4000  }
0x2f5: {  	[sflag:s31] =	ssyncset.done $0x0  }
0x2f6: {  	[sflag:s31] =	ssyncadd.s32 $0xFFFFC000  }
0x2f7: {  	_ =	swait.ge [sflag:s31], $0x4000  }
0x2f8: {  	[sflag:s31] =	ssyncset.done $0x0  }
0x2f9: {  	[sflag:s31] =	ssyncadd.s32 $0xFFFFC000  }
0x2fa: {  	_ =	swait.ge [sflag:s31], $0x4000  }
0x2fb: {  	[sflag:s31] =	ssyncset.done $0x0  }
0x2fc: {  	[sflag:s31] =	ssyncadd.s32 $0xFFFFC000  }
0x2fd: {  	_ =	swait.ge [sflag:s31], $0x4000  }
0x2fe: {  	[sflag:s31] =	ssyncset.done $0x0  }
0x2ff: {  	[sflag:s31] =	ssyncadd.s32 $0xFFFFC000  }
0x300: {  	_ =	swait.ge [sflag:s31], $0x4000  }
0x301: {  	[sflag:s31] =	ssyncset.done $0x0  }
0x302: {  	[sflag:s31] =	ssyncadd.s32 $0xFFFFC000  }
0x303: {  	_ =	swait.ge [sflag:s31], $0x4000  }
0x304: {  	[sflag:s31] =	ssyncset.done $0x0  }
0x305: {  	[sflag:s31] =	ssyncadd.s32 $0xFFFFC000  }
0x306: {  	_ =	swait.ge [sflag:s31], $0x4000  }
0x307: {  	[sflag:s31] =	ssyncset.done $0x0  }
0x308: {  	[sflag:s31] =	ssyncadd.s32 $0xFFFFC000  }
0x309: {  	_ =	swait.ge [sflag:s31], $0x4000  }
0x30a: {  	[sflag:s31] =	ssyncset.done $0x0  }
0x30b: {  	[sflag:s31] =	ssyncadd.s32 $0xFFFFC000  }
0x30c: {  	_ =	swait.ge [sflag:s31], $0x4000  }
0x30d: {  	[sflag:s31] =	ssyncset.done $0x0  }
0x30e: {  	[sflag:s31] =	ssyncadd.s32 $0xFFFFC000  }
0x30f: {  	_ =	swait.ge [sflag:s31], $0x4000  }
0x310: {  	[sflag:s31] =	ssyncset.done $0x0  }
0x311: {  	[sflag:s31] =	ssyncadd.s32 $0xFFFFC000  }
0x312: {  	_ =	swait.ge [sflag:s31], $0x4000  }
0x313: {  	[sflag:s31] =	ssyncset.done $0x0  }
0x314: {  	[sflag:s31] =	ssyncadd.s32 $0xFFFFC000  }
0x315: {  	_ =	swait.ge [sflag:s31], $0x4000  }
0x316: {  	s26 =	sand.u32 $0x3000, s0;
	s0 =	sand.u32 $0x380, s0;
	[sflag:s31] =	ssyncset.done $0x0  }
0x317: {  	s0 =	sor.u32 s0, s26;
	[sflag:s31] =	ssyncadd.s32 $0xFFFFC000  }
0x318: {  	[tilespmem:s0+$0x17570] =	vst v0  }
0x319: {  	[tilespmem:s0+$0xB500] =	vst v1  }
0x31a: {  	[tilespmem:s0+$0xB510] =	vst v0  }
0x31b: {  	[tilespmem:s0+$0xB520] =	vst v0  }
0x31c: {  	[tilespmem:s0+$0xB530] =	vst v0  }
0x31d: {  	[tilespmem:s0+$0xB540] =	vst v0  }
0x31e: {  	[tilespmem:s0+$0xB550] =	vst v0  }
0x31f: {  	[tilespmem:s0+$0xB560] =	vst v0  }
0x320: {  	[tilespmem:s0+$0xB570] =	vst v0  }
0x321: {  	[tilespmem:s0+$0xF500] =	vst v1  }
0x322: {  	[tilespmem:s0+$0xF510] =	vst v0  }
0x323: {  	[tilespmem:s0+$0xF520] =	vst v0  }
0x324: {  	[tilespmem:s0+$0xF530] =	vst v0  }
0x325: {  	[tilespmem:s0+$0xF540] =	vst v0  }
0x326: {  	[tilespmem:s0+$0xF550] =	vst v0  }
0x327: {  	[tilespmem:s0+$0xF560] =	vst v0  }
0x328: {  	[tilespmem:s0+$0xF570] =	vst v0  }
0x329: {  	[tilespmem:s0+$0x13500] =	vst v1  }
0x32a: {  	[tilespmem:s0+$0x13510] =	vst v0  }
0x32b: {  	[tilespmem:s0+$0x13520] =	vst v0  }
0x32c: {  	[tilespmem:s0+$0x13530] =	vst v0  }
0x32d: {  	[tilespmem:s0+$0x13540] =	vst v0  }
0x32e: {  	[tilespmem:s0+$0x13550] =	vst v0  }
0x32f: {  	[tilespmem:s0+$0x13560] =	vst v0  }
0x330: {  	[tilespmem:s0+$0x13570] =	vst v0  }
0x331: {  	[tilespmem:s0+$0x17500] =	vst v1  }
0x332: {  	[tilespmem:s0+$0x17510] =	vst v0  }
0x333: {  	[tilespmem:s0+$0x17520] =	vst v0  }
0x334: {  	[tilespmem:s0+$0x17530] =	vst v0  }
0x335: {  	s4 =	simm.s32 $0x80;
	s30 =	simm.s32 $0x200;
	[tilespmem:s0+$0x17540] =	vst v0  }
0x336: {  	s13 =	sand.u32 $0x3000, s30;
	s14 =	sand.u32 $0x380, s4;
	s12 =	simm.s32 $0x400;
	[tilespmem:s0+$0x17550] =	vst v0  }
.LBB2_4:
0x337: {  	p0 =	sne.s32 s12, $0x3E00;
	[tilespmem:s0+$0x17560] =	vst v0;
	s0 =	sor.u32 s14, s13  }
0x338: {  	[tilespmem:s0+$0x17570] =	vst v0  }
0x339: {  	[tilespmem:s0+$0xB500] =	vst v1  }
0x33a: {  	[tilespmem:s0+$0xB510] =	vst v0  }
0x33b: {  	[tilespmem:s0+$0xB520] =	vst v0  }
0x33c: {  	[tilespmem:s0+$0xB530] =	vst v0  }
0x33d: {  	[tilespmem:s0+$0xB540] =	vst v0  }
0x33e: {  	[tilespmem:s0+$0xB550] =	vst v0  }
0x33f: {  	[tilespmem:s0+$0xB560] =	vst v0  }
0x340: {  	[tilespmem:s0+$0xB570] =	vst v0  }
0x341: {  	[tilespmem:s0+$0xF500] =	vst v1  }
0x342: {  	[tilespmem:s0+$0xF510] =	vst v0  }
0x343: {  	[tilespmem:s0+$0xF520] =	vst v0  }
0x344: {  	[tilespmem:s0+$0xF530] =	vst v0  }
0x345: {  	[tilespmem:s0+$0xF540] =	vst v0  }
0x346: {  	[tilespmem:s0+$0xF550] =	vst v0  }
0x347: {  	[tilespmem:s0+$0xF560] =	vst v0  }
0x348: {  	[tilespmem:s0+$0xF570] =	vst v0  }
0x349: {  	[tilespmem:s0+$0x13500] =	vst v1  }
0x34a: {  	[tilespmem:s0+$0x13510] =	vst v0  }
0x34b: {  	[tilespmem:s0+$0x13520] =	vst v0  }
0x34c: {  	[tilespmem:s0+$0x13530] =	vst v0  }
0x34d: {  	[tilespmem:s0+$0x13540] =	vst v0  }
0x34e: {  	[tilespmem:s0+$0x13550] =	vst v0  }
0x34f: {  	[tilespmem:s0+$0x13560] =	vst v0  }
0x350: {  	[tilespmem:s0+$0x13570] =	vst v0  }
0x351: {  	[tilespmem:s0+$0x17500] =	vst v1  }
.Ltmp3:
0x352: {  	[tilespmem:s0+$0x17510] =	vst v0;
	(pc) =	sbr.rel @p0 .LBB2_4-.Ltmp3, $4  }
0x353: {  	[tilespmem:s0+$0x17520] =	vst v0  }
0x354: {  	[tilespmem:s0+$0x17530] =	vst v0  }
0x355: {  	s4 =	sadd.s32 $0x80, s4;
	[tilespmem:s0+$0x17540] =	vst v0  }
0x356: {  	s13 =	sand.u32 $0x3000, s12;
	s12 =	sadd.s32 $0x200, s12;
	s14 =	sand.u32 $0x380, s4;
	[tilespmem:s0+$0x17550] =	vst v0  }
0x357: {  	s4 =	sor.u32 s14, s13;
	[tilespmem:s0+$0x17560] =	vst v0  }
0x358: {  	[tilespmem:s4+$0x17570] =	vst v0  }
0x359: {  	[tilespmem:s4+$0xB500] =	vst v1  }
0x35a: {  	[tilespmem:s4+$0xB510] =	vst v0  }
0x35b: {  	[tilespmem:s4+$0xB520] =	vst v0  }
0x35c: {  	[tilespmem:s4+$0xB530] =	vst v0  }
0x35d: {  	[tilespmem:s4+$0xB540] =	vst v0  }
0x35e: {  	[tilespmem:s4+$0xB550] =	vst v0  }
0x35f: {  	[tilespmem:s4+$0xB560] =	vst v0  }
0x360: {  	[tilespmem:s4+$0xB570] =	vst v0  }
0x361: {  	[tilespmem:s4+$0xF500] =	vst v1  }
0x362: {  	[tilespmem:s4+$0xF510] =	vst v0  }
0x363: {  	[tilespmem:s4+$0xF520] =	vst v0  }
0x364: {  	[tilespmem:s4+$0xF530] =	vst v0  }
0x365: {  	[tilespmem:s4+$0xF540] =	vst v0  }
0x366: {  	[tilespmem:s4+$0xF550] =	vst v0  }
0x367: {  	[tilespmem:s4+$0xF560] =	vst v0  }
0x368: {  	[tilespmem:s4+$0xF570] =	vst v0  }
0x369: {  	[tilespmem:s4+$0x13500] =	vst v1  }
0x36a: {  	[tilespmem:s4+$0x13510] =	vst v0  }
0x36b: {  	[tilespmem:s4+$0x13520] =	vst v0  }
0x36c: {  	[tilespmem:s4+$0x13530] =	vst v0  }
0x36d: {  	[tilespmem:s4+$0x13540] =	vst v0  }
0x36e: {  	[tilespmem:s4+$0x13550] =	vst v0  }
0x36f: {  	[tilespmem:s4+$0x13560] =	vst v0  }
0x370: {  	[tilespmem:s4+$0x13570] =	vst v0  }
0x371: {  	[tilespmem:s4+$0x17500] =	vst v1  }
0x372: {  	[tilespmem:s4+$0x17510] =	vst v0  }
0x373: {  	[tilespmem:s4+$0x17520] =	vst v0  }
0x374: {  	[tilespmem:s4+$0x17530] =	vst v0  }
0x375: {  	[tilespmem:s4+$0x17540] =	vst v0  }
0x376: {  	[tilespmem:s4+$0x17550] =	vst v0  }
0x377: {  	[tilespmem:s4+$0x17560] =	vst v0  }
0x378: {  	s26 =	simm.s32 $0x0;
	s15 =	simm.s32 $0x80;
	[bflag:$0x0] =	sbarrier.arrive $0xFFFF  }
0x379: {  	s12 =	simm.s32 $0x400;
	s17 =	simm.s32 $0xD;
	s14 =	rddreg [dreg:$0x1d]  }
0x37a: {  	[tilespmem:s26], [sflag:$0xD] =	stream.strided.gather [hbm4b:s14+s15], $0x1400, s12, s15, $0x38;
	[tilespmem:$0x1E900] =	vst v63  }
0x37b: {  	_ =	swait.ge [sflag:s17], $0x1400  }
0x37c: {  	[sflag:s17] =	ssyncset.done $0x0  }
0x37d: {  	s13 =	simm.s32 $0x1400;
	s20 =	rddreg [dreg:$0x1e];
	[sflag:s17] =	ssyncadd.s32 $0xFFFFEC00  }
0x37e: {  	[tilespmem:s13], [sflag:$0xD] =	stream.strided.gather [hbm4b:s20+s15], $0x1400, s12, s15, $0x38;
	[tilespmem:$0x1E900] =	vst v63  }
0x37f: {  	_ =	swait.ge [sflag:s17], $0x1400  }
0x380: {  	[sflag:s17] =	ssyncset.done $0x0  }
0x381: {  	s8 =	simm.s32 $0x2800;
	s4 =	rddreg [dreg:$0x1f];
	[sflag:s17] =	ssyncadd.s32 $0xFFFFEC00  }
0x382: {  	[tilespmem:s8], [sflag:$0xD] =	stream.linear.gather [hbm4b:s4+s26], $0x5000, $0x38;
	[tilespmem:$0x1E900] =	vst v63  }
0x383: {  	_ =	swait.ge [sflag:s17], $0x5000  }
0x384: {  	[sflag:s17] =	ssyncset.done $0x0  }
0x385: {  	[sflag:s17] =	ssyncadd.s32 $0xFFFFB000  }
0x386: {  	v5 =	vld [tilespmem:$0x0];
	_ =	sdelay $0x4  }
0x387: {  	v6 =	vshrl.u32 v5, $0x3  }
0x388: {  	v6 =	vmul.u32 $0x18, v6  }
0x389: {  	v5 =	vand.u32 $0x7, v5  }
0x38a: {  	v5 =	vor.u32 v5, v6  }
0x38b: {  	v6 =	vperm.xlane v5, v2;
	_ =	sdelay $0x1  }
0x38c: {  	v6 =	vadd.s32 v3, v6;
	_ =	sdelay $0x1  }
0x38d: {  	v5 =	vperm.xlane v5, v4;
	_ =	sdelay $0x1  }
0x38e: {  	s12 =	simm.s32 $0xA900;
	v5 =	vadd.s32 v3, v5  }
0x38f: {  	[tilespmem:s12], [sflag:$0x1] =	stream.indirect_vreg.gather [hbm4b:s1+s26], $0x80, v6, vm0, $0xb8;
	[tilespmem:$0x1E900] =	vst v63  }
0x390: {  	s14 =	simm.s32 $0xB100  }
0x391: {  	[tilespmem:s14], [sflag:$0x1] =	stream.indirect_vreg.gather [hbm4b:s2+s26], $0x80, v6, vm1, $0xb8;
	[tilespmem:$0x1E900] =	vst v63  }
0x392: {  	s15 =	simm.s32 $0xB900  }
0x393: {  	[tilespmem:s15], [sflag:$0x1] =	stream.indirect_vreg.gather [hbm4b:s1+s26], $0x80, v5, vm0, $0xb8;
	[tilespmem:$0x1E900] =	vst v63  }
0x394: {  	s17 =	simm.s32 $0xC100  }
0x395: {  	[tilespmem:s17], [sflag:$0x1] =	stream.indirect_vreg.gather [hbm4b:s2+s26], $0x80, v5, vm1, $0xb8;
	[tilespmem:$0x1E900] =	vst v63  }
0x396: {  	v5 =	vld [tilespmem:$0x10];
	_ =	sdelay $0x4  }
0x397: {  	v6 =	vshrl.u32 v5, $0x3  }
0x398: {  	v6 =	vmul.u32 $0x18, v6  }
0x399: {  	v5 =	vand.u32 $0x7, v5  }
0x39a: {  	v5 =	vor.u32 v5, v6  }
0x39b: {  	v6 =	vperm.xlane v5, v2;
	_ =	sdelay $0x1  }
0x39c: {  	v6 =	vadd.s32 v3, v6;
	_ =	sdelay $0x1  }
0x39d: {  	v5 =	vperm.xlane v5, v4;
	_ =	sdelay $0x1  }
0x39e: {  	s20 =	simm.s32 $0xC900;
	v5 =	vadd.s32 v3, v5  }
0x39f: {  	[tilespmem:s20], [sflag:$0x1] =	stream.indirect_vreg.gather [hbm4b:s1+s26], $0x80, v6, vm0, $0xb8;
	[tilespmem:$0x1E900] =	vst v63  }
0x3a0: {  	s4 =	simm.s32 $0xD100  }
0x3a1: {  	[tilespmem:s4], [sflag:$0x1] =	stream.indirect_vreg.gather [hbm4b:s2+s26], $0x80, v6, vm1, $0xb8;
	[tilespmem:$0x1E900] =	vst v63  }
0x3a2: {  	s8 =	simm.s32 $0xD900  }
0x3a3: {  	[tilespmem:s8], [sflag:$0x1] =	stream.indirect_vreg.gather [hbm4b:s1+s26], $0x80, v5, vm0, $0xb8;
	[tilespmem:$0x1E900] =	vst v63  }
0x3a4: {  	s12 =	simm.s32 $0xE100  }
0x3a5: {  	[tilespmem:s12], [sflag:$0x1] =	stream.indirect_vreg.gather [hbm4b:s2+s26], $0x80, v5, vm1, $0xb8;
	[tilespmem:$0x1E900] =	vst v63  }
0x3a6: {  	s14 =	simm.s32 $0x1A900;
	s15 =	simm.s32 $0x20  }
0x3a7: {  	[tilespmem:s14], [sflag:$0x5] =	stream.indirect.gather [hbm4b:s24+s15], $0x80, s13, s15, $0xb8;
	[tilespmem:$0x1E900] =	vst v63  }
0x3a8: {  	v5 =	vld [tilespmem:$0x20];
	_ =	sdelay $0x4  }
0x3a9: {  	v6 =	vshrl.u32 v5, $0x3  }
0x3aa: {  	v6 =	vmul.u32 $0x18, v6  }
0x3ab: {  	v5 =	vand.u32 $0x7, v5  }
0x3ac: {  	v5 =	vor.u32 v5, v6  }
0x3ad: {  	v6 =	vperm.xlane v5, v2;
	_ =	sdelay $0x1  }
0x3ae: {  	v6 =	vadd.s32 v3, v6;
	_ =	sdelay $0x1  }
0x3af: {  	v5 =	vperm.xlane v5, v4;
	_ =	sdelay $0x1  }
0x3b0: {  	v5 =	vadd.s32 v3, v5  }
0x3b1: {  	[tilespmem:s19], [sflag:$0x2] =	stream.indirect_vreg.gather [hbm4b:s1+s26], $0x80, v6, vm0, $0xb8;
	[tilespmem:$0x1E900] =	vst v63  }
0x3b2: {  	_ = 	snop  }
0x3b3: {  	[tilespmem:s22], [sflag:$0x2] =	stream.indirect_vreg.gather [hbm4b:s2+s26], $0x80, v6, vm1, $0xb8;
	[tilespmem:$0x1E900] =	vst v63  }
0x3b4: {  	_ = 	snop  }
0x3b5: {  	[tilespmem:s11], [sflag:$0x2] =	stream.indirect_vreg.gather [hbm4b:s1+s26], $0x80, v5, vm0, $0xb8;
	[tilespmem:$0x1E900] =	vst v63  }
0x3b6: {  	_ = 	snop  }
0x3b7: {  	[tilespmem:s18], [sflag:$0x2] =	stream.indirect_vreg.gather [hbm4b:s2+s26], $0x80, v5, vm1, $0xb8;
	[tilespmem:$0x1E900] =	vst v63  }
0x3b8: {  	v5 =	vld [tilespmem:$0x30];
	_ =	sdelay $0x4  }
0x3b9: {  	v6 =	vshrl.u32 v5, $0x3  }
0x3ba: {  	v6 =	vmul.u32 $0x18, v6  }
0x3bb: {  	v5 =	vand.u32 $0x7, v5  }
0x3bc: {  	v5 =	vor.u32 v5, v6  }
0x3bd: {  	v6 =	vperm.xlane v5, v2;
	_ =	sdelay $0x1  }
0x3be: {  	v6 =	vadd.s32 v3, v6;
	_ =	sdelay $0x1  }
0x3bf: {  	v5 =	vperm.xlane v5, v4;
	_ =	sdelay $0x1  }
0x3c0: {  	v5 =	vadd.s32 v3, v5  }
0x3c1: {  	[tilespmem:s23], [sflag:$0x2] =	stream.indirect_vreg.gather [hbm4b:s1+s26], $0x80, v6, vm0, $0xb8;
	[tilespmem:$0x1E900] =	vst v63  }
0x3c2: {  	_ = 	snop  }
0x3c3: {  	[tilespmem:s10], [sflag:$0x2] =	stream.indirect_vreg.gather [hbm4b:s2+s26], $0x80, v6, vm1, $0xb8;
	[tilespmem:$0x1E900] =	vst v63  }
0x3c4: {  	_ = 	snop  }
0x3c5: {  	[tilespmem:s5], [sflag:$0x2] =	stream.indirect_vreg.gather [hbm4b:s1+s26], $0x80, v5, vm0, $0xb8;
	[tilespmem:$0x1E900] =	vst v63  }
0x3c6: {  	s30 =	simm.s32 $0x0  }
0x3c7: {  	[tilespmem:s6], [sflag:$0x2] =	stream.indirect_vreg.gather [hbm4b:s2+s26], $0x80, v5, vm1, $0xb8;
	[tilespmem:$0x1E900] =	vst v63  }
0x3c8: {  	s17 =	simm.s32 $0x1420;
	s20 =	simm.s32 $0x1B900;
	s8 =	simm.s32 $0x20  }
0x3c9: {  	[tilespmem:s20], [sflag:$0x6] =	stream.indirect.gather [hbm4b:s24+s15], $0x80, s17, s15, $0xb8;
	[tilespmem:$0x1E900] =	vst v63  }
.LBB2_6:
0x3ca: {  	_ =	swait.ge [sflag:s21], $0x3000  }
0x3cb: {  	[sflag:s21] =	ssyncset.done $0x0  }
0x3cc: {  	s12 =	simm.s32 $0x5;
	[sflag:s21] =	ssyncadd.s32 $0xFFFFD000  }
0x3cd: {  	_ =	swait.ge [sflag:s12], $0x1000  }
0x3ce: {  	s0 =	sand.u32 $0x3000, s26;
	s4 =	sand.u32 $0x380, s26;
	[sflag:s12] =	ssyncset.done $0x0  }
0x3cf: {  	s0 =	sor.u32 s4, s0;
	[sflag:s12] =	ssyncadd.s32 $0xFFFFF000  }
0x3d0: {  	s4 =	simm.s32 $0x0;
	v5 =	vld [tilespmem:s0+$0xAD00]  }
0x3d1: {  	v6 =	vld [tilespmem:s4+$0x1A900]  }
0x3d2: {  	v7 =	vld [tilespmem:s0+$0xA900]  }
0x3d3: {  	v8 =	vld [tilespmem:s0+$0xB100];
	_ =	sdelay $0x2  }
0x3d4: {  	v5 =	vmul.f32 v5, v6  }
0x3d5: {  	v7 =	vmul.f32 v7, v6  }
0x3d6: {  	v6 =	vmul.f32 v8, v6;
	[tilespmem:s0+$0xAD00] =	vst v5  }
0x3d7: {  	[tilespmem:s0+$0xA900] =	vst v7  }
0x3d8: {  	[tilespmem:s0+$0xB100] =	vst v6;
	v5 =	vld [tilespmem:s0+$0xA910]  }
0x3d9: {  	v6 =	vld [tilespmem:s4+$0x1A910]  }
0x3da: {  	v7 =	vld [tilespmem:s0+$0xAD10]  }
0x3db: {  	v8 =	vld [tilespmem:s0+$0xB110];
	_ =	sdelay $0x2  }
0x3dc: {  	v5 =	vmul.f32 v5, v6  }
0x3dd: {  	v7 =	vmul.f32 v7, v6  }
0x3de: {  	v6 =	vmul.f32 v8, v6;
	[tilespmem:s0+$0xA910] =	vst v5  }
0x3df: {  	[tilespmem:s0+$0xAD10] =	vst v7  }
0x3e0: {  	[tilespmem:s0+$0xB110] =	vst v6;
	v5 =	vld [tilespmem:s0+$0xA920]  }
0x3e1: {  	v6 =	vld [tilespmem:s4+$0x1A920]  }
0x3e2: {  	v7 =	vld [tilespmem:s0+$0xB120]  }
0x3e3: {  	v8 =	vld [tilespmem:s0+$0xAD20];
	_ =	sdelay $0x2  }
0x3e4: {  	v5 =	vmul.f32 v5, v6  }
0x3e5: {  	v7 =	vmul.f32 v7, v6  }
0x3e6: {  	v6 =	vmul.f32 v8, v6;
	[tilespmem:s0+$0xA920] =	vst v5  }
0x3e7: {  	[tilespmem:s0+$0xB120] =	vst v7  }
0x3e8: {  	[tilespmem:s0+$0xAD20] =	vst v6;
	v6 =	vld [tilespmem:s0+$0xA930]  }
0x3e9: {  	v7 =	vld [tilespmem:s4+$0x1A930]  }
0x3ea: {  	v5 =	vld [tilespmem:s0+$0xAD30]  }
0x3eb: {  	v8 =	vld [tilespmem:s0+$0xB130];
	_ =	sdelay $0x2  }
0x3ec: {  	v6 =	vmul.f32 v6, v7  }
0x3ed: {  	v5 =	vmul.f32 v5, v7  }
0x3ee: {  	v7 =	vmul.f32 v8, v7;
	[tilespmem:s0+$0xA930] =	vst v6  }
0x3ef: {  	[tilespmem:s0+$0xAD30] =	vst v5  }
0x3f0: {  	[tilespmem:s0+$0xB130] =	vst v7;
	v5 =	vld [tilespmem:s0+$0xA940]  }
0x3f1: {  	v6 =	vld [tilespmem:s4+$0x1A940]  }
0x3f2: {  	v7 =	vld [tilespmem:s0+$0xB140]  }
0x3f3: {  	v8 =	vld [tilespmem:s0+$0xAD40];
	_ =	sdelay $0x2  }
0x3f4: {  	v5 =	vmul.f32 v5, v6  }
0x3f5: {  	v7 =	vmul.f32 v7, v6  }
0x3f6: {  	v6 =	vmul.f32 v8, v6;
	[tilespmem:s0+$0xA940] =	vst v5  }
0x3f7: {  	v8 =	vld [tilespmem:s0+$0xB150];
	[tilespmem:s0+$0xB140] =	vst v7  }
0x3f8: {  	[tilespmem:s0+$0xAD40] =	vst v6;
	v6 =	vld [tilespmem:s0+$0xA950]  }
0x3f9: {  	v7 =	vld [tilespmem:s4+$0x1A950]  }
0x3fa: {  	v5 =	vld [tilespmem:s0+$0xAD50];
	_ =	sdelay $0x3  }
0x3fb: {  	v6 =	vmul.f32 v6, v7  }
0x3fc: {  	v8 =	vmul.f32 v8, v7;
	v7 =	vmul.f32 v5, v7  }
0x3fd: {  	v5 =	vld [tilespmem:s0+$0xAD60];
	[tilespmem:s0+$0xA950] =	vst v6  }
0x3fe: {  	[tilespmem:s0+$0xAD50] =	vst v7;
	v7 =	vld [tilespmem:s0+$0xA960]  }
0x3ff: {  	[tilespmem:s0+$0xB150] =	vst v8;
	v8 =	vld [tilespmem:s0+$0xB160]  }
0x400: {  	s13 =	simm.s32 $0x0;
	s12 =	simm.s32 $0x80;
	v6 =	vld [tilespmem:s4+$0x1A960]  }
.LBB2_7:
0x401: {  	p0 =	sne.s32 s12, $0xF80  }
0x402: {  	s13 =	sadd.s32 $0x200, s13;
	s14 =	smov.u32 s12;
	s12 =	sadd.s32 $0x80, s12  }
0x403: {  	_ =	sdelay $0x1  }
0x404: {  	v7 =	vmul.f32 v7, v6;
	v5 =	vmul.f32 v5, v6  }
0x405: {  	v6 =	vmul.f32 v8, v6  }
0x406: {  	[tilespmem:s0+$0xA960] =	vst v7  }
0x407: {  	[tilespmem:s0+$0xB160] =	vst v6;
	v6 =	vld [tilespmem:s0+$0xA970]  }
0x408: {  	[tilespmem:s0+$0xAD60] =	vst v5;
	v5 =	vld [tilespmem:s0+$0xAD70]  }
0x409: {  	v7 =	vld [tilespmem:s4+$0x1A970]  }
0x40a: {  	v8 =	vld [tilespmem:s0+$0xB170];
	_ =	sdelay $0x3  }
0x40b: {  	v6 =	vmul.f32 v6, v7;
	v5 =	vmul.f32 v5, v7  }
0x40c: {  	v7 =	vmul.f32 v8, v7  }
0x40d: {  	s14 =	sand.u32 $0x380, s14;
	s4 =	sand.u32 $0x3000, s13;
	[tilespmem:s0+$0xA970] =	vst v6  }
0x40e: {  	s14 =	sor.u32 s14, s4;
	[tilespmem:s0+$0xB170] =	vst v7  }
0x40f: {  	s4 =	sshra.s32 s13, $0x2;
	v6 =	vld [tilespmem:s14+$0xAD00];
	[tilespmem:s0+$0xAD70] =	vst v5;
	s0 =	smov.u32 s14  }
0x410: {  	v5 =	vld [tilespmem:s4+$0x1A900]  }
0x411: {  	v7 =	vld [tilespmem:s0+$0xB100]  }
0x412: {  	v8 =	vld [tilespmem:s0+$0xA900];
	_ =	sdelay $0x2  }
0x413: {  	v6 =	vmul.f32 v6, v5  }
0x414: {  	v7 =	vmul.f32 v7, v5  }
0x415: {  	v5 =	vmul.f32 v8, v5;
	[tilespmem:s0+$0xAD00] =	vst v6  }
0x416: {  	[tilespmem:s0+$0xB100] =	vst v7;
	v6 =	vld [tilespmem:s0+$0xAD10]  }
0x417: {  	[tilespmem:s0+$0xA900] =	vst v5;
	v5 =	vld [tilespmem:s0+$0xA910]  }
0x418: {  	v7 =	vld [tilespmem:s4+$0x1A910]  }
0x419: {  	v8 =	vld [tilespmem:s0+$0xB110];
	_ =	sdelay $0x3  }
0x41a: {  	v5 =	vmul.f32 v5, v7;
	v6 =	vmul.f32 v6, v7  }
0x41b: {  	v7 =	vmul.f32 v8, v7  }
0x41c: {  	[tilespmem:s0+$0xA910] =	vst v5  }
0x41d: {  	[tilespmem:s0+$0xAD10] =	vst v6;
	v5 =	vld [tilespmem:s0+$0xAD20]  }
0x41e: {  	[tilespmem:s0+$0xB110] =	vst v7;
	v6 =	vld [tilespmem:s0+$0xA920]  }
0x41f: {  	v7 =	vld [tilespmem:s4+$0x1A920]  }
0x420: {  	v8 =	vld [tilespmem:s0+$0xB120];
	_ =	sdelay $0x3  }
0x421: {  	v6 =	vmul.f32 v6, v7;
	v5 =	vmul.f32 v5, v7  }
0x422: {  	v7 =	vmul.f32 v8, v7  }
0x423: {  	[tilespmem:s0+$0xA920] =	vst v6  }
0x424: {  	[tilespmem:s0+$0xB120] =	vst v7;
	v6 =	vld [tilespmem:s0+$0xAD30]  }
0x425: {  	[tilespmem:s0+$0xAD20] =	vst v5;
	v5 =	vld [tilespmem:s0+$0xA930]  }
0x426: {  	v7 =	vld [tilespmem:s4+$0x1A930]  }
0x427: {  	v8 =	vld [tilespmem:s0+$0xB130];
	_ =	sdelay $0x3  }
0x428: {  	v5 =	vmul.f32 v5, v7;
	v6 =	vmul.f32 v6, v7  }
0x429: {  	v7 =	vmul.f32 v8, v7  }
0x42a: {  	[tilespmem:s0+$0xA930] =	vst v5  }
0x42b: {  	[tilespmem:s0+$0xAD30] =	vst v6;
	v5 =	vld [tilespmem:s0+$0xAD40]  }
0x42c: {  	[tilespmem:s0+$0xB130] =	vst v7;
	v6 =	vld [tilespmem:s0+$0xA940]  }
0x42d: {  	v7 =	vld [tilespmem:s4+$0x1A940]  }
0x42e: {  	v8 =	vld [tilespmem:s0+$0xB140];
	_ =	sdelay $0x3  }
0x42f: {  	v6 =	vmul.f32 v6, v7;
	v5 =	vmul.f32 v5, v7  }
0x430: {  	v7 =	vmul.f32 v8, v7  }
0x431: {  	[tilespmem:s0+$0xA940] =	vst v6  }
0x432: {  	[tilespmem:s0+$0xB140] =	vst v7;
	v6 =	vld [tilespmem:s0+$0xAD50]  }
0x433: {  	[tilespmem:s0+$0xAD40] =	vst v5;
	v5 =	vld [tilespmem:s0+$0xA950]  }
0x434: {  	v7 =	vld [tilespmem:s4+$0x1A950]  }
0x435: {  	v8 =	vld [tilespmem:s0+$0xB150];
	_ =	sdelay $0x3  }
0x436: {  	v5 =	vmul.f32 v5, v7;
	v6 =	vmul.f32 v6, v7  }
0x437: {  	v7 =	vmul.f32 v8, v7  }
.Ltmp4:
0x438: {  	[tilespmem:s0+$0xA950] =	vst v5;
	(pc) =	sbr.rel @p0 .LBB2_7-.Ltmp4, $4  }
0x439: {  	[tilespmem:s0+$0xB150] =	vst v7;
	v5 =	vld [tilespmem:s0+$0xAD60]  }
0x43a: {  	[tilespmem:s0+$0xAD50] =	vst v6;
	v7 =	vld [tilespmem:s0+$0xA960]  }
0x43b: {  	v6 =	vld [tilespmem:s4+$0x1A960]  }
0x43c: {  	v8 =	vld [tilespmem:s0+$0xB160]  }
0x43d: {  	_ =	sdelay $0x2  }
0x43e: {  	v7 =	vmul.f32 v7, v6  }
0x43f: {  	v5 =	vmul.f32 v5, v6  }
0x440: {  	v8 =	vmul.f32 v8, v6;
	[tilespmem:s0+$0xA960] =	vst v7  }
0x441: {  	[tilespmem:s0+$0xAD60] =	vst v5  }
0x442: {  	v6 =	vld [tilespmem:s0+$0xA970];
	[tilespmem:s0+$0xB160] =	vst v8  }
0x443: {  	v5 =	vld [tilespmem:s4+$0x1A970]  }
0x444: {  	v7 =	vld [tilespmem:s0+$0xB170]  }
0x445: {  	v8 =	vld [tilespmem:s0+$0xAD70];
	_ =	sdelay $0x2  }
0x446: {  	v6 =	vmul.f32 v6, v5  }
0x447: {  	v7 =	vmul.f32 v7, v5  }
0x448: {  	v5 =	vmul.f32 v8, v5;
	[tilespmem:s0+$0xA970] =	vst v6  }
0x449: {  	s12 =	sshll.u32 s30, $0x9;
	[tilespmem:s0+$0xB170] =	vst v7  }
0x44a: {  	s20 =	sand.u32 $0x3FFFFE00, s12;
	[tilespmem:s0+$0xAD70] =	vst v5  }
0x44b: {  	v5 =	vld [tilespmem:s20+$0x2800];
	_ =	sdelay $0x4  }
0x44c: {  	v6 =	vshll.u32 v5, $0x2  }
0x44d: {  	v5 =	vand.u32 $0x7, v5;
	v6 =	vand.u32 $0xFFFFFFE0, v6  }
0x44e: {  	v5 =	vor.u32 v5, v6  }
0x44f: {  	v6 =	vperm.xlane v5, v2;
	_ =	sdelay $0x1  }
0x450: {  	v6 =	vadd.s32 v3, v6;
	_ =	sdelay $0x1  }
0x451: {  	v5 =	vperm.xlane v5, v4;
	_ =	sdelay $0x1  }
0x452: {  	s13 =	simm.s32 $0xA900;
	v5 =	vadd.s32 v3, v5  }
0x453: {  	[hbm4b:s29+s16] =	stream.indirect_vreg.scatter [tilespmem:s13], [sflag:$0x9], $0x80, v6, vm0, $0xb8;
	[tilespmem:$0x1E900] =	vst v63  }
0x454: {  	s14 =	simm.s32 $0xB100  }
0x455: {  	[hbm4b:s3+s16] =	stream.indirect_vreg.scatter [tilespmem:s14], [sflag:$0x9], $0x80, v6, vm0, $0xb8;
	[tilespmem:$0x1E900] =	vst v63  }
0x456: {  	s15 =	simm.s32 $0xB900  }
0x457: {  	[hbm4b:s29+s16] =	stream.indirect_vreg.scatter [tilespmem:s15], [sflag:$0x9], $0x80, v5, vm0, $0xb8;
	[tilespmem:$0x1E900] =	vst v63  }
0x458: {  	s17 =	simm.s32 $0xC100  }
0x459: {  	[hbm4b:s3+s16] =	stream.indirect_vreg.scatter [tilespmem:s17], [sflag:$0x9], $0x80, v5, vm0, $0xb8;
	[tilespmem:$0x1E900] =	vst v63  }
0x45a: {  	v5 =	vld [tilespmem:s20+$0x2810];
	_ =	sdelay $0x4  }
0x45b: {  	v6 =	vshll.u32 v5, $0x2  }
0x45c: {  	v5 =	vand.u32 $0x7, v5;
	v6 =	vand.u32 $0xFFFFFFE0, v6  }
0x45d: {  	v5 =	vor.u32 v5, v6  }
0x45e: {  	v6 =	vperm.xlane v5, v2;
	_ =	sdelay $0x1  }
0x45f: {  	v6 =	vadd.s32 v3, v6;
	_ =	sdelay $0x1  }
0x460: {  	v5 =	vperm.xlane v5, v4;
	_ =	sdelay $0x1  }
0x461: {  	s4 =	simm.s32 $0xC900;
	v5 =	vadd.s32 v3, v5  }
0x462: {  	[hbm4b:s29+s16] =	stream.indirect_vreg.scatter [tilespmem:s4], [sflag:$0x9], $0x80, v6, vm0, $0xb8;
	[tilespmem:$0x1E900] =	vst v63  }
0x463: {  	s12 =	simm.s32 $0xD100  }
0x464: {  	[hbm4b:s3+s16] =	stream.indirect_vreg.scatter [tilespmem:s12], [sflag:$0x9], $0x80, v6, vm0, $0xb8;
	[tilespmem:$0x1E900] =	vst v63  }
0x465: {  	p0 =	seq.s32 s30, $0x0;
	s13 =	simm.s32 $0xD900  }
0x466: {  	[hbm4b:s29+s16] =	stream.indirect_vreg.scatter [tilespmem:s13], [sflag:$0x9], $0x80, v5, vm0, $0xb8;
	[tilespmem:$0x1E900] =	vst v63  }
0x467: {  	s14 =	simm.s32 $0xE100;
	s12 =	simm.s32 @!p0 $0xB  }
0x468: {  	[hbm4b:s3+s16] =	stream.indirect_vreg.scatter [tilespmem:s14], [sflag:$0x9], $0x80, v5, vm0, $0xb8;
	[tilespmem:$0x1E900] =	vst v63  }
0x469: {  	s4 =	sshll.u32 s30, $0x2;
	_ =	swait.ge @!p0 [sflag:s12], $0x4000  }
0x46a: {  	s0 =	sor.u32 $0x2, s4;
	[sflag:s12] =	ssyncset.done @!p0 $0x0  }
0x46b: {  	s13 =	sshll.u32 s0, $0x5;
	[sflag:s12] =	ssyncadd.s32 @!p0 $0xFFFFC000  }
0x46c: {  	v5 =	vld [tilespmem:s13+$0x0];
	_ =	sdelay $0x4  }
0x46d: {  	v6 =	vshrl.u32 v5, $0x3  }
0x46e: {  	v6 =	vmul.u32 $0x18, v6  }
0x46f: {  	v5 =	vand.u32 $0x7, v5  }
0x470: {  	v5 =	vor.u32 v5, v6  }
0x471: {  	v6 =	vperm.xlane v5, v2;
	_ =	sdelay $0x1  }
0x472: {  	v6 =	vadd.s32 v3, v6;
	_ =	sdelay $0x1  }
0x473: {  	v5 =	vperm.xlane v5, v4;
	_ =	sdelay $0x1  }
0x474: {  	s14 =	simm.s32 $0x12900;
	s12 =	simm.s32 $0x0;
	v5 =	vadd.s32 v3, v5  }
0x475: {  	[tilespmem:s14], [sflag:$0x3] =	stream.indirect_vreg.gather [hbm4b:s1+s12], $0x80, v6, vm0, $0xb8;
	[tilespmem:$0x1E900] =	vst v63  }
0x476: {  	s15 =	simm.s32 $0x13100  }
0x477: {  	[tilespmem:s15], [sflag:$0x3] =	stream.indirect_vreg.gather [hbm4b:s2+s12], $0x80, v6, vm1, $0xb8;
	[tilespmem:$0x1E900] =	vst v63  }
0x478: {  	s17 =	simm.s32 $0x13900  }
0x479: {  	[tilespmem:s17], [sflag:$0x3] =	stream.indirect_vreg.gather [hbm4b:s1+s12], $0x80, v5, vm0, $0xb8;
	[tilespmem:$0x1E900] =	vst v63  }
0x47a: {  	s15 =	simm.s32 $0x14100  }
0x47b: {  	[tilespmem:s15], [sflag:$0x3] =	stream.indirect_vreg.gather [hbm4b:s2+s12], $0x80, v5, vm1, $0xb8;
	[tilespmem:$0x1E900] =	vst v63  }
0x47c: {  	v5 =	vld [tilespmem:s13+$0x10];
	_ =	sdelay $0x4  }
0x47d: {  	v6 =	vshrl.u32 v5, $0x3  }
0x47e: {  	v6 =	vmul.u32 $0x18, v6  }
0x47f: {  	v5 =	vand.u32 $0x7, v5  }
0x480: {  	v5 =	vor.u32 v5, v6  }
0x481: {  	v6 =	vperm.xlane v5, v2;
	_ =	sdelay $0x1  }
0x482: {  	v6 =	vadd.s32 v3, v6;
	_ =	sdelay $0x1  }
0x483: {  	v5 =	vperm.xlane v5, v4;
	_ =	sdelay $0x1  }
0x484: {  	s17 =	simm.s32 $0x14900;
	v5 =	vadd.s32 v3, v5  }
0x485: {  	[tilespmem:s17], [sflag:$0x3] =	stream.indirect_vreg.gather [hbm4b:s1+s12], $0x80, v6, vm0, $0xb8;
	[tilespmem:$0x1E900] =	vst v63  }
0x486: {  	s15 =	simm.s32 $0x15100  }
0x487: {  	[tilespmem:s15], [sflag:$0x3] =	stream.indirect_vreg.gather [hbm4b:s2+s12], $0x80, v6, vm1, $0xb8;
	[tilespmem:$0x1E900] =	vst v63  }
0x488: {  	s17 =	simm.s32 $0x15900  }
0x489: {  	[tilespmem:s17], [sflag:$0x3] =	stream.indirect_vreg.gather [hbm4b:s1+s12], $0x80, v5, vm0, $0xb8;
	[tilespmem:$0x1E900] =	vst v63  }
0x48a: {  	s15 =	simm.s32 $0x16100  }
0x48b: {  	[tilespmem:s15], [sflag:$0x3] =	stream.indirect_vreg.gather [hbm4b:s2+s12], $0x80, v5, vm1, $0xb8;
	[tilespmem:$0x1E900] =	vst v63  }
0x48c: {  	s13 =	sadd.s32 $0x1400, s13;
	s17 =	simm.s32 $0x1C900  }
0x48d: {  	[tilespmem:s17], [sflag:$0x7] =	stream.indirect.gather [hbm4b:s24+s8], $0x80, s13, s8, $0xb8;
	[tilespmem:$0x1E900] =	vst v63  }
0x48e: {  	_ =	swait.ge [sflag:s7], $0x3000  }
0x48f: {  	[sflag:s7] =	ssyncset.done $0x0  }
0x490: {  	s15 =	simm.s32 $0x6;
	[sflag:s7] =	ssyncadd.s32 $0xFFFFD000  }
0x491: {  	_ =	swait.ge [sflag:s15], $0x1000  }
0x492: {  	s14 =	sand.u32 $0x3000, s12;
	s17 =	sand.u32 $0x380, s12;
	[sflag:s15] =	ssyncset.done $0x0  }
0x493: {  	s13 =	sor.u32 s17, s14;
	[sflag:s15] =	ssyncadd.s32 $0xFFFFF000  }
0x494: {  	s14 =	simm.s32 $0x0;
	v5 =	vld [tilespmem:s13+$0xED00]  }
0x495: {  	v6 =	vld [tilespmem:s14+$0x1B900]  }
0x496: {  	v7 =	vld [tilespmem:s13+$0xE900]  }
0x497: {  	v8 =	vld [tilespmem:s13+$0xF100];
	_ =	sdelay $0x2  }
0x498: {  	v5 =	vmul.f32 v5, v6  }
0x499: {  	v7 =	vmul.f32 v7, v6  }
0x49a: {  	v6 =	vmul.f32 v8, v6;
	[tilespmem:s13+$0xED00] =	vst v5  }
0x49b: {  	[tilespmem:s13+$0xE900] =	vst v7  }
0x49c: {  	[tilespmem:s13+$0xF100] =	vst v6;
	v5 =	vld [tilespmem:s13+$0xE910]  }
0x49d: {  	v6 =	vld [tilespmem:s14+$0x1B910]  }
0x49e: {  	v7 =	vld [tilespmem:s13+$0xED10]  }
0x49f: {  	v8 =	vld [tilespmem:s13+$0xF110];
	_ =	sdelay $0x2  }
0x4a0: {  	v5 =	vmul.f32 v5, v6  }
0x4a1: {  	v7 =	vmul.f32 v7, v6  }
0x4a2: {  	v6 =	vmul.f32 v8, v6;
	[tilespmem:s13+$0xE910] =	vst v5  }
0x4a3: {  	[tilespmem:s13+$0xED10] =	vst v7  }
0x4a4: {  	[tilespmem:s13+$0xF110] =	vst v6;
	v5 =	vld [tilespmem:s13+$0xE920]  }
0x4a5: {  	v6 =	vld [tilespmem:s14+$0x1B920]  }
0x4a6: {  	v7 =	vld [tilespmem:s13+$0xF120]  }
0x4a7: {  	v8 =	vld [tilespmem:s13+$0xED20];
	_ =	sdelay $0x2  }
0x4a8: {  	v5 =	vmul.f32 v5, v6  }
0x4a9: {  	v7 =	vmul.f32 v7, v6  }
0x4aa: {  	v6 =	vmul.f32 v8, v6;
	[tilespmem:s13+$0xE920] =	vst v5  }
0x4ab: {  	[tilespmem:s13+$0xF120] =	vst v7  }
0x4ac: {  	[tilespmem:s13+$0xED20] =	vst v6;
	v6 =	vld [tilespmem:s13+$0xE930]  }
0x4ad: {  	v7 =	vld [tilespmem:s14+$0x1B930]  }
0x4ae: {  	v5 =	vld [tilespmem:s13+$0xED30]  }
0x4af: {  	v8 =	vld [tilespmem:s13+$0xF130];
	_ =	sdelay $0x2  }
0x4b0: {  	v6 =	vmul.f32 v6, v7  }
0x4b1: {  	v5 =	vmul.f32 v5, v7  }
0x4b2: {  	v7 =	vmul.f32 v8, v7;
	[tilespmem:s13+$0xE930] =	vst v6  }
0x4b3: {  	[tilespmem:s13+$0xED30] =	vst v5  }
0x4b4: {  	[tilespmem:s13+$0xF130] =	vst v7;
	v5 =	vld [tilespmem:s13+$0xE940]  }
0x4b5: {  	v6 =	vld [tilespmem:s14+$0x1B940]  }
0x4b6: {  	v7 =	vld [tilespmem:s13+$0xF140]  }
0x4b7: {  	v8 =	vld [tilespmem:s13+$0xED40];
	_ =	sdelay $0x2  }
0x4b8: {  	v5 =	vmul.f32 v5, v6  }
0x4b9: {  	v7 =	vmul.f32 v7, v6  }
0x4ba: {  	v6 =	vmul.f32 v8, v6;
	[tilespmem:s13+$0xE940] =	vst v5  }
0x4bb: {  	v8 =	vld [tilespmem:s13+$0xF150];
	[tilespmem:s13+$0xF140] =	vst v7  }
0x4bc: {  	[tilespmem:s13+$0xED40] =	vst v6;
	v6 =	vld [tilespmem:s13+$0xE950]  }
0x4bd: {  	v7 =	vld [tilespmem:s14+$0x1B950]  }
0x4be: {  	v5 =	vld [tilespmem:s13+$0xED50];
	_ =	sdelay $0x3  }
0x4bf: {  	v6 =	vmul.f32 v6, v7  }
0x4c0: {  	v8 =	vmul.f32 v8, v7;
	v7 =	vmul.f32 v5, v7  }
0x4c1: {  	v5 =	vld [tilespmem:s13+$0xED60];
	[tilespmem:s13+$0xE950] =	vst v6  }
0x4c2: {  	[tilespmem:s13+$0xED50] =	vst v7;
	v7 =	vld [tilespmem:s13+$0xE960]  }
0x4c3: {  	[tilespmem:s13+$0xF150] =	vst v8;
	v8 =	vld [tilespmem:s13+$0xF160]  }
0x4c4: {  	s15 =	simm.s32 $0x80;
	v6 =	vld [tilespmem:s14+$0x1B960]  }
.LBB2_9:
0x4c5: {  	p1 =	sne.s32 s15, $0xF80  }
0x4c6: {  	s12 =	sadd.s32 $0x200, s12;
	s17 =	smov.u32 s15;
	s15 =	sadd.s32 $0x80, s15  }
0x4c7: {  	_ =	sdelay $0x1  }
0x4c8: {  	v7 =	vmul.f32 v7, v6;
	v5 =	vmul.f32 v5, v6  }
0x4c9: {  	v6 =	vmul.f32 v8, v6  }
0x4ca: {  	[tilespmem:s13+$0xE960] =	vst v7  }
0x4cb: {  	[tilespmem:s13+$0xF160] =	vst v6;
	v6 =	vld [tilespmem:s13+$0xE970]  }
0x4cc: {  	[tilespmem:s13+$0xED60] =	vst v5;
	v5 =	vld [tilespmem:s13+$0xED70]  }
0x4cd: {  	v7 =	vld [tilespmem:s14+$0x1B970]  }
0x4ce: {  	v8 =	vld [tilespmem:s13+$0xF170];
	_ =	sdelay $0x3  }
0x4cf: {  	v6 =	vmul.f32 v6, v7;
	v5 =	vmul.f32 v5, v7  }
0x4d0: {  	v7 =	vmul.f32 v8, v7  }
0x4d1: {  	s17 =	sand.u32 $0x380, s17;
	s14 =	sand.u32 $0x3000, s12;
	[tilespmem:s13+$0xE970] =	vst v6  }
0x4d2: {  	s17 =	sor.u32 s17, s14;
	[tilespmem:s13+$0xF170] =	vst v7  }
0x4d3: {  	s14 =	sshra.s32 s12, $0x2;
	v6 =	vld [tilespmem:s17+$0xED00];
	[tilespmem:s13+$0xED70] =	vst v5;
	s13 =	smov.u32 s17  }
0x4d4: {  	v5 =	vld [tilespmem:s14+$0x1B900]  }
0x4d5: {  	v7 =	vld [tilespmem:s13+$0xF100]  }
0x4d6: {  	v8 =	vld [tilespmem:s13+$0xE900];
	_ =	sdelay $0x2  }
0x4d7: {  	v6 =	vmul.f32 v6, v5  }
0x4d8: {  	v7 =	vmul.f32 v7, v5  }
0x4d9: {  	v5 =	vmul.f32 v8, v5;
	[tilespmem:s13+$0xED00] =	vst v6  }
0x4da: {  	[tilespmem:s13+$0xF100] =	vst v7;
	v6 =	vld [tilespmem:s13+$0xED10]  }
0x4db: {  	[tilespmem:s13+$0xE900] =	vst v5;
	v5 =	vld [tilespmem:s13+$0xE910]  }
0x4dc: {  	v7 =	vld [tilespmem:s14+$0x1B910]  }
0x4dd: {  	v8 =	vld [tilespmem:s13+$0xF110];
	_ =	sdelay $0x3  }
0x4de: {  	v5 =	vmul.f32 v5, v7;
	v6 =	vmul.f32 v6, v7  }
0x4df: {  	v7 =	vmul.f32 v8, v7  }
0x4e0: {  	[tilespmem:s13+$0xE910] =	vst v5  }
0x4e1: {  	[tilespmem:s13+$0xED10] =	vst v6;
	v5 =	vld [tilespmem:s13+$0xED20]  }
0x4e2: {  	[tilespmem:s13+$0xF110] =	vst v7;
	v6 =	vld [tilespmem:s13+$0xE920]  }
0x4e3: {  	v7 =	vld [tilespmem:s14+$0x1B920]  }
0x4e4: {  	v8 =	vld [tilespmem:s13+$0xF120];
	_ =	sdelay $0x3  }
0x4e5: {  	v6 =	vmul.f32 v6, v7;
	v5 =	vmul.f32 v5, v7  }
0x4e6: {  	v7 =	vmul.f32 v8, v7  }
0x4e7: {  	[tilespmem:s13+$0xE920] =	vst v6  }
0x4e8: {  	[tilespmem:s13+$0xF120] =	vst v7;
	v6 =	vld [tilespmem:s13+$0xED30]  }
0x4e9: {  	[tilespmem:s13+$0xED20] =	vst v5;
	v5 =	vld [tilespmem:s13+$0xE930]  }
0x4ea: {  	v7 =	vld [tilespmem:s14+$0x1B930]  }
0x4eb: {  	v8 =	vld [tilespmem:s13+$0xF130];
	_ =	sdelay $0x3  }
0x4ec: {  	v5 =	vmul.f32 v5, v7;
	v6 =	vmul.f32 v6, v7  }
0x4ed: {  	v7 =	vmul.f32 v8, v7  }
0x4ee: {  	[tilespmem:s13+$0xE930] =	vst v5  }
0x4ef: {  	[tilespmem:s13+$0xED30] =	vst v6;
	v5 =	vld [tilespmem:s13+$0xED40]  }
0x4f0: {  	[tilespmem:s13+$0xF130] =	vst v7;
	v6 =	vld [tilespmem:s13+$0xE940]  }
0x4f1: {  	v7 =	vld [tilespmem:s14+$0x1B940]  }
0x4f2: {  	v8 =	vld [tilespmem:s13+$0xF140];
	_ =	sdelay $0x3  }
0x4f3: {  	v6 =	vmul.f32 v6, v7;
	v5 =	vmul.f32 v5, v7  }
0x4f4: {  	v7 =	vmul.f32 v8, v7  }
0x4f5: {  	[tilespmem:s13+$0xE940] =	vst v6  }
0x4f6: {  	[tilespmem:s13+$0xF140] =	vst v7;
	v6 =	vld [tilespmem:s13+$0xED50]  }
0x4f7: {  	[tilespmem:s13+$0xED40] =	vst v5;
	v5 =	vld [tilespmem:s13+$0xE950]  }
0x4f8: {  	v7 =	vld [tilespmem:s14+$0x1B950]  }
0x4f9: {  	v8 =	vld [tilespmem:s13+$0xF150];
	_ =	sdelay $0x3  }
0x4fa: {  	v5 =	vmul.f32 v5, v7;
	v6 =	vmul.f32 v6, v7  }
0x4fb: {  	v7 =	vmul.f32 v8, v7  }
.Ltmp5:
0x4fc: {  	[tilespmem:s13+$0xE950] =	vst v5;
	(pc) =	sbr.rel @p1 .LBB2_9-.Ltmp5, $4  }
0x4fd: {  	[tilespmem:s13+$0xF150] =	vst v7;
	v5 =	vld [tilespmem:s13+$0xED60]  }
0x4fe: {  	[tilespmem:s13+$0xED50] =	vst v6;
	v7 =	vld [tilespmem:s13+$0xE960]  }
0x4ff: {  	v6 =	vld [tilespmem:s14+$0x1B960]  }
0x500: {  	v8 =	vld [tilespmem:s13+$0xF160]  }
0x501: {  	_ =	sdelay $0x2  }
0x502: {  	v7 =	vmul.f32 v7, v6  }
0x503: {  	v5 =	vmul.f32 v5, v6  }
0x504: {  	v8 =	vmul.f32 v8, v6;
	[tilespmem:s13+$0xE960] =	vst v7  }
0x505: {  	[tilespmem:s13+$0xED60] =	vst v5  }
0x506: {  	v6 =	vld [tilespmem:s13+$0xE970];
	[tilespmem:s13+$0xF160] =	vst v8  }
0x507: {  	v5 =	vld [tilespmem:s14+$0x1B970]  }
0x508: {  	v7 =	vld [tilespmem:s13+$0xF170]  }
0x509: {  	v8 =	vld [tilespmem:s13+$0xED70];
	_ =	sdelay $0x2  }
0x50a: {  	v6 =	vmul.f32 v6, v5  }
0x50b: {  	v7 =	vmul.f32 v7, v5  }
0x50c: {  	v5 =	vmul.f32 v8, v5;
	[tilespmem:s13+$0xE970] =	vst v6  }
0x50d: {  	[tilespmem:s13+$0xF170] =	vst v7  }
0x50e: {  	[tilespmem:s13+$0xED70] =	vst v5  }
0x50f: {  	v5 =	vld [tilespmem:s20+$0x2880];
	_ =	sdelay $0x4  }
0x510: {  	v6 =	vshll.u32 v5, $0x2  }
0x511: {  	v5 =	vand.u32 $0x7, v5;
	v6 =	vand.u32 $0xFFFFFFE0, v6  }
0x512: {  	v5 =	vor.u32 v5, v6  }
0x513: {  	v6 =	vperm.xlane v5, v2;
	_ =	sdelay $0x1  }
0x514: {  	v6 =	vadd.s32 v3, v6;
	_ =	sdelay $0x1  }
0x515: {  	v5 =	vperm.xlane v5, v4;
	_ =	sdelay $0x1  }
0x516: {  	v5 =	vadd.s32 v3, v5  }
0x517: {  	[hbm4b:s29+s16] =	stream.indirect_vreg.scatter [tilespmem:s19], [sflag:$0xA], $0x80, v6, vm0, $0xb8;
	[tilespmem:$0x1E900] =	vst v63  }
0x518: {  	_ = 	snop  }
0x519: {  	[hbm4b:s3+s16] =	stream.indirect_vreg.scatter [tilespmem:s22], [sflag:$0xA], $0x80, v6, vm0, $0xb8;
	[tilespmem:$0x1E900] =	vst v63  }
0x51a: {  	_ = 	snop  }
0x51b: {  	[hbm4b:s29+s16] =	stream.indirect_vreg.scatter [tilespmem:s11], [sflag:$0xA], $0x80, v5, vm0, $0xb8;
	[tilespmem:$0x1E900] =	vst v63  }
0x51c: {  	_ = 	snop  }
0x51d: {  	[hbm4b:s3+s16] =	stream.indirect_vreg.scatter [tilespmem:s18], [sflag:$0xA], $0x80, v5, vm0, $0xb8;
	[tilespmem:$0x1E900] =	vst v63  }
0x51e: {  	v5 =	vld [tilespmem:s20+$0x2890];
	_ =	sdelay $0x4  }
0x51f: {  	v6 =	vshll.u32 v5, $0x2  }
0x520: {  	v5 =	vand.u32 $0x7, v5;
	v6 =	vand.u32 $0xFFFFFFE0, v6  }
0x521: {  	v5 =	vor.u32 v5, v6  }
0x522: {  	v6 =	vperm.xlane v5, v2;
	_ =	sdelay $0x1  }
0x523: {  	v6 =	vadd.s32 v3, v6;
	_ =	sdelay $0x1  }
0x524: {  	v5 =	vperm.xlane v5, v4;
	_ =	sdelay $0x1  }
0x525: {  	v5 =	vadd.s32 v3, v5  }
0x526: {  	[hbm4b:s29+s16] =	stream.indirect_vreg.scatter [tilespmem:s23], [sflag:$0xA], $0x80, v6, vm0, $0xb8;
	[tilespmem:$0x1E900] =	vst v63  }
0x527: {  	_ = 	snop  }
0x528: {  	[hbm4b:s3+s16] =	stream.indirect_vreg.scatter [tilespmem:s10], [sflag:$0xA], $0x80, v6, vm0, $0xb8;
	[tilespmem:$0x1E900] =	vst v63  }
0x529: {  	_ = 	snop  }
0x52a: {  	[hbm4b:s29+s16] =	stream.indirect_vreg.scatter [tilespmem:s5], [sflag:$0xA], $0x80, v5, vm0, $0xb8;
	[tilespmem:$0x1E900] =	vst v63  }
0x52b: {  	s12 =	simm.s32 @!p0 $0xC  }
0x52c: {  	[hbm4b:s3+s16] =	stream.indirect_vreg.scatter [tilespmem:s6], [sflag:$0xA], $0x80, v5, vm0, $0xb8;
	[tilespmem:$0x1E900] =	vst v63  }
0x52d: {  	_ =	swait.ge @!p0 [sflag:s12], $0x4000  }
0x52e: {  	s20 =	sor.u32 $0x3, s4;
	[sflag:s12] =	ssyncset.done @!p0 $0x0  }
0x52f: {  	[sflag:s12] =	ssyncadd.s32 @!p0 $0xFFFFC000;
	s12 =	sshll.u32 s20, $0x5  }
0x530: {  	v5 =	vld [tilespmem:s12+$0x0];
	_ =	sdelay $0x4  }
0x531: {  	v6 =	vshrl.u32 v5, $0x3  }
0x532: {  	v6 =	vmul.u32 $0x18, v6  }
0x533: {  	v5 =	vand.u32 $0x7, v5  }
0x534: {  	v5 =	vor.u32 v5, v6  }
0x535: {  	v6 =	vperm.xlane v5, v2;
	_ =	sdelay $0x1  }
0x536: {  	v6 =	vadd.s32 v3, v6;
	_ =	sdelay $0x1  }
0x537: {  	v5 =	vperm.xlane v5, v4;
	_ =	sdelay $0x1  }
0x538: {  	s17 =	simm.s32 $0x16900;
	s4 =	simm.s32 $0x0;
	v5 =	vadd.s32 v3, v5  }
0x539: {  	[tilespmem:s17], [sflag:$0x4] =	stream.indirect_vreg.gather [hbm4b:s1+s4], $0x80, v6, vm0, $0xb8;
	[tilespmem:$0x1E900] =	vst v63  }
0x53a: {  	s14 =	simm.s32 $0x17100  }
0x53b: {  	[tilespmem:s14], [sflag:$0x4] =	stream.indirect_vreg.gather [hbm4b:s2+s4], $0x80, v6, vm1, $0xb8;
	[tilespmem:$0x1E900] =	vst v63  }
0x53c: {  	s15 =	simm.s32 $0x17900  }
0x53d: {  	[tilespmem:s15], [sflag:$0x4] =	stream.indirect_vreg.gather [hbm4b:s1+s4], $0x80, v5, vm0, $0xb8;
	[tilespmem:$0x1E900] =	vst v63  }
0x53e: {  	s17 =	simm.s32 $0x18100  }
0x53f: {  	[tilespmem:s17], [sflag:$0x4] =	stream.indirect_vreg.gather [hbm4b:s2+s4], $0x80, v5, vm1, $0xb8;
	[tilespmem:$0x1E900] =	vst v63  }
0x540: {  	v5 =	vld [tilespmem:s12+$0x10];
	_ =	sdelay $0x4  }
0x541: {  	v6 =	vshrl.u32 v5, $0x3  }
0x542: {  	v6 =	vmul.u32 $0x18, v6  }
0x543: {  	v5 =	vand.u32 $0x7, v5  }
0x544: {  	v5 =	vor.u32 v5, v6  }
0x545: {  	v6 =	vperm.xlane v5, v2;
	_ =	sdelay $0x1  }
0x546: {  	v6 =	vadd.s32 v3, v6;
	_ =	sdelay $0x1  }
0x547: {  	v5 =	vperm.xlane v5, v4;
	_ =	sdelay $0x1  }
0x548: {  	s14 =	simm.s32 $0x18900;
	v5 =	vadd.s32 v3, v5  }
0x549: {  	[tilespmem:s14], [sflag:$0x4] =	stream.indirect_vreg.gather [hbm4b:s1+s4], $0x80, v6, vm0, $0xb8;
	[tilespmem:$0x1E900] =	vst v63  }
0x54a: {  	s15 =	simm.s32 $0x19100  }
0x54b: {  	[tilespmem:s15], [sflag:$0x4] =	stream.indirect_vreg.gather [hbm4b:s2+s4], $0x80, v6, vm1, $0xb8;
	[tilespmem:$0x1E900] =	vst v63  }
0x54c: {  	s17 =	simm.s32 $0x19900  }
0x54d: {  	[tilespmem:s17], [sflag:$0x4] =	stream.indirect_vreg.gather [hbm4b:s1+s4], $0x80, v5, vm0, $0xb8;
	[tilespmem:$0x1E900] =	vst v63  }
0x54e: {  	s14 =	simm.s32 $0x1A100  }
0x54f: {  	[tilespmem:s14], [sflag:$0x4] =	stream.indirect_vreg.gather [hbm4b:s2+s4], $0x80, v5, vm1, $0xb8;
	[tilespmem:$0x1E900] =	vst v63  }
0x550: {  	s12 =	sadd.s32 $0x1400, s12;
	s15 =	simm.s32 $0x1D900;
	s17 =	simm.s32 $0x3  }
0x551: {  	[tilespmem:s15], [sflag:$0x8] =	stream.indirect.gather [hbm4b:s24+s8], $0x80, s12, s8, $0xb8;
	[tilespmem:$0x1E900] =	vst v63  }
0x552: {  	_ =	swait.ge [sflag:s17], $0x3000  }
0x553: {  	[sflag:s17] =	ssyncset.done $0x0  }
0x554: {  	s12 =	simm.s32 $0x7;
	[sflag:s17] =	ssyncadd.s32 $0xFFFFD000  }
0x555: {  	_ =	swait.ge [sflag:s12], $0x1000  }
0x556: {  	s13 =	sand.u32 $0x3000, s4;
	s15 =	sand.u32 $0x380, s4;
	[sflag:s12] =	ssyncset.done $0x0  }
0x557: {  	s17 =	sor.u32 s15, s13;
	[sflag:s12] =	ssyncadd.s32 $0xFFFFF000  }
0x558: {  	s13 =	simm.s32 $0x0;
	v5 =	vld [tilespmem:s17+$0x12900]  }
0x559: {  	s12 =	sadd.s32 $0x12900, s17;
	v6 =	vld [tilespmem:s13+$0x1C900]  }
0x55a: {  	v7 =	vld [tilespmem:s12+$0x800]  }
0x55b: {  	v8 =	vld [tilespmem:s12+$0x400];
	_ =	sdelay $0x2  }
0x55c: {  	v5 =	vmul.f32 v5, v6  }
0x55d: {  	v7 =	vmul.f32 v7, v6  }
0x55e: {  	v6 =	vmul.f32 v8, v6;
	[tilespmem:s17+$0x12900] =	vst v5  }
0x55f: {  	[tilespmem:s12+$0x800] =	vst v7  }
0x560: {  	[tilespmem:s12+$0x400] =	vst v6;
	v6 =	vld [tilespmem:s12+$0x10]  }
0x561: {  	v7 =	vld [tilespmem:s13+$0x1C910]  }
0x562: {  	v5 =	vld [tilespmem:s12+$0x410]  }
0x563: {  	v8 =	vld [tilespmem:s12+$0x810];
	_ =	sdelay $0x2  }
0x564: {  	v6 =	vmul.f32 v6, v7  }
0x565: {  	v5 =	vmul.f32 v5, v7  }
0x566: {  	v7 =	vmul.f32 v8, v7;
	[tilespmem:s12+$0x10] =	vst v6  }
0x567: {  	[tilespmem:s12+$0x410] =	vst v5  }
0x568: {  	[tilespmem:s12+$0x810] =	vst v7;
	v5 =	vld [tilespmem:s12+$0x20]  }
0x569: {  	v6 =	vld [tilespmem:s13+$0x1C920]  }
0x56a: {  	v7 =	vld [tilespmem:s12+$0x820]  }
0x56b: {  	v8 =	vld [tilespmem:s12+$0x420];
	_ =	sdelay $0x2  }
0x56c: {  	v5 =	vmul.f32 v5, v6  }
0x56d: {  	v7 =	vmul.f32 v7, v6  }
0x56e: {  	v6 =	vmul.f32 v8, v6;
	[tilespmem:s12+$0x20] =	vst v5  }
0x56f: {  	[tilespmem:s12+$0x820] =	vst v7  }
0x570: {  	[tilespmem:s12+$0x420] =	vst v6;
	v6 =	vld [tilespmem:s12+$0x30]  }
0x571: {  	v7 =	vld [tilespmem:s13+$0x1C930]  }
0x572: {  	v8 =	vld [tilespmem:s12+$0x830]  }
0x573: {  	v5 =	vld [tilespmem:s12+$0x430];
	_ =	sdelay $0x2  }
0x574: {  	v6 =	vmul.f32 v6, v7  }
0x575: {  	v8 =	vmul.f32 v8, v7  }
0x576: {  	v5 =	vmul.f32 v5, v7;
	[tilespmem:s12+$0x30] =	vst v6  }
0x577: {  	[tilespmem:s12+$0x830] =	vst v8  }
0x578: {  	[tilespmem:s12+$0x430] =	vst v5;
	v5 =	vld [tilespmem:s12+$0x40]  }
0x579: {  	v7 =	vld [tilespmem:s13+$0x1C940]  }
0x57a: {  	v6 =	vld [tilespmem:s12+$0x440]  }
0x57b: {  	v8 =	vld [tilespmem:s12+$0x840];
	_ =	sdelay $0x2  }
0x57c: {  	v5 =	vmul.f32 v5, v7  }
0x57d: {  	v6 =	vmul.f32 v6, v7  }
0x57e: {  	v7 =	vmul.f32 v8, v7;
	[tilespmem:s12+$0x40] =	vst v5  }
0x57f: {  	[tilespmem:s12+$0x440] =	vst v6  }
0x580: {  	[tilespmem:s12+$0x840] =	vst v7;
	v5 =	vld [tilespmem:s12+$0x50]  }
0x581: {  	v6 =	vld [tilespmem:s13+$0x1C950]  }
0x582: {  	v7 =	vld [tilespmem:s12+$0x850]  }
0x583: {  	v8 =	vld [tilespmem:s12+$0x450];
	_ =	sdelay $0x2  }
0x584: {  	v5 =	vmul.f32 v5, v6  }
0x585: {  	v7 =	vmul.f32 v7, v6  }
0x586: {  	v6 =	vmul.f32 v8, v6;
	v8 =	vld [tilespmem:s12+$0x860];
	[tilespmem:s12+$0x50] =	vst v5  }
0x587: {  	[tilespmem:s12+$0x850] =	vst v7;
	v5 =	vld [tilespmem:s12+$0x460]  }
0x588: {  	[tilespmem:s12+$0x450] =	vst v6;
	v7 =	vld [tilespmem:s12+$0x60]  }
0x589: {  	s14 =	simm.s32 $0x80;
	v6 =	vld [tilespmem:s13+$0x1C960]  }
.LBB2_11:
0x58a: {  	p0 =	sne.s32 s14, $0xF80  }
0x58b: {  	s4 =	sadd.s32 $0x200, s4;
	s15 =	smov.u32 s14;
	s14 =	sadd.s32 $0x80, s14  }
0x58c: {  	_ =	sdelay $0x1  }
0x58d: {  	v7 =	vmul.f32 v7, v6;
	v5 =	vmul.f32 v5, v6  }
0x58e: {  	v6 =	vmul.f32 v8, v6  }
0x58f: {  	[tilespmem:s12+$0x60] =	vst v7;
	v7 =	vld [tilespmem:s12+$0x870]  }
0x590: {  	[tilespmem:s12+$0x860] =	vst v6;
	v6 =	vld [tilespmem:s12+$0x70]  }
0x591: {  	[tilespmem:s12+$0x460] =	vst v5;
	v5 =	vld [tilespmem:s12+$0x470]  }
0x592: {  	v8 =	vld [tilespmem:s13+$0x1C970];
	_ =	sdelay $0x4  }
0x593: {  	v6 =	vmul.f32 v6, v8;
	v5 =	vmul.f32 v5, v8  }
0x594: {  	s15 =	sand.u32 $0x380, s15;
	s13 =	sand.u32 $0x3000, s4;
	v7 =	vmul.f32 v7, v8  }
0x595: {  	s15 =	sor.u32 s15, s13;
	[tilespmem:s12+$0x70] =	vst v6  }
0x596: {  	s17 =	sadd.s32 $0x12900, s15;
	v6 =	vld [tilespmem:s15+$0x12900];
	[tilespmem:s12+$0x870] =	vst v7  }
0x597: {  	s13 =	sshra.s32 s4, $0x2;
	v7 =	vld [tilespmem:s17+$0x800];
	[tilespmem:s12+$0x470] =	vst v5;
	s12 =	smov.u32 s17  }
0x598: {  	v5 =	vld [tilespmem:s13+$0x1C900]  }
0x599: {  	v8 =	vld [tilespmem:s12+$0x400];
	_ =	sdelay $0x3  }
0x59a: {  	v6 =	vmul.f32 v6, v5;
	v7 =	vmul.f32 v7, v5  }
0x59b: {  	v5 =	vmul.f32 v8, v5  }
0x59c: {  	[tilespmem:s15+$0x12900] =	vst v6  }
0x59d: {  	[tilespmem:s12+$0x800] =	vst v7;
	v6 =	vld [tilespmem:s12+$0x410]  }
0x59e: {  	[tilespmem:s12+$0x400] =	vst v5;
	v5 =	vld [tilespmem:s12+$0x10]  }
0x59f: {  	v7 =	vld [tilespmem:s13+$0x1C910]  }
0x5a0: {  	v8 =	vld [tilespmem:s12+$0x810];
	_ =	sdelay $0x3  }
0x5a1: {  	v5 =	vmul.f32 v5, v7;
	v6 =	vmul.f32 v6, v7  }
0x5a2: {  	v7 =	vmul.f32 v8, v7  }
0x5a3: {  	[tilespmem:s12+$0x10] =	vst v5  }
0x5a4: {  	[tilespmem:s12+$0x410] =	vst v6;
	v5 =	vld [tilespmem:s12+$0x420]  }
0x5a5: {  	[tilespmem:s12+$0x810] =	vst v7;
	v6 =	vld [tilespmem:s12+$0x20]  }
0x5a6: {  	v7 =	vld [tilespmem:s13+$0x1C920]  }
0x5a7: {  	v8 =	vld [tilespmem:s12+$0x820];
	_ =	sdelay $0x3  }
0x5a8: {  	v6 =	vmul.f32 v6, v7;
	v5 =	vmul.f32 v5, v7  }
0x5a9: {  	v7 =	vmul.f32 v8, v7  }
0x5aa: {  	[tilespmem:s12+$0x20] =	vst v6  }
0x5ab: {  	[tilespmem:s12+$0x820] =	vst v7;
	v6 =	vld [tilespmem:s12+$0x430]  }
0x5ac: {  	[tilespmem:s12+$0x420] =	vst v5;
	v5 =	vld [tilespmem:s12+$0x30]  }
0x5ad: {  	v7 =	vld [tilespmem:s13+$0x1C930]  }
0x5ae: {  	v8 =	vld [tilespmem:s12+$0x830];
	_ =	sdelay $0x3  }
0x5af: {  	v5 =	vmul.f32 v5, v7;
	v6 =	vmul.f32 v6, v7  }
0x5b0: {  	v7 =	vmul.f32 v8, v7  }
0x5b1: {  	[tilespmem:s12+$0x30] =	vst v5  }
0x5b2: {  	[tilespmem:s12+$0x830] =	vst v7;
	v5 =	vld [tilespmem:s12+$0x440]  }
0x5b3: {  	[tilespmem:s12+$0x430] =	vst v6;
	v6 =	vld [tilespmem:s12+$0x40]  }
0x5b4: {  	v7 =	vld [tilespmem:s13+$0x1C940]  }
0x5b5: {  	v8 =	vld [tilespmem:s12+$0x840];
	_ =	sdelay $0x3  }
0x5b6: {  	v6 =	vmul.f32 v6, v7;
	v5 =	vmul.f32 v5, v7  }
0x5b7: {  	v7 =	vmul.f32 v8, v7  }
0x5b8: {  	[tilespmem:s12+$0x40] =	vst v6  }
0x5b9: {  	[tilespmem:s12+$0x440] =	vst v5;
	v5 =	vld [tilespmem:s12+$0x450]  }
0x5ba: {  	[tilespmem:s12+$0x840] =	vst v7;
	v6 =	vld [tilespmem:s12+$0x50]  }
0x5bb: {  	v7 =	vld [tilespmem:s13+$0x1C950]  }
0x5bc: {  	v8 =	vld [tilespmem:s12+$0x850];
	_ =	sdelay $0x3  }
0x5bd: {  	v6 =	vmul.f32 v6, v7;
	v9 =	vmul.f32 v5, v7  }
0x5be: {  	v5 =	vmul.f32 v8, v7  }
.Ltmp6:
0x5bf: {  	[tilespmem:s12+$0x50] =	vst v6;
	(pc) =	sbr.rel @p0 .LBB2_11-.Ltmp6, $4  }
0x5c0: {  	[tilespmem:s12+$0x850] =	vst v5;
	v5 =	vld [tilespmem:s12+$0x460]  }
0x5c1: {  	[tilespmem:s12+$0x450] =	vst v9;
	v7 =	vld [tilespmem:s12+$0x60]  }
0x5c2: {  	v6 =	vld [tilespmem:s13+$0x1C960]  }
0x5c3: {  	v8 =	vld [tilespmem:s12+$0x860]  }
0x5c4: {  	_ =	sdelay $0x2  }
0x5c5: {  	v7 =	vmul.f32 v7, v6  }
0x5c6: {  	v5 =	vmul.f32 v5, v6  }
0x5c7: {  	v8 =	vmul.f32 v8, v6;
	[tilespmem:s12+$0x60] =	vst v7  }
0x5c8: {  	[tilespmem:s12+$0x460] =	vst v5  }
0x5c9: {  	v7 =	vld [tilespmem:s12+$0x70];
	[tilespmem:s12+$0x860] =	vst v8  }
0x5ca: {  	v5 =	vld [tilespmem:s13+$0x1C970]  }
0x5cb: {  	v6 =	vld [tilespmem:s12+$0x870]  }
0x5cc: {  	v8 =	vld [tilespmem:s12+$0x470];
	_ =	sdelay $0x2  }
0x5cd: {  	v7 =	vmul.f32 v7, v5  }
0x5ce: {  	v6 =	vmul.f32 v6, v5  }
0x5cf: {  	v5 =	vmul.f32 v8, v5;
	[tilespmem:s12+$0x70] =	vst v7  }
0x5d0: {  	s0 =	sshll.u32 s0, $0x7;
	[tilespmem:s12+$0x870] =	vst v6  }
0x5d1: {  	s0 =	sand.u32 $0x3FFFFF80, s0;
	[tilespmem:s12+$0x470] =	vst v5  }
0x5d2: {  	v5 =	vld [tilespmem:s0+$0x2800];
	_ =	sdelay $0x4  }
0x5d3: {  	v6 =	vshll.u32 v5, $0x2  }
0x5d4: {  	v5 =	vand.u32 $0x7, v5;
	v6 =	vand.u32 $0xFFFFFFE0, v6  }
0x5d5: {  	v5 =	vor.u32 v5, v6  }
0x5d6: {  	v6 =	vperm.xlane v5, v2;
	_ =	sdelay $0x1  }
0x5d7: {  	v6 =	vadd.s32 v3, v6;
	_ =	sdelay $0x1  }
0x5d8: {  	v5 =	vperm.xlane v5, v4;
	_ =	sdelay $0x1  }
0x5d9: {  	s4 =	simm.s32 $0x12900;
	v5 =	vadd.s32 v3, v5  }
0x5da: {  	[hbm4b:s29+s16] =	stream.indirect_vreg.scatter [tilespmem:s4], [sflag:$0xB], $0x80, v6, vm0, $0xb8;
	[tilespmem:$0x1E900] =	vst v63  }
0x5db: {  	s13 =	simm.s32 $0x13100  }
0x5dc: {  	[hbm4b:s3+s16] =	stream.indirect_vreg.scatter [tilespmem:s13], [sflag:$0xB], $0x80, v6, vm0, $0xb8;
	[tilespmem:$0x1E900] =	vst v63  }
0x5dd: {  	s14 =	simm.s32 $0x13900  }
0x5de: {  	[hbm4b:s29+s16] =	stream.indirect_vreg.scatter [tilespmem:s14], [sflag:$0xB], $0x80, v5, vm0, $0xb8;
	[tilespmem:$0x1E900] =	vst v63  }
0x5df: {  	s15 =	simm.s32 $0x14100  }
0x5e0: {  	[hbm4b:s3+s16] =	stream.indirect_vreg.scatter [tilespmem:s15], [sflag:$0xB], $0x80, v5, vm0, $0xb8;
	[tilespmem:$0x1E900] =	vst v63  }
0x5e1: {  	v5 =	vld [tilespmem:s0+$0x2810];
	_ =	sdelay $0x4  }
0x5e2: {  	v6 =	vshll.u32 v5, $0x2  }
0x5e3: {  	v5 =	vand.u32 $0x7, v5;
	v6 =	vand.u32 $0xFFFFFFE0, v6  }
0x5e4: {  	v5 =	vor.u32 v5, v6  }
0x5e5: {  	v6 =	vperm.xlane v5, v2;
	_ =	sdelay $0x1  }
0x5e6: {  	v6 =	vadd.s32 v3, v6;
	_ =	sdelay $0x1  }
0x5e7: {  	v5 =	vperm.xlane v5, v4;
	_ =	sdelay $0x1  }
0x5e8: {  	s17 =	simm.s32 $0x14900;
	v5 =	vadd.s32 v3, v5  }
0x5e9: {  	[hbm4b:s29+s16] =	stream.indirect_vreg.scatter [tilespmem:s17], [sflag:$0xB], $0x80, v6, vm0, $0xb8;
	[tilespmem:$0x1E900] =	vst v63  }
0x5ea: {  	s4 =	simm.s32 $0x15100  }
0x5eb: {  	[hbm4b:s3+s16] =	stream.indirect_vreg.scatter [tilespmem:s4], [sflag:$0xB], $0x80, v6, vm0, $0xb8;
	[tilespmem:$0x1E900] =	vst v63  }
0x5ec: {  	s12 =	simm.s32 $0x15900  }
0x5ed: {  	[hbm4b:s29+s16] =	stream.indirect_vreg.scatter [tilespmem:s12], [sflag:$0xB], $0x80, v5, vm0, $0xb8;
	[tilespmem:$0x1E900] =	vst v63  }
0x5ee: {  	s13 =	simm.s32 $0x16100  }
0x5ef: {  	[hbm4b:s3+s16] =	stream.indirect_vreg.scatter [tilespmem:s13], [sflag:$0xB], $0x80, v5, vm0, $0xb8;
	[tilespmem:$0x1E900] =	vst v63  }
0x5f0: {  	_ =	swait.ge [sflag:s31], $0x4000  }
0x5f1: {  	p0 =	seq.s32 s30, $0x27;
	[sflag:s31] =	ssyncset.done $0x0  }
0x5f2: {  	s0 =	sshll.u32 @!p0 s30, $0x7;
	[sflag:s31] =	ssyncadd.s32 $0xFFFFC000  }
0x5f3: {  	v5 =	vld @!p0 [tilespmem:s0+$0x80];
	_ =	sdelay $0x4  }
0x5f4: {  	v6 =	vshrl.u32 @!p0 v5, $0x3  }
0x5f5: {  	v6 =	vmul.u32 @!p0 $0x18, v6  }
0x5f6: {  	v7 =	vlaneseq.u32 @!p0;
	v5 =	vand.u32 @!p0 $0x7, v5  }
0x5f7: {  	v8 =	vshrl.u32 @!p0 v7, $0x3;
	v5 =	vor.u32 @!p0 v5, v6;
	v6 =	vand.u32 @!p0 $0x7, v7  }
0x5f8: {  	v8 =	vmul.u32 @!p0 $0x8, v8;
	v9 =	vperm.xlane @!p0 v5, v6;
	_ =	sdelay $0x1  }
0x5f9: {  	v9 =	vadd.s32 @!p0 v8, v9  }
0x5fa: {  	v7 =	vor.u32 @!p0 $0x8, v7  }
0x5fb: {  	v5 =	vperm.xlane @!p0 v5, v7;
	_ =	sdelay $0x1  }
0x5fc: {  	vm2 =	vmmov @!p0 $0xffff;
	s4 =	simm.s32 @!p0 $0x0;
	s12 =	simm.s32 @!p0 $0xA900;
	v5 =	vadd.s32 @!p0 v8, v5  }
0x5fd: {  	[tilespmem:s12], [sflag:$0x1] =	stream.indirect_vreg.gather @!p0 [hbm4b:s1+s4], $0x80, v9, vm2, $0xb8;
	[tilespmem:$0x1E900] =	vst v63  }
0x5fe: {  	vm3 =	vmmov @!p0 $0xff;
	s12 =	simm.s32 @!p0 $0xB100  }
0x5ff: {  	[tilespmem:s12], [sflag:$0x1] =	stream.indirect_vreg.gather @!p0 [hbm4b:s2+s4], $0x80, v9, vm3, $0xb8;
	[tilespmem:$0x1E900] =	vst v63  }
0x600: {  	s12 =	simm.s32 @!p0 $0xB900  }
0x601: {  	[tilespmem:s12], [sflag:$0x1] =	stream.indirect_vreg.gather @!p0 [hbm4b:s1+s4], $0x80, v5, vm2, $0xb8;
	[tilespmem:$0x1E900] =	vst v63  }
0x602: {  	s12 =	simm.s32 @!p0 $0xC100  }
0x603: {  	[tilespmem:s12], [sflag:$0x1] =	stream.indirect_vreg.gather @!p0 [hbm4b:s2+s4], $0x80, v5, vm3, $0xb8;
	[tilespmem:$0x1E900] =	vst v63  }
0x604: {  	v5 =	vld @!p0 [tilespmem:s0+$0x90];
	_ =	sdelay $0x4  }
0x605: {  	v9 =	vshrl.u32 @!p0 v5, $0x3  }
0x606: {  	v9 =	vmul.u32 @!p0 $0x18, v9  }
0x607: {  	v5 =	vand.u32 @!p0 $0x7, v5  }
0x608: {  	v5 =	vor.u32 @!p0 v5, v9  }
0x609: {  	v6 =	vperm.xlane @!p0 v5, v6;
	_ =	sdelay $0x1  }
0x60a: {  	v6 =	vadd.s32 @!p0 v8, v6;
	_ =	sdelay $0x1  }
0x60b: {  	v5 =	vperm.xlane @!p0 v5, v7;
	_ =	sdelay $0x1  }
0x60c: {  	s12 =	simm.s32 @!p0 $0xC900;
	v5 =	vadd.s32 @!p0 v8, v5  }
0x60d: {  	[tilespmem:s12], [sflag:$0x1] =	stream.indirect_vreg.gather @!p0 [hbm4b:s1+s4], $0x80, v6, vm2, $0xb8;
	[tilespmem:$0x1E900] =	vst v63  }
0x60e: {  	s12 =	simm.s32 @!p0 $0xD100  }
0x60f: {  	[tilespmem:s12], [sflag:$0x1] =	stream.indirect_vreg.gather @!p0 [hbm4b:s2+s4], $0x80, v6, vm3, $0xb8;
	[tilespmem:$0x1E900] =	vst v63  }
0x610: {  	s12 =	simm.s32 @!p0 $0xD900  }
0x611: {  	[tilespmem:s12], [sflag:$0x1] =	stream.indirect_vreg.gather @!p0 [hbm4b:s1+s4], $0x80, v5, vm2, $0xb8;
	[tilespmem:$0x1E900] =	vst v63  }
0x612: {  	s12 =	simm.s32 @!p0 $0xE100  }
0x613: {  	[tilespmem:s12], [sflag:$0x1] =	stream.indirect_vreg.gather @!p0 [hbm4b:s2+s4], $0x80, v5, vm3, $0xb8;
	[tilespmem:$0x1E900] =	vst v63  }
0x614: {  	s0 =	sadd.s32 @!p0 $0x1480, s0;
	s4 =	simm.s32 @!p0 $0x20;
	s12 =	simm.s32 @!p0 $0x1A900  }
0x615: {  	[tilespmem:s12], [sflag:$0x5] =	stream.indirect.gather @!p0 [hbm4b:s24+s4], $0x80, s0, s4, $0xb8;
	[tilespmem:$0x1E900] =	vst v63  }
0x616: {  	_ =	swait.ge [sflag:s9], $0x3000  }
0x617: {  	[sflag:s9] =	ssyncset.done $0x0  }
0x618: {  	[sflag:s9] =	ssyncadd.s32 $0xFFFFD000  }
0x619: {  	s4 =	simm.s32 $0x0;
	_ =	swait.ge [sflag:s28], $0x1000  }
0x61a: {  	s14 =	sand.u32 $0x3000, s4;
	s15 =	sand.u32 $0x380, s4;
	[sflag:s28] =	ssyncset.done $0x0  }
0x61b: {  	s17 =	sor.u32 s15, s14;
	[sflag:s28] =	ssyncadd.s32 $0xFFFFF000  }
0x61c: {  	s12 =	simm.s32 $0x0;
	v5 =	vld [tilespmem:s17+$0x16900]  }
0x61d: {  	s0 =	sadd.s32 $0x16900, s17;
	v6 =	vld [tilespmem:s12+$0x1D900]  }
0x61e: {  	v7 =	vld [tilespmem:s0+$0x800]  }
0x61f: {  	v8 =	vld [tilespmem:s0+$0x400];
	_ =	sdelay $0x2  }
0x620: {  	v5 =	vmul.f32 v5, v6  }
0x621: {  	v7 =	vmul.f32 v7, v6  }
0x622: {  	v6 =	vmul.f32 v8, v6;
	[tilespmem:s17+$0x16900] =	vst v5  }
0x623: {  	[tilespmem:s0+$0x800] =	vst v7  }
0x624: {  	[tilespmem:s0+$0x400] =	vst v6;
	v6 =	vld [tilespmem:s0+$0x10]  }
0x625: {  	v7 =	vld [tilespmem:s12+$0x1D910]  }
0x626: {  	v5 =	vld [tilespmem:s0+$0x410]  }
0x627: {  	v8 =	vld [tilespmem:s0+$0x810];
	_ =	sdelay $0x2  }
0x628: {  	v6 =	vmul.f32 v6, v7  }
0x629: {  	v5 =	vmul.f32 v5, v7  }
0x62a: {  	v7 =	vmul.f32 v8, v7;
	[tilespmem:s0+$0x10] =	vst v6  }
0x62b: {  	[tilespmem:s0+$0x410] =	vst v5  }
0x62c: {  	[tilespmem:s0+$0x810] =	vst v7;
	v5 =	vld [tilespmem:s0+$0x20]  }
0x62d: {  	v6 =	vld [tilespmem:s12+$0x1D920]  }
0x62e: {  	v7 =	vld [tilespmem:s0+$0x820]  }
0x62f: {  	v8 =	vld [tilespmem:s0+$0x420];
	_ =	sdelay $0x2  }
0x630: {  	v5 =	vmul.f32 v5, v6  }
0x631: {  	v7 =	vmul.f32 v7, v6  }
0x632: {  	v6 =	vmul.f32 v8, v6;
	[tilespmem:s0+$0x20] =	vst v5  }
0x633: {  	[tilespmem:s0+$0x820] =	vst v7  }
0x634: {  	[tilespmem:s0+$0x420] =	vst v6;
	v6 =	vld [tilespmem:s0+$0x30]  }
0x635: {  	v7 =	vld [tilespmem:s12+$0x1D930]  }
0x636: {  	v8 =	vld [tilespmem:s0+$0x830]  }
0x637: {  	v5 =	vld [tilespmem:s0+$0x430];
	_ =	sdelay $0x2  }
0x638: {  	v6 =	vmul.f32 v6, v7  }
0x639: {  	v8 =	vmul.f32 v8, v7  }
0x63a: {  	v5 =	vmul.f32 v5, v7;
	[tilespmem:s0+$0x30] =	vst v6  }
0x63b: {  	[tilespmem:s0+$0x830] =	vst v8  }
0x63c: {  	[tilespmem:s0+$0x430] =	vst v5;
	v5 =	vld [tilespmem:s0+$0x40]  }
0x63d: {  	v7 =	vld [tilespmem:s12+$0x1D940]  }
0x63e: {  	v6 =	vld [tilespmem:s0+$0x440]  }
0x63f: {  	v8 =	vld [tilespmem:s0+$0x840];
	_ =	sdelay $0x2  }
0x640: {  	v5 =	vmul.f32 v5, v7  }
0x641: {  	v6 =	vmul.f32 v6, v7  }
0x642: {  	v7 =	vmul.f32 v8, v7;
	[tilespmem:s0+$0x40] =	vst v5  }
0x643: {  	[tilespmem:s0+$0x440] =	vst v6  }
0x644: {  	[tilespmem:s0+$0x840] =	vst v7;
	v5 =	vld [tilespmem:s0+$0x50]  }
0x645: {  	v6 =	vld [tilespmem:s12+$0x1D950]  }
0x646: {  	v7 =	vld [tilespmem:s0+$0x850]  }
0x647: {  	v8 =	vld [tilespmem:s0+$0x450];
	_ =	sdelay $0x2  }
0x648: {  	v5 =	vmul.f32 v5, v6  }
0x649: {  	v7 =	vmul.f32 v7, v6  }
0x64a: {  	v6 =	vmul.f32 v8, v6;
	v8 =	vld [tilespmem:s0+$0x860];
	[tilespmem:s0+$0x50] =	vst v5  }
0x64b: {  	[tilespmem:s0+$0x850] =	vst v7;
	v5 =	vld [tilespmem:s0+$0x460]  }
0x64c: {  	[tilespmem:s0+$0x450] =	vst v6;
	v7 =	vld [tilespmem:s0+$0x60]  }
0x64d: {  	s13 =	simm.s32 $0x80;
	v6 =	vld [tilespmem:s12+$0x1D960]  }
.LBB2_13:
0x64e: {  	p1 =	sne.s32 s13, $0xF80  }
0x64f: {  	s4 =	sadd.s32 $0x200, s4;
	s14 =	smov.u32 s13;
	s13 =	sadd.s32 $0x80, s13  }
0x650: {  	_ =	sdelay $0x1  }
0x651: {  	v7 =	vmul.f32 v7, v6;
	v5 =	vmul.f32 v5, v6  }
0x652: {  	v6 =	vmul.f32 v8, v6  }
0x653: {  	[tilespmem:s0+$0x60] =	vst v7;
	v7 =	vld [tilespmem:s0+$0x870]  }
0x654: {  	[tilespmem:s0+$0x860] =	vst v6;
	v6 =	vld [tilespmem:s0+$0x70]  }
0x655: {  	[tilespmem:s0+$0x460] =	vst v5;
	v5 =	vld [tilespmem:s0+$0x470]  }
0x656: {  	v8 =	vld [tilespmem:s12+$0x1D970];
	_ =	sdelay $0x4  }
0x657: {  	v6 =	vmul.f32 v6, v8;
	v5 =	vmul.f32 v5, v8  }
0x658: {  	s14 =	sand.u32 $0x380, s14;
	s12 =	sand.u32 $0x3000, s4;
	v7 =	vmul.f32 v7, v8  }
0x659: {  	s14 =	sor.u32 s14, s12;
	[tilespmem:s0+$0x70] =	vst v6  }
0x65a: {  	s15 =	sadd.s32 $0x16900, s14;
	v6 =	vld [tilespmem:s14+$0x16900];
	[tilespmem:s0+$0x870] =	vst v7  }
0x65b: {  	s12 =	sshra.s32 s4, $0x2;
	v7 =	vld [tilespmem:s15+$0x800];
	[tilespmem:s0+$0x470] =	vst v5;
	s0 =	smov.u32 s15  }
0x65c: {  	v5 =	vld [tilespmem:s12+$0x1D900]  }
0x65d: {  	v8 =	vld [tilespmem:s0+$0x400];
	_ =	sdelay $0x3  }
0x65e: {  	v6 =	vmul.f32 v6, v5;
	v7 =	vmul.f32 v7, v5  }
0x65f: {  	v5 =	vmul.f32 v8, v5  }
0x660: {  	[tilespmem:s14+$0x16900] =	vst v6  }
0x661: {  	[tilespmem:s0+$0x800] =	vst v7;
	v6 =	vld [tilespmem:s0+$0x410]  }
0x662: {  	[tilespmem:s0+$0x400] =	vst v5;
	v5 =	vld [tilespmem:s0+$0x10]  }
0x663: {  	v7 =	vld [tilespmem:s12+$0x1D910]  }
0x664: {  	v8 =	vld [tilespmem:s0+$0x810];
	_ =	sdelay $0x3  }
0x665: {  	v5 =	vmul.f32 v5, v7;
	v6 =	vmul.f32 v6, v7  }
0x666: {  	v7 =	vmul.f32 v8, v7  }
0x667: {  	[tilespmem:s0+$0x10] =	vst v5  }
0x668: {  	[tilespmem:s0+$0x410] =	vst v6;
	v5 =	vld [tilespmem:s0+$0x420]  }
0x669: {  	[tilespmem:s0+$0x810] =	vst v7;
	v6 =	vld [tilespmem:s0+$0x20]  }
0x66a: {  	v7 =	vld [tilespmem:s12+$0x1D920]  }
0x66b: {  	v8 =	vld [tilespmem:s0+$0x820];
	_ =	sdelay $0x3  }
0x66c: {  	v6 =	vmul.f32 v6, v7;
	v5 =	vmul.f32 v5, v7  }
0x66d: {  	v7 =	vmul.f32 v8, v7  }
0x66e: {  	[tilespmem:s0+$0x20] =	vst v6  }
0x66f: {  	[tilespmem:s0+$0x820] =	vst v7;
	v6 =	vld [tilespmem:s0+$0x430]  }
0x670: {  	[tilespmem:s0+$0x420] =	vst v5;
	v5 =	vld [tilespmem:s0+$0x30]  }
0x671: {  	v7 =	vld [tilespmem:s12+$0x1D930]  }
0x672: {  	v8 =	vld [tilespmem:s0+$0x830];
	_ =	sdelay $0x3  }
0x673: {  	v5 =	vmul.f32 v5, v7;
	v6 =	vmul.f32 v6, v7  }
0x674: {  	v7 =	vmul.f32 v8, v7  }
0x675: {  	[tilespmem:s0+$0x30] =	vst v5  }
0x676: {  	[tilespmem:s0+$0x830] =	vst v7;
	v5 =	vld [tilespmem:s0+$0x440]  }
0x677: {  	[tilespmem:s0+$0x430] =	vst v6;
	v6 =	vld [tilespmem:s0+$0x40]  }
0x678: {  	v7 =	vld [tilespmem:s12+$0x1D940]  }
0x679: {  	v8 =	vld [tilespmem:s0+$0x840];
	_ =	sdelay $0x3  }
0x67a: {  	v6 =	vmul.f32 v6, v7;
	v5 =	vmul.f32 v5, v7  }
0x67b: {  	v7 =	vmul.f32 v8, v7  }
0x67c: {  	[tilespmem:s0+$0x40] =	vst v6  }
0x67d: {  	[tilespmem:s0+$0x440] =	vst v5;
	v5 =	vld [tilespmem:s0+$0x450]  }
0x67e: {  	[tilespmem:s0+$0x840] =	vst v7;
	v6 =	vld [tilespmem:s0+$0x50]  }
0x67f: {  	v7 =	vld [tilespmem:s12+$0x1D950]  }
0x680: {  	v8 =	vld [tilespmem:s0+$0x850];
	_ =	sdelay $0x3  }
0x681: {  	v6 =	vmul.f32 v6, v7;
	v9 =	vmul.f32 v5, v7  }
0x682: {  	v5 =	vmul.f32 v8, v7  }
.Ltmp7:
0x683: {  	[tilespmem:s0+$0x50] =	vst v6;
	(pc) =	sbr.rel @p1 .LBB2_13-.Ltmp7, $4  }
0x684: {  	[tilespmem:s0+$0x850] =	vst v5;
	v5 =	vld [tilespmem:s0+$0x460]  }
0x685: {  	[tilespmem:s0+$0x450] =	vst v9;
	v7 =	vld [tilespmem:s0+$0x60]  }
0x686: {  	v6 =	vld [tilespmem:s12+$0x1D960]  }
0x687: {  	v8 =	vld [tilespmem:s0+$0x860]  }
0x688: {  	_ =	sdelay $0x2  }
0x689: {  	v7 =	vmul.f32 v7, v6  }
0x68a: {  	v5 =	vmul.f32 v5, v6  }
0x68b: {  	v8 =	vmul.f32 v8, v6;
	[tilespmem:s0+$0x60] =	vst v7  }
0x68c: {  	[tilespmem:s0+$0x460] =	vst v5  }
0x68d: {  	v7 =	vld [tilespmem:s0+$0x70];
	[tilespmem:s0+$0x860] =	vst v8  }
0x68e: {  	v5 =	vld [tilespmem:s12+$0x1D970]  }
0x68f: {  	v6 =	vld [tilespmem:s0+$0x870]  }
0x690: {  	v63 =	vld [tilespmem:s0+$0x470];
	_ =	sdelay $0x2  }
0x691: {  	v7 =	vmul.f32 v7, v5  }
0x692: {  	v6 =	vmul.f32 v6, v5  }
0x693: {  	v5 =	vmul.f32 v63, v5;
	[tilespmem:s0+$0x70] =	vst v7  }
0x694: {  	s4 =	sshll.u32 s20, $0x7;
	[tilespmem:s0+$0x870] =	vst v6  }
0x695: {  	s15 =	sand.u32 $0x3FFFFF80, s4;
	[tilespmem:s0+$0x470] =	vst v5  }
0x696: {  	v5 =	vld [tilespmem:s15+$0x2800];
	_ =	sdelay $0x4  }
0x697: {  	v6 =	vshll.u32 v5, $0x2  }
0x698: {  	v5 =	vand.u32 $0x7, v5;
	v6 =	vand.u32 $0xFFFFFFE0, v6  }
0x699: {  	v5 =	vor.u32 v5, v6  }
0x69a: {  	v6 =	vperm.xlane v5, v2;
	_ =	sdelay $0x1  }
0x69b: {  	v6 =	vadd.s32 v3, v6;
	_ =	sdelay $0x1  }
0x69c: {  	v5 =	vperm.xlane v5, v4;
	_ =	sdelay $0x1  }
0x69d: {  	s17 =	simm.s32 $0x16900;
	v5 =	vadd.s32 v3, v5  }
0x69e: {  	[hbm4b:s29+s16] =	stream.indirect_vreg.scatter [tilespmem:s17], [sflag:$0xC], $0x80, v6, vm0, $0xb8;
	[tilespmem:$0x1E900] =	vst v63  }
0x69f: {  	s20 =	simm.s32 $0x17100  }
0x6a0: {  	[hbm4b:s3+s16] =	stream.indirect_vreg.scatter [tilespmem:s20], [sflag:$0xC], $0x80, v6, vm0, $0xb8;
	[tilespmem:$0x1E900] =	vst v63  }
0x6a1: {  	s12 =	simm.s32 $0x17900  }
0x6a2: {  	[hbm4b:s29+s16] =	stream.indirect_vreg.scatter [tilespmem:s12], [sflag:$0xC], $0x80, v5, vm0, $0xb8;
	[tilespmem:$0x1E900] =	vst v63  }
0x6a3: {  	s13 =	simm.s32 $0x18100  }
0x6a4: {  	[hbm4b:s3+s16] =	stream.indirect_vreg.scatter [tilespmem:s13], [sflag:$0xC], $0x80, v5, vm0, $0xb8;
	[tilespmem:$0x1E900] =	vst v63  }
0x6a5: {  	v5 =	vld [tilespmem:s15+$0x2810];
	_ =	sdelay $0x4  }
0x6a6: {  	v6 =	vshll.u32 v5, $0x2  }
0x6a7: {  	v5 =	vand.u32 $0x7, v5;
	v6 =	vand.u32 $0xFFFFFFE0, v6  }
0x6a8: {  	v5 =	vor.u32 v5, v6  }
0x6a9: {  	v6 =	vperm.xlane v5, v2;
	_ =	sdelay $0x1  }
0x6aa: {  	v6 =	vadd.s32 v3, v6;
	_ =	sdelay $0x1  }
0x6ab: {  	v5 =	vperm.xlane v5, v4;
	_ =	sdelay $0x1  }
0x6ac: {  	s14 =	simm.s32 $0x18900;
	v5 =	vadd.s32 v3, v5  }
0x6ad: {  	[hbm4b:s29+s16] =	stream.indirect_vreg.scatter [tilespmem:s14], [sflag:$0xC], $0x80, v6, vm0, $0xb8;
	[tilespmem:$0x1E900] =	vst v63  }
0x6ae: {  	s15 =	simm.s32 $0x19100  }
0x6af: {  	[hbm4b:s3+s16] =	stream.indirect_vreg.scatter [tilespmem:s15], [sflag:$0xC], $0x80, v6, vm0, $0xb8;
	[tilespmem:$0x1E900] =	vst v63  }
0x6b0: {  	s17 =	simm.s32 $0x19900  }
0x6b1: {  	[hbm4b:s29+s16] =	stream.indirect_vreg.scatter [tilespmem:s17], [sflag:$0xC], $0x80, v5, vm0, $0xb8;
	[tilespmem:$0x1E900] =	vst v63  }
.Ltmp8:
0x6b2: {  	s20 =	simm.s32 $0x1A100;
	(pc) =	sbr.rel @p0 .LBB2_16-.Ltmp8, $4  }
0x6b3: {  	[hbm4b:s3+s16] =	stream.indirect_vreg.scatter [tilespmem:s20], [sflag:$0xC], $0x80, v5, vm0, $0xb8;
	[tilespmem:$0x1E900] =	vst v63  }
0x6b4: {  	_ =	swait.ge [sflag:s25], $0x4000  }
0x6b5: {  	[sflag:s25] =	ssyncset.done $0x0  }
0x6b6: {  	[sflag:s25] =	ssyncadd.s32 $0xFFFFC000  }
0x6b7: {  	s0 =	sshll.u32 s30, $0x7  }
0x6b8: {  	v5 =	vld [tilespmem:s0+$0xA0];
	_ =	sdelay $0x4  }
0x6b9: {  	v6 =	vshrl.u32 v5, $0x3  }
0x6ba: {  	v6 =	vmul.u32 $0x18, v6  }
0x6bb: {  	v5 =	vand.u32 $0x7, v5  }
0x6bc: {  	v5 =	vor.u32 v5, v6  }
0x6bd: {  	v6 =	vperm.xlane v5, v2;
	_ =	sdelay $0x1  }
0x6be: {  	v6 =	vadd.s32 v3, v6;
	_ =	sdelay $0x1  }
0x6bf: {  	v5 =	vperm.xlane v5, v4;
	_ =	sdelay $0x1  }
0x6c0: {  	v5 =	vadd.s32 v3, v5  }
0x6c1: {  	[tilespmem:s19], [sflag:$0x2] =	stream.indirect_vreg.gather [hbm4b:s1+s16], $0x80, v6, vm0, $0xb8;
	[tilespmem:$0x1E900] =	vst v63  }
0x6c2: {  	_ = 	snop  }
0x6c3: {  	[tilespmem:s22], [sflag:$0x2] =	stream.indirect_vreg.gather [hbm4b:s2+s16], $0x80, v6, vm1, $0xb8;
	[tilespmem:$0x1E900] =	vst v63  }
0x6c4: {  	_ = 	snop  }
0x6c5: {  	[tilespmem:s11], [sflag:$0x2] =	stream.indirect_vreg.gather [hbm4b:s1+s16], $0x80, v5, vm0, $0xb8;
	[tilespmem:$0x1E900] =	vst v63  }
0x6c6: {  	_ = 	snop  }
0x6c7: {  	[tilespmem:s18], [sflag:$0x2] =	stream.indirect_vreg.gather [hbm4b:s2+s16], $0x80, v5, vm1, $0xb8;
	[tilespmem:$0x1E900] =	vst v63  }
0x6c8: {  	v5 =	vld [tilespmem:s0+$0xB0];
	_ =	sdelay $0x4  }
0x6c9: {  	v6 =	vshrl.u32 v5, $0x3  }
0x6ca: {  	v6 =	vmul.u32 $0x18, v6  }
0x6cb: {  	v5 =	vand.u32 $0x7, v5  }
0x6cc: {  	v5 =	vor.u32 v5, v6  }
0x6cd: {  	v6 =	vperm.xlane v5, v2;
	_ =	sdelay $0x1  }
0x6ce: {  	v6 =	vadd.s32 v3, v6;
	_ =	sdelay $0x1  }
0x6cf: {  	v5 =	vperm.xlane v5, v4;
	_ =	sdelay $0x1  }
0x6d0: {  	v5 =	vadd.s32 v3, v5  }
0x6d1: {  	[tilespmem:s23], [sflag:$0x2] =	stream.indirect_vreg.gather [hbm4b:s1+s16], $0x80, v6, vm0, $0xb8;
	[tilespmem:$0x1E900] =	vst v63  }
0x6d2: {  	_ = 	snop  }
0x6d3: {  	[tilespmem:s10], [sflag:$0x2] =	stream.indirect_vreg.gather [hbm4b:s2+s16], $0x80, v6, vm1, $0xb8;
	[tilespmem:$0x1E900] =	vst v63  }
0x6d4: {  	_ = 	snop  }
0x6d5: {  	[tilespmem:s5], [sflag:$0x2] =	stream.indirect_vreg.gather [hbm4b:s1+s16], $0x80, v5, vm0, $0xb8;
	[tilespmem:$0x1E900] =	vst v63  }
.Ltmp9:
0x6d6: {  	_ = 	snop;
	(pc) =	sbr.rel .LBB2_6-.Ltmp9, $4  }
0x6d7: {  	_ = 	snop  }
0x6d8: {  	[tilespmem:s6], [sflag:$0x2] =	stream.indirect_vreg.gather [hbm4b:s2+s16], $0x80, v5, vm1, $0xb8;
	[tilespmem:$0x1E900] =	vst v63  }
0x6d9: {  	s4 =	simm.s32 $0x1B900;
	s30 =	sadd.s32 $0x1, s30;
	s0 =	sadd.s32 $0x14A0, s0  }
0x6da: {  	[tilespmem:s4], [sflag:$0x6] =	stream.indirect.gather [hbm4b:s24+s8], $0x80, s0, s8, $0xb8;
	[tilespmem:$0x1E900] =	vst v63  }
.LBB2_17:
0x6db: {  	_ =	sfence.sel $0x180000  }
0x6dc: {  	[bflag:$0x0] =	sbarrier.arrive $0xFFFF  }
0x6dd: {  	_ =	strace $0x90000047  }
0x6de: {  	s0 =	stileid.u32;
	[bflag:$0x2] =	sbarrier.arrive $0xFFFF  }
0x6df: {  	p0 =	sne.s32 s0, $0x0;
	s0 =	rddreg [dreg:$0x3]  }
0x6e0: {  	s0 =	sadd.s32 @!p0 $0x100000, s0  }
0x6e1: {  	[sflag:s0] =	ssyncadd.tile.s32 @!p0 $0x1;
	_ =	shalt  }
.Lfunc_end2:
_tile_overlayer_lowered:
.L_overlay_start_2:
0x6e2: {  	(tag) =	ssettag $0x2  }
0x6e3: {  	s0 =	rddreg [dreg:$0x0];
	s2 =	stileid.u32  }
0x6e4: {  	s1 =	rddreg [dreg:$0x1];
	p0 =	sne.s32 s2, $0x0  }
0x6e5: {  	s3 =	rddreg [dreg:$0x2];
	[bflag:$0x3] =	sbarrier.arrive $0xFFFF;
	s2 =	simm.s32 @!p0 $0x1C0D  }
0x6e6: {  	[timem:s3], [sflag:s2] =	dma.local @!p0 [hbm:s0], s1  }
0x6e7: {  	s0 =	simm.s32 @!p0 $0xD  }
0x6e8: {  	_ =	swait.ge @!p0 [sflag:s0], s1  }
0x6e9: {  	s1 =	ssub.s32 @!p0 $0x0, s1;
	[sflag:s0] =	ssyncset.done @!p0 $0x0  }
0x6ea: {  	[sflag:s0] =	ssyncadd.s32 @!p0 s1  }
0x6eb: {  	[bflag:$0x3] =	sbarrier.arrive $0xFFFF  }
0x6ec: {  	_ =	shalt  }

</sc_bundles>
